<compile_context>
chip_gen: v7x
topology: tpu7x:2x2x1
jax: 0.10.2.dev20260603
libtpu: 0.0.44.dev20260713+nightly
codegen_flags: <defaults>
</compile_context>

<pallas_src>
import jax
import jax.numpy as jnp
from jax import lax
from jax.experimental import pallas as pl
from jax.experimental.pallas import tpu as pltpu
from jax.experimental.pallas import tpu_sc as plsc

NN = 10000
EE = 160000
DIN = 256
DOUT = 256
DH = 128
NC = 2
NS = 16
NP = 10240
CPT = NP // NS
EPT = EE // (NC * NS)
EPS = EE // NS
CH = 40
RB = 2000
NRB = NN // RB


def _sc_mesh():
    return plsc.VectorSubcoreMesh(
        core_axis_name="c", subcore_axis_name="s",
        num_cores=NC, num_subcores=NS)


def _deg_body(src_hbm, pdeg_hbm, src_v, deg_v, stage_sh, red_v, res_v):
    c = lax.axis_index("c")
    s = lax.axis_index("s")
    wid = c * NS + s
    zeros16 = jnp.zeros((16,), jnp.float32)
    ones16 = jnp.ones((16,), jnp.float32)
    lane = lax.iota(jnp.int32, 16)

    def _zero(i, carry):
        deg_v[pl.ds(i * 16, 16)] = zeros16
        return carry
    lax.fori_loop(0, NP // 16, _zero, 0)

    pltpu.sync_copy(src_hbm.at[pl.ds(wid * EPT, EPT)],
                    src_v.at[pl.ds(0, EPT)])

    def _scat(i, carry):
        base = i * 16
        idx = src_v[pl.ds(base, 16)]
        idx = jnp.minimum(jnp.maximum(idx, 0), NP - 1)
        m = lane < (EPT - base)
        plsc.addupdate_scatter(deg_v, [idx], ones16, mask=m)
        return carry
    lax.fori_loop(0, (EPT + 15) // 16, _scat, 0)

    pltpu.sync_copy(deg_v, stage_sh.at[s])
    plsc.subcore_barrier()
    col0 = s * CPT
    pltpu.sync_copy(stage_sh.at[:, pl.ds(col0, CPT)], red_v)

    def _red(j, carry):
        acc = red_v[0, pl.ds(j * 16, 16)]
        for r in range(1, NS):
            acc = acc + red_v[r, pl.ds(j * 16, 16)]
        res_v[pl.ds(j * 16, 16)] = acc
        return carry
    lax.fori_loop(0, CPT // 16, _red, 0)
    pltpu.sync_copy(res_v, pdeg_hbm.at[pl.ds(c * NP + col0, CPT)])


_deg_kernel = pl.kernel(
    _deg_body,
    out_type=jax.ShapeDtypeStruct((2 * NP,), jnp.float32),
    mesh=_sc_mesh(),
    compiler_params=pltpu.CompilerParams(needs_layout_passes=False),
    scratch_types=[
        pltpu.VMEM((EPT + 16,), jnp.int32),
        pltpu.VMEM((NP,), jnp.float32),
        pltpu.VMEM_SHARED((NS, NP), jnp.float32),
        pltpu.VMEM((NS, CPT), jnp.float32),
        pltpu.VMEM((CPT,), jnp.float32),
    ],
)


def _mm_body(p01_ref, x_ref, w_ref, z0_ref, z1_ref):
    pd = p01_ref[...]
    deg = pd[:, :1] + pd[:, 1:]
    dis = jnp.where(deg > 0, lax.rsqrt(deg), 0.0)
    xw = jnp.dot(x_ref[...], w_ref[...], preferred_element_type=jnp.float32)
    z0_ref[...] = xw[:, :DH] * dis
    z1_ref[...] = xw[:, DH:] * dis


def _mm_call(p01, x, weight):
    return pl.pallas_call(
        _mm_body,
        grid=(NRB,),
        in_specs=[
            pl.BlockSpec((RB, 2), lambda i: (i, 0)),
            pl.BlockSpec((RB, DIN), lambda i: (i, 0)),
            pl.BlockSpec((DIN, DOUT), lambda i: (0, 0)),
        ],
        out_specs=[
            pl.BlockSpec((RB, DH), lambda i: (i, 0)),
            pl.BlockSpec((RB, DH), lambda i: (i, 0)),
        ],
        out_shape=[
            jax.ShapeDtypeStruct((NN, DH), jnp.float32),
            jax.ShapeDtypeStruct((NN, DH), jnp.float32),
        ],
    )(p01, x, weight)


NCH = EPS // CH
GSZ = 5
NGRP = NCH // GSZ
NZC = NN // CH


def _agg_body(src4_hbm, dst4_hbm, z0_hbm, z1_hbm, agg_hbm,
              slab_sh, idx_d2, idx_s2, rows_v, sem_g, sem_s, sem_i):
    c = lax.axis_index("c")
    s = lax.axis_index("s")
    zeros16 = jnp.zeros((16,), jnp.float32)

    def _zrow(r, carry):
        for k in range(DH // 16):
            rows_v[0, r, pl.ds(k * 16, 16)] = zeros16
        return carry
    lax.fori_loop(0, CH, _zrow, 0)
    for k in range((NZC + NS - 1) // NS):
        cid = k * NS + s

        @pl.when(cid < NZC)
        def _():
            pltpu.async_copy(rows_v.at[0], slab_sh.at[pl.ds(cid * CH, CH)],
                             sem_g)
    for k in range((NZC + NS - 1) // NS):
        cid = k * NS + s

        @pl.when(cid < NZC)
        def _():
            pltpu.make_async_copy(rows_v.at[0],
                                  slab_sh.at[pl.ds(cid * CH, CH)],
                                  sem_g).wait()

    plsc.subcore_barrier()

    def _run(z_ref):
        pltpu.sync_copy(dst4_hbm.at[s, 0], idx_d2.at[0])
        pltpu.sync_copy(src4_hbm.at[s, 0], idx_s2.at[0])

        def _group(h, carry):
            for p in range(2):
                gg = h * 2 + p

                for b in range(GSZ):
                    @pl.when(gg > 0)
                    def _():
                        pltpu.make_async_copy(
                            rows_v.at[b], slab_sh.at[idx_s2.at[p, b]],
                            sem_s).wait()
                    pltpu.async_copy(
                        z_ref.at[idx_d2.at[p, b]], rows_v.at[b], sem_g)

                @pl.when(gg + 1 < NGRP)
                def _():
                    pltpu.async_copy(dst4_hbm.at[s, gg + 1],
                                     idx_d2.at[1 - p], sem_i)
                    pltpu.async_copy(src4_hbm.at[s, gg + 1],
                                     idx_s2.at[1 - p], sem_i)

                for b in range(GSZ):
                    pltpu.make_async_copy(
                        z_ref.at[idx_d2.at[p, b]], rows_v.at[b], sem_g).wait()
                    pltpu.async_copy(
                        rows_v.at[b], slab_sh.at[idx_s2.at[p, b]],
                        sem_s, add=True)

                @pl.when(gg + 1 < NGRP)
                def _():
                    pltpu.make_async_copy(dst4_hbm.at[s, gg + 1],
                                          idx_d2.at[1 - p], sem_i).wait()
                    pltpu.make_async_copy(src4_hbm.at[s, gg + 1],
                                          idx_s2.at[1 - p], sem_i).wait()
            return carry
        lax.fori_loop(0, NGRP // 2, _group, 0)
        for b in range(GSZ):
            pltpu.make_async_copy(
                rows_v.at[b], slab_sh.at[idx_s2.at[1, b]], sem_s).wait()

    @pl.when(c == 0)
    def _():
        _run(z0_hbm)

    @pl.when(c == 1)
    def _():
        _run(z1_hbm)

    plsc.subcore_barrier()

    nk = (NZC + NS - 1) // NS
    for k in range(nk):
        cid = k * NS + s
        b = k % GSZ

        @pl.when(cid < NZC)
        def _():
            if k >= GSZ:
                pltpu.make_async_copy(
                    rows_v.at[b], agg_hbm.at[c, pl.ds(cid * CH, CH)],
                    sem_s).wait()
            pltpu.async_copy(slab_sh.at[pl.ds(cid * CH, CH)], rows_v.at[b],
                             sem_g).wait()
            pltpu.async_copy(rows_v.at[b], agg_hbm.at[c, pl.ds(cid * CH, CH)],
                             sem_s)
    for b in range(GSZ):
        pltpu.make_async_copy(rows_v.at[b],
                              agg_hbm.at[c, pl.ds(s * CH, CH)],
                              sem_s).wait()


_agg_kernel = pl.kernel(
    _agg_body,
    out_type=jax.ShapeDtypeStruct((NC, NN, DH), jnp.float32),
    mesh=_sc_mesh(),
    compiler_params=pltpu.CompilerParams(needs_layout_passes=False),
    scratch_types=[
        pltpu.VMEM_SHARED((NN, DH), jnp.float32),
        pltpu.VMEM((2, GSZ, CH), jnp.int32),
        pltpu.VMEM((2, GSZ, CH), jnp.int32),
        pltpu.VMEM((GSZ, CH, DH), jnp.float32),
        pltpu.SemaphoreType.DMA,
        pltpu.SemaphoreType.DMA,
        pltpu.SemaphoreType.DMA,
    ],
)


def _fin_body(p01_ref, bias_ref, agg_ref, out_ref):
    pd = p01_ref[...]
    deg = pd[:, :1] + pd[:, 1:]
    dis = jnp.where(deg > 0, lax.rsqrt(deg), 0.0)
    out_ref[:, :DH] = agg_ref[0] * dis + bias_ref[:, :DH]
    out_ref[:, DH:] = agg_ref[1] * dis + bias_ref[:, DH:]


def _fin_call(p01, bias2d, agg):
    return pl.pallas_call(
        _fin_body,
        grid=(NRB,),
        in_specs=[
            pl.BlockSpec((RB, 2), lambda i: (i, 0)),
            pl.BlockSpec((1, DOUT), lambda i: (0, 0)),
            pl.BlockSpec((NC, RB, DH), lambda i: (0, i, 0)),
        ],
        out_specs=pl.BlockSpec((RB, DOUT), lambda i: (i, 0)),
        out_shape=jax.ShapeDtypeStruct((NN, DOUT), jnp.float32),
    )(p01, bias2d, agg)


def kernel(x, edge_index, weight, bias):
    edge_index = edge_index.astype(jnp.int32)
    src = edge_index[0]
    pdeg = _deg_kernel(src)
    p01 = jnp.stack([pdeg[:NP], pdeg[NP:]], axis=1)
    z0, z1 = _mm_call(p01, x, weight)
    src4 = src.reshape(NS, NGRP, GSZ, CH)
    dst4 = edge_index[1].reshape(NS, NGRP, GSZ, CH)
    agg = _agg_kernel(src4, dst4, z0, z1)
    return _fin_call(p01, bias.reshape(1, DOUT), agg)

# --- scband reference (transcript-rebuilt; emitter-appended) ---
"""Pipeline reference for scband-gcnconv-25237227831551 (READ-ONLY COPY).

The authoritative reference and input builder live on the scoring server;
editing this copy changes nothing except your own understanding.
"""

import jax, jax.numpy as jnp
import numpy as np

N = 10000
D_IN = 256
D_OUT = 256
E = 160000


def setup_inputs(seed: int = 0) -> dict:
    key = jax.random.key(seed)
    k1, k2, k3 = jax.random.split(key, 3)
    x = jax.random.normal(k1, (N, D_IN), dtype=jnp.float32)
    edge_index = jax.random.randint(k2, (2, E), 0, N)
    # xavier_uniform for weight [D_IN, D_OUT]
    limit = float(np.sqrt(6.0 / (D_IN + D_OUT)))
    weight = jax.random.uniform(k3, (D_IN, D_OUT), dtype=jnp.float32, minval=-limit, maxval=limit)
    bias = jnp.zeros((D_OUT,), dtype=jnp.float32)
    return {"x": x, "edge_index": edge_index, "weight": weight, "bias": bias}


def reference(x, edge_index, weight, bias):
    # edges_sparse is the COO adjacency A with A[src, dst] = 1 per edge
    src = edge_index[0]
    dst = edge_index[1]
    # out_degree = A.sum(dim=1) -> row sums (duplicate edges add, matching sparse COO coalesce semantics)
    ones = jnp.ones((E,), dtype=jnp.float32)
    out_degree = jax.ops.segment_sum(ones, src, num_segments=N)
    # deg^{-1/2}; guard zeros (torch would produce inf; graph at this density has ~no isolated nodes)
    deg_inv_sqrt = jnp.where(out_degree > 0, out_degree ** -0.5, 0.0)
    # val2 = D @ A @ D  -> per-edge norm d_src^{-1/2} * d_dst^{-1/2}
    norm = deg_inv_sqrt[src] * deg_inv_sqrt[dst]
    # val3 = (D A D) @ x -> scatter-add normalized messages from dst feature rows into src rows
    msg = norm[:, None] * x[dst]
    val3 = jax.ops.segment_sum(msg, src, num_segments=N)
    # out = val3 @ W + b
    out = val3 @ weight + bias
    return out

if __name__ == "__main__":
    import jax
    _d = setup_inputs()
    print(jax.jit(kernel)(*tuple(_d.values())))

</pallas_src>

<mosaic_0001>
#map = affine_map<(d0, d1) -> (0, 0, 0, 0)>
#map1 = affine_map<(d0, d1) -> (0, 0)>
#map2 = affine_map<(d0, d1) -> (0, 0, 0)>
module attributes {stable_mosaic.version = 14 : i64} {
  func.func @_agg_body(%arg0: i32, %arg1: i32, %arg2: memref<16x50x5x40xi32, #tpu.memory_space<hbm>>, %arg3: memref<16x50x5x40xi32, #tpu.memory_space<hbm>>, %arg4: memref<10000x128xf32, #tpu.memory_space<hbm>>, %arg5: memref<10000x128xf32, #tpu.memory_space<hbm>>, %arg6: memref<2x10000x128xf32, #tpu.memory_space<hbm>>, %arg7: memref<10000x128xf32, #tpu.memory_space<vmem_shared>>, %arg8: memref<2x5x40xi32, #tpu.memory_space<vmem>>, %arg9: memref<2x5x40xi32, #tpu.memory_space<vmem>>, %arg10: memref<5x40x128xf32, #tpu.memory_space<vmem>>, %arg11: memref<!tpu.dma_semaphore, #tpu.memory_space<semaphore_mem>>, %arg12: memref<!tpu.dma_semaphore, #tpu.memory_space<semaphore_mem>>, %arg13: memref<!tpu.dma_semaphore, #tpu.memory_space<semaphore_mem>>) attributes {dimension_semantics = [#tpu.dimension_semantics<core_parallel>, #tpu.dimension_semantics<subcore_parallel>], iteration_bounds = array<i64: 2, 16>, scalar_prefetch = 0 : i64, scratch_operands = 7 : i64, tpu.core_type = #tpu.core_type<sc_vector_subcore>, window_params = [{transform_indices = #map}, {transform_indices = #map}, {transform_indices = #map1}, {transform_indices = #map1}, {transform_indices = #map2}]} {
    %broadcast_in_dim3A = arith.constant 0.000000e+00 : f32
    %broadcast_in_dim3A_0 = vector.broadcast %broadcast_in_dim3A : f32 to vector<16xf32>
    %scan3A = arith.constant 0 : i32
    %scan3A_1 = arith.constant 0 : i32
    %scan3A_2 = arith.constant 40 : i32
    %scan3A_3 = arith.addi %scan3A_1, %scan3A_2 : i32
    %scan3A_4 = arith.constant 1 : i32
    scf.for %scan3A_431 = %scan3A_1 to %scan3A_3 step %scan3A_4  : i32 {
      %swap3A = arith.constant 0 : i32
      %swap3A_432 = arith.index_cast %swap3A : i32 to index
      %swap3A_433 = arith.index_cast %scan3A_431 : i32 to index
      %swap3A_434 = arith.constant 0 : index
      %swap3A_435 = tpu.vector_load %arg10[%swap3A_432, %swap3A_433, %swap3A_434] {strides = array<i32>} : memref<5x40x128xf32, #tpu.memory_space<vmem>>, vector<16xf32>,
      tpu.vector_store %arg10[%swap3A_432, %swap3A_433, %swap3A_434], %broadcast_in_dim3A_0 {strides = array<i32>} : memref<5x40x128xf32, #tpu.memory_space<vmem>>, vector<16xf32>,
      %swap3A_436 = arith.constant 0 : i32
      %swap3A_437 = arith.index_cast %swap3A_436 : i32 to index
      %swap3A_438 = arith.index_cast %scan3A_431 : i32 to index
      %swap3A_439 = arith.constant 16 : index
      %swap3A_440 = tpu.vector_load %arg10[%swap3A_437, %swap3A_438, %swap3A_439] {strides = array<i32>} : memref<5x40x128xf32, #tpu.memory_space<vmem>>, vector<16xf32>,
      tpu.vector_store %arg10[%swap3A_437, %swap3A_438, %swap3A_439], %broadcast_in_dim3A_0 {strides = array<i32>} : memref<5x40x128xf32, #tpu.memory_space<vmem>>, vector<16xf32>,
      %swap3A_441 = arith.constant 0 : i32
      %swap3A_442 = arith.index_cast %swap3A_441 : i32 to index
      %swap3A_443 = arith.index_cast %scan3A_431 : i32 to index
      %swap3A_444 = arith.constant 32 : index
      %swap3A_445 = tpu.vector_load %arg10[%swap3A_442, %swap3A_443, %swap3A_444] {strides = array<i32>} : memref<5x40x128xf32, #tpu.memory_space<vmem>>, vector<16xf32>,
      tpu.vector_store %arg10[%swap3A_442, %swap3A_443, %swap3A_444], %broadcast_in_dim3A_0 {strides = array<i32>} : memref<5x40x128xf32, #tpu.memory_space<vmem>>, vector<16xf32>,
      %swap3A_446 = arith.constant 0 : i32
      %swap3A_447 = arith.index_cast %swap3A_446 : i32 to index
      %swap3A_448 = arith.index_cast %scan3A_431 : i32 to index
      %swap3A_449 = arith.constant 48 : index
      %swap3A_450 = tpu.vector_load %arg10[%swap3A_447, %swap3A_448, %swap3A_449] {strides = array<i32>} : memref<5x40x128xf32, #tpu.memory_space<vmem>>, vector<16xf32>,
      tpu.vector_store %arg10[%swap3A_447, %swap3A_448, %swap3A_449], %broadcast_in_dim3A_0 {strides = array<i32>} : memref<5x40x128xf32, #tpu.memory_space<vmem>>, vector<16xf32>,
      %swap3A_451 = arith.constant 0 : i32
      %swap3A_452 = arith.index_cast %swap3A_451 : i32 to index
      %swap3A_453 = arith.index_cast %scan3A_431 : i32 to index
      %swap3A_454 = arith.constant 64 : index
      %swap3A_455 = tpu.vector_load %arg10[%swap3A_452, %swap3A_453, %swap3A_454] {strides = array<i32>} : memref<5x40x128xf32, #tpu.memory_space<vmem>>, vector<16xf32>,
      tpu.vector_store %arg10[%swap3A_452, %swap3A_453, %swap3A_454], %broadcast_in_dim3A_0 {strides = array<i32>} : memref<5x40x128xf32, #tpu.memory_space<vmem>>, vector<16xf32>,
      %swap3A_456 = arith.constant 0 : i32
      %swap3A_457 = arith.index_cast %swap3A_456 : i32 to index
      %swap3A_458 = arith.index_cast %scan3A_431 : i32 to index
      %swap3A_459 = arith.constant 80 : index
      %swap3A_460 = tpu.vector_load %arg10[%swap3A_457, %swap3A_458, %swap3A_459] {strides = array<i32>} : memref<5x40x128xf32, #tpu.memory_space<vmem>>, vector<16xf32>,
      tpu.vector_store %arg10[%swap3A_457, %swap3A_458, %swap3A_459], %broadcast_in_dim3A_0 {strides = array<i32>} : memref<5x40x128xf32, #tpu.memory_space<vmem>>, vector<16xf32>,
      %swap3A_461 = arith.constant 0 : i32
      %swap3A_462 = arith.index_cast %swap3A_461 : i32 to index
      %swap3A_463 = arith.index_cast %scan3A_431 : i32 to index
      %swap3A_464 = arith.constant 96 : index
      %swap3A_465 = tpu.vector_load %arg10[%swap3A_462, %swap3A_463, %swap3A_464] {strides = array<i32>} : memref<5x40x128xf32, #tpu.memory_space<vmem>>, vector<16xf32>,
      tpu.vector_store %arg10[%swap3A_462, %swap3A_463, %swap3A_464], %broadcast_in_dim3A_0 {strides = array<i32>} : memref<5x40x128xf32, #tpu.memory_space<vmem>>, vector<16xf32>,
      %swap3A_466 = arith.constant 0 : i32
      %swap3A_467 = arith.index_cast %swap3A_466 : i32 to index
      %swap3A_468 = arith.index_cast %scan3A_431 : i32 to index
      %swap3A_469 = arith.constant 112 : index
      %swap3A_470 = tpu.vector_load %arg10[%swap3A_467, %swap3A_468, %swap3A_469] {strides = array<i32>} : memref<5x40x128xf32, #tpu.memory_space<vmem>>, vector<16xf32>,
      tpu.vector_store %arg10[%swap3A_467, %swap3A_468, %swap3A_469], %broadcast_in_dim3A_0 {strides = array<i32>} : memref<5x40x128xf32, #tpu.memory_space<vmem>>, vector<16xf32>,
    }
    %scan3A_5 = arith.constant 40 : i32
    %add3A = arith.constant 0 : i32
    %add3A_6 = arith.addi %add3A, %arg1 : i32
    %lt3A = arith.constant 250 : i32
    %lt3A_7 = arith.cmpi slt, %add3A_6, %lt3A : i32
    %convert_element_type3A = arith.extui %lt3A_7 : i1 to i32
    %cond3A = arith.constant 0 : i32
    %cond3A_8 = arith.cmpi ne, %convert_element_type3A, %cond3A : i32
    scf.if %cond3A_8 {
      %mul3A_431 = arith.constant 40 : i32
      %mul3A_432 = arith.muli %add3A_6, %mul3A_431 : i32
      %dma_start3A = arith.constant 0 : i32
      %dma_start3A_433 = arith.constant 0 : i32
      %dma_start3A_434 = arith.constant 0 : i32
      %dma_start3A_435 = tpu.memref_slice %arg10[%dma_start3A, %dma_start3A_433, %dma_start3A_434] : memref<5x40x128xf32, #tpu.memory_space<vmem>> -> memref<1x40x128xf32, #tpu.memory_space<vmem>>
      %dma_start3A_436 = tpu.memref_squeeze %dma_start3A_435 : memref<1x40x128xf32, #tpu.memory_space<vmem>> -> memref<40x128xf32, #tpu.memory_space<vmem>>
      %dma_start3A_437 = arith.constant 0 : i32
      %dma_start3A_438 = tpu.memref_slice %arg7[%mul3A_432, %dma_start3A_437] : memref<10000x128xf32, #tpu.memory_space<vmem_shared>> -> memref<40x128xf32, #tpu.memory_space<vmem_shared>>
      %dma_start3A_439 = arith.constant 0 : i32
      %dma_start3A_440 = tpu.memref_slice %arg7[%mul3A_432, %dma_start3A_439] : memref<10000x128xf32, #tpu.memory_space<vmem_shared>> -> memref<40x128xf32, #tpu.memory_space<vmem_shared>>
      %dma_start3A_441 = arith.constant 0 : i32
      %dma_start3A_442 = arith.constant 0 : i32
      %dma_start3A_443 = tpu.memref_slice %arg10[%dma_start3A, %dma_start3A_441, %dma_start3A_442] : memref<5x40x128xf32, #tpu.memory_space<vmem>> -> memref<1x40x128xf32, #tpu.memory_space<vmem>>
      %dma_start3A_444 = tpu.memref_squeeze %dma_start3A_443 : memref<1x40x128xf32, #tpu.memory_space<vmem>> -> memref<40x128xf32, #tpu.memory_space<vmem>>
      tpu.enqueue_dma source(%dma_start3A_444 : memref<40x128xf32, #tpu.memory_space<vmem>>) target(%dma_start3A_440 : memref<40x128xf32, #tpu.memory_space<vmem_shared>>) target_semaphore(%arg11 : memref<!tpu.dma_semaphore, #tpu.memory_space<semaphore_mem>>)
    } else {
    }
    %add3A_9 = arith.constant 16 : i32
    %add3A_10 = arith.addi %add3A_9, %arg1 : i32
    %lt3A_11 = arith.constant 250 : i32
    %lt3A_12 = arith.cmpi slt, %add3A_10, %lt3A_11 : i32
    %convert_element_type3A_13 = arith.extui %lt3A_12 : i1 to i32
    %cond3A_14 = arith.constant 0 : i32
    %cond3A_15 = arith.cmpi ne, %convert_element_type3A_13, %cond3A_14 : i32
    scf.if %cond3A_15 {
      %mul3A_431 = arith.constant 40 : i32
      %mul3A_432 = arith.muli %add3A_10, %mul3A_431 : i32
      %dma_start3A = arith.constant 0 : i32
      %dma_start3A_433 = arith.constant 0 : i32
      %dma_start3A_434 = arith.constant 0 : i32
      %dma_start3A_435 = tpu.memref_slice %arg10[%dma_start3A, %dma_start3A_433, %dma_start3A_434] : memref<5x40x128xf32, #tpu.memory_space<vmem>> -> memref<1x40x128xf32, #tpu.memory_space<vmem>>
      %dma_start3A_436 = tpu.memref_squeeze %dma_start3A_435 : memref<1x40x128xf32, #tpu.memory_space<vmem>> -> memref<40x128xf32, #tpu.memory_space<vmem>>
      %dma_start3A_437 = arith.constant 0 : i32
      %dma_start3A_438 = tpu.memref_slice %arg7[%mul3A_432, %dma_start3A_437] : memref<10000x128xf32, #tpu.memory_space<vmem_shared>> -> memref<40x128xf32, #tpu.memory_space<vmem_shared>>
      %dma_start3A_439 = arith.constant 0 : i32
      %dma_start3A_440 = tpu.memref_slice %arg7[%mul3A_432, %dma_start3A_439] : memref<10000x128xf32, #tpu.memory_space<vmem_shared>> -> memref<40x128xf32, #tpu.memory_space<vmem_shared>>
      %dma_start3A_441 = arith.constant 0 : i32
      %dma_start3A_442 = arith.constant 0 : i32
      %dma_start3A_443 = tpu.memref_slice %arg10[%dma_start3A, %dma_start3A_441, %dma_start3A_442] : memref<5x40x128xf32, #tpu.memory_space<vmem>> -> memref<1x40x128xf32, #tpu.memory_space<vmem>>
      %dma_start3A_444 = tpu.memref_squeeze %dma_start3A_443 : memref<1x40x128xf32, #tpu.memory_space<vmem>> -> memref<40x128xf32, #tpu.memory_space<vmem>>
      tpu.enqueue_dma source(%dma_start3A_444 : memref<40x128xf32, #tpu.memory_space<vmem>>) target(%dma_start3A_440 : memref<40x128xf32, #tpu.memory_space<vmem_shared>>) target_semaphore(%arg11 : memref<!tpu.dma_semaphore, #tpu.memory_space<semaphore_mem>>)
    } else {
    }
    %add3A_16 = arith.constant 32 : i32
    %add3A_17 = arith.addi %add3A_16, %arg1 : i32
    %lt3A_18 = arith.constant 250 : i32
    %lt3A_19 = arith.cmpi slt, %add3A_17, %lt3A_18 : i32
    %convert_element_type3A_20 = arith.extui %lt3A_19 : i1 to i32
    %cond3A_21 = arith.constant 0 : i32
    %cond3A_22 = arith.cmpi ne, %convert_element_type3A_20, %cond3A_21 : i32
    scf.if %cond3A_22 {
      %mul3A_431 = arith.constant 40 : i32
      %mul3A_432 = arith.muli %add3A_17, %mul3A_431 : i32
      %dma_start3A = arith.constant 0 : i32
      %dma_start3A_433 = arith.constant 0 : i32
      %dma_start3A_434 = arith.constant 0 : i32
      %dma_start3A_435 = tpu.memref_slice %arg10[%dma_start3A, %dma_start3A_433, %dma_start3A_434] : memref<5x40x128xf32, #tpu.memory_space<vmem>> -> memref<1x40x128xf32, #tpu.memory_space<vmem>>
      %dma_start3A_436 = tpu.memref_squeeze %dma_start3A_435 : memref<1x40x128xf32, #tpu.memory_space<vmem>> -> memref<40x128xf32, #tpu.memory_space<vmem>>
      %dma_start3A_437 = arith.constant 0 : i32
      %dma_start3A_438 = tpu.memref_slice %arg7[%mul3A_432, %dma_start3A_437] : memref<10000x128xf32, #tpu.memory_space<vmem_shared>> -> memref<40x128xf32, #tpu.memory_space<vmem_shared>>
      %dma_start3A_439 = arith.constant 0 : i32
      %dma_start3A_440 = tpu.memref_slice %arg7[%mul3A_432, %dma_start3A_439] : memref<10000x128xf32, #tpu.memory_space<vmem_shared>> -> memref<40x128xf32, #tpu.memory_space<vmem_shared>>
      %dma_start3A_441 = arith.constant 0 : i32
      %dma_start3A_442 = arith.constant 0 : i32
      %dma_start3A_443 = tpu.memref_slice %arg10[%dma_start3A, %dma_start3A_441, %dma_start3A_442] : memref<5x40x128xf32, #tpu.memory_space<vmem>> -> memref<1x40x128xf32, #tpu.memory_space<vmem>>
      %dma_start3A_444 = tpu.memref_squeeze %dma_start3A_443 : memref<1x40x128xf32, #tpu.memory_space<vmem>> -> memref<40x128xf32, #tpu.memory_space<vmem>>
      tpu.enqueue_dma source(%dma_start3A_444 : memref<40x128xf32, #tpu.memory_space<vmem>>) target(%dma_start3A_440 : memref<40x128xf32, #tpu.memory_space<vmem_shared>>) target_semaphore(%arg11 : memref<!tpu.dma_semaphore, #tpu.memory_space<semaphore_mem>>)
    } else {
    }
    %add3A_23 = arith.constant 48 : i32
    %add3A_24 = arith.addi %add3A_23, %arg1 : i32
    %lt3A_25 = arith.constant 250 : i32
    %lt3A_26 = arith.cmpi slt, %add3A_24, %lt3A_25 : i32
    %convert_element_type3A_27 = arith.extui %lt3A_26 : i1 to i32
    %cond3A_28 = arith.constant 0 : i32
    %cond3A_29 = arith.cmpi ne, %convert_element_type3A_27, %cond3A_28 : i32
    scf.if %cond3A_29 {
      %mul3A_431 = arith.constant 40 : i32
      %mul3A_432 = arith.muli %add3A_24, %mul3A_431 : i32
      %dma_start3A = arith.constant 0 : i32
      %dma_start3A_433 = arith.constant 0 : i32
      %dma_start3A_434 = arith.constant 0 : i32
      %dma_start3A_435 = tpu.memref_slice %arg10[%dma_start3A, %dma_start3A_433, %dma_start3A_434] : memref<5x40x128xf32, #tpu.memory_space<vmem>> -> memref<1x40x128xf32, #tpu.memory_space<vmem>>
      %dma_start3A_436 = tpu.memref_squeeze %dma_start3A_435 : memref<1x40x128xf32, #tpu.memory_space<vmem>> -> memref<40x128xf32, #tpu.memory_space<vmem>>
      %dma_start3A_437 = arith.constant 0 : i32
      %dma_start3A_438 = tpu.memref_slice %arg7[%mul3A_432, %dma_start3A_437] : memref<10000x128xf32, #tpu.memory_space<vmem_shared>> -> memref<40x128xf32, #tpu.memory_space<vmem_shared>>
      %dma_start3A_439 = arith.constant 0 : i32
      %dma_start3A_440 = tpu.memref_slice %arg7[%mul3A_432, %dma_start3A_439] : memref<10000x128xf32, #tpu.memory_space<vmem_shared>> -> memref<40x128xf32, #tpu.memory_space<vmem_shared>>
      %dma_start3A_441 = arith.constant 0 : i32
      %dma_start3A_442 = arith.constant 0 : i32
      %dma_start3A_443 = tpu.memref_slice %arg10[%dma_start3A, %dma_start3A_441, %dma_start3A_442] : memref<5x40x128xf32, #tpu.memory_space<vmem>> -> memref<1x40x128xf32, #tpu.memory_space<vmem>>
      %dma_start3A_444 = tpu.memref_squeeze %dma_start3A_443 : memref<1x40x128xf32, #tpu.memory_space<vmem>> -> memref<40x128xf32, #tpu.memory_space<vmem>>
      tpu.enqueue_dma source(%dma_start3A_444 : memref<40x128xf32, #tpu.memory_space<vmem>>) target(%dma_start3A_440 : memref<40x128xf32, #tpu.memory_space<vmem_shared>>) target_semaphore(%arg11 : memref<!tpu.dma_semaphore, #tpu.memory_space<semaphore_mem>>)
    } else {
    }
    %add3A_30 = arith.constant 64 : i32
    %add3A_31 = arith.addi %add3A_30, %arg1 : i32
    %lt3A_32 = arith.constant 250 : i32
    %lt3A_33 = arith.cmpi slt, %add3A_31, %lt3A_32 : i32
    %convert_element_type3A_34 = arith.extui %lt3A_33 : i1 to i32
    %cond3A_35 = arith.constant 0 : i32
    %cond3A_36 = arith.cmpi ne, %convert_element_type3A_34, %cond3A_35 : i32
    scf.if %cond3A_36 {
      %mul3A_431 = arith.constant 40 : i32
      %mul3A_432 = arith.muli %add3A_31, %mul3A_431 : i32
      %dma_start3A = arith.constant 0 : i32
      %dma_start3A_433 = arith.constant 0 : i32
      %dma_start3A_434 = arith.constant 0 : i32
      %dma_start3A_435 = tpu.memref_slice %arg10[%dma_start3A, %dma_start3A_433, %dma_start3A_434] : memref<5x40x128xf32, #tpu.memory_space<vmem>> -> memref<1x40x128xf32, #tpu.memory_space<vmem>>
      %dma_start3A_436 = tpu.memref_squeeze %dma_start3A_435 : memref<1x40x128xf32, #tpu.memory_space<vmem>> -> memref<40x128xf32, #tpu.memory_space<vmem>>
      %dma_start3A_437 = arith.constant 0 : i32
      %dma_start3A_438 = tpu.memref_slice %arg7[%mul3A_432, %dma_start3A_437] : memref<10000x128xf32, #tpu.memory_space<vmem_shared>> -> memref<40x128xf32, #tpu.memory_space<vmem_shared>>
      %dma_start3A_439 = arith.constant 0 : i32
      %dma_start3A_440 = tpu.memref_slice %arg7[%mul3A_432, %dma_start3A_439] : memref<10000x128xf32, #tpu.memory_space<vmem_shared>> -> memref<40x128xf32, #tpu.memory_space<vmem_shared>>
      %dma_start3A_441 = arith.constant 0 : i32
      %dma_start3A_442 = arith.constant 0 : i32
      %dma_start3A_443 = tpu.memref_slice %arg10[%dma_start3A, %dma_start3A_441, %dma_start3A_442] : memref<5x40x128xf32, #tpu.memory_space<vmem>> -> memref<1x40x128xf32, #tpu.memory_space<vmem>>
      %dma_start3A_444 = tpu.memref_squeeze %dma_start3A_443 : memref<1x40x128xf32, #tpu.memory_space<vmem>> -> memref<40x128xf32, #tpu.memory_space<vmem>>
      tpu.enqueue_dma source(%dma_start3A_444 : memref<40x128xf32, #tpu.memory_space<vmem>>) target(%dma_start3A_440 : memref<40x128xf32, #tpu.memory_space<vmem_shared>>) target_semaphore(%arg11 : memref<!tpu.dma_semaphore, #tpu.memory_space<semaphore_mem>>)
    } else {
    }
    %add3A_37 = arith.constant 80 : i32
    %add3A_38 = arith.addi %add3A_37, %arg1 : i32
    %lt3A_39 = arith.constant 250 : i32
    %lt3A_40 = arith.cmpi slt, %add3A_38, %lt3A_39 : i32
    %convert_element_type3A_41 = arith.extui %lt3A_40 : i1 to i32
    %cond3A_42 = arith.constant 0 : i32
    %cond3A_43 = arith.cmpi ne, %convert_element_type3A_41, %cond3A_42 : i32
    scf.if %cond3A_43 {
      %mul3A_431 = arith.constant 40 : i32
      %mul3A_432 = arith.muli %add3A_38, %mul3A_431 : i32
      %dma_start3A = arith.constant 0 : i32
      %dma_start3A_433 = arith.constant 0 : i32
      %dma_start3A_434 = arith.constant 0 : i32
      %dma_start3A_435 = tpu.memref_slice %arg10[%dma_start3A, %dma_start3A_433, %dma_start3A_434] : memref<5x40x128xf32, #tpu.memory_space<vmem>> -> memref<1x40x128xf32, #tpu.memory_space<vmem>>
      %dma_start3A_436 = tpu.memref_squeeze %dma_start3A_435 : memref<1x40x128xf32, #tpu.memory_space<vmem>> -> memref<40x128xf32, #tpu.memory_space<vmem>>
      %dma_start3A_437 = arith.constant 0 : i32
      %dma_start3A_438 = tpu.memref_slice %arg7[%mul3A_432, %dma_start3A_437] : memref<10000x128xf32, #tpu.memory_space<vmem_shared>> -> memref<40x128xf32, #tpu.memory_space<vmem_shared>>
      %dma_start3A_439 = arith.constant 0 : i32
      %dma_start3A_440 = tpu.memref_slice %arg7[%mul3A_432, %dma_start3A_439] : memref<10000x128xf32, #tpu.memory_space<vmem_shared>> -> memref<40x128xf32, #tpu.memory_space<vmem_shared>>
      %dma_start3A_441 = arith.constant 0 : i32
      %dma_start3A_442 = arith.constant 0 : i32
      %dma_start3A_443 = tpu.memref_slice %arg10[%dma_start3A, %dma_start3A_441, %dma_start3A_442] : memref<5x40x128xf32, #tpu.memory_space<vmem>> -> memref<1x40x128xf32, #tpu.memory_space<vmem>>
      %dma_start3A_444 = tpu.memref_squeeze %dma_start3A_443 : memref<1x40x128xf32, #tpu.memory_space<vmem>> -> memref<40x128xf32, #tpu.memory_space<vmem>>
      tpu.enqueue_dma source(%dma_start3A_444 : memref<40x128xf32, #tpu.memory_space<vmem>>) target(%dma_start3A_440 : memref<40x128xf32, #tpu.memory_space<vmem_shared>>) target_semaphore(%arg11 : memref<!tpu.dma_semaphore, #tpu.memory_space<semaphore_mem>>)
    } else {
    }
    %add3A_44 = arith.constant 96 : i32
    %add3A_45 = arith.addi %add3A_44, %arg1 : i32
    %lt3A_46 = arith.constant 250 : i32
    %lt3A_47 = arith.cmpi slt, %add3A_45, %lt3A_46 : i32
    %convert_element_type3A_48 = arith.extui %lt3A_47 : i1 to i32
    %cond3A_49 = arith.constant 0 : i32
    %cond3A_50 = arith.cmpi ne, %convert_element_type3A_48, %cond3A_49 : i32
    scf.if %cond3A_50 {
      %mul3A_431 = arith.constant 40 : i32
      %mul3A_432 = arith.muli %add3A_45, %mul3A_431 : i32
      %dma_start3A = arith.constant 0 : i32
      %dma_start3A_433 = arith.constant 0 : i32
      %dma_start3A_434 = arith.constant 0 : i32
      %dma_start3A_435 = tpu.memref_slice %arg10[%dma_start3A, %dma_start3A_433, %dma_start3A_434] : memref<5x40x128xf32, #tpu.memory_space<vmem>> -> memref<1x40x128xf32, #tpu.memory_space<vmem>>
      %dma_start3A_436 = tpu.memref_squeeze %dma_start3A_435 : memref<1x40x128xf32, #tpu.memory_space<vmem>> -> memref<40x128xf32, #tpu.memory_space<vmem>>
      %dma_start3A_437 = arith.constant 0 : i32
      %dma_start3A_438 = tpu.memref_slice %arg7[%mul3A_432, %dma_start3A_437] : memref<10000x128xf32, #tpu.memory_space<vmem_shared>> -> memref<40x128xf32, #tpu.memory_space<vmem_shared>>
      %dma_start3A_439 = arith.constant 0 : i32
      %dma_start3A_440 = tpu.memref_slice %arg7[%mul3A_432, %dma_start3A_439] : memref<10000x128xf32, #tpu.memory_space<vmem_shared>> -> memref<40x128xf32, #tpu.memory_space<vmem_shared>>
      %dma_start3A_441 = arith.constant 0 : i32
      %dma_start3A_442 = arith.constant 0 : i32
      %dma_start3A_443 = tpu.memref_slice %arg10[%dma_start3A, %dma_start3A_441, %dma_start3A_442] : memref<5x40x128xf32, #tpu.memory_space<vmem>> -> memref<1x40x128xf32, #tpu.memory_space<vmem>>
      %dma_start3A_444 = tpu.memref_squeeze %dma_start3A_443 : memref<1x40x128xf32, #tpu.memory_space<vmem>> -> memref<40x128xf32, #tpu.memory_space<vmem>>
      tpu.enqueue_dma source(%dma_start3A_444 : memref<40x128xf32, #tpu.memory_space<vmem>>) target(%dma_start3A_440 : memref<40x128xf32, #tpu.memory_space<vmem_shared>>) target_semaphore(%arg11 : memref<!tpu.dma_semaphore, #tpu.memory_space<semaphore_mem>>)
    } else {
    }
    %add3A_51 = arith.constant 112 : i32
    %add3A_52 = arith.addi %add3A_51, %arg1 : i32
    %lt3A_53 = arith.constant 250 : i32
    %lt3A_54 = arith.cmpi slt, %add3A_52, %lt3A_53 : i32
    %convert_element_type3A_55 = arith.extui %lt3A_54 : i1 to i32
    %cond3A_56 = arith.constant 0 : i32
    %cond3A_57 = arith.cmpi ne, %convert_element_type3A_55, %cond3A_56 : i32
    scf.if %cond3A_57 {
      %mul3A_431 = arith.constant 40 : i32
      %mul3A_432 = arith.muli %add3A_52, %mul3A_431 : i32
      %dma_start3A = arith.constant 0 : i32
      %dma_start3A_433 = arith.constant 0 : i32
      %dma_start3A_434 = arith.constant 0 : i32
      %dma_start3A_435 = tpu.memref_slice %arg10[%dma_start3A, %dma_start3A_433, %dma_start3A_434] : memref<5x40x128xf32, #tpu.memory_space<vmem>> -> memref<1x40x128xf32, #tpu.memory_space<vmem>>
      %dma_start3A_436 = tpu.memref_squeeze %dma_start3A_435 : memref<1x40x128xf32, #tpu.memory_space<vmem>> -> memref<40x128xf32, #tpu.memory_space<vmem>>
      %dma_start3A_437 = arith.constant 0 : i32
      %dma_start3A_438 = tpu.memref_slice %arg7[%mul3A_432, %dma_start3A_437] : memref<10000x128xf32, #tpu.memory_space<vmem_shared>> -> memref<40x128xf32, #tpu.memory_space<vmem_shared>>
      %dma_start3A_439 = arith.constant 0 : i32
      %dma_start3A_440 = tpu.memref_slice %arg7[%mul3A_432, %dma_start3A_439] : memref<10000x128xf32, #tpu.memory_space<vmem_shared>> -> memref<40x128xf32, #tpu.memory_space<vmem_shared>>
      %dma_start3A_441 = arith.constant 0 : i32
      %dma_start3A_442 = arith.constant 0 : i32
      %dma_start3A_443 = tpu.memref_slice %arg10[%dma_start3A, %dma_start3A_441, %dma_start3A_442] : memref<5x40x128xf32, #tpu.memory_space<vmem>> -> memref<1x40x128xf32, #tpu.memory_space<vmem>>
      %dma_start3A_444 = tpu.memref_squeeze %dma_start3A_443 : memref<1x40x128xf32, #tpu.memory_space<vmem>> -> memref<40x128xf32, #tpu.memory_space<vmem>>
      tpu.enqueue_dma source(%dma_start3A_444 : memref<40x128xf32, #tpu.memory_space<vmem>>) target(%dma_start3A_440 : memref<40x128xf32, #tpu.memory_space<vmem_shared>>) target_semaphore(%arg11 : memref<!tpu.dma_semaphore, #tpu.memory_space<semaphore_mem>>)
    } else {
    }
    %add3A_58 = arith.constant 128 : i32
    %add3A_59 = arith.addi %add3A_58, %arg1 : i32
    %lt3A_60 = arith.constant 250 : i32
    %lt3A_61 = arith.cmpi slt, %add3A_59, %lt3A_60 : i32
    %convert_element_type3A_62 = arith.extui %lt3A_61 : i1 to i32
    %cond3A_63 = arith.constant 0 : i32
    %cond3A_64 = arith.cmpi ne, %convert_element_type3A_62, %cond3A_63 : i32
    scf.if %cond3A_64 {
      %mul3A_431 = arith.constant 40 : i32
      %mul3A_432 = arith.muli %add3A_59, %mul3A_431 : i32
      %dma_start3A = arith.constant 0 : i32
      %dma_start3A_433 = arith.constant 0 : i32
      %dma_start3A_434 = arith.constant 0 : i32
      %dma_start3A_435 = tpu.memref_slice %arg10[%dma_start3A, %dma_start3A_433, %dma_start3A_434] : memref<5x40x128xf32, #tpu.memory_space<vmem>> -> memref<1x40x128xf32, #tpu.memory_space<vmem>>
      %dma_start3A_436 = tpu.memref_squeeze %dma_start3A_435 : memref<1x40x128xf32, #tpu.memory_space<vmem>> -> memref<40x128xf32, #tpu.memory_space<vmem>>
      %dma_start3A_437 = arith.constant 0 : i32
      %dma_start3A_438 = tpu.memref_slice %arg7[%mul3A_432, %dma_start3A_437] : memref<10000x128xf32, #tpu.memory_space<vmem_shared>> -> memref<40x128xf32, #tpu.memory_space<vmem_shared>>
      %dma_start3A_439 = arith.constant 0 : i32
      %dma_start3A_440 = tpu.memref_slice %arg7[%mul3A_432, %dma_start3A_439] : memref<10000x128xf32, #tpu.memory_space<vmem_shared>> -> memref<40x128xf32, #tpu.memory_space<vmem_shared>>
      %dma_start3A_441 = arith.constant 0 : i32
      %dma_start3A_442 = arith.constant 0 : i32
      %dma_start3A_443 = tpu.memref_slice %arg10[%dma_start3A, %dma_start3A_441, %dma_start3A_442] : memref<5x40x128xf32, #tpu.memory_space<vmem>> -> memref<1x40x128xf32, #tpu.memory_space<vmem>>
      %dma_start3A_444 = tpu.memref_squeeze %dma_start3A_443 : memref<1x40x128xf32, #tpu.memory_space<vmem>> -> memref<40x128xf32, #tpu.memory_space<vmem>>
      tpu.enqueue_dma source(%dma_start3A_444 : memref<40x128xf32, #tpu.memory_space<vmem>>) target(%dma_start3A_440 : memref<40x128xf32, #tpu.memory_space<vmem_shared>>) target_semaphore(%arg11 : memref<!tpu.dma_semaphore, #tpu.memory_space<semaphore_mem>>)
    } else {
    }
    %add3A_65 = arith.constant 144 : i32
    %add3A_66 = arith.addi %add3A_65, %arg1 : i32
    %lt3A_67 = arith.constant 250 : i32
    %lt3A_68 = arith.cmpi slt, %add3A_66, %lt3A_67 : i32
    %convert_element_type3A_69 = arith.extui %lt3A_68 : i1 to i32
    %cond3A_70 = arith.constant 0 : i32
    %cond3A_71 = arith.cmpi ne, %convert_element_type3A_69, %cond3A_70 : i32
    scf.if %cond3A_71 {
      %mul3A_431 = arith.constant 40 : i32
      %mul3A_432 = arith.muli %add3A_66, %mul3A_431 : i32
      %dma_start3A = arith.constant 0 : i32
      %dma_start3A_433 = arith.constant 0 : i32
      %dma_start3A_434 = arith.constant 0 : i32
      %dma_start3A_435 = tpu.memref_slice %arg10[%dma_start3A, %dma_start3A_433, %dma_start3A_434] : memref<5x40x128xf32, #tpu.memory_space<vmem>> -> memref<1x40x128xf32, #tpu.memory_space<vmem>>
      %dma_start3A_436 = tpu.memref_squeeze %dma_start3A_435 : memref<1x40x128xf32, #tpu.memory_space<vmem>> -> memref<40x128xf32, #tpu.memory_space<vmem>>
      %dma_start3A_437 = arith.constant 0 : i32
      %dma_start3A_438 = tpu.memref_slice %arg7[%mul3A_432, %dma_start3A_437] : memref<10000x128xf32, #tpu.memory_space<vmem_shared>> -> memref<40x128xf32, #tpu.memory_space<vmem_shared>>
      %dma_start3A_439 = arith.constant 0 : i32
      %dma_start3A_440 = tpu.memref_slice %arg7[%mul3A_432, %dma_start3A_439] : memref<10000x128xf32, #tpu.memory_space<vmem_shared>> -> memref<40x128xf32, #tpu.memory_space<vmem_shared>>
      %dma_start3A_441 = arith.constant 0 : i32
      %dma_start3A_442 = arith.constant 0 : i32
      %dma_start3A_443 = tpu.memref_slice %arg10[%dma_start3A, %dma_start3A_441, %dma_start3A_442] : memref<5x40x128xf32, #tpu.memory_space<vmem>> -> memref<1x40x128xf32, #tpu.memory_space<vmem>>
      %dma_start3A_444 = tpu.memref_squeeze %dma_start3A_443 : memref<1x40x128xf32, #tpu.memory_space<vmem>> -> memref<40x128xf32, #tpu.memory_space<vmem>>
      tpu.enqueue_dma source(%dma_start3A_444 : memref<40x128xf32, #tpu.memory_space<vmem>>) target(%dma_start3A_440 : memref<40x128xf32, #tpu.memory_space<vmem_shared>>) target_semaphore(%arg11 : memref<!tpu.dma_semaphore, #tpu.memory_space<semaphore_mem>>)
    } else {
    }
    %add3A_72 = arith.constant 160 : i32
    %add3A_73 = arith.addi %add3A_72, %arg1 : i32
    %lt3A_74 = arith.constant 250 : i32
    %lt3A_75 = arith.cmpi slt, %add3A_73, %lt3A_74 : i32
    %convert_element_type3A_76 = arith.extui %lt3A_75 : i1 to i32
    %cond3A_77 = arith.constant 0 : i32
    %cond3A_78 = arith.cmpi ne, %convert_element_type3A_76, %cond3A_77 : i32
    scf.if %cond3A_78 {
      %mul3A_431 = arith.constant 40 : i32
      %mul3A_432 = arith.muli %add3A_73, %mul3A_431 : i32
      %dma_start3A = arith.constant 0 : i32
      %dma_start3A_433 = arith.constant 0 : i32
      %dma_start3A_434 = arith.constant 0 : i32
      %dma_start3A_435 = tpu.memref_slice %arg10[%dma_start3A, %dma_start3A_433, %dma_start3A_434] : memref<5x40x128xf32, #tpu.memory_space<vmem>> -> memref<1x40x128xf32, #tpu.memory_space<vmem>>
      %dma_start3A_436 = tpu.memref_squeeze %dma_start3A_435 : memref<1x40x128xf32, #tpu.memory_space<vmem>> -> memref<40x128xf32, #tpu.memory_space<vmem>>
      %dma_start3A_437 = arith.constant 0 : i32
      %dma_start3A_438 = tpu.memref_slice %arg7[%mul3A_432, %dma_start3A_437] : memref<10000x128xf32, #tpu.memory_space<vmem_shared>> -> memref<40x128xf32, #tpu.memory_space<vmem_shared>>
      %dma_start3A_439 = arith.constant 0 : i32
      %dma_start3A_440 = tpu.memref_slice %arg7[%mul3A_432, %dma_start3A_439] : memref<10000x128xf32, #tpu.memory_space<vmem_shared>> -> memref<40x128xf32, #tpu.memory_space<vmem_shared>>
      %dma_start3A_441 = arith.constant 0 : i32
      %dma_start3A_442 = arith.constant 0 : i32
      %dma_start3A_443 = tpu.memref_slice %arg10[%dma_start3A, %dma_start3A_441, %dma_start3A_442] : memref<5x40x128xf32, #tpu.memory_space<vmem>> -> memref<1x40x128xf32, #tpu.memory_space<vmem>>
      %dma_start3A_444 = tpu.memref_squeeze %dma_start3A_443 : memref<1x40x128xf32, #tpu.memory_space<vmem>> -> memref<40x128xf32, #tpu.memory_space<vmem>>
      tpu.enqueue_dma source(%dma_start3A_444 : memref<40x128xf32, #tpu.memory_space<vmem>>) target(%dma_start3A_440 : memref<40x128xf32, #tpu.memory_space<vmem_shared>>) target_semaphore(%arg11 : memref<!tpu.dma_semaphore, #tpu.memory_space<semaphore_mem>>)
    } else {
    }
    %add3A_79 = arith.constant 176 : i32
    %add3A_80 = arith.addi %add3A_79, %arg1 : i32
    %lt3A_81 = arith.constant 250 : i32
    %lt3A_82 = arith.cmpi slt, %add3A_80, %lt3A_81 : i32
    %convert_element_type3A_83 = arith.extui %lt3A_82 : i1 to i32
    %cond3A_84 = arith.constant 0 : i32
    %cond3A_85 = arith.cmpi ne, %convert_element_type3A_83, %cond3A_84 : i32
    scf.if %cond3A_85 {
      %mul3A_431 = arith.constant 40 : i32
      %mul3A_432 = arith.muli %add3A_80, %mul3A_431 : i32
      %dma_start3A = arith.constant 0 : i32
      %dma_start3A_433 = arith.constant 0 : i32
      %dma_start3A_434 = arith.constant 0 : i32
      %dma_start3A_435 = tpu.memref_slice %arg10[%dma_start3A, %dma_start3A_433, %dma_start3A_434] : memref<5x40x128xf32, #tpu.memory_space<vmem>> -> memref<1x40x128xf32, #tpu.memory_space<vmem>>
      %dma_start3A_436 = tpu.memref_squeeze %dma_start3A_435 : memref<1x40x128xf32, #tpu.memory_space<vmem>> -> memref<40x128xf32, #tpu.memory_space<vmem>>
      %dma_start3A_437 = arith.constant 0 : i32
      %dma_start3A_438 = tpu.memref_slice %arg7[%mul3A_432, %dma_start3A_437] : memref<10000x128xf32, #tpu.memory_space<vmem_shared>> -> memref<40x128xf32, #tpu.memory_space<vmem_shared>>
      %dma_start3A_439 = arith.constant 0 : i32
      %dma_start3A_440 = tpu.memref_slice %arg7[%mul3A_432, %dma_start3A_439] : memref<10000x128xf32, #tpu.memory_space<vmem_shared>> -> memref<40x128xf32, #tpu.memory_space<vmem_shared>>
      %dma_start3A_441 = arith.constant 0 : i32
      %dma_start3A_442 = arith.constant 0 : i32
      %dma_start3A_443 = tpu.memref_slice %arg10[%dma_start3A, %dma_start3A_441, %dma_start3A_442] : memref<5x40x128xf32, #tpu.memory_space<vmem>> -> memref<1x40x128xf32, #tpu.memory_space<vmem>>
      %dma_start3A_444 = tpu.memref_squeeze %dma_start3A_443 : memref<1x40x128xf32, #tpu.memory_space<vmem>> -> memref<40x128xf32, #tpu.memory_space<vmem>>
      tpu.enqueue_dma source(%dma_start3A_444 : memref<40x128xf32, #tpu.memory_space<vmem>>) target(%dma_start3A_440 : memref<40x128xf32, #tpu.memory_space<vmem_shared>>) target_semaphore(%arg11 : memref<!tpu.dma_semaphore, #tpu.memory_space<semaphore_mem>>)
    } else {
    }
    %add3A_86 = arith.constant 192 : i32
    %add3A_87 = arith.addi %add3A_86, %arg1 : i32
    %lt3A_88 = arith.constant 250 : i32
    %lt3A_89 = arith.cmpi slt, %add3A_87, %lt3A_88 : i32
    %convert_element_type3A_90 = arith.extui %lt3A_89 : i1 to i32
    %cond3A_91 = arith.constant 0 : i32
    %cond3A_92 = arith.cmpi ne, %convert_element_type3A_90, %cond3A_91 : i32
    scf.if %cond3A_92 {
      %mul3A_431 = arith.constant 40 : i32
      %mul3A_432 = arith.muli %add3A_87, %mul3A_431 : i32
      %dma_start3A = arith.constant 0 : i32
      %dma_start3A_433 = arith.constant 0 : i32
      %dma_start3A_434 = arith.constant 0 : i32
      %dma_start3A_435 = tpu.memref_slice %arg10[%dma_start3A, %dma_start3A_433, %dma_start3A_434] : memref<5x40x128xf32, #tpu.memory_space<vmem>> -> memref<1x40x128xf32, #tpu.memory_space<vmem>>
      %dma_start3A_436 = tpu.memref_squeeze %dma_start3A_435 : memref<1x40x128xf32, #tpu.memory_space<vmem>> -> memref<40x128xf32, #tpu.memory_space<vmem>>
      %dma_start3A_437 = arith.constant 0 : i32
      %dma_start3A_438 = tpu.memref_slice %arg7[%mul3A_432, %dma_start3A_437] : memref<10000x128xf32, #tpu.memory_space<vmem_shared>> -> memref<40x128xf32, #tpu.memory_space<vmem_shared>>
      %dma_start3A_439 = arith.constant 0 : i32
      %dma_start3A_440 = tpu.memref_slice %arg7[%mul3A_432, %dma_start3A_439] : memref<10000x128xf32, #tpu.memory_space<vmem_shared>> -> memref<40x128xf32, #tpu.memory_space<vmem_shared>>
      %dma_start3A_441 = arith.constant 0 : i32
      %dma_start3A_442 = arith.constant 0 : i32
      %dma_start3A_443 = tpu.memref_slice %arg10[%dma_start3A, %dma_start3A_441, %dma_start3A_442] : memref<5x40x128xf32, #tpu.memory_space<vmem>> -> memref<1x40x128xf32, #tpu.memory_space<vmem>>
      %dma_start3A_444 = tpu.memref_squeeze %dma_start3A_443 : memref<1x40x128xf32, #tpu.memory_space<vmem>> -> memref<40x128xf32, #tpu.memory_space<vmem>>
      tpu.enqueue_dma source(%dma_start3A_444 : memref<40x128xf32, #tpu.memory_space<vmem>>) target(%dma_start3A_440 : memref<40x128xf32, #tpu.memory_space<vmem_shared>>) target_semaphore(%arg11 : memref<!tpu.dma_semaphore, #tpu.memory_space<semaphore_mem>>)
    } else {
    }
    %add3A_93 = arith.constant 208 : i32
    %add3A_94 = arith.addi %add3A_93, %arg1 : i32
    %lt3A_95 = arith.constant 250 : i32
    %lt3A_96 = arith.cmpi slt, %add3A_94, %lt3A_95 : i32
    %convert_element_type3A_97 = arith.extui %lt3A_96 : i1 to i32
    %cond3A_98 = arith.constant 0 : i32
    %cond3A_99 = arith.cmpi ne, %convert_element_type3A_97, %cond3A_98 : i32
    scf.if %cond3A_99 {
      %mul3A_431 = arith.constant 40 : i32
      %mul3A_432 = arith.muli %add3A_94, %mul3A_431 : i32
      %dma_start3A = arith.constant 0 : i32
      %dma_start3A_433 = arith.constant 0 : i32
      %dma_start3A_434 = arith.constant 0 : i32
      %dma_start3A_435 = tpu.memref_slice %arg10[%dma_start3A, %dma_start3A_433, %dma_start3A_434] : memref<5x40x128xf32, #tpu.memory_space<vmem>> -> memref<1x40x128xf32, #tpu.memory_space<vmem>>
      %dma_start3A_436 = tpu.memref_squeeze %dma_start3A_435 : memref<1x40x128xf32, #tpu.memory_space<vmem>> -> memref<40x128xf32, #tpu.memory_space<vmem>>
      %dma_start3A_437 = arith.constant 0 : i32
      %dma_start3A_438 = tpu.memref_slice %arg7[%mul3A_432, %dma_start3A_437] : memref<10000x128xf32, #tpu.memory_space<vmem_shared>> -> memref<40x128xf32, #tpu.memory_space<vmem_shared>>
      %dma_start3A_439 = arith.constant 0 : i32
      %dma_start3A_440 = tpu.memref_slice %arg7[%mul3A_432, %dma_start3A_439] : memref<10000x128xf32, #tpu.memory_space<vmem_shared>> -> memref<40x128xf32, #tpu.memory_space<vmem_shared>>
      %dma_start3A_441 = arith.constant 0 : i32
      %dma_start3A_442 = arith.constant 0 : i32
      %dma_start3A_443 = tpu.memref_slice %arg10[%dma_start3A, %dma_start3A_441, %dma_start3A_442] : memref<5x40x128xf32, #tpu.memory_space<vmem>> -> memref<1x40x128xf32, #tpu.memory_space<vmem>>
      %dma_start3A_444 = tpu.memref_squeeze %dma_start3A_443 : memref<1x40x128xf32, #tpu.memory_space<vmem>> -> memref<40x128xf32, #tpu.memory_space<vmem>>
      tpu.enqueue_dma source(%dma_start3A_444 : memref<40x128xf32, #tpu.memory_space<vmem>>) target(%dma_start3A_440 : memref<40x128xf32, #tpu.memory_space<vmem_shared>>) target_semaphore(%arg11 : memref<!tpu.dma_semaphore, #tpu.memory_space<semaphore_mem>>)
    } else {
    }
    %add3A_100 = arith.constant 224 : i32
    %add3A_101 = arith.addi %add3A_100, %arg1 : i32
    %lt3A_102 = arith.constant 250 : i32
    %lt3A_103 = arith.cmpi slt, %add3A_101, %lt3A_102 : i32
    %convert_element_type3A_104 = arith.extui %lt3A_103 : i1 to i32
    %cond3A_105 = arith.constant 0 : i32
    %cond3A_106 = arith.cmpi ne, %convert_element_type3A_104, %cond3A_105 : i32
    scf.if %cond3A_106 {
      %mul3A_431 = arith.constant 40 : i32
      %mul3A_432 = arith.muli %add3A_101, %mul3A_431 : i32
      %dma_start3A = arith.constant 0 : i32
      %dma_start3A_433 = arith.constant 0 : i32
      %dma_start3A_434 = arith.constant 0 : i32
      %dma_start3A_435 = tpu.memref_slice %arg10[%dma_start3A, %dma_start3A_433, %dma_start3A_434] : memref<5x40x128xf32, #tpu.memory_space<vmem>> -> memref<1x40x128xf32, #tpu.memory_space<vmem>>
      %dma_start3A_436 = tpu.memref_squeeze %dma_start3A_435 : memref<1x40x128xf32, #tpu.memory_space<vmem>> -> memref<40x128xf32, #tpu.memory_space<vmem>>
      %dma_start3A_437 = arith.constant 0 : i32
      %dma_start3A_438 = tpu.memref_slice %arg7[%mul3A_432, %dma_start3A_437] : memref<10000x128xf32, #tpu.memory_space<vmem_shared>> -> memref<40x128xf32, #tpu.memory_space<vmem_shared>>
      %dma_start3A_439 = arith.constant 0 : i32
      %dma_start3A_440 = tpu.memref_slice %arg7[%mul3A_432, %dma_start3A_439] : memref<10000x128xf32, #tpu.memory_space<vmem_shared>> -> memref<40x128xf32, #tpu.memory_space<vmem_shared>>
      %dma_start3A_441 = arith.constant 0 : i32
      %dma_start3A_442 = arith.constant 0 : i32
      %dma_start3A_443 = tpu.memref_slice %arg10[%dma_start3A, %dma_start3A_441, %dma_start3A_442] : memref<5x40x128xf32, #tpu.memory_space<vmem>> -> memref<1x40x128xf32, #tpu.memory_space<vmem>>
      %dma_start3A_444 = tpu.memref_squeeze %dma_start3A_443 : memref<1x40x128xf32, #tpu.memory_space<vmem>> -> memref<40x128xf32, #tpu.memory_space<vmem>>
      tpu.enqueue_dma source(%dma_start3A_444 : memref<40x128xf32, #tpu.memory_space<vmem>>) target(%dma_start3A_440 : memref<40x128xf32, #tpu.memory_space<vmem_shared>>) target_semaphore(%arg11 : memref<!tpu.dma_semaphore, #tpu.memory_space<semaphore_mem>>)
    } else {
    }
    %add3A_107 = arith.constant 240 : i32
    %add3A_108 = arith.addi %add3A_107, %arg1 : i32
    %lt3A_109 = arith.constant 250 : i32
    %lt3A_110 = arith.cmpi slt, %add3A_108, %lt3A_109 : i32
    %convert_element_type3A_111 = arith.extui %lt3A_110 : i1 to i32
    %cond3A_112 = arith.constant 0 : i32
    %cond3A_113 = arith.cmpi ne, %convert_element_type3A_111, %cond3A_112 : i32
    scf.if %cond3A_113 {
      %mul3A_431 = arith.constant 40 : i32
      %mul3A_432 = arith.muli %add3A_108, %mul3A_431 : i32
      %dma_start3A = arith.constant 0 : i32
      %dma_start3A_433 = arith.constant 0 : i32
      %dma_start3A_434 = arith.constant 0 : i32
      %dma_start3A_435 = tpu.memref_slice %arg10[%dma_start3A, %dma_start3A_433, %dma_start3A_434] : memref<5x40x128xf32, #tpu.memory_space<vmem>> -> memref<1x40x128xf32, #tpu.memory_space<vmem>>
      %dma_start3A_436 = tpu.memref_squeeze %dma_start3A_435 : memref<1x40x128xf32, #tpu.memory_space<vmem>> -> memref<40x128xf32, #tpu.memory_space<vmem>>
      %dma_start3A_437 = arith.constant 0 : i32
      %dma_start3A_438 = tpu.memref_slice %arg7[%mul3A_432, %dma_start3A_437] : memref<10000x128xf32, #tpu.memory_space<vmem_shared>> -> memref<40x128xf32, #tpu.memory_space<vmem_shared>>
      %dma_start3A_439 = arith.constant 0 : i32
      %dma_start3A_440 = tpu.memref_slice %arg7[%mul3A_432, %dma_start3A_439] : memref<10000x128xf32, #tpu.memory_space<vmem_shared>> -> memref<40x128xf32, #tpu.memory_space<vmem_shared>>
      %dma_start3A_441 = arith.constant 0 : i32
      %dma_start3A_442 = arith.constant 0 : i32
      %dma_start3A_443 = tpu.memref_slice %arg10[%dma_start3A, %dma_start3A_441, %dma_start3A_442] : memref<5x40x128xf32, #tpu.memory_space<vmem>> -> memref<1x40x128xf32, #tpu.memory_space<vmem>>
      %dma_start3A_444 = tpu.memref_squeeze %dma_start3A_443 : memref<1x40x128xf32, #tpu.memory_space<vmem>> -> memref<40x128xf32, #tpu.memory_space<vmem>>
      tpu.enqueue_dma source(%dma_start3A_444 : memref<40x128xf32, #tpu.memory_space<vmem>>) target(%dma_start3A_440 : memref<40x128xf32, #tpu.memory_space<vmem_shared>>) target_semaphore(%arg11 : memref<!tpu.dma_semaphore, #tpu.memory_space<semaphore_mem>>)
    } else {
    }
    %add3A_114 = arith.constant 0 : i32
    %add3A_115 = arith.addi %add3A_114, %arg1 : i32
    %lt3A_116 = arith.constant 250 : i32
    %lt3A_117 = arith.cmpi slt, %add3A_115, %lt3A_116 : i32
    %convert_element_type3A_118 = arith.extui %lt3A_117 : i1 to i32
    %cond3A_119 = arith.constant 0 : i32
    %cond3A_120 = arith.cmpi ne, %convert_element_type3A_118, %cond3A_119 : i32
    scf.if %cond3A_120 {
      %mul3A_431 = arith.constant 40 : i32
      %mul3A_432 = arith.muli %add3A_115, %mul3A_431 : i32
      %dma_wait3A_433 = arith.constant 0 : i32
      %dma_wait3A_434 = arith.constant 0 : i32
      %dma_wait3A_435 = arith.constant 0 : i32
      %dma_wait3A_436 = tpu.memref_slice %arg10[%dma_wait3A_433, %dma_wait3A_434, %dma_wait3A_435] : memref<5x40x128xf32, #tpu.memory_space<vmem>> -> memref<1x40x128xf32, #tpu.memory_space<vmem>>
      %dma_wait3A_437 = tpu.memref_squeeze %dma_wait3A_436 : memref<1x40x128xf32, #tpu.memory_space<vmem>> -> memref<40x128xf32, #tpu.memory_space<vmem>>
      %dma_wait3A_438 = arith.constant 0 : i32
      %dma_wait3A_439 = tpu.memref_slice %arg7[%mul3A_432, %dma_wait3A_438] : memref<10000x128xf32, #tpu.memory_space<vmem_shared>> -> memref<40x128xf32, #tpu.memory_space<vmem_shared>>
      %dma_wait3A_440 = arith.constant 0 : i32
      %dma_wait3A_441 = tpu.memref_slice %arg7[%mul3A_432, %dma_wait3A_440] : memref<10000x128xf32, #tpu.memory_space<vmem_shared>> -> memref<40x128xf32, #tpu.memory_space<vmem_shared>>
      %dma_wait3A_442 = arith.constant 0 : i32
      %dma_wait3A_443 = arith.constant 0 : i32
      %dma_wait3A_444 = tpu.memref_slice %arg10[%dma_wait3A_433, %dma_wait3A_442, %dma_wait3A_443] : memref<5x40x128xf32, #tpu.memory_space<vmem>> -> memref<1x40x128xf32, #tpu.memory_space<vmem>>
      %dma_wait3A_445 = tpu.memref_squeeze %dma_wait3A_444 : memref<1x40x128xf32, #tpu.memory_space<vmem>> -> memref<40x128xf32, #tpu.memory_space<vmem>>
      tpu.wait_dma2 semaphore(%arg11 : memref<!tpu.dma_semaphore, #tpu.memory_space<semaphore_mem>>) src(%dma_wait3A_445 : memref<40x128xf32, #tpu.memory_space<vmem>>) dst(%dma_wait3A_441 : memref<40x128xf32, #tpu.memory_space<vmem_shared>>)
    } else {
    }
    %add3A_121 = arith.constant 16 : i32
    %add3A_122 = arith.addi %add3A_121, %arg1 : i32
    %lt3A_123 = arith.constant 250 : i32
    %lt3A_124 = arith.cmpi slt, %add3A_122, %lt3A_123 : i32
    %convert_element_type3A_125 = arith.extui %lt3A_124 : i1 to i32
    %cond3A_126 = arith.constant 0 : i32
    %cond3A_127 = arith.cmpi ne, %convert_element_type3A_125, %cond3A_126 : i32
    scf.if %cond3A_127 {
      %mul3A_431 = arith.constant 40 : i32
      %mul3A_432 = arith.muli %add3A_122, %mul3A_431 : i32
      %dma_wait3A_433 = arith.constant 0 : i32
      %dma_wait3A_434 = arith.constant 0 : i32
      %dma_wait3A_435 = arith.constant 0 : i32
      %dma_wait3A_436 = tpu.memref_slice %arg10[%dma_wait3A_433, %dma_wait3A_434, %dma_wait3A_435] : memref<5x40x128xf32, #tpu.memory_space<vmem>> -> memref<1x40x128xf32, #tpu.memory_space<vmem>>
      %dma_wait3A_437 = tpu.memref_squeeze %dma_wait3A_436 : memref<1x40x128xf32, #tpu.memory_space<vmem>> -> memref<40x128xf32, #tpu.memory_space<vmem>>
      %dma_wait3A_438 = arith.constant 0 : i32
      %dma_wait3A_439 = tpu.memref_slice %arg7[%mul3A_432, %dma_wait3A_438] : memref<10000x128xf32, #tpu.memory_space<vmem_shared>> -> memref<40x128xf32, #tpu.memory_space<vmem_shared>>
      %dma_wait3A_440 = arith.constant 0 : i32
      %dma_wait3A_441 = tpu.memref_slice %arg7[%mul3A_432, %dma_wait3A_440] : memref<10000x128xf32, #tpu.memory_space<vmem_shared>> -> memref<40x128xf32, #tpu.memory_space<vmem_shared>>
      %dma_wait3A_442 = arith.constant 0 : i32
      %dma_wait3A_443 = arith.constant 0 : i32
      %dma_wait3A_444 = tpu.memref_slice %arg10[%dma_wait3A_433, %dma_wait3A_442, %dma_wait3A_443] : memref<5x40x128xf32, #tpu.memory_space<vmem>> -> memref<1x40x128xf32, #tpu.memory_space<vmem>>
      %dma_wait3A_445 = tpu.memref_squeeze %dma_wait3A_444 : memref<1x40x128xf32, #tpu.memory_space<vmem>> -> memref<40x128xf32, #tpu.memory_space<vmem>>
      tpu.wait_dma2 semaphore(%arg11 : memref<!tpu.dma_semaphore, #tpu.memory_space<semaphore_mem>>) src(%dma_wait3A_445 : memref<40x128xf32, #tpu.memory_space<vmem>>) dst(%dma_wait3A_441 : memref<40x128xf32, #tpu.memory_space<vmem_shared>>)
    } else {
    }
    %add3A_128 = arith.constant 32 : i32
    %add3A_129 = arith.addi %add3A_128, %arg1 : i32
    %lt3A_130 = arith.constant 250 : i32
    %lt3A_131 = arith.cmpi slt, %add3A_129, %lt3A_130 : i32
    %convert_element_type3A_132 = arith.extui %lt3A_131 : i1 to i32
    %cond3A_133 = arith.constant 0 : i32
    %cond3A_134 = arith.cmpi ne, %convert_element_type3A_132, %cond3A_133 : i32
    scf.if %cond3A_134 {
      %mul3A_431 = arith.constant 40 : i32
      %mul3A_432 = arith.muli %add3A_129, %mul3A_431 : i32
      %dma_wait3A_433 = arith.constant 0 : i32
      %dma_wait3A_434 = arith.constant 0 : i32
      %dma_wait3A_435 = arith.constant 0 : i32
      %dma_wait3A_436 = tpu.memref_slice %arg10[%dma_wait3A_433, %dma_wait3A_434, %dma_wait3A_435] : memref<5x40x128xf32, #tpu.memory_space<vmem>> -> memref<1x40x128xf32, #tpu.memory_space<vmem>>
      %dma_wait3A_437 = tpu.memref_squeeze %dma_wait3A_436 : memref<1x40x128xf32, #tpu.memory_space<vmem>> -> memref<40x128xf32, #tpu.memory_space<vmem>>
      %dma_wait3A_438 = arith.constant 0 : i32
      %dma_wait3A_439 = tpu.memref_slice %arg7[%mul3A_432, %dma_wait3A_438] : memref<10000x128xf32, #tpu.memory_space<vmem_shared>> -> memref<40x128xf32, #tpu.memory_space<vmem_shared>>
      %dma_wait3A_440 = arith.constant 0 : i32
      %dma_wait3A_441 = tpu.memref_slice %arg7[%mul3A_432, %dma_wait3A_440] : memref<10000x128xf32, #tpu.memory_space<vmem_shared>> -> memref<40x128xf32, #tpu.memory_space<vmem_shared>>
      %dma_wait3A_442 = arith.constant 0 : i32
      %dma_wait3A_443 = arith.constant 0 : i32
      %dma_wait3A_444 = tpu.memref_slice %arg10[%dma_wait3A_433, %dma_wait3A_442, %dma_wait3A_443] : memref<5x40x128xf32, #tpu.memory_space<vmem>> -> memref<1x40x128xf32, #tpu.memory_space<vmem>>
      %dma_wait3A_445 = tpu.memref_squeeze %dma_wait3A_444 : memref<1x40x128xf32, #tpu.memory_space<vmem>> -> memref<40x128xf32, #tpu.memory_space<vmem>>
      tpu.wait_dma2 semaphore(%arg11 : memref<!tpu.dma_semaphore, #tpu.memory_space<semaphore_mem>>) src(%dma_wait3A_445 : memref<40x128xf32, #tpu.memory_space<vmem>>) dst(%dma_wait3A_441 : memref<40x128xf32, #tpu.memory_space<vmem_shared>>)
    } else {
    }
    %add3A_135 = arith.constant 48 : i32
    %add3A_136 = arith.addi %add3A_135, %arg1 : i32
    %lt3A_137 = arith.constant 250 : i32
    %lt3A_138 = arith.cmpi slt, %add3A_136, %lt3A_137 : i32
    %convert_element_type3A_139 = arith.extui %lt3A_138 : i1 to i32
    %cond3A_140 = arith.constant 0 : i32
    %cond3A_141 = arith.cmpi ne, %convert_element_type3A_139, %cond3A_140 : i32
    scf.if %cond3A_141 {
      %mul3A_431 = arith.constant 40 : i32
      %mul3A_432 = arith.muli %add3A_136, %mul3A_431 : i32
      %dma_wait3A_433 = arith.constant 0 : i32
      %dma_wait3A_434 = arith.constant 0 : i32
      %dma_wait3A_435 = arith.constant 0 : i32
      %dma_wait3A_436 = tpu.memref_slice %arg10[%dma_wait3A_433, %dma_wait3A_434, %dma_wait3A_435] : memref<5x40x128xf32, #tpu.memory_space<vmem>> -> memref<1x40x128xf32, #tpu.memory_space<vmem>>
      %dma_wait3A_437 = tpu.memref_squeeze %dma_wait3A_436 : memref<1x40x128xf32, #tpu.memory_space<vmem>> -> memref<40x128xf32, #tpu.memory_space<vmem>>
      %dma_wait3A_438 = arith.constant 0 : i32
      %dma_wait3A_439 = tpu.memref_slice %arg7[%mul3A_432, %dma_wait3A_438] : memref<10000x128xf32, #tpu.memory_space<vmem_shared>> -> memref<40x128xf32, #tpu.memory_space<vmem_shared>>
      %dma_wait3A_440 = arith.constant 0 : i32
      %dma_wait3A_441 = tpu.memref_slice %arg7[%mul3A_432, %dma_wait3A_440] : memref<10000x128xf32, #tpu.memory_space<vmem_shared>> -> memref<40x128xf32, #tpu.memory_space<vmem_shared>>
      %dma_wait3A_442 = arith.constant 0 : i32
      %dma_wait3A_443 = arith.constant 0 : i32
      %dma_wait3A_444 = tpu.memref_slice %arg10[%dma_wait3A_433, %dma_wait3A_442, %dma_wait3A_443] : memref<5x40x128xf32, #tpu.memory_space<vmem>> -> memref<1x40x128xf32, #tpu.memory_space<vmem>>
      %dma_wait3A_445 = tpu.memref_squeeze %dma_wait3A_444 : memref<1x40x128xf32, #tpu.memory_space<vmem>> -> memref<40x128xf32, #tpu.memory_space<vmem>>
      tpu.wait_dma2 semaphore(%arg11 : memref<!tpu.dma_semaphore, #tpu.memory_space<semaphore_mem>>) src(%dma_wait3A_445 : memref<40x128xf32, #tpu.memory_space<vmem>>) dst(%dma_wait3A_441 : memref<40x128xf32, #tpu.memory_space<vmem_shared>>)
    } else {
    }
    %add3A_142 = arith.constant 64 : i32
    %add3A_143 = arith.addi %add3A_142, %arg1 : i32
    %lt3A_144 = arith.constant 250 : i32
    %lt3A_145 = arith.cmpi slt, %add3A_143, %lt3A_144 : i32
    %convert_element_type3A_146 = arith.extui %lt3A_145 : i1 to i32
    %cond3A_147 = arith.constant 0 : i32
    %cond3A_148 = arith.cmpi ne, %convert_element_type3A_146, %cond3A_147 : i32
    scf.if %cond3A_148 {
      %mul3A_431 = arith.constant 40 : i32
      %mul3A_432 = arith.muli %add3A_143, %mul3A_431 : i32
      %dma_wait3A_433 = arith.constant 0 : i32
      %dma_wait3A_434 = arith.constant 0 : i32
      %dma_wait3A_435 = arith.constant 0 : i32
      %dma_wait3A_436 = tpu.memref_slice %arg10[%dma_wait3A_433, %dma_wait3A_434, %dma_wait3A_435] : memref<5x40x128xf32, #tpu.memory_space<vmem>> -> memref<1x40x128xf32, #tpu.memory_space<vmem>>
      %dma_wait3A_437 = tpu.memref_squeeze %dma_wait3A_436 : memref<1x40x128xf32, #tpu.memory_space<vmem>> -> memref<40x128xf32, #tpu.memory_space<vmem>>
      %dma_wait3A_438 = arith.constant 0 : i32
      %dma_wait3A_439 = tpu.memref_slice %arg7[%mul3A_432, %dma_wait3A_438] : memref<10000x128xf32, #tpu.memory_space<vmem_shared>> -> memref<40x128xf32, #tpu.memory_space<vmem_shared>>
      %dma_wait3A_440 = arith.constant 0 : i32
      %dma_wait3A_441 = tpu.memref_slice %arg7[%mul3A_432, %dma_wait3A_440] : memref<10000x128xf32, #tpu.memory_space<vmem_shared>> -> memref<40x128xf32, #tpu.memory_space<vmem_shared>>
      %dma_wait3A_442 = arith.constant 0 : i32
      %dma_wait3A_443 = arith.constant 0 : i32
      %dma_wait3A_444 = tpu.memref_slice %arg10[%dma_wait3A_433, %dma_wait3A_442, %dma_wait3A_443] : memref<5x40x128xf32, #tpu.memory_space<vmem>> -> memref<1x40x128xf32, #tpu.memory_space<vmem>>
      %dma_wait3A_445 = tpu.memref_squeeze %dma_wait3A_444 : memref<1x40x128xf32, #tpu.memory_space<vmem>> -> memref<40x128xf32, #tpu.memory_space<vmem>>
      tpu.wait_dma2 semaphore(%arg11 : memref<!tpu.dma_semaphore, #tpu.memory_space<semaphore_mem>>) src(%dma_wait3A_445 : memref<40x128xf32, #tpu.memory_space<vmem>>) dst(%dma_wait3A_441 : memref<40x128xf32, #tpu.memory_space<vmem_shared>>)
    } else {
    }
    %add3A_149 = arith.constant 80 : i32
    %add3A_150 = arith.addi %add3A_149, %arg1 : i32
    %lt3A_151 = arith.constant 250 : i32
    %lt3A_152 = arith.cmpi slt, %add3A_150, %lt3A_151 : i32
    %convert_element_type3A_153 = arith.extui %lt3A_152 : i1 to i32
    %cond3A_154 = arith.constant 0 : i32
    %cond3A_155 = arith.cmpi ne, %convert_element_type3A_153, %cond3A_154 : i32
    scf.if %cond3A_155 {
      %mul3A_431 = arith.constant 40 : i32
      %mul3A_432 = arith.muli %add3A_150, %mul3A_431 : i32
      %dma_wait3A_433 = arith.constant 0 : i32
      %dma_wait3A_434 = arith.constant 0 : i32
      %dma_wait3A_435 = arith.constant 0 : i32
      %dma_wait3A_436 = tpu.memref_slice %arg10[%dma_wait3A_433, %dma_wait3A_434, %dma_wait3A_435] : memref<5x40x128xf32, #tpu.memory_space<vmem>> -> memref<1x40x128xf32, #tpu.memory_space<vmem>>
      %dma_wait3A_437 = tpu.memref_squeeze %dma_wait3A_436 : memref<1x40x128xf32, #tpu.memory_space<vmem>> -> memref<40x128xf32, #tpu.memory_space<vmem>>
      %dma_wait3A_438 = arith.constant 0 : i32
      %dma_wait3A_439 = tpu.memref_slice %arg7[%mul3A_432, %dma_wait3A_438] : memref<10000x128xf32, #tpu.memory_space<vmem_shared>> -> memref<40x128xf32, #tpu.memory_space<vmem_shared>>
      %dma_wait3A_440 = arith.constant 0 : i32
      %dma_wait3A_441 = tpu.memref_slice %arg7[%mul3A_432, %dma_wait3A_440] : memref<10000x128xf32, #tpu.memory_space<vmem_shared>> -> memref<40x128xf32, #tpu.memory_space<vmem_shared>>
      %dma_wait3A_442 = arith.constant 0 : i32
      %dma_wait3A_443 = arith.constant 0 : i32
      %dma_wait3A_444 = tpu.memref_slice %arg10[%dma_wait3A_433, %dma_wait3A_442, %dma_wait3A_443] : memref<5x40x128xf32, #tpu.memory_space<vmem>> -> memref<1x40x128xf32, #tpu.memory_space<vmem>>
      %dma_wait3A_445 = tpu.memref_squeeze %dma_wait3A_444 : memref<1x40x128xf32, #tpu.memory_space<vmem>> -> memref<40x128xf32, #tpu.memory_space<vmem>>
      tpu.wait_dma2 semaphore(%arg11 : memref<!tpu.dma_semaphore, #tpu.memory_space<semaphore_mem>>) src(%dma_wait3A_445 : memref<40x128xf32, #tpu.memory_space<vmem>>) dst(%dma_wait3A_441 : memref<40x128xf32, #tpu.memory_space<vmem_shared>>)
    } else {
    }
    %add3A_156 = arith.constant 96 : i32
    %add3A_157 = arith.addi %add3A_156, %arg1 : i32
    %lt3A_158 = arith.constant 250 : i32
    %lt3A_159 = arith.cmpi slt, %add3A_157, %lt3A_158 : i32
    %convert_element_type3A_160 = arith.extui %lt3A_159 : i1 to i32
    %cond3A_161 = arith.constant 0 : i32
    %cond3A_162 = arith.cmpi ne, %convert_element_type3A_160, %cond3A_161 : i32
    scf.if %cond3A_162 {
      %mul3A_431 = arith.constant 40 : i32
      %mul3A_432 = arith.muli %add3A_157, %mul3A_431 : i32
      %dma_wait3A_433 = arith.constant 0 : i32
      %dma_wait3A_434 = arith.constant 0 : i32
      %dma_wait3A_435 = arith.constant 0 : i32
      %dma_wait3A_436 = tpu.memref_slice %arg10[%dma_wait3A_433, %dma_wait3A_434, %dma_wait3A_435] : memref<5x40x128xf32, #tpu.memory_space<vmem>> -> memref<1x40x128xf32, #tpu.memory_space<vmem>>
      %dma_wait3A_437 = tpu.memref_squeeze %dma_wait3A_436 : memref<1x40x128xf32, #tpu.memory_space<vmem>> -> memref<40x128xf32, #tpu.memory_space<vmem>>
      %dma_wait3A_438 = arith.constant 0 : i32
      %dma_wait3A_439 = tpu.memref_slice %arg7[%mul3A_432, %dma_wait3A_438] : memref<10000x128xf32, #tpu.memory_space<vmem_shared>> -> memref<40x128xf32, #tpu.memory_space<vmem_shared>>
      %dma_wait3A_440 = arith.constant 0 : i32
      %dma_wait3A_441 = tpu.memref_slice %arg7[%mul3A_432, %dma_wait3A_440] : memref<10000x128xf32, #tpu.memory_space<vmem_shared>> -> memref<40x128xf32, #tpu.memory_space<vmem_shared>>
      %dma_wait3A_442 = arith.constant 0 : i32
      %dma_wait3A_443 = arith.constant 0 : i32
      %dma_wait3A_444 = tpu.memref_slice %arg10[%dma_wait3A_433, %dma_wait3A_442, %dma_wait3A_443] : memref<5x40x128xf32, #tpu.memory_space<vmem>> -> memref<1x40x128xf32, #tpu.memory_space<vmem>>
      %dma_wait3A_445 = tpu.memref_squeeze %dma_wait3A_444 : memref<1x40x128xf32, #tpu.memory_space<vmem>> -> memref<40x128xf32, #tpu.memory_space<vmem>>
      tpu.wait_dma2 semaphore(%arg11 : memref<!tpu.dma_semaphore, #tpu.memory_space<semaphore_mem>>) src(%dma_wait3A_445 : memref<40x128xf32, #tpu.memory_space<vmem>>) dst(%dma_wait3A_441 : memref<40x128xf32, #tpu.memory_space<vmem_shared>>)
    } else {
    }
    %add3A_163 = arith.constant 112 : i32
    %add3A_164 = arith.addi %add3A_163, %arg1 : i32
    %lt3A_165 = arith.constant 250 : i32
    %lt3A_166 = arith.cmpi slt, %add3A_164, %lt3A_165 : i32
    %convert_element_type3A_167 = arith.extui %lt3A_166 : i1 to i32
    %cond3A_168 = arith.constant 0 : i32
    %cond3A_169 = arith.cmpi ne, %convert_element_type3A_167, %cond3A_168 : i32
    scf.if %cond3A_169 {
      %mul3A_431 = arith.constant 40 : i32
      %mul3A_432 = arith.muli %add3A_164, %mul3A_431 : i32
      %dma_wait3A_433 = arith.constant 0 : i32
      %dma_wait3A_434 = arith.constant 0 : i32
      %dma_wait3A_435 = arith.constant 0 : i32
      %dma_wait3A_436 = tpu.memref_slice %arg10[%dma_wait3A_433, %dma_wait3A_434, %dma_wait3A_435] : memref<5x40x128xf32, #tpu.memory_space<vmem>> -> memref<1x40x128xf32, #tpu.memory_space<vmem>>
      %dma_wait3A_437 = tpu.memref_squeeze %dma_wait3A_436 : memref<1x40x128xf32, #tpu.memory_space<vmem>> -> memref<40x128xf32, #tpu.memory_space<vmem>>
      %dma_wait3A_438 = arith.constant 0 : i32
      %dma_wait3A_439 = tpu.memref_slice %arg7[%mul3A_432, %dma_wait3A_438] : memref<10000x128xf32, #tpu.memory_space<vmem_shared>> -> memref<40x128xf32, #tpu.memory_space<vmem_shared>>
      %dma_wait3A_440 = arith.constant 0 : i32
      %dma_wait3A_441 = tpu.memref_slice %arg7[%mul3A_432, %dma_wait3A_440] : memref<10000x128xf32, #tpu.memory_space<vmem_shared>> -> memref<40x128xf32, #tpu.memory_space<vmem_shared>>
      %dma_wait3A_442 = arith.constant 0 : i32
      %dma_wait3A_443 = arith.constant 0 : i32
      %dma_wait3A_444 = tpu.memref_slice %arg10[%dma_wait3A_433, %dma_wait3A_442, %dma_wait3A_443] : memref<5x40x128xf32, #tpu.memory_space<vmem>> -> memref<1x40x128xf32, #tpu.memory_space<vmem>>
      %dma_wait3A_445 = tpu.memref_squeeze %dma_wait3A_444 : memref<1x40x128xf32, #tpu.memory_space<vmem>> -> memref<40x128xf32, #tpu.memory_space<vmem>>
      tpu.wait_dma2 semaphore(%arg11 : memref<!tpu.dma_semaphore, #tpu.memory_space<semaphore_mem>>) src(%dma_wait3A_445 : memref<40x128xf32, #tpu.memory_space<vmem>>) dst(%dma_wait3A_441 : memref<40x128xf32, #tpu.memory_space<vmem_shared>>)
    } else {
    }
    %add3A_170 = arith.constant 128 : i32
    %add3A_171 = arith.addi %add3A_170, %arg1 : i32
    %lt3A_172 = arith.constant 250 : i32
    %lt3A_173 = arith.cmpi slt, %add3A_171, %lt3A_172 : i32
    %convert_element_type3A_174 = arith.extui %lt3A_173 : i1 to i32
    %cond3A_175 = arith.constant 0 : i32
    %cond3A_176 = arith.cmpi ne, %convert_element_type3A_174, %cond3A_175 : i32
    scf.if %cond3A_176 {
      %mul3A_431 = arith.constant 40 : i32
      %mul3A_432 = arith.muli %add3A_171, %mul3A_431 : i32
      %dma_wait3A_433 = arith.constant 0 : i32
      %dma_wait3A_434 = arith.constant 0 : i32
      %dma_wait3A_435 = arith.constant 0 : i32
      %dma_wait3A_436 = tpu.memref_slice %arg10[%dma_wait3A_433, %dma_wait3A_434, %dma_wait3A_435] : memref<5x40x128xf32, #tpu.memory_space<vmem>> -> memref<1x40x128xf32, #tpu.memory_space<vmem>>
      %dma_wait3A_437 = tpu.memref_squeeze %dma_wait3A_436 : memref<1x40x128xf32, #tpu.memory_space<vmem>> -> memref<40x128xf32, #tpu.memory_space<vmem>>
      %dma_wait3A_438 = arith.constant 0 : i32
      %dma_wait3A_439 = tpu.memref_slice %arg7[%mul3A_432, %dma_wait3A_438] : memref<10000x128xf32, #tpu.memory_space<vmem_shared>> -> memref<40x128xf32, #tpu.memory_space<vmem_shared>>
      %dma_wait3A_440 = arith.constant 0 : i32
      %dma_wait3A_441 = tpu.memref_slice %arg7[%mul3A_432, %dma_wait3A_440] : memref<10000x128xf32, #tpu.memory_space<vmem_shared>> -> memref<40x128xf32, #tpu.memory_space<vmem_shared>>
      %dma_wait3A_442 = arith.constant 0 : i32
      %dma_wait3A_443 = arith.constant 0 : i32
      %dma_wait3A_444 = tpu.memref_slice %arg10[%dma_wait3A_433, %dma_wait3A_442, %dma_wait3A_443] : memref<5x40x128xf32, #tpu.memory_space<vmem>> -> memref<1x40x128xf32, #tpu.memory_space<vmem>>
      %dma_wait3A_445 = tpu.memref_squeeze %dma_wait3A_444 : memref<1x40x128xf32, #tpu.memory_space<vmem>> -> memref<40x128xf32, #tpu.memory_space<vmem>>
      tpu.wait_dma2 semaphore(%arg11 : memref<!tpu.dma_semaphore, #tpu.memory_space<semaphore_mem>>) src(%dma_wait3A_445 : memref<40x128xf32, #tpu.memory_space<vmem>>) dst(%dma_wait3A_441 : memref<40x128xf32, #tpu.memory_space<vmem_shared>>)
    } else {
    }
    %add3A_177 = arith.constant 144 : i32
    %add3A_178 = arith.addi %add3A_177, %arg1 : i32
    %lt3A_179 = arith.constant 250 : i32
    %lt3A_180 = arith.cmpi slt, %add3A_178, %lt3A_179 : i32
    %convert_element_type3A_181 = arith.extui %lt3A_180 : i1 to i32
    %cond3A_182 = arith.constant 0 : i32
    %cond3A_183 = arith.cmpi ne, %convert_element_type3A_181, %cond3A_182 : i32
    scf.if %cond3A_183 {
      %mul3A_431 = arith.constant 40 : i32
      %mul3A_432 = arith.muli %add3A_178, %mul3A_431 : i32
      %dma_wait3A_433 = arith.constant 0 : i32
      %dma_wait3A_434 = arith.constant 0 : i32
      %dma_wait3A_435 = arith.constant 0 : i32
      %dma_wait3A_436 = tpu.memref_slice %arg10[%dma_wait3A_433, %dma_wait3A_434, %dma_wait3A_435] : memref<5x40x128xf32, #tpu.memory_space<vmem>> -> memref<1x40x128xf32, #tpu.memory_space<vmem>>
      %dma_wait3A_437 = tpu.memref_squeeze %dma_wait3A_436 : memref<1x40x128xf32, #tpu.memory_space<vmem>> -> memref<40x128xf32, #tpu.memory_space<vmem>>
      %dma_wait3A_438 = arith.constant 0 : i32
      %dma_wait3A_439 = tpu.memref_slice %arg7[%mul3A_432, %dma_wait3A_438] : memref<10000x128xf32, #tpu.memory_space<vmem_shared>> -> memref<40x128xf32, #tpu.memory_space<vmem_shared>>
      %dma_wait3A_440 = arith.constant 0 : i32
      %dma_wait3A_441 = tpu.memref_slice %arg7[%mul3A_432, %dma_wait3A_440] : memref<10000x128xf32, #tpu.memory_space<vmem_shared>> -> memref<40x128xf32, #tpu.memory_space<vmem_shared>>
      %dma_wait3A_442 = arith.constant 0 : i32
      %dma_wait3A_443 = arith.constant 0 : i32
      %dma_wait3A_444 = tpu.memref_slice %arg10[%dma_wait3A_433, %dma_wait3A_442, %dma_wait3A_443] : memref<5x40x128xf32, #tpu.memory_space<vmem>> -> memref<1x40x128xf32, #tpu.memory_space<vmem>>
      %dma_wait3A_445 = tpu.memref_squeeze %dma_wait3A_444 : memref<1x40x128xf32, #tpu.memory_space<vmem>> -> memref<40x128xf32, #tpu.memory_space<vmem>>
      tpu.wait_dma2 semaphore(%arg11 : memref<!tpu.dma_semaphore, #tpu.memory_space<semaphore_mem>>) src(%dma_wait3A_445 : memref<40x128xf32, #tpu.memory_space<vmem>>) dst(%dma_wait3A_441 : memref<40x128xf32, #tpu.memory_space<vmem_shared>>)
    } else {
    }
    %add3A_184 = arith.constant 160 : i32
    %add3A_185 = arith.addi %add3A_184, %arg1 : i32
    %lt3A_186 = arith.constant 250 : i32
    %lt3A_187 = arith.cmpi slt, %add3A_185, %lt3A_186 : i32
    %convert_element_type3A_188 = arith.extui %lt3A_187 : i1 to i32
    %cond3A_189 = arith.constant 0 : i32
    %cond3A_190 = arith.cmpi ne, %convert_element_type3A_188, %cond3A_189 : i32
    scf.if %cond3A_190 {
      %mul3A_431 = arith.constant 40 : i32
      %mul3A_432 = arith.muli %add3A_185, %mul3A_431 : i32
      %dma_wait3A_433 = arith.constant 0 : i32
      %dma_wait3A_434 = arith.constant 0 : i32
      %dma_wait3A_435 = arith.constant 0 : i32
      %dma_wait3A_436 = tpu.memref_slice %arg10[%dma_wait3A_433, %dma_wait3A_434, %dma_wait3A_435] : memref<5x40x128xf32, #tpu.memory_space<vmem>> -> memref<1x40x128xf32, #tpu.memory_space<vmem>>
      %dma_wait3A_437 = tpu.memref_squeeze %dma_wait3A_436 : memref<1x40x128xf32, #tpu.memory_space<vmem>> -> memref<40x128xf32, #tpu.memory_space<vmem>>
      %dma_wait3A_438 = arith.constant 0 : i32
      %dma_wait3A_439 = tpu.memref_slice %arg7[%mul3A_432, %dma_wait3A_438] : memref<10000x128xf32, #tpu.memory_space<vmem_shared>> -> memref<40x128xf32, #tpu.memory_space<vmem_shared>>
      %dma_wait3A_440 = arith.constant 0 : i32
      %dma_wait3A_441 = tpu.memref_slice %arg7[%mul3A_432, %dma_wait3A_440] : memref<10000x128xf32, #tpu.memory_space<vmem_shared>> -> memref<40x128xf32, #tpu.memory_space<vmem_shared>>
      %dma_wait3A_442 = arith.constant 0 : i32
      %dma_wait3A_443 = arith.constant 0 : i32
      %dma_wait3A_444 = tpu.memref_slice %arg10[%dma_wait3A_433, %dma_wait3A_442, %dma_wait3A_443] : memref<5x40x128xf32, #tpu.memory_space<vmem>> -> memref<1x40x128xf32, #tpu.memory_space<vmem>>
      %dma_wait3A_445 = tpu.memref_squeeze %dma_wait3A_444 : memref<1x40x128xf32, #tpu.memory_space<vmem>> -> memref<40x128xf32, #tpu.memory_space<vmem>>
      tpu.wait_dma2 semaphore(%arg11 : memref<!tpu.dma_semaphore, #tpu.memory_space<semaphore_mem>>) src(%dma_wait3A_445 : memref<40x128xf32, #tpu.memory_space<vmem>>) dst(%dma_wait3A_441 : memref<40x128xf32, #tpu.memory_space<vmem_shared>>)
    } else {
    }
    %add3A_191 = arith.constant 176 : i32
    %add3A_192 = arith.addi %add3A_191, %arg1 : i32
    %lt3A_193 = arith.constant 250 : i32
    %lt3A_194 = arith.cmpi slt, %add3A_192, %lt3A_193 : i32
    %convert_element_type3A_195 = arith.extui %lt3A_194 : i1 to i32
    %cond3A_196 = arith.constant 0 : i32
    %cond3A_197 = arith.cmpi ne, %convert_element_type3A_195, %cond3A_196 : i32
    scf.if %cond3A_197 {
      %mul3A_431 = arith.constant 40 : i32
      %mul3A_432 = arith.muli %add3A_192, %mul3A_431 : i32
      %dma_wait3A_433 = arith.constant 0 : i32
      %dma_wait3A_434 = arith.constant 0 : i32
      %dma_wait3A_435 = arith.constant 0 : i32
      %dma_wait3A_436 = tpu.memref_slice %arg10[%dma_wait3A_433, %dma_wait3A_434, %dma_wait3A_435] : memref<5x40x128xf32, #tpu.memory_space<vmem>> -> memref<1x40x128xf32, #tpu.memory_space<vmem>>
      %dma_wait3A_437 = tpu.memref_squeeze %dma_wait3A_436 : memref<1x40x128xf32, #tpu.memory_space<vmem>> -> memref<40x128xf32, #tpu.memory_space<vmem>>
      %dma_wait3A_438 = arith.constant 0 : i32
      %dma_wait3A_439 = tpu.memref_slice %arg7[%mul3A_432, %dma_wait3A_438] : memref<10000x128xf32, #tpu.memory_space<vmem_shared>> -> memref<40x128xf32, #tpu.memory_space<vmem_shared>>
      %dma_wait3A_440 = arith.constant 0 : i32
      %dma_wait3A_441 = tpu.memref_slice %arg7[%mul3A_432, %dma_wait3A_440] : memref<10000x128xf32, #tpu.memory_space<vmem_shared>> -> memref<40x128xf32, #tpu.memory_space<vmem_shared>>
      %dma_wait3A_442 = arith.constant 0 : i32
      %dma_wait3A_443 = arith.constant 0 : i32
      %dma_wait3A_444 = tpu.memref_slice %arg10[%dma_wait3A_433, %dma_wait3A_442, %dma_wait3A_443] : memref<5x40x128xf32, #tpu.memory_space<vmem>> -> memref<1x40x128xf32, #tpu.memory_space<vmem>>
      %dma_wait3A_445 = tpu.memref_squeeze %dma_wait3A_444 : memref<1x40x128xf32, #tpu.memory_space<vmem>> -> memref<40x128xf32, #tpu.memory_space<vmem>>
      tpu.wait_dma2 semaphore(%arg11 : memref<!tpu.dma_semaphore, #tpu.memory_space<semaphore_mem>>) src(%dma_wait3A_445 : memref<40x128xf32, #tpu.memory_space<vmem>>) dst(%dma_wait3A_441 : memref<40x128xf32, #tpu.memory_space<vmem_shared>>)
    } else {
    }
    %add3A_198 = arith.constant 192 : i32
    %add3A_199 = arith.addi %add3A_198, %arg1 : i32
    %lt3A_200 = arith.constant 250 : i32
    %lt3A_201 = arith.cmpi slt, %add3A_199, %lt3A_200 : i32
    %convert_element_type3A_202 = arith.extui %lt3A_201 : i1 to i32
    %cond3A_203 = arith.constant 0 : i32
    %cond3A_204 = arith.cmpi ne, %convert_element_type3A_202, %cond3A_203 : i32
    scf.if %cond3A_204 {
      %mul3A_431 = arith.constant 40 : i32
      %mul3A_432 = arith.muli %add3A_199, %mul3A_431 : i32
      %dma_wait3A_433 = arith.constant 0 : i32
      %dma_wait3A_434 = arith.constant 0 : i32
      %dma_wait3A_435 = arith.constant 0 : i32
      %dma_wait3A_436 = tpu.memref_slice %arg10[%dma_wait3A_433, %dma_wait3A_434, %dma_wait3A_435] : memref<5x40x128xf32, #tpu.memory_space<vmem>> -> memref<1x40x128xf32, #tpu.memory_space<vmem>>
      %dma_wait3A_437 = tpu.memref_squeeze %dma_wait3A_436 : memref<1x40x128xf32, #tpu.memory_space<vmem>> -> memref<40x128xf32, #tpu.memory_space<vmem>>
      %dma_wait3A_438 = arith.constant 0 : i32
      %dma_wait3A_439 = tpu.memref_slice %arg7[%mul3A_432, %dma_wait3A_438] : memref<10000x128xf32, #tpu.memory_space<vmem_shared>> -> memref<40x128xf32, #tpu.memory_space<vmem_shared>>
      %dma_wait3A_440 = arith.constant 0 : i32
      %dma_wait3A_441 = tpu.memref_slice %arg7[%mul3A_432, %dma_wait3A_440] : memref<10000x128xf32, #tpu.memory_space<vmem_shared>> -> memref<40x128xf32, #tpu.memory_space<vmem_shared>>
      %dma_wait3A_442 = arith.constant 0 : i32
      %dma_wait3A_443 = arith.constant 0 : i32
      %dma_wait3A_444 = tpu.memref_slice %arg10[%dma_wait3A_433, %dma_wait3A_442, %dma_wait3A_443] : memref<5x40x128xf32, #tpu.memory_space<vmem>> -> memref<1x40x128xf32, #tpu.memory_space<vmem>>
      %dma_wait3A_445 = tpu.memref_squeeze %dma_wait3A_444 : memref<1x40x128xf32, #tpu.memory_space<vmem>> -> memref<40x128xf32, #tpu.memory_space<vmem>>
      tpu.wait_dma2 semaphore(%arg11 : memref<!tpu.dma_semaphore, #tpu.memory_space<semaphore_mem>>) src(%dma_wait3A_445 : memref<40x128xf32, #tpu.memory_space<vmem>>) dst(%dma_wait3A_441 : memref<40x128xf32, #tpu.memory_space<vmem_shared>>)
    } else {
    }
    %add3A_205 = arith.constant 208 : i32
    %add3A_206 = arith.addi %add3A_205, %arg1 : i32
    %lt3A_207 = arith.constant 250 : i32
    %lt3A_208 = arith.cmpi slt, %add3A_206, %lt3A_207 : i32
    %convert_element_type3A_209 = arith.extui %lt3A_208 : i1 to i32
    %cond3A_210 = arith.constant 0 : i32
    %cond3A_211 = arith.cmpi ne, %convert_element_type3A_209, %cond3A_210 : i32
    scf.if %cond3A_211 {
      %mul3A_431 = arith.constant 40 : i32
      %mul3A_432 = arith.muli %add3A_206, %mul3A_431 : i32
      %dma_wait3A_433 = arith.constant 0 : i32
      %dma_wait3A_434 = arith.constant 0 : i32
      %dma_wait3A_435 = arith.constant 0 : i32
      %dma_wait3A_436 = tpu.memref_slice %arg10[%dma_wait3A_433, %dma_wait3A_434, %dma_wait3A_435] : memref<5x40x128xf32, #tpu.memory_space<vmem>> -> memref<1x40x128xf32, #tpu.memory_space<vmem>>
      %dma_wait3A_437 = tpu.memref_squeeze %dma_wait3A_436 : memref<1x40x128xf32, #tpu.memory_space<vmem>> -> memref<40x128xf32, #tpu.memory_space<vmem>>
      %dma_wait3A_438 = arith.constant 0 : i32
      %dma_wait3A_439 = tpu.memref_slice %arg7[%mul3A_432, %dma_wait3A_438] : memref<10000x128xf32, #tpu.memory_space<vmem_shared>> -> memref<40x128xf32, #tpu.memory_space<vmem_shared>>
      %dma_wait3A_440 = arith.constant 0 : i32
      %dma_wait3A_441 = tpu.memref_slice %arg7[%mul3A_432, %dma_wait3A_440] : memref<10000x128xf32, #tpu.memory_space<vmem_shared>> -> memref<40x128xf32, #tpu.memory_space<vmem_shared>>
      %dma_wait3A_442 = arith.constant 0 : i32
      %dma_wait3A_443 = arith.constant 0 : i32
      %dma_wait3A_444 = tpu.memref_slice %arg10[%dma_wait3A_433, %dma_wait3A_442, %dma_wait3A_443] : memref<5x40x128xf32, #tpu.memory_space<vmem>> -> memref<1x40x128xf32, #tpu.memory_space<vmem>>
      %dma_wait3A_445 = tpu.memref_squeeze %dma_wait3A_444 : memref<1x40x128xf32, #tpu.memory_space<vmem>> -> memref<40x128xf32, #tpu.memory_space<vmem>>
      tpu.wait_dma2 semaphore(%arg11 : memref<!tpu.dma_semaphore, #tpu.memory_space<semaphore_mem>>) src(%dma_wait3A_445 : memref<40x128xf32, #tpu.memory_space<vmem>>) dst(%dma_wait3A_441 : memref<40x128xf32, #tpu.memory_space<vmem_shared>>)
    } else {
    }
    %add3A_212 = arith.constant 224 : i32
    %add3A_213 = arith.addi %add3A_212, %arg1 : i32
    %lt3A_214 = arith.constant 250 : i32
    %lt3A_215 = arith.cmpi slt, %add3A_213, %lt3A_214 : i32
    %convert_element_type3A_216 = arith.extui %lt3A_215 : i1 to i32
    %cond3A_217 = arith.constant 0 : i32
    %cond3A_218 = arith.cmpi ne, %convert_element_type3A_216, %cond3A_217 : i32
    scf.if %cond3A_218 {
      %mul3A_431 = arith.constant 40 : i32
      %mul3A_432 = arith.muli %add3A_213, %mul3A_431 : i32
      %dma_wait3A_433 = arith.constant 0 : i32
      %dma_wait3A_434 = arith.constant 0 : i32
      %dma_wait3A_435 = arith.constant 0 : i32
      %dma_wait3A_436 = tpu.memref_slice %arg10[%dma_wait3A_433, %dma_wait3A_434, %dma_wait3A_435] : memref<5x40x128xf32, #tpu.memory_space<vmem>> -> memref<1x40x128xf32, #tpu.memory_space<vmem>>
      %dma_wait3A_437 = tpu.memref_squeeze %dma_wait3A_436 : memref<1x40x128xf32, #tpu.memory_space<vmem>> -> memref<40x128xf32, #tpu.memory_space<vmem>>
      %dma_wait3A_438 = arith.constant 0 : i32
      %dma_wait3A_439 = tpu.memref_slice %arg7[%mul3A_432, %dma_wait3A_438] : memref<10000x128xf32, #tpu.memory_space<vmem_shared>> -> memref<40x128xf32, #tpu.memory_space<vmem_shared>>
      %dma_wait3A_440 = arith.constant 0 : i32
      %dma_wait3A_441 = tpu.memref_slice %arg7[%mul3A_432, %dma_wait3A_440] : memref<10000x128xf32, #tpu.memory_space<vmem_shared>> -> memref<40x128xf32, #tpu.memory_space<vmem_shared>>
      %dma_wait3A_442 = arith.constant 0 : i32
      %dma_wait3A_443 = arith.constant 0 : i32
      %dma_wait3A_444 = tpu.memref_slice %arg10[%dma_wait3A_433, %dma_wait3A_442, %dma_wait3A_443] : memref<5x40x128xf32, #tpu.memory_space<vmem>> -> memref<1x40x128xf32, #tpu.memory_space<vmem>>
      %dma_wait3A_445 = tpu.memref_squeeze %dma_wait3A_444 : memref<1x40x128xf32, #tpu.memory_space<vmem>> -> memref<40x128xf32, #tpu.memory_space<vmem>>
      tpu.wait_dma2 semaphore(%arg11 : memref<!tpu.dma_semaphore, #tpu.memory_space<semaphore_mem>>) src(%dma_wait3A_445 : memref<40x128xf32, #tpu.memory_space<vmem>>) dst(%dma_wait3A_441 : memref<40x128xf32, #tpu.memory_space<vmem_shared>>)
    } else {
    }
    %add3A_219 = arith.constant 240 : i32
    %add3A_220 = arith.addi %add3A_219, %arg1 : i32
    %lt3A_221 = arith.constant 250 : i32
    %lt3A_222 = arith.cmpi slt, %add3A_220, %lt3A_221 : i32
    %convert_element_type3A_223 = arith.extui %lt3A_222 : i1 to i32
    %cond3A_224 = arith.constant 0 : i32
    %cond3A_225 = arith.cmpi ne, %convert_element_type3A_223, %cond3A_224 : i32
    scf.if %cond3A_225 {
      %mul3A_431 = arith.constant 40 : i32
      %mul3A_432 = arith.muli %add3A_220, %mul3A_431 : i32
      %dma_wait3A_433 = arith.constant 0 : i32
      %dma_wait3A_434 = arith.constant 0 : i32
      %dma_wait3A_435 = arith.constant 0 : i32
      %dma_wait3A_436 = tpu.memref_slice %arg10[%dma_wait3A_433, %dma_wait3A_434, %dma_wait3A_435] : memref<5x40x128xf32, #tpu.memory_space<vmem>> -> memref<1x40x128xf32, #tpu.memory_space<vmem>>
      %dma_wait3A_437 = tpu.memref_squeeze %dma_wait3A_436 : memref<1x40x128xf32, #tpu.memory_space<vmem>> -> memref<40x128xf32, #tpu.memory_space<vmem>>
      %dma_wait3A_438 = arith.constant 0 : i32
      %dma_wait3A_439 = tpu.memref_slice %arg7[%mul3A_432, %dma_wait3A_438] : memref<10000x128xf32, #tpu.memory_space<vmem_shared>> -> memref<40x128xf32, #tpu.memory_space<vmem_shared>>
      %dma_wait3A_440 = arith.constant 0 : i32
      %dma_wait3A_441 = tpu.memref_slice %arg7[%mul3A_432, %dma_wait3A_440] : memref<10000x128xf32, #tpu.memory_space<vmem_shared>> -> memref<40x128xf32, #tpu.memory_space<vmem_shared>>
      %dma_wait3A_442 = arith.constant 0 : i32
      %dma_wait3A_443 = arith.constant 0 : i32
      %dma_wait3A_444 = tpu.memref_slice %arg10[%dma_wait3A_433, %dma_wait3A_442, %dma_wait3A_443] : memref<5x40x128xf32, #tpu.memory_space<vmem>> -> memref<1x40x128xf32, #tpu.memory_space<vmem>>
      %dma_wait3A_445 = tpu.memref_squeeze %dma_wait3A_444 : memref<1x40x128xf32, #tpu.memory_space<vmem>> -> memref<40x128xf32, #tpu.memory_space<vmem>>
      tpu.wait_dma2 semaphore(%arg11 : memref<!tpu.dma_semaphore, #tpu.memory_space<semaphore_mem>>) src(%dma_wait3A_445 : memref<40x128xf32, #tpu.memory_space<vmem>>) dst(%dma_wait3A_441 : memref<40x128xf32, #tpu.memory_space<vmem_shared>>)
    } else {
    }
    %barrier3A = arith.constant 0 : index
    tpu.barrier barrier_id(%barrier3A)
    %eq3A = arith.constant 0 : i32
    %eq3A_226 = arith.cmpi eq, %arg0, %eq3A : i32
    %convert_element_type3A_227 = arith.extui %eq3A_226 : i1 to i32
    %cond3A_228 = arith.constant 0 : i32
    %cond3A_229 = arith.cmpi ne, %convert_element_type3A_227, %cond3A_228 : i32
    scf.if %cond3A_229 {
      %run_scoped3A = arith.constant 0 : i32
      %run_scoped3A_431 = arith.constant 0 : i32
      "tpu.region"() ({
        %run_scoped3A_505 = tpu.sem_alloc : memref<!tpu.dma_semaphore, #tpu.memory_space<semaphore_mem>>
        %dma_start3A = arith.constant 0 : i32
        %dma_start3A_506 = arith.constant 0 : i32
        %dma_start3A_507 = tpu.memref_slice %arg8[%run_scoped3A_431, %dma_start3A, %dma_start3A_506] : memref<2x5x40xi32, #tpu.memory_space<vmem>> -> memref<1x5x40xi32, #tpu.memory_space<vmem>>
        %dma_start3A_508 = tpu.memref_squeeze %dma_start3A_507 : memref<1x5x40xi32, #tpu.memory_space<vmem>> -> memref<5x40xi32, #tpu.memory_space<vmem>>
        %dma_start3A_509 = arith.constant 0 : i32
        %dma_start3A_510 = arith.constant 0 : i32
        %dma_start3A_511 = tpu.memref_slice %arg3[%arg1, %run_scoped3A, %dma_start3A_509, %dma_start3A_510] : memref<16x50x5x40xi32, #tpu.memory_space<hbm>> -> memref<1x1x5x40xi32, #tpu.memory_space<hbm>>
        %dma_start3A_512 = tpu.memref_squeeze %dma_start3A_511 : memref<1x1x5x40xi32, #tpu.memory_space<hbm>> -> memref<5x40xi32, #tpu.memory_space<hbm>>
        %dma_start3A_513 = arith.constant 0 : i32
        %dma_start3A_514 = arith.constant 0 : i32
        %dma_start3A_515 = tpu.memref_slice %arg8[%run_scoped3A_431, %dma_start3A_513, %dma_start3A_514] : memref<2x5x40xi32, #tpu.memory_space<vmem>> -> memref<1x5x40xi32, #tpu.memory_space<vmem>>
        %dma_start3A_516 = tpu.memref_squeeze %dma_start3A_515 : memref<1x5x40xi32, #tpu.memory_space<vmem>> -> memref<5x40xi32, #tpu.memory_space<vmem>>
        %dma_start3A_517 = arith.constant 0 : i32
        %dma_start3A_518 = arith.constant 0 : i32
        %dma_start3A_519 = tpu.memref_slice %arg3[%arg1, %run_scoped3A, %dma_start3A_517, %dma_start3A_518] : memref<16x50x5x40xi32, #tpu.memory_space<hbm>> -> memref<1x1x5x40xi32, #tpu.memory_space<hbm>>
        %dma_start3A_520 = tpu.memref_squeeze %dma_start3A_519 : memref<1x1x5x40xi32, #tpu.memory_space<hbm>> -> memref<5x40xi32, #tpu.memory_space<hbm>>
        tpu.enqueue_dma source(%dma_start3A_520 : memref<5x40xi32, #tpu.memory_space<hbm>>) target(%dma_start3A_516 : memref<5x40xi32, #tpu.memory_space<vmem>>) target_semaphore(%run_scoped3A_505 : memref<!tpu.dma_semaphore, #tpu.memory_space<semaphore_mem>>)
        %dma_wait3A_521 = arith.constant 0 : i32
        %dma_wait3A_522 = arith.constant 0 : i32
        %dma_wait3A_523 = tpu.memref_slice %arg8[%run_scoped3A_431, %dma_wait3A_521, %dma_wait3A_522] : memref<2x5x40xi32, #tpu.memory_space<vmem>> -> memref<1x5x40xi32, #tpu.memory_space<vmem>>
        %dma_wait3A_524 = tpu.memref_squeeze %dma_wait3A_523 : memref<1x5x40xi32, #tpu.memory_space<vmem>> -> memref<5x40xi32, #tpu.memory_space<vmem>>
        %dma_wait3A_525 = arith.constant 0 : i32
        %dma_wait3A_526 = arith.constant 0 : i32
        %dma_wait3A_527 = tpu.memref_slice %arg3[%arg1, %run_scoped3A, %dma_wait3A_525, %dma_wait3A_526] : memref<16x50x5x40xi32, #tpu.memory_space<hbm>> -> memref<1x1x5x40xi32, #tpu.memory_space<hbm>>
        %dma_wait3A_528 = tpu.memref_squeeze %dma_wait3A_527 : memref<1x1x5x40xi32, #tpu.memory_space<hbm>> -> memref<5x40xi32, #tpu.memory_space<hbm>>
        %dma_wait3A_529 = arith.constant 0 : i32
        %dma_wait3A_530 = arith.constant 0 : i32
        %dma_wait3A_531 = tpu.memref_slice %arg8[%run_scoped3A_431, %dma_wait3A_529, %dma_wait3A_530] : memref<2x5x40xi32, #tpu.memory_space<vmem>> -> memref<1x5x40xi32, #tpu.memory_space<vmem>>
        %dma_wait3A_532 = tpu.memref_squeeze %dma_wait3A_531 : memref<1x5x40xi32, #tpu.memory_space<vmem>> -> memref<5x40xi32, #tpu.memory_space<vmem>>
        %dma_wait3A_533 = arith.constant 0 : i32
        %dma_wait3A_534 = arith.constant 0 : i32
        %dma_wait3A_535 = tpu.memref_slice %arg3[%arg1, %run_scoped3A, %dma_wait3A_533, %dma_wait3A_534] : memref<16x50x5x40xi32, #tpu.memory_space<hbm>> -> memref<1x1x5x40xi32, #tpu.memory_space<hbm>>
        %dma_wait3A_536 = tpu.memref_squeeze %dma_wait3A_535 : memref<1x1x5x40xi32, #tpu.memory_space<hbm>> -> memref<5x40xi32, #tpu.memory_space<hbm>>
        tpu.wait_dma2 semaphore(%run_scoped3A_505 : memref<!tpu.dma_semaphore, #tpu.memory_space<semaphore_mem>>) src(%dma_wait3A_536 : memref<5x40xi32, #tpu.memory_space<hbm>>) dst(%dma_wait3A_532 : memref<5x40xi32, #tpu.memory_space<vmem>>)
        tpu.yield
      }) : () -> ()
      %run_scoped3A_432 = arith.constant 0 : i32
      %run_scoped3A_433 = arith.constant 0 : i32
      "tpu.region"() ({
        %run_scoped3A_505 = tpu.sem_alloc : memref<!tpu.dma_semaphore, #tpu.memory_space<semaphore_mem>>
        %dma_start3A = arith.constant 0 : i32
        %dma_start3A_506 = arith.constant 0 : i32
        %dma_start3A_507 = tpu.memref_slice %arg9[%run_scoped3A_433, %dma_start3A, %dma_start3A_506] : memref<2x5x40xi32, #tpu.memory_space<vmem>> -> memref<1x5x40xi32, #tpu.memory_space<vmem>>
        %dma_start3A_508 = tpu.memref_squeeze %dma_start3A_507 : memref<1x5x40xi32, #tpu.memory_space<vmem>> -> memref<5x40xi32, #tpu.memory_space<vmem>>
        %dma_start3A_509 = arith.constant 0 : i32
        %dma_start3A_510 = arith.constant 0 : i32
        %dma_start3A_511 = tpu.memref_slice %arg2[%arg1, %run_scoped3A_432, %dma_start3A_509, %dma_start3A_510] : memref<16x50x5x40xi32, #tpu.memory_space<hbm>> -> memref<1x1x5x40xi32, #tpu.memory_space<hbm>>
        %dma_start3A_512 = tpu.memref_squeeze %dma_start3A_511 : memref<1x1x5x40xi32, #tpu.memory_space<hbm>> -> memref<5x40xi32, #tpu.memory_space<hbm>>
        %dma_start3A_513 = arith.constant 0 : i32
        %dma_start3A_514 = arith.constant 0 : i32
        %dma_start3A_515 = tpu.memref_slice %arg9[%run_scoped3A_433, %dma_start3A_513, %dma_start3A_514] : memref<2x5x40xi32, #tpu.memory_space<vmem>> -> memref<1x5x40xi32, #tpu.memory_space<vmem>>
        %dma_start3A_516 = tpu.memref_squeeze %dma_start3A_515 : memref<1x5x40xi32, #tpu.memory_space<vmem>> -> memref<5x40xi32, #tpu.memory_space<vmem>>
        %dma_start3A_517 = arith.constant 0 : i32
        %dma_start3A_518 = arith.constant 0 : i32
        %dma_start3A_519 = tpu.memref_slice %arg2[%arg1, %run_scoped3A_432, %dma_start3A_517, %dma_start3A_518] : memref<16x50x5x40xi32, #tpu.memory_space<hbm>> -> memref<1x1x5x40xi32, #tpu.memory_space<hbm>>
        %dma_start3A_520 = tpu.memref_squeeze %dma_start3A_519 : memref<1x1x5x40xi32, #tpu.memory_space<hbm>> -> memref<5x40xi32, #tpu.memory_space<hbm>>
        tpu.enqueue_dma source(%dma_start3A_520 : memref<5x40xi32, #tpu.memory_space<hbm>>) target(%dma_start3A_516 : memref<5x40xi32, #tpu.memory_space<vmem>>) target_semaphore(%run_scoped3A_505 : memref<!tpu.dma_semaphore, #tpu.memory_space<semaphore_mem>>)
        %dma_wait3A_521 = arith.constant 0 : i32
        %dma_wait3A_522 = arith.constant 0 : i32
        %dma_wait3A_523 = tpu.memref_slice %arg9[%run_scoped3A_433, %dma_wait3A_521, %dma_wait3A_522] : memref<2x5x40xi32, #tpu.memory_space<vmem>> -> memref<1x5x40xi32, #tpu.memory_space<vmem>>
        %dma_wait3A_524 = tpu.memref_squeeze %dma_wait3A_523 : memref<1x5x40xi32, #tpu.memory_space<vmem>> -> memref<5x40xi32, #tpu.memory_space<vmem>>
        %dma_wait3A_525 = arith.constant 0 : i32
        %dma_wait3A_526 = arith.constant 0 : i32
        %dma_wait3A_527 = tpu.memref_slice %arg2[%arg1, %run_scoped3A_432, %dma_wait3A_525, %dma_wait3A_526] : memref<16x50x5x40xi32, #tpu.memory_space<hbm>> -> memref<1x1x5x40xi32, #tpu.memory_space<hbm>>
        %dma_wait3A_528 = tpu.memref_squeeze %dma_wait3A_527 : memref<1x1x5x40xi32, #tpu.memory_space<hbm>> -> memref<5x40xi32, #tpu.memory_space<hbm>>
        %dma_wait3A_529 = arith.constant 0 : i32
        %dma_wait3A_530 = arith.constant 0 : i32
        %dma_wait3A_531 = tpu.memref_slice %arg9[%run_scoped3A_433, %dma_wait3A_529, %dma_wait3A_530] : memref<2x5x40xi32, #tpu.memory_space<vmem>> -> memref<1x5x40xi32, #tpu.memory_space<vmem>>
        %dma_wait3A_532 = tpu.memref_squeeze %dma_wait3A_531 : memref<1x5x40xi32, #tpu.memory_space<vmem>> -> memref<5x40xi32, #tpu.memory_space<vmem>>
        %dma_wait3A_533 = arith.constant 0 : i32
        %dma_wait3A_534 = arith.constant 0 : i32
        %dma_wait3A_535 = tpu.memref_slice %arg2[%arg1, %run_scoped3A_432, %dma_wait3A_533, %dma_wait3A_534] : memref<16x50x5x40xi32, #tpu.memory_space<hbm>> -> memref<1x1x5x40xi32, #tpu.memory_space<hbm>>
        %dma_wait3A_536 = tpu.memref_squeeze %dma_wait3A_535 : memref<1x1x5x40xi32, #tpu.memory_space<hbm>> -> memref<5x40xi32, #tpu.memory_space<hbm>>
        tpu.wait_dma2 semaphore(%run_scoped3A_505 : memref<!tpu.dma_semaphore, #tpu.memory_space<semaphore_mem>>) src(%dma_wait3A_536 : memref<5x40xi32, #tpu.memory_space<hbm>>) dst(%dma_wait3A_532 : memref<5x40xi32, #tpu.memory_space<vmem>>)
        tpu.yield
      }) : () -> ()
      %scan3A_434 = arith.constant 0 : i32
      %scan3A_435 = arith.constant 0 : i32
      %scan3A_436 = arith.constant 25 : i32
      %scan3A_437 = arith.addi %scan3A_435, %scan3A_436 : i32
      %scan3A_438 = arith.constant 1 : i32
      scf.for %scan3A_505 = %scan3A_435 to %scan3A_437 step %scan3A_438  : i32 {
        %mul3A_506 = arith.constant 2 : i32
        %mul3A_507 = arith.muli %scan3A_505, %mul3A_506 : i32
        %add3A_508 = arith.constant 0 : i32
        %add3A_509 = arith.addi %mul3A_507, %add3A_508 : i32
        %gt3A = arith.constant 0 : i32
        %gt3A_510 = arith.cmpi sgt, %add3A_509, %gt3A : i32
        %convert_element_type3A_511 = arith.extui %gt3A_510 : i1 to i32
        %cond3A_512 = arith.constant 0 : i32
        %cond3A_513 = arith.cmpi ne, %convert_element_type3A_511, %cond3A_512 : i32
        scf.if %cond3A_513 {
          %dma_wait3A_980 = arith.constant 0 : i32
          %dma_wait3A_981 = arith.constant 0 : i32
          %dma_wait3A_982 = arith.constant 0 : i32
          %dma_wait3A_983 = arith.constant 0 : i32
          %dma_wait3A_984 = arith.constant 0 : i32
          %dma_wait3A_985 = tpu.memref_slice %arg10[%dma_wait3A_980, %dma_wait3A_983, %dma_wait3A_984] : memref<5x40x128xf32, #tpu.memory_space<vmem>> -> memref<1x40x128xf32, #tpu.memory_space<vmem>>
          %dma_wait3A_986 = tpu.memref_squeeze %dma_wait3A_985 : memref<1x40x128xf32, #tpu.memory_space<vmem>> -> memref<40x128xf32, #tpu.memory_space<vmem>>
          %dma_wait3A_987 = arith.constant 0 : i32
          %dma_wait3A_988 = tpu.memref_slice %arg9[%dma_wait3A_981, %dma_wait3A_982, %dma_wait3A_987] : memref<2x5x40xi32, #tpu.memory_space<vmem>> -> memref<1x1x40xi32, #tpu.memory_space<vmem>>
          %dma_wait3A_989 = tpu.memref_squeeze %dma_wait3A_988 : memref<1x1x40xi32, #tpu.memory_space<vmem>> -> memref<40xi32, #tpu.memory_space<vmem>>
          %dma_wait3A_990 = arith.constant 0 : i32
          %dma_wait3A_991 = arith.constant 0 : i32
          %dma_wait3A_992 = tpu.memref_slice %arg7[%dma_wait3A_990, %dma_wait3A_991] : memref<10000x128xf32, #tpu.memory_space<vmem_shared>> -> memref<10000x128xf32, #tpu.memory_space<vmem_shared>>
          tpu.wait_indirect_dma semaphore(%arg12 : memref<!tpu.dma_semaphore, #tpu.memory_space<semaphore_mem>>) src(%dma_wait3A_986 : memref<40x128xf32, #tpu.memory_space<vmem>>) dst(%dma_wait3A_992 : memref<10000x128xf32, #tpu.memory_space<vmem_shared>>)
        } else {
        }
        %dma_start3A = arith.constant 0 : i32
        %dma_start3A_514 = arith.constant 0 : i32
        %dma_start3A_515 = arith.constant 0 : i32
        %dma_start3A_516 = arith.constant 0 : i32
        %dma_start3A_517 = arith.constant 0 : i32
        %dma_start3A_518 = tpu.memref_slice %arg10[%dma_start3A_515, %dma_start3A_516, %dma_start3A_517] : memref<5x40x128xf32, #tpu.memory_space<vmem>> -> memref<1x40x128xf32, #tpu.memory_space<vmem>>
        %dma_start3A_519 = tpu.memref_squeeze %dma_start3A_518 : memref<1x40x128xf32, #tpu.memory_space<vmem>> -> memref<40x128xf32, #tpu.memory_space<vmem>>
        %dma_start3A_520 = arith.constant 0 : i32
        %dma_start3A_521 = tpu.memref_slice %arg8[%dma_start3A, %dma_start3A_514, %dma_start3A_520] : memref<2x5x40xi32, #tpu.memory_space<vmem>> -> memref<1x1x40xi32, #tpu.memory_space<vmem>>
        %dma_start3A_522 = tpu.memref_squeeze %dma_start3A_521 : memref<1x1x40xi32, #tpu.memory_space<vmem>> -> memref<40xi32, #tpu.memory_space<vmem>>
        %dma_start3A_523 = arith.constant 0 : i32
        %dma_start3A_524 = arith.constant 0 : i32
        %dma_start3A_525 = tpu.memref_slice %arg4[%dma_start3A_523, %dma_start3A_524] : memref<10000x128xf32, #tpu.memory_space<hbm>> -> memref<10000x128xf32, #tpu.memory_space<hbm>>
        tpu.enqueue_indirect_dma source(%dma_start3A_525 : memref<10000x128xf32, #tpu.memory_space<hbm>>) target(%dma_start3A_519 : memref<40x128xf32, #tpu.memory_space<vmem>>) offsets(%dma_start3A_522 : memref<40xi32, #tpu.memory_space<vmem>>) semaphore(%arg11 : memref<!tpu.dma_semaphore, #tpu.memory_space<semaphore_mem>>)
        %gt3A_526 = arith.constant 0 : i32
        %gt3A_527 = arith.cmpi sgt, %add3A_509, %gt3A_526 : i32
        %convert_element_type3A_528 = arith.extui %gt3A_527 : i1 to i32
        %cond3A_529 = arith.constant 0 : i32
        %cond3A_530 = arith.cmpi ne, %convert_element_type3A_528, %cond3A_529 : i32
        scf.if %cond3A_530 {
          %dma_wait3A_980 = arith.constant 1 : i32
          %dma_wait3A_981 = arith.constant 0 : i32
          %dma_wait3A_982 = arith.constant 1 : i32
          %dma_wait3A_983 = arith.constant 0 : i32
          %dma_wait3A_984 = arith.constant 0 : i32
          %dma_wait3A_985 = tpu.memref_slice %arg10[%dma_wait3A_980, %dma_wait3A_983, %dma_wait3A_984] : memref<5x40x128xf32, #tpu.memory_space<vmem>> -> memref<1x40x128xf32, #tpu.memory_space<vmem>>
          %dma_wait3A_986 = tpu.memref_squeeze %dma_wait3A_985 : memref<1x40x128xf32, #tpu.memory_space<vmem>> -> memref<40x128xf32, #tpu.memory_space<vmem>>
          %dma_wait3A_987 = arith.constant 0 : i32
          %dma_wait3A_988 = tpu.memref_slice %arg9[%dma_wait3A_981, %dma_wait3A_982, %dma_wait3A_987] : memref<2x5x40xi32, #tpu.memory_space<vmem>> -> memref<1x1x40xi32, #tpu.memory_space<vmem>>
          %dma_wait3A_989 = tpu.memref_squeeze %dma_wait3A_988 : memref<1x1x40xi32, #tpu.memory_space<vmem>> -> memref<40xi32, #tpu.memory_space<vmem>>
          %dma_wait3A_990 = arith.constant 0 : i32
          %dma_wait3A_991 = arith.constant 0 : i32
          %dma_wait3A_992 = tpu.memref_slice %arg7[%dma_wait3A_990, %dma_wait3A_991] : memref<10000x128xf32, #tpu.memory_space<vmem_shared>> -> memref<10000x128xf32, #tpu.memory_space<vmem_shared>>
          tpu.wait_indirect_dma semaphore(%arg12 : memref<!tpu.dma_semaphore, #tpu.memory_space<semaphore_mem>>) src(%dma_wait3A_986 : memref<40x128xf32, #tpu.memory_space<vmem>>) dst(%dma_wait3A_992 : memref<10000x128xf32, #tpu.memory_space<vmem_shared>>)
        } else {
        }
        %dma_start3A_531 = arith.constant 0 : i32
        %dma_start3A_532 = arith.constant 1 : i32
        %dma_start3A_533 = arith.constant 1 : i32
        %dma_start3A_534 = arith.constant 0 : i32
        %dma_start3A_535 = arith.constant 0 : i32
        %dma_start3A_536 = tpu.memref_slice %arg10[%dma_start3A_533, %dma_start3A_534, %dma_start3A_535] : memref<5x40x128xf32, #tpu.memory_space<vmem>> -> memref<1x40x128xf32, #tpu.memory_space<vmem>>
        %dma_start3A_537 = tpu.memref_squeeze %dma_start3A_536 : memref<1x40x128xf32, #tpu.memory_space<vmem>> -> memref<40x128xf32, #tpu.memory_space<vmem>>
        %dma_start3A_538 = arith.constant 0 : i32
        %dma_start3A_539 = tpu.memref_slice %arg8[%dma_start3A_531, %dma_start3A_532, %dma_start3A_538] : memref<2x5x40xi32, #tpu.memory_space<vmem>> -> memref<1x1x40xi32, #tpu.memory_space<vmem>>
        %dma_start3A_540 = tpu.memref_squeeze %dma_start3A_539 : memref<1x1x40xi32, #tpu.memory_space<vmem>> -> memref<40xi32, #tpu.memory_space<vmem>>
        %dma_start3A_541 = arith.constant 0 : i32
        %dma_start3A_542 = arith.constant 0 : i32
        %dma_start3A_543 = tpu.memref_slice %arg4[%dma_start3A_541, %dma_start3A_542] : memref<10000x128xf32, #tpu.memory_space<hbm>> -> memref<10000x128xf32, #tpu.memory_space<hbm>>
        tpu.enqueue_indirect_dma source(%dma_start3A_543 : memref<10000x128xf32, #tpu.memory_space<hbm>>) target(%dma_start3A_537 : memref<40x128xf32, #tpu.memory_space<vmem>>) offsets(%dma_start3A_540 : memref<40xi32, #tpu.memory_space<vmem>>) semaphore(%arg11 : memref<!tpu.dma_semaphore, #tpu.memory_space<semaphore_mem>>)
        %gt3A_544 = arith.constant 0 : i32
        %gt3A_545 = arith.cmpi sgt, %add3A_509, %gt3A_544 : i32
        %convert_element_type3A_546 = arith.extui %gt3A_545 : i1 to i32
        %cond3A_547 = arith.constant 0 : i32
        %cond3A_548 = arith.cmpi ne, %convert_element_type3A_546, %cond3A_547 : i32
        scf.if %cond3A_548 {
          %dma_wait3A_980 = arith.constant 2 : i32
          %dma_wait3A_981 = arith.constant 0 : i32
          %dma_wait3A_982 = arith.constant 2 : i32
          %dma_wait3A_983 = arith.constant 0 : i32
          %dma_wait3A_984 = arith.constant 0 : i32
          %dma_wait3A_985 = tpu.memref_slice %arg10[%dma_wait3A_980, %dma_wait3A_983, %dma_wait3A_984] : memref<5x40x128xf32, #tpu.memory_space<vmem>> -> memref<1x40x128xf32, #tpu.memory_space<vmem>>
          %dma_wait3A_986 = tpu.memref_squeeze %dma_wait3A_985 : memref<1x40x128xf32, #tpu.memory_space<vmem>> -> memref<40x128xf32, #tpu.memory_space<vmem>>
          %dma_wait3A_987 = arith.constant 0 : i32
          %dma_wait3A_988 = tpu.memref_slice %arg9[%dma_wait3A_981, %dma_wait3A_982, %dma_wait3A_987] : memref<2x5x40xi32, #tpu.memory_space<vmem>> -> memref<1x1x40xi32, #tpu.memory_space<vmem>>
          %dma_wait3A_989 = tpu.memref_squeeze %dma_wait3A_988 : memref<1x1x40xi32, #tpu.memory_space<vmem>> -> memref<40xi32, #tpu.memory_space<vmem>>
          %dma_wait3A_990 = arith.constant 0 : i32
          %dma_wait3A_991 = arith.constant 0 : i32
          %dma_wait3A_992 = tpu.memref_slice %arg7[%dma_wait3A_990, %dma_wait3A_991] : memref<10000x128xf32, #tpu.memory_space<vmem_shared>> -> memref<10000x128xf32, #tpu.memory_space<vmem_shared>>
          tpu.wait_indirect_dma semaphore(%arg12 : memref<!tpu.dma_semaphore, #tpu.memory_space<semaphore_mem>>) src(%dma_wait3A_986 : memref<40x128xf32, #tpu.memory_space<vmem>>) dst(%dma_wait3A_992 : memref<10000x128xf32, #tpu.memory_space<vmem_shared>>)
        } else {
        }
        %dma_start3A_549 = arith.constant 0 : i32
        %dma_start3A_550 = arith.constant 2 : i32
        %dma_start3A_551 = arith.constant 2 : i32
        %dma_start3A_552 = arith.constant 0 : i32
        %dma_start3A_553 = arith.constant 0 : i32
        %dma_start3A_554 = tpu.memref_slice %arg10[%dma_start3A_551, %dma_start3A_552, %dma_start3A_553] : memref<5x40x128xf32, #tpu.memory_space<vmem>> -> memref<1x40x128xf32, #tpu.memory_space<vmem>>
        %dma_start3A_555 = tpu.memref_squeeze %dma_start3A_554 : memref<1x40x128xf32, #tpu.memory_space<vmem>> -> memref<40x128xf32, #tpu.memory_space<vmem>>
        %dma_start3A_556 = arith.constant 0 : i32
        %dma_start3A_557 = tpu.memref_slice %arg8[%dma_start3A_549, %dma_start3A_550, %dma_start3A_556] : memref<2x5x40xi32, #tpu.memory_space<vmem>> -> memref<1x1x40xi32, #tpu.memory_space<vmem>>
        %dma_start3A_558 = tpu.memref_squeeze %dma_start3A_557 : memref<1x1x40xi32, #tpu.memory_space<vmem>> -> memref<40xi32, #tpu.memory_space<vmem>>
        %dma_start3A_559 = arith.constant 0 : i32
        %dma_start3A_560 = arith.constant 0 : i32
        %dma_start3A_561 = tpu.memref_slice %arg4[%dma_start3A_559, %dma_start3A_560] : memref<10000x128xf32, #tpu.memory_space<hbm>> -> memref<10000x128xf32, #tpu.memory_space<hbm>>
        tpu.enqueue_indirect_dma source(%dma_start3A_561 : memref<10000x128xf32, #tpu.memory_space<hbm>>) target(%dma_start3A_555 : memref<40x128xf32, #tpu.memory_space<vmem>>) offsets(%dma_start3A_558 : memref<40xi32, #tpu.memory_space<vmem>>) semaphore(%arg11 : memref<!tpu.dma_semaphore, #tpu.memory_space<semaphore_mem>>)
        %gt3A_562 = arith.constant 0 : i32
        %gt3A_563 = arith.cmpi sgt, %add3A_509, %gt3A_562 : i32
        %convert_element_type3A_564 = arith.extui %gt3A_563 : i1 to i32
        %cond3A_565 = arith.constant 0 : i32
        %cond3A_566 = arith.cmpi ne, %convert_element_type3A_564, %cond3A_565 : i32
        scf.if %cond3A_566 {
          %dma_wait3A_980 = arith.constant 3 : i32
          %dma_wait3A_981 = arith.constant 0 : i32
          %dma_wait3A_982 = arith.constant 3 : i32
          %dma_wait3A_983 = arith.constant 0 : i32
          %dma_wait3A_984 = arith.constant 0 : i32
          %dma_wait3A_985 = tpu.memref_slice %arg10[%dma_wait3A_980, %dma_wait3A_983, %dma_wait3A_984] : memref<5x40x128xf32, #tpu.memory_space<vmem>> -> memref<1x40x128xf32, #tpu.memory_space<vmem>>
          %dma_wait3A_986 = tpu.memref_squeeze %dma_wait3A_985 : memref<1x40x128xf32, #tpu.memory_space<vmem>> -> memref<40x128xf32, #tpu.memory_space<vmem>>
          %dma_wait3A_987 = arith.constant 0 : i32
          %dma_wait3A_988 = tpu.memref_slice %arg9[%dma_wait3A_981, %dma_wait3A_982, %dma_wait3A_987] : memref<2x5x40xi32, #tpu.memory_space<vmem>> -> memref<1x1x40xi32, #tpu.memory_space<vmem>>
          %dma_wait3A_989 = tpu.memref_squeeze %dma_wait3A_988 : memref<1x1x40xi32, #tpu.memory_space<vmem>> -> memref<40xi32, #tpu.memory_space<vmem>>
          %dma_wait3A_990 = arith.constant 0 : i32
          %dma_wait3A_991 = arith.constant 0 : i32
          %dma_wait3A_992 = tpu.memref_slice %arg7[%dma_wait3A_990, %dma_wait3A_991] : memref<10000x128xf32, #tpu.memory_space<vmem_shared>> -> memref<10000x128xf32, #tpu.memory_space<vmem_shared>>
          tpu.wait_indirect_dma semaphore(%arg12 : memref<!tpu.dma_semaphore, #tpu.memory_space<semaphore_mem>>) src(%dma_wait3A_986 : memref<40x128xf32, #tpu.memory_space<vmem>>) dst(%dma_wait3A_992 : memref<10000x128xf32, #tpu.memory_space<vmem_shared>>)
        } else {
        }
        %dma_start3A_567 = arith.constant 0 : i32
        %dma_start3A_568 = arith.constant 3 : i32
        %dma_start3A_569 = arith.constant 3 : i32
        %dma_start3A_570 = arith.constant 0 : i32
        %dma_start3A_571 = arith.constant 0 : i32
        %dma_start3A_572 = tpu.memref_slice %arg10[%dma_start3A_569, %dma_start3A_570, %dma_start3A_571] : memref<5x40x128xf32, #tpu.memory_space<vmem>> -> memref<1x40x128xf32, #tpu.memory_space<vmem>>
        %dma_start3A_573 = tpu.memref_squeeze %dma_start3A_572 : memref<1x40x128xf32, #tpu.memory_space<vmem>> -> memref<40x128xf32, #tpu.memory_space<vmem>>
        %dma_start3A_574 = arith.constant 0 : i32
        %dma_start3A_575 = tpu.memref_slice %arg8[%dma_start3A_567, %dma_start3A_568, %dma_start3A_574] : memref<2x5x40xi32, #tpu.memory_space<vmem>> -> memref<1x1x40xi32, #tpu.memory_space<vmem>>
        %dma_start3A_576 = tpu.memref_squeeze %dma_start3A_575 : memref<1x1x40xi32, #tpu.memory_space<vmem>> -> memref<40xi32, #tpu.memory_space<vmem>>
        %dma_start3A_577 = arith.constant 0 : i32
        %dma_start3A_578 = arith.constant 0 : i32
        %dma_start3A_579 = tpu.memref_slice %arg4[%dma_start3A_577, %dma_start3A_578] : memref<10000x128xf32, #tpu.memory_space<hbm>> -> memref<10000x128xf32, #tpu.memory_space<hbm>>
        tpu.enqueue_indirect_dma source(%dma_start3A_579 : memref<10000x128xf32, #tpu.memory_space<hbm>>) target(%dma_start3A_573 : memref<40x128xf32, #tpu.memory_space<vmem>>) offsets(%dma_start3A_576 : memref<40xi32, #tpu.memory_space<vmem>>) semaphore(%arg11 : memref<!tpu.dma_semaphore, #tpu.memory_space<semaphore_mem>>)
        %gt3A_580 = arith.constant 0 : i32
        %gt3A_581 = arith.cmpi sgt, %add3A_509, %gt3A_580 : i32
        %convert_element_type3A_582 = arith.extui %gt3A_581 : i1 to i32
        %cond3A_583 = arith.constant 0 : i32
        %cond3A_584 = arith.cmpi ne, %convert_element_type3A_582, %cond3A_583 : i32
        scf.if %cond3A_584 {
          %dma_wait3A_980 = arith.constant 4 : i32
          %dma_wait3A_981 = arith.constant 0 : i32
          %dma_wait3A_982 = arith.constant 4 : i32
          %dma_wait3A_983 = arith.constant 0 : i32
          %dma_wait3A_984 = arith.constant 0 : i32
          %dma_wait3A_985 = tpu.memref_slice %arg10[%dma_wait3A_980, %dma_wait3A_983, %dma_wait3A_984] : memref<5x40x128xf32, #tpu.memory_space<vmem>> -> memref<1x40x128xf32, #tpu.memory_space<vmem>>
          %dma_wait3A_986 = tpu.memref_squeeze %dma_wait3A_985 : memref<1x40x128xf32, #tpu.memory_space<vmem>> -> memref<40x128xf32, #tpu.memory_space<vmem>>
          %dma_wait3A_987 = arith.constant 0 : i32
          %dma_wait3A_988 = tpu.memref_slice %arg9[%dma_wait3A_981, %dma_wait3A_982, %dma_wait3A_987] : memref<2x5x40xi32, #tpu.memory_space<vmem>> -> memref<1x1x40xi32, #tpu.memory_space<vmem>>
          %dma_wait3A_989 = tpu.memref_squeeze %dma_wait3A_988 : memref<1x1x40xi32, #tpu.memory_space<vmem>> -> memref<40xi32, #tpu.memory_space<vmem>>
          %dma_wait3A_990 = arith.constant 0 : i32
          %dma_wait3A_991 = arith.constant 0 : i32
          %dma_wait3A_992 = tpu.memref_slice %arg7[%dma_wait3A_990, %dma_wait3A_991] : memref<10000x128xf32, #tpu.memory_space<vmem_shared>> -> memref<10000x128xf32, #tpu.memory_space<vmem_shared>>
          tpu.wait_indirect_dma semaphore(%arg12 : memref<!tpu.dma_semaphore, #tpu.memory_space<semaphore_mem>>) src(%dma_wait3A_986 : memref<40x128xf32, #tpu.memory_space<vmem>>) dst(%dma_wait3A_992 : memref<10000x128xf32, #tpu.memory_space<vmem_shared>>)
        } else {
        }
        %dma_start3A_585 = arith.constant 0 : i32
        %dma_start3A_586 = arith.constant 4 : i32
        %dma_start3A_587 = arith.constant 4 : i32
        %dma_start3A_588 = arith.constant 0 : i32
        %dma_start3A_589 = arith.constant 0 : i32
        %dma_start3A_590 = tpu.memref_slice %arg10[%dma_start3A_587, %dma_start3A_588, %dma_start3A_589] : memref<5x40x128xf32, #tpu.memory_space<vmem>> -> memref<1x40x128xf32, #tpu.memory_space<vmem>>
        %dma_start3A_591 = tpu.memref_squeeze %dma_start3A_590 : memref<1x40x128xf32, #tpu.memory_space<vmem>> -> memref<40x128xf32, #tpu.memory_space<vmem>>
        %dma_start3A_592 = arith.constant 0 : i32
        %dma_start3A_593 = tpu.memref_slice %arg8[%dma_start3A_585, %dma_start3A_586, %dma_start3A_592] : memref<2x5x40xi32, #tpu.memory_space<vmem>> -> memref<1x1x40xi32, #tpu.memory_space<vmem>>
        %dma_start3A_594 = tpu.memref_squeeze %dma_start3A_593 : memref<1x1x40xi32, #tpu.memory_space<vmem>> -> memref<40xi32, #tpu.memory_space<vmem>>
        %dma_start3A_595 = arith.constant 0 : i32
        %dma_start3A_596 = arith.constant 0 : i32
        %dma_start3A_597 = tpu.memref_slice %arg4[%dma_start3A_595, %dma_start3A_596] : memref<10000x128xf32, #tpu.memory_space<hbm>> -> memref<10000x128xf32, #tpu.memory_space<hbm>>
        tpu.enqueue_indirect_dma source(%dma_start3A_597 : memref<10000x128xf32, #tpu.memory_space<hbm>>) target(%dma_start3A_591 : memref<40x128xf32, #tpu.memory_space<vmem>>) offsets(%dma_start3A_594 : memref<40xi32, #tpu.memory_space<vmem>>) semaphore(%arg11 : memref<!tpu.dma_semaphore, #tpu.memory_space<semaphore_mem>>)
        %add3A_598 = arith.constant 1 : i32
        %add3A_599 = arith.addi %add3A_509, %add3A_598 : i32
        %lt3A_600 = arith.constant 50 : i32
        %lt3A_601 = arith.cmpi slt, %add3A_599, %lt3A_600 : i32
        %convert_element_type3A_602 = arith.extui %lt3A_601 : i1 to i32
        %cond3A_603 = arith.constant 0 : i32
        %cond3A_604 = arith.cmpi ne, %convert_element_type3A_602, %cond3A_603 : i32
        scf.if %cond3A_604 {
          %add3A_980 = arith.constant 1 : i32
          %add3A_981 = arith.addi %add3A_509, %add3A_980 : i32
          %dma_start3A_982 = arith.constant 1 : i32
          %dma_start3A_983 = arith.constant 0 : i32
          %dma_start3A_984 = arith.constant 0 : i32
          %dma_start3A_985 = tpu.memref_slice %arg8[%dma_start3A_982, %dma_start3A_983, %dma_start3A_984] : memref<2x5x40xi32, #tpu.memory_space<vmem>> -> memref<1x5x40xi32, #tpu.memory_space<vmem>>
          %dma_start3A_986 = tpu.memref_squeeze %dma_start3A_985 : memref<1x5x40xi32, #tpu.memory_space<vmem>> -> memref<5x40xi32, #tpu.memory_space<vmem>>
          %dma_start3A_987 = arith.constant 0 : i32
          %dma_start3A_988 = arith.constant 0 : i32
          %dma_start3A_989 = tpu.memref_slice %arg3[%arg1, %add3A_981, %dma_start3A_987, %dma_start3A_988] : memref<16x50x5x40xi32, #tpu.memory_space<hbm>> -> memref<1x1x5x40xi32, #tpu.memory_space<hbm>>
          %dma_start3A_990 = tpu.memref_squeeze %dma_start3A_989 : memref<1x1x5x40xi32, #tpu.memory_space<hbm>> -> memref<5x40xi32, #tpu.memory_space<hbm>>
          %dma_start3A_991 = arith.constant 0 : i32
          %dma_start3A_992 = arith.constant 0 : i32
          %dma_start3A_993 = tpu.memref_slice %arg8[%dma_start3A_982, %dma_start3A_991, %dma_start3A_992] : memref<2x5x40xi32, #tpu.memory_space<vmem>> -> memref<1x5x40xi32, #tpu.memory_space<vmem>>
          %dma_start3A_994 = tpu.memref_squeeze %dma_start3A_993 : memref<1x5x40xi32, #tpu.memory_space<vmem>> -> memref<5x40xi32, #tpu.memory_space<vmem>>
          %dma_start3A_995 = arith.constant 0 : i32
          %dma_start3A_996 = arith.constant 0 : i32
          %dma_start3A_997 = tpu.memref_slice %arg3[%arg1, %add3A_981, %dma_start3A_995, %dma_start3A_996] : memref<16x50x5x40xi32, #tpu.memory_space<hbm>> -> memref<1x1x5x40xi32, #tpu.memory_space<hbm>>
          %dma_start3A_998 = tpu.memref_squeeze %dma_start3A_997 : memref<1x1x5x40xi32, #tpu.memory_space<hbm>> -> memref<5x40xi32, #tpu.memory_space<hbm>>
          tpu.enqueue_dma source(%dma_start3A_998 : memref<5x40xi32, #tpu.memory_space<hbm>>) target(%dma_start3A_994 : memref<5x40xi32, #tpu.memory_space<vmem>>) target_semaphore(%arg13 : memref<!tpu.dma_semaphore, #tpu.memory_space<semaphore_mem>>)
          %add3A_999 = arith.constant 1 : i32
          %add3A_1000 = arith.addi %add3A_509, %add3A_999 : i32
          %dma_start3A_1001 = arith.constant 1 : i32
          %dma_start3A_1002 = arith.constant 0 : i32
          %dma_start3A_1003 = arith.constant 0 : i32
          %dma_start3A_1004 = tpu.memref_slice %arg9[%dma_start3A_1001, %dma_start3A_1002, %dma_start3A_1003] : memref<2x5x40xi32, #tpu.memory_space<vmem>> -> memref<1x5x40xi32, #tpu.memory_space<vmem>>
          %dma_start3A_1005 = tpu.memref_squeeze %dma_start3A_1004 : memref<1x5x40xi32, #tpu.memory_space<vmem>> -> memref<5x40xi32, #tpu.memory_space<vmem>>
          %dma_start3A_1006 = arith.constant 0 : i32
          %dma_start3A_1007 = arith.constant 0 : i32
          %dma_start3A_1008 = tpu.memref_slice %arg2[%arg1, %add3A_1000, %dma_start3A_1006, %dma_start3A_1007] : memref<16x50x5x40xi32, #tpu.memory_space<hbm>> -> memref<1x1x5x40xi32, #tpu.memory_space<hbm>>
          %dma_start3A_1009 = tpu.memref_squeeze %dma_start3A_1008 : memref<1x1x5x40xi32, #tpu.memory_space<hbm>> -> memref<5x40xi32, #tpu.memory_space<hbm>>
          %dma_start3A_1010 = arith.constant 0 : i32
          %dma_start3A_1011 = arith.constant 0 : i32
          %dma_start3A_1012 = tpu.memref_slice %arg9[%dma_start3A_1001, %dma_start3A_1010, %dma_start3A_1011] : memref<2x5x40xi32, #tpu.memory_space<vmem>> -> memref<1x5x40xi32, #tpu.memory_space<vmem>>
          %dma_start3A_1013 = tpu.memref_squeeze %dma_start3A_1012 : memref<1x5x40xi32, #tpu.memory_space<vmem>> -> memref<5x40xi32, #tpu.memory_space<vmem>>
          %dma_start3A_1014 = arith.constant 0 : i32
          %dma_start3A_1015 = arith.constant 0 : i32
          %dma_start3A_1016 = tpu.memref_slice %arg2[%arg1, %add3A_1000, %dma_start3A_1014, %dma_start3A_1015] : memref<16x50x5x40xi32, #tpu.memory_space<hbm>> -> memref<1x1x5x40xi32, #tpu.memory_space<hbm>>
          %dma_start3A_1017 = tpu.memref_squeeze %dma_start3A_1016 : memref<1x1x5x40xi32, #tpu.memory_space<hbm>> -> memref<5x40xi32, #tpu.memory_space<hbm>>
          tpu.enqueue_dma source(%dma_start3A_1017 : memref<5x40xi32, #tpu.memory_space<hbm>>) target(%dma_start3A_1013 : memref<5x40xi32, #tpu.memory_space<vmem>>) target_semaphore(%arg13 : memref<!tpu.dma_semaphore, #tpu.memory_space<semaphore_mem>>)
        } else {
        }
        %dma_wait3A_605 = arith.constant 0 : i32
        %dma_wait3A_606 = arith.constant 0 : i32
        %dma_wait3A_607 = arith.constant 0 : i32
        %dma_wait3A_608 = arith.constant 0 : i32
        %dma_wait3A_609 = arith.constant 0 : i32
        %dma_wait3A_610 = tpu.memref_slice %arg10[%dma_wait3A_607, %dma_wait3A_608, %dma_wait3A_609] : memref<5x40x128xf32, #tpu.memory_space<vmem>> -> memref<1x40x128xf32, #tpu.memory_space<vmem>>
        %dma_wait3A_611 = tpu.memref_squeeze %dma_wait3A_610 : memref<1x40x128xf32, #tpu.memory_space<vmem>> -> memref<40x128xf32, #tpu.memory_space<vmem>>
        %dma_wait3A_612 = arith.constant 0 : i32
        %dma_wait3A_613 = tpu.memref_slice %arg8[%dma_wait3A_605, %dma_wait3A_606, %dma_wait3A_612] : memref<2x5x40xi32, #tpu.memory_space<vmem>> -> memref<1x1x40xi32, #tpu.memory_space<vmem>>
        %dma_wait3A_614 = tpu.memref_squeeze %dma_wait3A_613 : memref<1x1x40xi32, #tpu.memory_space<vmem>> -> memref<40xi32, #tpu.memory_space<vmem>>
        %dma_wait3A_615 = arith.constant 0 : i32
        %dma_wait3A_616 = arith.constant 0 : i32
        %dma_wait3A_617 = tpu.memref_slice %arg4[%dma_wait3A_615, %dma_wait3A_616] : memref<10000x128xf32, #tpu.memory_space<hbm>> -> memref<10000x128xf32, #tpu.memory_space<hbm>>
        tpu.wait_indirect_dma semaphore(%arg11 : memref<!tpu.dma_semaphore, #tpu.memory_space<semaphore_mem>>) src(%dma_wait3A_617 : memref<10000x128xf32, #tpu.memory_space<hbm>>) dst(%dma_wait3A_611 : memref<40x128xf32, #tpu.memory_space<vmem>>)
        %dma_start3A_618 = arith.constant 0 : i32
        %dma_start3A_619 = arith.constant 0 : i32
        %dma_start3A_620 = arith.constant 0 : i32
        %dma_start3A_621 = arith.constant 0 : i32
        %dma_start3A_622 = arith.constant 0 : i32
        %dma_start3A_623 = tpu.memref_slice %arg10[%dma_start3A_618, %dma_start3A_621, %dma_start3A_622] : memref<5x40x128xf32, #tpu.memory_space<vmem>> -> memref<1x40x128xf32, #tpu.memory_space<vmem>>
        %dma_start3A_624 = tpu.memref_squeeze %dma_start3A_623 : memref<1x40x128xf32, #tpu.memory_space<vmem>> -> memref<40x128xf32, #tpu.memory_space<vmem>>
        %dma_start3A_625 = arith.constant 0 : i32
        %dma_start3A_626 = tpu.memref_slice %arg9[%dma_start3A_619, %dma_start3A_620, %dma_start3A_625] : memref<2x5x40xi32, #tpu.memory_space<vmem>> -> memref<1x1x40xi32, #tpu.memory_space<vmem>>
        %dma_start3A_627 = tpu.memref_squeeze %dma_start3A_626 : memref<1x1x40xi32, #tpu.memory_space<vmem>> -> memref<40xi32, #tpu.memory_space<vmem>>
        %dma_start3A_628 = arith.constant 0 : i32
        %dma_start3A_629 = arith.constant 0 : i32
        %dma_start3A_630 = tpu.memref_slice %arg7[%dma_start3A_628, %dma_start3A_629] : memref<10000x128xf32, #tpu.memory_space<vmem_shared>> -> memref<10000x128xf32, #tpu.memory_space<vmem_shared>>
        tpu.enqueue_indirect_dma source(%dma_start3A_624 : memref<40x128xf32, #tpu.memory_space<vmem>>) target(%dma_start3A_630 : memref<10000x128xf32, #tpu.memory_space<vmem_shared>>) offsets(%dma_start3A_627 : memref<40xi32, #tpu.memory_space<vmem>>) semaphore(%arg12 : memref<!tpu.dma_semaphore, #tpu.memory_space<semaphore_mem>>) {add = true}
        %dma_wait3A_631 = arith.constant 0 : i32
        %dma_wait3A_632 = arith.constant 1 : i32
        %dma_wait3A_633 = arith.constant 1 : i32
        %dma_wait3A_634 = arith.constant 0 : i32
        %dma_wait3A_635 = arith.constant 0 : i32
        %dma_wait3A_636 = tpu.memref_slice %arg10[%dma_wait3A_633, %dma_wait3A_634, %dma_wait3A_635] : memref<5x40x128xf32, #tpu.memory_space<vmem>> -> memref<1x40x128xf32, #tpu.memory_space<vmem>>
        %dma_wait3A_637 = tpu.memref_squeeze %dma_wait3A_636 : memref<1x40x128xf32, #tpu.memory_space<vmem>> -> memref<40x128xf32, #tpu.memory_space<vmem>>
        %dma_wait3A_638 = arith.constant 0 : i32
        %dma_wait3A_639 = tpu.memref_slice %arg8[%dma_wait3A_631, %dma_wait3A_632, %dma_wait3A_638] : memref<2x5x40xi32, #tpu.memory_space<vmem>> -> memref<1x1x40xi32, #tpu.memory_space<vmem>>
        %dma_wait3A_640 = tpu.memref_squeeze %dma_wait3A_639 : memref<1x1x40xi32, #tpu.memory_space<vmem>> -> memref<40xi32, #tpu.memory_space<vmem>>
        %dma_wait3A_641 = arith.constant 0 : i32
        %dma_wait3A_642 = arith.constant 0 : i32
        %dma_wait3A_643 = tpu.memref_slice %arg4[%dma_wait3A_641, %dma_wait3A_642] : memref<10000x128xf32, #tpu.memory_space<hbm>> -> memref<10000x128xf32, #tpu.memory_space<hbm>>
        tpu.wait_indirect_dma semaphore(%arg11 : memref<!tpu.dma_semaphore, #tpu.memory_space<semaphore_mem>>) src(%dma_wait3A_643 : memref<10000x128xf32, #tpu.memory_space<hbm>>) dst(%dma_wait3A_637 : memref<40x128xf32, #tpu.memory_space<vmem>>)
        %dma_start3A_644 = arith.constant 1 : i32
        %dma_start3A_645 = arith.constant 0 : i32
        %dma_start3A_646 = arith.constant 1 : i32
        %dma_start3A_647 = arith.constant 0 : i32
        %dma_start3A_648 = arith.constant 0 : i32
        %dma_start3A_649 = tpu.memref_slice %arg10[%dma_start3A_644, %dma_start3A_647, %dma_start3A_648] : memref<5x40x128xf32, #tpu.memory_space<vmem>> -> memref<1x40x128xf32, #tpu.memory_space<vmem>>
        %dma_start3A_650 = tpu.memref_squeeze %dma_start3A_649 : memref<1x40x128xf32, #tpu.memory_space<vmem>> -> memref<40x128xf32, #tpu.memory_space<vmem>>
        %dma_start3A_651 = arith.constant 0 : i32
        %dma_start3A_652 = tpu.memref_slice %arg9[%dma_start3A_645, %dma_start3A_646, %dma_start3A_651] : memref<2x5x40xi32, #tpu.memory_space<vmem>> -> memref<1x1x40xi32, #tpu.memory_space<vmem>>
        %dma_start3A_653 = tpu.memref_squeeze %dma_start3A_652 : memref<1x1x40xi32, #tpu.memory_space<vmem>> -> memref<40xi32, #tpu.memory_space<vmem>>
        %dma_start3A_654 = arith.constant 0 : i32
        %dma_start3A_655 = arith.constant 0 : i32
        %dma_start3A_656 = tpu.memref_slice %arg7[%dma_start3A_654, %dma_start3A_655] : memref<10000x128xf32, #tpu.memory_space<vmem_shared>> -> memref<10000x128xf32, #tpu.memory_space<vmem_shared>>
        tpu.enqueue_indirect_dma source(%dma_start3A_650 : memref<40x128xf32, #tpu.memory_space<vmem>>) target(%dma_start3A_656 : memref<10000x128xf32, #tpu.memory_space<vmem_shared>>) offsets(%dma_start3A_653 : memref<40xi32, #tpu.memory_space<vmem>>) semaphore(%arg12 : memref<!tpu.dma_semaphore, #tpu.memory_space<semaphore_mem>>) {add = true}
        %dma_wait3A_657 = arith.constant 0 : i32
        %dma_wait3A_658 = arith.constant 2 : i32
        %dma_wait3A_659 = arith.constant 2 : i32
        %dma_wait3A_660 = arith.constant 0 : i32
        %dma_wait3A_661 = arith.constant 0 : i32
        %dma_wait3A_662 = tpu.memref_slice %arg10[%dma_wait3A_659, %dma_wait3A_660, %dma_wait3A_661] : memref<5x40x128xf32, #tpu.memory_space<vmem>> -> memref<1x40x128xf32, #tpu.memory_space<vmem>>
        %dma_wait3A_663 = tpu.memref_squeeze %dma_wait3A_662 : memref<1x40x128xf32, #tpu.memory_space<vmem>> -> memref<40x128xf32, #tpu.memory_space<vmem>>
        %dma_wait3A_664 = arith.constant 0 : i32
        %dma_wait3A_665 = tpu.memref_slice %arg8[%dma_wait3A_657, %dma_wait3A_658, %dma_wait3A_664] : memref<2x5x40xi32, #tpu.memory_space<vmem>> -> memref<1x1x40xi32, #tpu.memory_space<vmem>>
        %dma_wait3A_666 = tpu.memref_squeeze %dma_wait3A_665 : memref<1x1x40xi32, #tpu.memory_space<vmem>> -> memref<40xi32, #tpu.memory_space<vmem>>
        %dma_wait3A_667 = arith.constant 0 : i32
        %dma_wait3A_668 = arith.constant 0 : i32
        %dma_wait3A_669 = tpu.memref_slice %arg4[%dma_wait3A_667, %dma_wait3A_668] : memref<10000x128xf32, #tpu.memory_space<hbm>> -> memref<10000x128xf32, #tpu.memory_space<hbm>>
        tpu.wait_indirect_dma semaphore(%arg11 : memref<!tpu.dma_semaphore, #tpu.memory_space<semaphore_mem>>) src(%dma_wait3A_669 : memref<10000x128xf32, #tpu.memory_space<hbm>>) dst(%dma_wait3A_663 : memref<40x128xf32, #tpu.memory_space<vmem>>)
        %dma_start3A_670 = arith.constant 2 : i32
        %dma_start3A_671 = arith.constant 0 : i32
        %dma_start3A_672 = arith.constant 2 : i32
        %dma_start3A_673 = arith.constant 0 : i32
        %dma_start3A_674 = arith.constant 0 : i32
        %dma_start3A_675 = tpu.memref_slice %arg10[%dma_start3A_670, %dma_start3A_673, %dma_start3A_674] : memref<5x40x128xf32, #tpu.memory_space<vmem>> -> memref<1x40x128xf32, #tpu.memory_space<vmem>>
        %dma_start3A_676 = tpu.memref_squeeze %dma_start3A_675 : memref<1x40x128xf32, #tpu.memory_space<vmem>> -> memref<40x128xf32, #tpu.memory_space<vmem>>
        %dma_start3A_677 = arith.constant 0 : i32
        %dma_start3A_678 = tpu.memref_slice %arg9[%dma_start3A_671, %dma_start3A_672, %dma_start3A_677] : memref<2x5x40xi32, #tpu.memory_space<vmem>> -> memref<1x1x40xi32, #tpu.memory_space<vmem>>
        %dma_start3A_679 = tpu.memref_squeeze %dma_start3A_678 : memref<1x1x40xi32, #tpu.memory_space<vmem>> -> memref<40xi32, #tpu.memory_space<vmem>>
        %dma_start3A_680 = arith.constant 0 : i32
        %dma_start3A_681 = arith.constant 0 : i32
        %dma_start3A_682 = tpu.memref_slice %arg7[%dma_start3A_680, %dma_start3A_681] : memref<10000x128xf32, #tpu.memory_space<vmem_shared>> -> memref<10000x128xf32, #tpu.memory_space<vmem_shared>>
        tpu.enqueue_indirect_dma source(%dma_start3A_676 : memref<40x128xf32, #tpu.memory_space<vmem>>) target(%dma_start3A_682 : memref<10000x128xf32, #tpu.memory_space<vmem_shared>>) offsets(%dma_start3A_679 : memref<40xi32, #tpu.memory_space<vmem>>) semaphore(%arg12 : memref<!tpu.dma_semaphore, #tpu.memory_space<semaphore_mem>>) {add = true}
        %dma_wait3A_683 = arith.constant 0 : i32
        %dma_wait3A_684 = arith.constant 3 : i32
        %dma_wait3A_685 = arith.constant 3 : i32
        %dma_wait3A_686 = arith.constant 0 : i32
        %dma_wait3A_687 = arith.constant 0 : i32
        %dma_wait3A_688 = tpu.memref_slice %arg10[%dma_wait3A_685, %dma_wait3A_686, %dma_wait3A_687] : memref<5x40x128xf32, #tpu.memory_space<vmem>> -> memref<1x40x128xf32, #tpu.memory_space<vmem>>
        %dma_wait3A_689 = tpu.memref_squeeze %dma_wait3A_688 : memref<1x40x128xf32, #tpu.memory_space<vmem>> -> memref<40x128xf32, #tpu.memory_space<vmem>>
        %dma_wait3A_690 = arith.constant 0 : i32
        %dma_wait3A_691 = tpu.memref_slice %arg8[%dma_wait3A_683, %dma_wait3A_684, %dma_wait3A_690] : memref<2x5x40xi32, #tpu.memory_space<vmem>> -> memref<1x1x40xi32, #tpu.memory_space<vmem>>
        %dma_wait3A_692 = tpu.memref_squeeze %dma_wait3A_691 : memref<1x1x40xi32, #tpu.memory_space<vmem>> -> memref<40xi32, #tpu.memory_space<vmem>>
        %dma_wait3A_693 = arith.constant 0 : i32
        %dma_wait3A_694 = arith.constant 0 : i32
        %dma_wait3A_695 = tpu.memref_slice %arg4[%dma_wait3A_693, %dma_wait3A_694] : memref<10000x128xf32, #tpu.memory_space<hbm>> -> memref<10000x128xf32, #tpu.memory_space<hbm>>
        tpu.wait_indirect_dma semaphore(%arg11 : memref<!tpu.dma_semaphore, #tpu.memory_space<semaphore_mem>>) src(%dma_wait3A_695 : memref<10000x128xf32, #tpu.memory_space<hbm>>) dst(%dma_wait3A_689 : memref<40x128xf32, #tpu.memory_space<vmem>>)
        %dma_start3A_696 = arith.constant 3 : i32
        %dma_start3A_697 = arith.constant 0 : i32
        %dma_start3A_698 = arith.constant 3 : i32
        %dma_start3A_699 = arith.constant 0 : i32
        %dma_start3A_700 = arith.constant 0 : i32
        %dma_start3A_701 = tpu.memref_slice %arg10[%dma_start3A_696, %dma_start3A_699, %dma_start3A_700] : memref<5x40x128xf32, #tpu.memory_space<vmem>> -> memref<1x40x128xf32, #tpu.memory_space<vmem>>
        %dma_start3A_702 = tpu.memref_squeeze %dma_start3A_701 : memref<1x40x128xf32, #tpu.memory_space<vmem>> -> memref<40x128xf32, #tpu.memory_space<vmem>>
        %dma_start3A_703 = arith.constant 0 : i32
        %dma_start3A_704 = tpu.memref_slice %arg9[%dma_start3A_697, %dma_start3A_698, %dma_start3A_703] : memref<2x5x40xi32, #tpu.memory_space<vmem>> -> memref<1x1x40xi32, #tpu.memory_space<vmem>>
        %dma_start3A_705 = tpu.memref_squeeze %dma_start3A_704 : memref<1x1x40xi32, #tpu.memory_space<vmem>> -> memref<40xi32, #tpu.memory_space<vmem>>
        %dma_start3A_706 = arith.constant 0 : i32
        %dma_start3A_707 = arith.constant 0 : i32
        %dma_start3A_708 = tpu.memref_slice %arg7[%dma_start3A_706, %dma_start3A_707] : memref<10000x128xf32, #tpu.memory_space<vmem_shared>> -> memref<10000x128xf32, #tpu.memory_space<vmem_shared>>
        tpu.enqueue_indirect_dma source(%dma_start3A_702 : memref<40x128xf32, #tpu.memory_space<vmem>>) target(%dma_start3A_708 : memref<10000x128xf32, #tpu.memory_space<vmem_shared>>) offsets(%dma_start3A_705 : memref<40xi32, #tpu.memory_space<vmem>>) semaphore(%arg12 : memref<!tpu.dma_semaphore, #tpu.memory_space<semaphore_mem>>) {add = true}
        %dma_wait3A_709 = arith.constant 0 : i32
        %dma_wait3A_710 = arith.constant 4 : i32
        %dma_wait3A_711 = arith.constant 4 : i32
        %dma_wait3A_712 = arith.constant 0 : i32
        %dma_wait3A_713 = arith.constant 0 : i32
        %dma_wait3A_714 = tpu.memref_slice %arg10[%dma_wait3A_711, %dma_wait3A_712, %dma_wait3A_713] : memref<5x40x128xf32, #tpu.memory_space<vmem>> -> memref<1x40x128xf32, #tpu.memory_space<vmem>>
        %dma_wait3A_715 = tpu.memref_squeeze %dma_wait3A_714 : memref<1x40x128xf32, #tpu.memory_space<vmem>> -> memref<40x128xf32, #tpu.memory_space<vmem>>
        %dma_wait3A_716 = arith.constant 0 : i32
        %dma_wait3A_717 = tpu.memref_slice %arg8[%dma_wait3A_709, %dma_wait3A_710, %dma_wait3A_716] : memref<2x5x40xi32, #tpu.memory_space<vmem>> -> memref<1x1x40xi32, #tpu.memory_space<vmem>>
        %dma_wait3A_718 = tpu.memref_squeeze %dma_wait3A_717 : memref<1x1x40xi32, #tpu.memory_space<vmem>> -> memref<40xi32, #tpu.memory_space<vmem>>
        %dma_wait3A_719 = arith.constant 0 : i32
        %dma_wait3A_720 = arith.constant 0 : i32
        %dma_wait3A_721 = tpu.memref_slice %arg4[%dma_wait3A_719, %dma_wait3A_720] : memref<10000x128xf32, #tpu.memory_space<hbm>> -> memref<10000x128xf32, #tpu.memory_space<hbm>>
        tpu.wait_indirect_dma semaphore(%arg11 : memref<!tpu.dma_semaphore, #tpu.memory_space<semaphore_mem>>) src(%dma_wait3A_721 : memref<10000x128xf32, #tpu.memory_space<hbm>>) dst(%dma_wait3A_715 : memref<40x128xf32, #tpu.memory_space<vmem>>)
        %dma_start3A_722 = arith.constant 4 : i32
        %dma_start3A_723 = arith.constant 0 : i32
        %dma_start3A_724 = arith.constant 4 : i32
        %dma_start3A_725 = arith.constant 0 : i32
        %dma_start3A_726 = arith.constant 0 : i32
        %dma_start3A_727 = tpu.memref_slice %arg10[%dma_start3A_722, %dma_start3A_725, %dma_start3A_726] : memref<5x40x128xf32, #tpu.memory_space<vmem>> -> memref<1x40x128xf32, #tpu.memory_space<vmem>>
        %dma_start3A_728 = tpu.memref_squeeze %dma_start3A_727 : memref<1x40x128xf32, #tpu.memory_space<vmem>> -> memref<40x128xf32, #tpu.memory_space<vmem>>
        %dma_start3A_729 = arith.constant 0 : i32
        %dma_start3A_730 = tpu.memref_slice %arg9[%dma_start3A_723, %dma_start3A_724, %dma_start3A_729] : memref<2x5x40xi32, #tpu.memory_space<vmem>> -> memref<1x1x40xi32, #tpu.memory_space<vmem>>
        %dma_start3A_731 = tpu.memref_squeeze %dma_start3A_730 : memref<1x1x40xi32, #tpu.memory_space<vmem>> -> memref<40xi32, #tpu.memory_space<vmem>>
        %dma_start3A_732 = arith.constant 0 : i32
        %dma_start3A_733 = arith.constant 0 : i32
        %dma_start3A_734 = tpu.memref_slice %arg7[%dma_start3A_732, %dma_start3A_733] : memref<10000x128xf32, #tpu.memory_space<vmem_shared>> -> memref<10000x128xf32, #tpu.memory_space<vmem_shared>>
        tpu.enqueue_indirect_dma source(%dma_start3A_728 : memref<40x128xf32, #tpu.memory_space<vmem>>) target(%dma_start3A_734 : memref<10000x128xf32, #tpu.memory_space<vmem_shared>>) offsets(%dma_start3A_731 : memref<40xi32, #tpu.memory_space<vmem>>) semaphore(%arg12 : memref<!tpu.dma_semaphore, #tpu.memory_space<semaphore_mem>>) {add = true}
        %add3A_735 = arith.constant 1 : i32
        %add3A_736 = arith.addi %add3A_509, %add3A_735 : i32
        %lt3A_737 = arith.constant 50 : i32
        %lt3A_738 = arith.cmpi slt, %add3A_736, %lt3A_737 : i32
        %convert_element_type3A_739 = arith.extui %lt3A_738 : i1 to i32
        %cond3A_740 = arith.constant 0 : i32
        %cond3A_741 = arith.cmpi ne, %convert_element_type3A_739, %cond3A_740 : i32
        scf.if %cond3A_741 {
          %add3A_980 = arith.constant 1 : i32
          %add3A_981 = arith.addi %add3A_509, %add3A_980 : i32
          %dma_wait3A_982 = arith.constant 1 : i32
          %dma_wait3A_983 = arith.constant 0 : i32
          %dma_wait3A_984 = arith.constant 0 : i32
          %dma_wait3A_985 = tpu.memref_slice %arg8[%dma_wait3A_982, %dma_wait3A_983, %dma_wait3A_984] : memref<2x5x40xi32, #tpu.memory_space<vmem>> -> memref<1x5x40xi32, #tpu.memory_space<vmem>>
          %dma_wait3A_986 = tpu.memref_squeeze %dma_wait3A_985 : memref<1x5x40xi32, #tpu.memory_space<vmem>> -> memref<5x40xi32, #tpu.memory_space<vmem>>
          %dma_wait3A_987 = arith.constant 0 : i32
          %dma_wait3A_988 = arith.constant 0 : i32
          %dma_wait3A_989 = tpu.memref_slice %arg3[%arg1, %add3A_981, %dma_wait3A_987, %dma_wait3A_988] : memref<16x50x5x40xi32, #tpu.memory_space<hbm>> -> memref<1x1x5x40xi32, #tpu.memory_space<hbm>>
          %dma_wait3A_990 = tpu.memref_squeeze %dma_wait3A_989 : memref<1x1x5x40xi32, #tpu.memory_space<hbm>> -> memref<5x40xi32, #tpu.memory_space<hbm>>
          %dma_wait3A_991 = arith.constant 0 : i32
          %dma_wait3A_992 = arith.constant 0 : i32
          %dma_wait3A_993 = tpu.memref_slice %arg8[%dma_wait3A_982, %dma_wait3A_991, %dma_wait3A_992] : memref<2x5x40xi32, #tpu.memory_space<vmem>> -> memref<1x5x40xi32, #tpu.memory_space<vmem>>
          %dma_wait3A_994 = tpu.memref_squeeze %dma_wait3A_993 : memref<1x5x40xi32, #tpu.memory_space<vmem>> -> memref<5x40xi32, #tpu.memory_space<vmem>>
          %dma_wait3A_995 = arith.constant 0 : i32
          %dma_wait3A_996 = arith.constant 0 : i32
          %dma_wait3A_997 = tpu.memref_slice %arg3[%arg1, %add3A_981, %dma_wait3A_995, %dma_wait3A_996] : memref<16x50x5x40xi32, #tpu.memory_space<hbm>> -> memref<1x1x5x40xi32, #tpu.memory_space<hbm>>
          %dma_wait3A_998 = tpu.memref_squeeze %dma_wait3A_997 : memref<1x1x5x40xi32, #tpu.memory_space<hbm>> -> memref<5x40xi32, #tpu.memory_space<hbm>>
          tpu.wait_dma2 semaphore(%arg13 : memref<!tpu.dma_semaphore, #tpu.memory_space<semaphore_mem>>) src(%dma_wait3A_998 : memref<5x40xi32, #tpu.memory_space<hbm>>) dst(%dma_wait3A_994 : memref<5x40xi32, #tpu.memory_space<vmem>>)
          %add3A_999 = arith.constant 1 : i32
          %add3A_1000 = arith.addi %add3A_509, %add3A_999 : i32
          %dma_wait3A_1001 = arith.constant 1 : i32
          %dma_wait3A_1002 = arith.constant 0 : i32
          %dma_wait3A_1003 = arith.constant 0 : i32
          %dma_wait3A_1004 = tpu.memref_slice %arg9[%dma_wait3A_1001, %dma_wait3A_1002, %dma_wait3A_1003] : memref<2x5x40xi32, #tpu.memory_space<vmem>> -> memref<1x5x40xi32, #tpu.memory_space<vmem>>
          %dma_wait3A_1005 = tpu.memref_squeeze %dma_wait3A_1004 : memref<1x5x40xi32, #tpu.memory_space<vmem>> -> memref<5x40xi32, #tpu.memory_space<vmem>>
          %dma_wait3A_1006 = arith.constant 0 : i32
          %dma_wait3A_1007 = arith.constant 0 : i32
          %dma_wait3A_1008 = tpu.memref_slice %arg2[%arg1, %add3A_1000, %dma_wait3A_1006, %dma_wait3A_1007] : memref<16x50x5x40xi32, #tpu.memory_space<hbm>> -> memref<1x1x5x40xi32, #tpu.memory_space<hbm>>
          %dma_wait3A_1009 = tpu.memref_squeeze %dma_wait3A_1008 : memref<1x1x5x40xi32, #tpu.memory_space<hbm>> -> memref<5x40xi32, #tpu.memory_space<hbm>>
          %dma_wait3A_1010 = arith.constant 0 : i32
          %dma_wait3A_1011 = arith.constant 0 : i32
          %dma_wait3A_1012 = tpu.memref_slice %arg9[%dma_wait3A_1001, %dma_wait3A_1010, %dma_wait3A_1011] : memref<2x5x40xi32, #tpu.memory_space<vmem>> -> memref<1x5x40xi32, #tpu.memory_space<vmem>>
          %dma_wait3A_1013 = tpu.memref_squeeze %dma_wait3A_1012 : memref<1x5x40xi32, #tpu.memory_space<vmem>> -> memref<5x40xi32, #tpu.memory_space<vmem>>
          %dma_wait3A_1014 = arith.constant 0 : i32
          %dma_wait3A_1015 = arith.constant 0 : i32
          %dma_wait3A_1016 = tpu.memref_slice %arg2[%arg1, %add3A_1000, %dma_wait3A_1014, %dma_wait3A_1015] : memref<16x50x5x40xi32, #tpu.memory_space<hbm>> -> memref<1x1x5x40xi32, #tpu.memory_space<hbm>>
          %dma_wait3A_1017 = tpu.memref_squeeze %dma_wait3A_1016 : memref<1x1x5x40xi32, #tpu.memory_space<hbm>> -> memref<5x40xi32, #tpu.memory_space<hbm>>
          tpu.wait_dma2 semaphore(%arg13 : memref<!tpu.dma_semaphore, #tpu.memory_space<semaphore_mem>>) src(%dma_wait3A_1017 : memref<5x40xi32, #tpu.memory_space<hbm>>) dst(%dma_wait3A_1013 : memref<5x40xi32, #tpu.memory_space<vmem>>)
        } else {
        }
        %mul3A_742 = arith.constant 2 : i32
        %mul3A_743 = arith.muli %scan3A_505, %mul3A_742 : i32
        %add3A_744 = arith.constant 1 : i32
        %add3A_745 = arith.addi %mul3A_743, %add3A_744 : i32
        %gt3A_746 = arith.constant 0 : i32
        %gt3A_747 = arith.cmpi sgt, %add3A_745, %gt3A_746 : i32
        %convert_element_type3A_748 = arith.extui %gt3A_747 : i1 to i32
        %cond3A_749 = arith.constant 0 : i32
        %cond3A_750 = arith.cmpi ne, %convert_element_type3A_748, %cond3A_749 : i32
        scf.if %cond3A_750 {
          %dma_wait3A_980 = arith.constant 0 : i32
          %dma_wait3A_981 = arith.constant 1 : i32
          %dma_wait3A_982 = arith.constant 0 : i32
          %dma_wait3A_983 = arith.constant 0 : i32
          %dma_wait3A_984 = arith.constant 0 : i32
          %dma_wait3A_985 = tpu.memref_slice %arg10[%dma_wait3A_980, %dma_wait3A_983, %dma_wait3A_984] : memref<5x40x128xf32, #tpu.memory_space<vmem>> -> memref<1x40x128xf32, #tpu.memory_space<vmem>>
          %dma_wait3A_986 = tpu.memref_squeeze %dma_wait3A_985 : memref<1x40x128xf32, #tpu.memory_space<vmem>> -> memref<40x128xf32, #tpu.memory_space<vmem>>
          %dma_wait3A_987 = arith.constant 0 : i32
          %dma_wait3A_988 = tpu.memref_slice %arg9[%dma_wait3A_981, %dma_wait3A_982, %dma_wait3A_987] : memref<2x5x40xi32, #tpu.memory_space<vmem>> -> memref<1x1x40xi32, #tpu.memory_space<vmem>>
          %dma_wait3A_989 = tpu.memref_squeeze %dma_wait3A_988 : memref<1x1x40xi32, #tpu.memory_space<vmem>> -> memref<40xi32, #tpu.memory_space<vmem>>
          %dma_wait3A_990 = arith.constant 0 : i32
          %dma_wait3A_991 = arith.constant 0 : i32
          %dma_wait3A_992 = tpu.memref_slice %arg7[%dma_wait3A_990, %dma_wait3A_991] : memref<10000x128xf32, #tpu.memory_space<vmem_shared>> -> memref<10000x128xf32, #tpu.memory_space<vmem_shared>>
          tpu.wait_indirect_dma semaphore(%arg12 : memref<!tpu.dma_semaphore, #tpu.memory_space<semaphore_mem>>) src(%dma_wait3A_986 : memref<40x128xf32, #tpu.memory_space<vmem>>) dst(%dma_wait3A_992 : memref<10000x128xf32, #tpu.memory_space<vmem_shared>>)
        } else {
        }
        %dma_start3A_751 = arith.constant 1 : i32
        %dma_start3A_752 = arith.constant 0 : i32
        %dma_start3A_753 = arith.constant 0 : i32
        %dma_start3A_754 = arith.constant 0 : i32
        %dma_start3A_755 = arith.constant 0 : i32
        %dma_start3A_756 = tpu.memref_slice %arg10[%dma_start3A_753, %dma_start3A_754, %dma_start3A_755] : memref<5x40x128xf32, #tpu.memory_space<vmem>> -> memref<1x40x128xf32, #tpu.memory_space<vmem>>
        %dma_start3A_757 = tpu.memref_squeeze %dma_start3A_756 : memref<1x40x128xf32, #tpu.memory_space<vmem>> -> memref<40x128xf32, #tpu.memory_space<vmem>>
        %dma_start3A_758 = arith.constant 0 : i32
        %dma_start3A_759 = tpu.memref_slice %arg8[%dma_start3A_751, %dma_start3A_752, %dma_start3A_758] : memref<2x5x40xi32, #tpu.memory_space<vmem>> -> memref<1x1x40xi32, #tpu.memory_space<vmem>>
        %dma_start3A_760 = tpu.memref_squeeze %dma_start3A_759 : memref<1x1x40xi32, #tpu.memory_space<vmem>> -> memref<40xi32, #tpu.memory_space<vmem>>
        %dma_start3A_761 = arith.constant 0 : i32
        %dma_start3A_762 = arith.constant 0 : i32
        %dma_start3A_763 = tpu.memref_slice %arg4[%dma_start3A_761, %dma_start3A_762] : memref<10000x128xf32, #tpu.memory_space<hbm>> -> memref<10000x128xf32, #tpu.memory_space<hbm>>
        tpu.enqueue_indirect_dma source(%dma_start3A_763 : memref<10000x128xf32, #tpu.memory_space<hbm>>) target(%dma_start3A_757 : memref<40x128xf32, #tpu.memory_space<vmem>>) offsets(%dma_start3A_760 : memref<40xi32, #tpu.memory_space<vmem>>) semaphore(%arg11 : memref<!tpu.dma_semaphore, #tpu.memory_space<semaphore_mem>>)
        %gt3A_764 = arith.constant 0 : i32
        %gt3A_765 = arith.cmpi sgt, %add3A_745, %gt3A_764 : i32
        %convert_element_type3A_766 = arith.extui %gt3A_765 : i1 to i32
        %cond3A_767 = arith.constant 0 : i32
        %cond3A_768 = arith.cmpi ne, %convert_element_type3A_766, %cond3A_767 : i32
        scf.if %cond3A_768 {
          %dma_wait3A_980 = arith.constant 1 : i32
          %dma_wait3A_981 = arith.constant 1 : i32
          %dma_wait3A_982 = arith.constant 1 : i32
          %dma_wait3A_983 = arith.constant 0 : i32
          %dma_wait3A_984 = arith.constant 0 : i32
          %dma_wait3A_985 = tpu.memref_slice %arg10[%dma_wait3A_980, %dma_wait3A_983, %dma_wait3A_984] : memref<5x40x128xf32, #tpu.memory_space<vmem>> -> memref<1x40x128xf32, #tpu.memory_space<vmem>>
          %dma_wait3A_986 = tpu.memref_squeeze %dma_wait3A_985 : memref<1x40x128xf32, #tpu.memory_space<vmem>> -> memref<40x128xf32, #tpu.memory_space<vmem>>
          %dma_wait3A_987 = arith.constant 0 : i32
          %dma_wait3A_988 = tpu.memref_slice %arg9[%dma_wait3A_981, %dma_wait3A_982, %dma_wait3A_987] : memref<2x5x40xi32, #tpu.memory_space<vmem>> -> memref<1x1x40xi32, #tpu.memory_space<vmem>>
          %dma_wait3A_989 = tpu.memref_squeeze %dma_wait3A_988 : memref<1x1x40xi32, #tpu.memory_space<vmem>> -> memref<40xi32, #tpu.memory_space<vmem>>
          %dma_wait3A_990 = arith.constant 0 : i32
          %dma_wait3A_991 = arith.constant 0 : i32
          %dma_wait3A_992 = tpu.memref_slice %arg7[%dma_wait3A_990, %dma_wait3A_991] : memref<10000x128xf32, #tpu.memory_space<vmem_shared>> -> memref<10000x128xf32, #tpu.memory_space<vmem_shared>>
          tpu.wait_indirect_dma semaphore(%arg12 : memref<!tpu.dma_semaphore, #tpu.memory_space<semaphore_mem>>) src(%dma_wait3A_986 : memref<40x128xf32, #tpu.memory_space<vmem>>) dst(%dma_wait3A_992 : memref<10000x128xf32, #tpu.memory_space<vmem_shared>>)
        } else {
        }
        %dma_start3A_769 = arith.constant 1 : i32
        %dma_start3A_770 = arith.constant 1 : i32
        %dma_start3A_771 = arith.constant 1 : i32
        %dma_start3A_772 = arith.constant 0 : i32
        %dma_start3A_773 = arith.constant 0 : i32
        %dma_start3A_774 = tpu.memref_slice %arg10[%dma_start3A_771, %dma_start3A_772, %dma_start3A_773] : memref<5x40x128xf32, #tpu.memory_space<vmem>> -> memref<1x40x128xf32, #tpu.memory_space<vmem>>
        %dma_start3A_775 = tpu.memref_squeeze %dma_start3A_774 : memref<1x40x128xf32, #tpu.memory_space<vmem>> -> memref<40x128xf32, #tpu.memory_space<vmem>>
        %dma_start3A_776 = arith.constant 0 : i32
        %dma_start3A_777 = tpu.memref_slice %arg8[%dma_start3A_769, %dma_start3A_770, %dma_start3A_776] : memref<2x5x40xi32, #tpu.memory_space<vmem>> -> memref<1x1x40xi32, #tpu.memory_space<vmem>>
        %dma_start3A_778 = tpu.memref_squeeze %dma_start3A_777 : memref<1x1x40xi32, #tpu.memory_space<vmem>> -> memref<40xi32, #tpu.memory_space<vmem>>
        %dma_start3A_779 = arith.constant 0 : i32
        %dma_start3A_780 = arith.constant 0 : i32
        %dma_start3A_781 = tpu.memref_slice %arg4[%dma_start3A_779, %dma_start3A_780] : memref<10000x128xf32, #tpu.memory_space<hbm>> -> memref<10000x128xf32, #tpu.memory_space<hbm>>
        tpu.enqueue_indirect_dma source(%dma_start3A_781 : memref<10000x128xf32, #tpu.memory_space<hbm>>) target(%dma_start3A_775 : memref<40x128xf32, #tpu.memory_space<vmem>>) offsets(%dma_start3A_778 : memref<40xi32, #tpu.memory_space<vmem>>) semaphore(%arg11 : memref<!tpu.dma_semaphore, #tpu.memory_space<semaphore_mem>>)
        %gt3A_782 = arith.constant 0 : i32
        %gt3A_783 = arith.cmpi sgt, %add3A_745, %gt3A_782 : i32
        %convert_element_type3A_784 = arith.extui %gt3A_783 : i1 to i32
        %cond3A_785 = arith.constant 0 : i32
        %cond3A_786 = arith.cmpi ne, %convert_element_type3A_784, %cond3A_785 : i32
        scf.if %cond3A_786 {
          %dma_wait3A_980 = arith.constant 2 : i32
          %dma_wait3A_981 = arith.constant 1 : i32
          %dma_wait3A_982 = arith.constant 2 : i32
          %dma_wait3A_983 = arith.constant 0 : i32
          %dma_wait3A_984 = arith.constant 0 : i32
          %dma_wait3A_985 = tpu.memref_slice %arg10[%dma_wait3A_980, %dma_wait3A_983, %dma_wait3A_984] : memref<5x40x128xf32, #tpu.memory_space<vmem>> -> memref<1x40x128xf32, #tpu.memory_space<vmem>>
          %dma_wait3A_986 = tpu.memref_squeeze %dma_wait3A_985 : memref<1x40x128xf32, #tpu.memory_space<vmem>> -> memref<40x128xf32, #tpu.memory_space<vmem>>
          %dma_wait3A_987 = arith.constant 0 : i32
          %dma_wait3A_988 = tpu.memref_slice %arg9[%dma_wait3A_981, %dma_wait3A_982, %dma_wait3A_987] : memref<2x5x40xi32, #tpu.memory_space<vmem>> -> memref<1x1x40xi32, #tpu.memory_space<vmem>>
          %dma_wait3A_989 = tpu.memref_squeeze %dma_wait3A_988 : memref<1x1x40xi32, #tpu.memory_space<vmem>> -> memref<40xi32, #tpu.memory_space<vmem>>
          %dma_wait3A_990 = arith.constant 0 : i32
          %dma_wait3A_991 = arith.constant 0 : i32
          %dma_wait3A_992 = tpu.memref_slice %arg7[%dma_wait3A_990, %dma_wait3A_991] : memref<10000x128xf32, #tpu.memory_space<vmem_shared>> -> memref<10000x128xf32, #tpu.memory_space<vmem_shared>>
          tpu.wait_indirect_dma semaphore(%arg12 : memref<!tpu.dma_semaphore, #tpu.memory_space<semaphore_mem>>) src(%dma_wait3A_986 : memref<40x128xf32, #tpu.memory_space<vmem>>) dst(%dma_wait3A_992 : memref<10000x128xf32, #tpu.memory_space<vmem_shared>>)
        } else {
        }
        %dma_start3A_787 = arith.constant 1 : i32
        %dma_start3A_788 = arith.constant 2 : i32
        %dma_start3A_789 = arith.constant 2 : i32
        %dma_start3A_790 = arith.constant 0 : i32
        %dma_start3A_791 = arith.constant 0 : i32
        %dma_start3A_792 = tpu.memref_slice %arg10[%dma_start3A_789, %dma_start3A_790, %dma_start3A_791] : memref<5x40x128xf32, #tpu.memory_space<vmem>> -> memref<1x40x128xf32, #tpu.memory_space<vmem>>
        %dma_start3A_793 = tpu.memref_squeeze %dma_start3A_792 : memref<1x40x128xf32, #tpu.memory_space<vmem>> -> memref<40x128xf32, #tpu.memory_space<vmem>>
        %dma_start3A_794 = arith.constant 0 : i32
        %dma_start3A_795 = tpu.memref_slice %arg8[%dma_start3A_787, %dma_start3A_788, %dma_start3A_794] : memref<2x5x40xi32, #tpu.memory_space<vmem>> -> memref<1x1x40xi32, #tpu.memory_space<vmem>>
        %dma_start3A_796 = tpu.memref_squeeze %dma_start3A_795 : memref<1x1x40xi32, #tpu.memory_space<vmem>> -> memref<40xi32, #tpu.memory_space<vmem>>
        %dma_start3A_797 = arith.constant 0 : i32
        %dma_start3A_798 = arith.constant 0 : i32
        %dma_start3A_799 = tpu.memref_slice %arg4[%dma_start3A_797, %dma_start3A_798] : memref<10000x128xf32, #tpu.memory_space<hbm>> -> memref<10000x128xf32, #tpu.memory_space<hbm>>
        tpu.enqueue_indirect_dma source(%dma_start3A_799 : memref<10000x128xf32, #tpu.memory_space<hbm>>) target(%dma_start3A_793 : memref<40x128xf32, #tpu.memory_space<vmem>>) offsets(%dma_start3A_796 : memref<40xi32, #tpu.memory_space<vmem>>) semaphore(%arg11 : memref<!tpu.dma_semaphore, #tpu.memory_space<semaphore_mem>>)
        %gt3A_800 = arith.constant 0 : i32
        %gt3A_801 = arith.cmpi sgt, %add3A_745, %gt3A_800 : i32
        %convert_element_type3A_802 = arith.extui %gt3A_801 : i1 to i32
        %cond3A_803 = arith.constant 0 : i32
        %cond3A_804 = arith.cmpi ne, %convert_element_type3A_802, %cond3A_803 : i32
        scf.if %cond3A_804 {
          %dma_wait3A_980 = arith.constant 3 : i32
          %dma_wait3A_981 = arith.constant 1 : i32
          %dma_wait3A_982 = arith.constant 3 : i32
          %dma_wait3A_983 = arith.constant 0 : i32
          %dma_wait3A_984 = arith.constant 0 : i32
          %dma_wait3A_985 = tpu.memref_slice %arg10[%dma_wait3A_980, %dma_wait3A_983, %dma_wait3A_984] : memref<5x40x128xf32, #tpu.memory_space<vmem>> -> memref<1x40x128xf32, #tpu.memory_space<vmem>>
          %dma_wait3A_986 = tpu.memref_squeeze %dma_wait3A_985 : memref<1x40x128xf32, #tpu.memory_space<vmem>> -> memref<40x128xf32, #tpu.memory_space<vmem>>
          %dma_wait3A_987 = arith.constant 0 : i32
          %dma_wait3A_988 = tpu.memref_slice %arg9[%dma_wait3A_981, %dma_wait3A_982, %dma_wait3A_987] : memref<2x5x40xi32, #tpu.memory_space<vmem>> -> memref<1x1x40xi32, #tpu.memory_space<vmem>>
          %dma_wait3A_989 = tpu.memref_squeeze %dma_wait3A_988 : memref<1x1x40xi32, #tpu.memory_space<vmem>> -> memref<40xi32, #tpu.memory_space<vmem>>
          %dma_wait3A_990 = arith.constant 0 : i32
          %dma_wait3A_991 = arith.constant 0 : i32
          %dma_wait3A_992 = tpu.memref_slice %arg7[%dma_wait3A_990, %dma_wait3A_991] : memref<10000x128xf32, #tpu.memory_space<vmem_shared>> -> memref<10000x128xf32, #tpu.memory_space<vmem_shared>>
          tpu.wait_indirect_dma semaphore(%arg12 : memref<!tpu.dma_semaphore, #tpu.memory_space<semaphore_mem>>) src(%dma_wait3A_986 : memref<40x128xf32, #tpu.memory_space<vmem>>) dst(%dma_wait3A_992 : memref<10000x128xf32, #tpu.memory_space<vmem_shared>>)
        } else {
        }
        %dma_start3A_805 = arith.constant 1 : i32
        %dma_start3A_806 = arith.constant 3 : i32
        %dma_start3A_807 = arith.constant 3 : i32
        %dma_start3A_808 = arith.constant 0 : i32
        %dma_start3A_809 = arith.constant 0 : i32
        %dma_start3A_810 = tpu.memref_slice %arg10[%dma_start3A_807, %dma_start3A_808, %dma_start3A_809] : memref<5x40x128xf32, #tpu.memory_space<vmem>> -> memref<1x40x128xf32, #tpu.memory_space<vmem>>
        %dma_start3A_811 = tpu.memref_squeeze %dma_start3A_810 : memref<1x40x128xf32, #tpu.memory_space<vmem>> -> memref<40x128xf32, #tpu.memory_space<vmem>>
        %dma_start3A_812 = arith.constant 0 : i32
        %dma_start3A_813 = tpu.memref_slice %arg8[%dma_start3A_805, %dma_start3A_806, %dma_start3A_812] : memref<2x5x40xi32, #tpu.memory_space<vmem>> -> memref<1x1x40xi32, #tpu.memory_space<vmem>>
        %dma_start3A_814 = tpu.memref_squeeze %dma_start3A_813 : memref<1x1x40xi32, #tpu.memory_space<vmem>> -> memref<40xi32, #tpu.memory_space<vmem>>
        %dma_start3A_815 = arith.constant 0 : i32
        %dma_start3A_816 = arith.constant 0 : i32
        %dma_start3A_817 = tpu.memref_slice %arg4[%dma_start3A_815, %dma_start3A_816] : memref<10000x128xf32, #tpu.memory_space<hbm>> -> memref<10000x128xf32, #tpu.memory_space<hbm>>
        tpu.enqueue_indirect_dma source(%dma_start3A_817 : memref<10000x128xf32, #tpu.memory_space<hbm>>) target(%dma_start3A_811 : memref<40x128xf32, #tpu.memory_space<vmem>>) offsets(%dma_start3A_814 : memref<40xi32, #tpu.memory_space<vmem>>) semaphore(%arg11 : memref<!tpu.dma_semaphore, #tpu.memory_space<semaphore_mem>>)
        %gt3A_818 = arith.constant 0 : i32
        %gt3A_819 = arith.cmpi sgt, %add3A_745, %gt3A_818 : i32
        %convert_element_type3A_820 = arith.extui %gt3A_819 : i1 to i32
        %cond3A_821 = arith.constant 0 : i32
        %cond3A_822 = arith.cmpi ne, %convert_element_type3A_820, %cond3A_821 : i32
        scf.if %cond3A_822 {
          %dma_wait3A_980 = arith.constant 4 : i32
          %dma_wait3A_981 = arith.constant 1 : i32
          %dma_wait3A_982 = arith.constant 4 : i32
          %dma_wait3A_983 = arith.constant 0 : i32
          %dma_wait3A_984 = arith.constant 0 : i32
          %dma_wait3A_985 = tpu.memref_slice %arg10[%dma_wait3A_980, %dma_wait3A_983, %dma_wait3A_984] : memref<5x40x128xf32, #tpu.memory_space<vmem>> -> memref<1x40x128xf32, #tpu.memory_space<vmem>>
          %dma_wait3A_986 = tpu.memref_squeeze %dma_wait3A_985 : memref<1x40x128xf32, #tpu.memory_space<vmem>> -> memref<40x128xf32, #tpu.memory_space<vmem>>
          %dma_wait3A_987 = arith.constant 0 : i32
          %dma_wait3A_988 = tpu.memref_slice %arg9[%dma_wait3A_981, %dma_wait3A_982, %dma_wait3A_987] : memref<2x5x40xi32, #tpu.memory_space<vmem>> -> memref<1x1x40xi32, #tpu.memory_space<vmem>>
          %dma_wait3A_989 = tpu.memref_squeeze %dma_wait3A_988 : memref<1x1x40xi32, #tpu.memory_space<vmem>> -> memref<40xi32, #tpu.memory_space<vmem>>
          %dma_wait3A_990 = arith.constant 0 : i32
          %dma_wait3A_991 = arith.constant 0 : i32
          %dma_wait3A_992 = tpu.memref_slice %arg7[%dma_wait3A_990, %dma_wait3A_991] : memref<10000x128xf32, #tpu.memory_space<vmem_shared>> -> memref<10000x128xf32, #tpu.memory_space<vmem_shared>>
          tpu.wait_indirect_dma semaphore(%arg12 : memref<!tpu.dma_semaphore, #tpu.memory_space<semaphore_mem>>) src(%dma_wait3A_986 : memref<40x128xf32, #tpu.memory_space<vmem>>) dst(%dma_wait3A_992 : memref<10000x128xf32, #tpu.memory_space<vmem_shared>>)
        } else {
        }
        %dma_start3A_823 = arith.constant 1 : i32
        %dma_start3A_824 = arith.constant 4 : i32
        %dma_start3A_825 = arith.constant 4 : i32
        %dma_start3A_826 = arith.constant 0 : i32
        %dma_start3A_827 = arith.constant 0 : i32
        %dma_start3A_828 = tpu.memref_slice %arg10[%dma_start3A_825, %dma_start3A_826, %dma_start3A_827] : memref<5x40x128xf32, #tpu.memory_space<vmem>> -> memref<1x40x128xf32, #tpu.memory_space<vmem>>
        %dma_start3A_829 = tpu.memref_squeeze %dma_start3A_828 : memref<1x40x128xf32, #tpu.memory_space<vmem>> -> memref<40x128xf32, #tpu.memory_space<vmem>>
        %dma_start3A_830 = arith.constant 0 : i32
        %dma_start3A_831 = tpu.memref_slice %arg8[%dma_start3A_823, %dma_start3A_824, %dma_start3A_830] : memref<2x5x40xi32, #tpu.memory_space<vmem>> -> memref<1x1x40xi32, #tpu.memory_space<vmem>>
        %dma_start3A_832 = tpu.memref_squeeze %dma_start3A_831 : memref<1x1x40xi32, #tpu.memory_space<vmem>> -> memref<40xi32, #tpu.memory_space<vmem>>
        %dma_start3A_833 = arith.constant 0 : i32
        %dma_start3A_834 = arith.constant 0 : i32
        %dma_start3A_835 = tpu.memref_slice %arg4[%dma_start3A_833, %dma_start3A_834] : memref<10000x128xf32, #tpu.memory_space<hbm>> -> memref<10000x128xf32, #tpu.memory_space<hbm>>
        tpu.enqueue_indirect_dma source(%dma_start3A_835 : memref<10000x128xf32, #tpu.memory_space<hbm>>) target(%dma_start3A_829 : memref<40x128xf32, #tpu.memory_space<vmem>>) offsets(%dma_start3A_832 : memref<40xi32, #tpu.memory_space<vmem>>) semaphore(%arg11 : memref<!tpu.dma_semaphore, #tpu.memory_space<semaphore_mem>>)
        %add3A_836 = arith.constant 1 : i32
        %add3A_837 = arith.addi %add3A_745, %add3A_836 : i32
        %lt3A_838 = arith.constant 50 : i32
        %lt3A_839 = arith.cmpi slt, %add3A_837, %lt3A_838 : i32
        %convert_element_type3A_840 = arith.extui %lt3A_839 : i1 to i32
        %cond3A_841 = arith.constant 0 : i32
        %cond3A_842 = arith.cmpi ne, %convert_element_type3A_840, %cond3A_841 : i32
        scf.if %cond3A_842 {
          %add3A_980 = arith.constant 1 : i32
          %add3A_981 = arith.addi %add3A_745, %add3A_980 : i32
          %dma_start3A_982 = arith.constant 0 : i32
          %dma_start3A_983 = arith.constant 0 : i32
          %dma_start3A_984 = arith.constant 0 : i32
          %dma_start3A_985 = tpu.memref_slice %arg8[%dma_start3A_982, %dma_start3A_983, %dma_start3A_984] : memref<2x5x40xi32, #tpu.memory_space<vmem>> -> memref<1x5x40xi32, #tpu.memory_space<vmem>>
          %dma_start3A_986 = tpu.memref_squeeze %dma_start3A_985 : memref<1x5x40xi32, #tpu.memory_space<vmem>> -> memref<5x40xi32, #tpu.memory_space<vmem>>
          %dma_start3A_987 = arith.constant 0 : i32
          %dma_start3A_988 = arith.constant 0 : i32
          %dma_start3A_989 = tpu.memref_slice %arg3[%arg1, %add3A_981, %dma_start3A_987, %dma_start3A_988] : memref<16x50x5x40xi32, #tpu.memory_space<hbm>> -> memref<1x1x5x40xi32, #tpu.memory_space<hbm>>
          %dma_start3A_990 = tpu.memref_squeeze %dma_start3A_989 : memref<1x1x5x40xi32, #tpu.memory_space<hbm>> -> memref<5x40xi32, #tpu.memory_space<hbm>>
          %dma_start3A_991 = arith.constant 0 : i32
          %dma_start3A_992 = arith.constant 0 : i32
          %dma_start3A_993 = tpu.memref_slice %arg8[%dma_start3A_982, %dma_start3A_991, %dma_start3A_992] : memref<2x5x40xi32, #tpu.memory_space<vmem>> -> memref<1x5x40xi32, #tpu.memory_space<vmem>>
          %dma_start3A_994 = tpu.memref_squeeze %dma_start3A_993 : memref<1x5x40xi32, #tpu.memory_space<vmem>> -> memref<5x40xi32, #tpu.memory_space<vmem>>
          %dma_start3A_995 = arith.constant 0 : i32
          %dma_start3A_996 = arith.constant 0 : i32
          %dma_start3A_997 = tpu.memref_slice %arg3[%arg1, %add3A_981, %dma_start3A_995, %dma_start3A_996] : memref<16x50x5x40xi32, #tpu.memory_space<hbm>> -> memref<1x1x5x40xi32, #tpu.memory_space<hbm>>
          %dma_start3A_998 = tpu.memref_squeeze %dma_start3A_997 : memref<1x1x5x40xi32, #tpu.memory_space<hbm>> -> memref<5x40xi32, #tpu.memory_space<hbm>>
          tpu.enqueue_dma source(%dma_start3A_998 : memref<5x40xi32, #tpu.memory_space<hbm>>) target(%dma_start3A_994 : memref<5x40xi32, #tpu.memory_space<vmem>>) target_semaphore(%arg13 : memref<!tpu.dma_semaphore, #tpu.memory_space<semaphore_mem>>)
          %add3A_999 = arith.constant 1 : i32
          %add3A_1000 = arith.addi %add3A_745, %add3A_999 : i32
          %dma_start3A_1001 = arith.constant 0 : i32
          %dma_start3A_1002 = arith.constant 0 : i32
          %dma_start3A_1003 = arith.constant 0 : i32
          %dma_start3A_1004 = tpu.memref_slice %arg9[%dma_start3A_1001, %dma_start3A_1002, %dma_start3A_1003] : memref<2x5x40xi32, #tpu.memory_space<vmem>> -> memref<1x5x40xi32, #tpu.memory_space<vmem>>
          %dma_start3A_1005 = tpu.memref_squeeze %dma_start3A_1004 : memref<1x5x40xi32, #tpu.memory_space<vmem>> -> memref<5x40xi32, #tpu.memory_space<vmem>>
          %dma_start3A_1006 = arith.constant 0 : i32
          %dma_start3A_1007 = arith.constant 0 : i32
          %dma_start3A_1008 = tpu.memref_slice %arg2[%arg1, %add3A_1000, %dma_start3A_1006, %dma_start3A_1007] : memref<16x50x5x40xi32, #tpu.memory_space<hbm>> -> memref<1x1x5x40xi32, #tpu.memory_space<hbm>>
          %dma_start3A_1009 = tpu.memref_squeeze %dma_start3A_1008 : memref<1x1x5x40xi32, #tpu.memory_space<hbm>> -> memref<5x40xi32, #tpu.memory_space<hbm>>
          %dma_start3A_1010 = arith.constant 0 : i32
          %dma_start3A_1011 = arith.constant 0 : i32
          %dma_start3A_1012 = tpu.memref_slice %arg9[%dma_start3A_1001, %dma_start3A_1010, %dma_start3A_1011] : memref<2x5x40xi32, #tpu.memory_space<vmem>> -> memref<1x5x40xi32, #tpu.memory_space<vmem>>
          %dma_start3A_1013 = tpu.memref_squeeze %dma_start3A_1012 : memref<1x5x40xi32, #tpu.memory_space<vmem>> -> memref<5x40xi32, #tpu.memory_space<vmem>>
          %dma_start3A_1014 = arith.constant 0 : i32
          %dma_start3A_1015 = arith.constant 0 : i32
          %dma_start3A_1016 = tpu.memref_slice %arg2[%arg1, %add3A_1000, %dma_start3A_1014, %dma_start3A_1015] : memref<16x50x5x40xi32, #tpu.memory_space<hbm>> -> memref<1x1x5x40xi32, #tpu.memory_space<hbm>>
          %dma_start3A_1017 = tpu.memref_squeeze %dma_start3A_1016 : memref<1x1x5x40xi32, #tpu.memory_space<hbm>> -> memref<5x40xi32, #tpu.memory_space<hbm>>
          tpu.enqueue_dma source(%dma_start3A_1017 : memref<5x40xi32, #tpu.memory_space<hbm>>) target(%dma_start3A_1013 : memref<5x40xi32, #tpu.memory_space<vmem>>) target_semaphore(%arg13 : memref<!tpu.dma_semaphore, #tpu.memory_space<semaphore_mem>>)
        } else {
        }
        %dma_wait3A_843 = arith.constant 1 : i32
        %dma_wait3A_844 = arith.constant 0 : i32
        %dma_wait3A_845 = arith.constant 0 : i32
        %dma_wait3A_846 = arith.constant 0 : i32
        %dma_wait3A_847 = arith.constant 0 : i32
        %dma_wait3A_848 = tpu.memref_slice %arg10[%dma_wait3A_845, %dma_wait3A_846, %dma_wait3A_847] : memref<5x40x128xf32, #tpu.memory_space<vmem>> -> memref<1x40x128xf32, #tpu.memory_space<vmem>>
        %dma_wait3A_849 = tpu.memref_squeeze %dma_wait3A_848 : memref<1x40x128xf32, #tpu.memory_space<vmem>> -> memref<40x128xf32, #tpu.memory_space<vmem>>
        %dma_wait3A_850 = arith.constant 0 : i32
        %dma_wait3A_851 = tpu.memref_slice %arg8[%dma_wait3A_843, %dma_wait3A_844, %dma_wait3A_850] : memref<2x5x40xi32, #tpu.memory_space<vmem>> -> memref<1x1x40xi32, #tpu.memory_space<vmem>>
        %dma_wait3A_852 = tpu.memref_squeeze %dma_wait3A_851 : memref<1x1x40xi32, #tpu.memory_space<vmem>> -> memref<40xi32, #tpu.memory_space<vmem>>
        %dma_wait3A_853 = arith.constant 0 : i32
        %dma_wait3A_854 = arith.constant 0 : i32
        %dma_wait3A_855 = tpu.memref_slice %arg4[%dma_wait3A_853, %dma_wait3A_854] : memref<10000x128xf32, #tpu.memory_space<hbm>> -> memref<10000x128xf32, #tpu.memory_space<hbm>>
        tpu.wait_indirect_dma semaphore(%arg11 : memref<!tpu.dma_semaphore, #tpu.memory_space<semaphore_mem>>) src(%dma_wait3A_855 : memref<10000x128xf32, #tpu.memory_space<hbm>>) dst(%dma_wait3A_849 : memref<40x128xf32, #tpu.memory_space<vmem>>)
        %dma_start3A_856 = arith.constant 0 : i32
        %dma_start3A_857 = arith.constant 1 : i32
        %dma_start3A_858 = arith.constant 0 : i32
        %dma_start3A_859 = arith.constant 0 : i32
        %dma_start3A_860 = arith.constant 0 : i32
        %dma_start3A_861 = tpu.memref_slice %arg10[%dma_start3A_856, %dma_start3A_859, %dma_start3A_860] : memref<5x40x128xf32, #tpu.memory_space<vmem>> -> memref<1x40x128xf32, #tpu.memory_space<vmem>>
        %dma_start3A_862 = tpu.memref_squeeze %dma_start3A_861 : memref<1x40x128xf32, #tpu.memory_space<vmem>> -> memref<40x128xf32, #tpu.memory_space<vmem>>
        %dma_start3A_863 = arith.constant 0 : i32
        %dma_start3A_864 = tpu.memref_slice %arg9[%dma_start3A_857, %dma_start3A_858, %dma_start3A_863] : memref<2x5x40xi32, #tpu.memory_space<vmem>> -> memref<1x1x40xi32, #tpu.memory_space<vmem>>
        %dma_start3A_865 = tpu.memref_squeeze %dma_start3A_864 : memref<1x1x40xi32, #tpu.memory_space<vmem>> -> memref<40xi32, #tpu.memory_space<vmem>>
        %dma_start3A_866 = arith.constant 0 : i32
        %dma_start3A_867 = arith.constant 0 : i32
        %dma_start3A_868 = tpu.memref_slice %arg7[%dma_start3A_866, %dma_start3A_867] : memref<10000x128xf32, #tpu.memory_space<vmem_shared>> -> memref<10000x128xf32, #tpu.memory_space<vmem_shared>>
        tpu.enqueue_indirect_dma source(%dma_start3A_862 : memref<40x128xf32, #tpu.memory_space<vmem>>) target(%dma_start3A_868 : memref<10000x128xf32, #tpu.memory_space<vmem_shared>>) offsets(%dma_start3A_865 : memref<40xi32, #tpu.memory_space<vmem>>) semaphore(%arg12 : memref<!tpu.dma_semaphore, #tpu.memory_space<semaphore_mem>>) {add = true}
        %dma_wait3A_869 = arith.constant 1 : i32
        %dma_wait3A_870 = arith.constant 1 : i32
        %dma_wait3A_871 = arith.constant 1 : i32
        %dma_wait3A_872 = arith.constant 0 : i32
        %dma_wait3A_873 = arith.constant 0 : i32
        %dma_wait3A_874 = tpu.memref_slice %arg10[%dma_wait3A_871, %dma_wait3A_872, %dma_wait3A_873] : memref<5x40x128xf32, #tpu.memory_space<vmem>> -> memref<1x40x128xf32, #tpu.memory_space<vmem>>
        %dma_wait3A_875 = tpu.memref_squeeze %dma_wait3A_874 : memref<1x40x128xf32, #tpu.memory_space<vmem>> -> memref<40x128xf32, #tpu.memory_space<vmem>>
        %dma_wait3A_876 = arith.constant 0 : i32
        %dma_wait3A_877 = tpu.memref_slice %arg8[%dma_wait3A_869, %dma_wait3A_870, %dma_wait3A_876] : memref<2x5x40xi32, #tpu.memory_space<vmem>> -> memref<1x1x40xi32, #tpu.memory_space<vmem>>
        %dma_wait3A_878 = tpu.memref_squeeze %dma_wait3A_877 : memref<1x1x40xi32, #tpu.memory_space<vmem>> -> memref<40xi32, #tpu.memory_space<vmem>>
        %dma_wait3A_879 = arith.constant 0 : i32
        %dma_wait3A_880 = arith.constant 0 : i32
        %dma_wait3A_881 = tpu.memref_slice %arg4[%dma_wait3A_879, %dma_wait3A_880] : memref<10000x128xf32, #tpu.memory_space<hbm>> -> memref<10000x128xf32, #tpu.memory_space<hbm>>
        tpu.wait_indirect_dma semaphore(%arg11 : memref<!tpu.dma_semaphore, #tpu.memory_space<semaphore_mem>>) src(%dma_wait3A_881 : memref<10000x128xf32, #tpu.memory_space<hbm>>) dst(%dma_wait3A_875 : memref<40x128xf32, #tpu.memory_space<vmem>>)
        %dma_start3A_882 = arith.constant 1 : i32
        %dma_start3A_883 = arith.constant 1 : i32
        %dma_start3A_884 = arith.constant 1 : i32
        %dma_start3A_885 = arith.constant 0 : i32
        %dma_start3A_886 = arith.constant 0 : i32
        %dma_start3A_887 = tpu.memref_slice %arg10[%dma_start3A_882, %dma_start3A_885, %dma_start3A_886] : memref<5x40x128xf32, #tpu.memory_space<vmem>> -> memref<1x40x128xf32, #tpu.memory_space<vmem>>
        %dma_start3A_888 = tpu.memref_squeeze %dma_start3A_887 : memref<1x40x128xf32, #tpu.memory_space<vmem>> -> memref<40x128xf32, #tpu.memory_space<vmem>>
        %dma_start3A_889 = arith.constant 0 : i32
        %dma_start3A_890 = tpu.memref_slice %arg9[%dma_start3A_883, %dma_start3A_884, %dma_start3A_889] : memref<2x5x40xi32, #tpu.memory_space<vmem>> -> memref<1x1x40xi32, #tpu.memory_space<vmem>>
        %dma_start3A_891 = tpu.memref_squeeze %dma_start3A_890 : memref<1x1x40xi32, #tpu.memory_space<vmem>> -> memref<40xi32, #tpu.memory_space<vmem>>
        %dma_start3A_892 = arith.constant 0 : i32
        %dma_start3A_893 = arith.constant 0 : i32
        %dma_start3A_894 = tpu.memref_slice %arg7[%dma_start3A_892, %dma_start3A_893] : memref<10000x128xf32, #tpu.memory_space<vmem_shared>> -> memref<10000x128xf32, #tpu.memory_space<vmem_shared>>
        tpu.enqueue_indirect_dma source(%dma_start3A_888 : memref<40x128xf32, #tpu.memory_space<vmem>>) target(%dma_start3A_894 : memref<10000x128xf32, #tpu.memory_space<vmem_shared>>) offsets(%dma_start3A_891 : memref<40xi32, #tpu.memory_space<vmem>>) semaphore(%arg12 : memref<!tpu.dma_semaphore, #tpu.memory_space<semaphore_mem>>) {add = true}
        %dma_wait3A_895 = arith.constant 1 : i32
        %dma_wait3A_896 = arith.constant 2 : i32
        %dma_wait3A_897 = arith.constant 2 : i32
        %dma_wait3A_898 = arith.constant 0 : i32
        %dma_wait3A_899 = arith.constant 0 : i32
        %dma_wait3A_900 = tpu.memref_slice %arg10[%dma_wait3A_897, %dma_wait3A_898, %dma_wait3A_899] : memref<5x40x128xf32, #tpu.memory_space<vmem>> -> memref<1x40x128xf32, #tpu.memory_space<vmem>>
        %dma_wait3A_901 = tpu.memref_squeeze %dma_wait3A_900 : memref<1x40x128xf32, #tpu.memory_space<vmem>> -> memref<40x128xf32, #tpu.memory_space<vmem>>
        %dma_wait3A_902 = arith.constant 0 : i32
        %dma_wait3A_903 = tpu.memref_slice %arg8[%dma_wait3A_895, %dma_wait3A_896, %dma_wait3A_902] : memref<2x5x40xi32, #tpu.memory_space<vmem>> -> memref<1x1x40xi32, #tpu.memory_space<vmem>>
        %dma_wait3A_904 = tpu.memref_squeeze %dma_wait3A_903 : memref<1x1x40xi32, #tpu.memory_space<vmem>> -> memref<40xi32, #tpu.memory_space<vmem>>
        %dma_wait3A_905 = arith.constant 0 : i32
        %dma_wait3A_906 = arith.constant 0 : i32
        %dma_wait3A_907 = tpu.memref_slice %arg4[%dma_wait3A_905, %dma_wait3A_906] : memref<10000x128xf32, #tpu.memory_space<hbm>> -> memref<10000x128xf32, #tpu.memory_space<hbm>>
        tpu.wait_indirect_dma semaphore(%arg11 : memref<!tpu.dma_semaphore, #tpu.memory_space<semaphore_mem>>) src(%dma_wait3A_907 : memref<10000x128xf32, #tpu.memory_space<hbm>>) dst(%dma_wait3A_901 : memref<40x128xf32, #tpu.memory_space<vmem>>)
        %dma_start3A_908 = arith.constant 2 : i32
        %dma_start3A_909 = arith.constant 1 : i32
        %dma_start3A_910 = arith.constant 2 : i32
        %dma_start3A_911 = arith.constant 0 : i32
        %dma_start3A_912 = arith.constant 0 : i32
        %dma_start3A_913 = tpu.memref_slice %arg10[%dma_start3A_908, %dma_start3A_911, %dma_start3A_912] : memref<5x40x128xf32, #tpu.memory_space<vmem>> -> memref<1x40x128xf32, #tpu.memory_space<vmem>>
        %dma_start3A_914 = tpu.memref_squeeze %dma_start3A_913 : memref<1x40x128xf32, #tpu.memory_space<vmem>> -> memref<40x128xf32, #tpu.memory_space<vmem>>
        %dma_start3A_915 = arith.constant 0 : i32
        %dma_start3A_916 = tpu.memref_slice %arg9[%dma_start3A_909, %dma_start3A_910, %dma_start3A_915] : memref<2x5x40xi32, #tpu.memory_space<vmem>> -> memref<1x1x40xi32, #tpu.memory_space<vmem>>
        %dma_start3A_917 = tpu.memref_squeeze %dma_start3A_916 : memref<1x1x40xi32, #tpu.memory_space<vmem>> -> memref<40xi32, #tpu.memory_space<vmem>>
        %dma_start3A_918 = arith.constant 0 : i32
        %dma_start3A_919 = arith.constant 0 : i32
        %dma_start3A_920 = tpu.memref_slice %arg7[%dma_start3A_918, %dma_start3A_919] : memref<10000x128xf32, #tpu.memory_space<vmem_shared>> -> memref<10000x128xf32, #tpu.memory_space<vmem_shared>>
        tpu.enqueue_indirect_dma source(%dma_start3A_914 : memref<40x128xf32, #tpu.memory_space<vmem>>) target(%dma_start3A_920 : memref<10000x128xf32, #tpu.memory_space<vmem_shared>>) offsets(%dma_start3A_917 : memref<40xi32, #tpu.memory_space<vmem>>) semaphore(%arg12 : memref<!tpu.dma_semaphore, #tpu.memory_space<semaphore_mem>>) {add = true}
        %dma_wait3A_921 = arith.constant 1 : i32
        %dma_wait3A_922 = arith.constant 3 : i32
        %dma_wait3A_923 = arith.constant 3 : i32
        %dma_wait3A_924 = arith.constant 0 : i32
        %dma_wait3A_925 = arith.constant 0 : i32
        %dma_wait3A_926 = tpu.memref_slice %arg10[%dma_wait3A_923, %dma_wait3A_924, %dma_wait3A_925] : memref<5x40x128xf32, #tpu.memory_space<vmem>> -> memref<1x40x128xf32, #tpu.memory_space<vmem>>
        %dma_wait3A_927 = tpu.memref_squeeze %dma_wait3A_926 : memref<1x40x128xf32, #tpu.memory_space<vmem>> -> memref<40x128xf32, #tpu.memory_space<vmem>>
        %dma_wait3A_928 = arith.constant 0 : i32
        %dma_wait3A_929 = tpu.memref_slice %arg8[%dma_wait3A_921, %dma_wait3A_922, %dma_wait3A_928] : memref<2x5x40xi32, #tpu.memory_space<vmem>> -> memref<1x1x40xi32, #tpu.memory_space<vmem>>
        %dma_wait3A_930 = tpu.memref_squeeze %dma_wait3A_929 : memref<1x1x40xi32, #tpu.memory_space<vmem>> -> memref<40xi32, #tpu.memory_space<vmem>>
        %dma_wait3A_931 = arith.constant 0 : i32
        %dma_wait3A_932 = arith.constant 0 : i32
        %dma_wait3A_933 = tpu.memref_slice %arg4[%dma_wait3A_931, %dma_wait3A_932] : memref<10000x128xf32, #tpu.memory_space<hbm>> -> memref<10000x128xf32, #tpu.memory_space<hbm>>
        tpu.wait_indirect_dma semaphore(%arg11 : memref<!tpu.dma_semaphore, #tpu.memory_space<semaphore_mem>>) src(%dma_wait3A_933 : memref<10000x128xf32, #tpu.memory_space<hbm>>) dst(%dma_wait3A_927 : memref<40x128xf32, #tpu.memory_space<vmem>>)
        %dma_start3A_934 = arith.constant 3 : i32
        %dma_start3A_935 = arith.constant 1 : i32
        %dma_start3A_936 = arith.constant 3 : i32
        %dma_start3A_937 = arith.constant 0 : i32
        %dma_start3A_938 = arith.constant 0 : i32
        %dma_start3A_939 = tpu.memref_slice %arg10[%dma_start3A_934, %dma_start3A_937, %dma_start3A_938] : memref<5x40x128xf32, #tpu.memory_space<vmem>> -> memref<1x40x128xf32, #tpu.memory_space<vmem>>
        %dma_start3A_940 = tpu.memref_squeeze %dma_start3A_939 : memref<1x40x128xf32, #tpu.memory_space<vmem>> -> memref<40x128xf32, #tpu.memory_space<vmem>>
        %dma_start3A_941 = arith.constant 0 : i32
        %dma_start3A_942 = tpu.memref_slice %arg9[%dma_start3A_935, %dma_start3A_936, %dma_start3A_941] : memref<2x5x40xi32, #tpu.memory_space<vmem>> -> memref<1x1x40xi32, #tpu.memory_space<vmem>>
        %dma_start3A_943 = tpu.memref_squeeze %dma_start3A_942 : memref<1x1x40xi32, #tpu.memory_space<vmem>> -> memref<40xi32, #tpu.memory_space<vmem>>
        %dma_start3A_944 = arith.constant 0 : i32
        %dma_start3A_945 = arith.constant 0 : i32
        %dma_start3A_946 = tpu.memref_slice %arg7[%dma_start3A_944, %dma_start3A_945] : memref<10000x128xf32, #tpu.memory_space<vmem_shared>> -> memref<10000x128xf32, #tpu.memory_space<vmem_shared>>
        tpu.enqueue_indirect_dma source(%dma_start3A_940 : memref<40x128xf32, #tpu.memory_space<vmem>>) target(%dma_start3A_946 : memref<10000x128xf32, #tpu.memory_space<vmem_shared>>) offsets(%dma_start3A_943 : memref<40xi32, #tpu.memory_space<vmem>>) semaphore(%arg12 : memref<!tpu.dma_semaphore, #tpu.memory_space<semaphore_mem>>) {add = true}
        %dma_wait3A_947 = arith.constant 1 : i32
        %dma_wait3A_948 = arith.constant 4 : i32
        %dma_wait3A_949 = arith.constant 4 : i32
        %dma_wait3A_950 = arith.constant 0 : i32
        %dma_wait3A_951 = arith.constant 0 : i32
        %dma_wait3A_952 = tpu.memref_slice %arg10[%dma_wait3A_949, %dma_wait3A_950, %dma_wait3A_951] : memref<5x40x128xf32, #tpu.memory_space<vmem>> -> memref<1x40x128xf32, #tpu.memory_space<vmem>>
        %dma_wait3A_953 = tpu.memref_squeeze %dma_wait3A_952 : memref<1x40x128xf32, #tpu.memory_space<vmem>> -> memref<40x128xf32, #tpu.memory_space<vmem>>
        %dma_wait3A_954 = arith.constant 0 : i32
        %dma_wait3A_955 = tpu.memref_slice %arg8[%dma_wait3A_947, %dma_wait3A_948, %dma_wait3A_954] : memref<2x5x40xi32, #tpu.memory_space<vmem>> -> memref<1x1x40xi32, #tpu.memory_space<vmem>>
        %dma_wait3A_956 = tpu.memref_squeeze %dma_wait3A_955 : memref<1x1x40xi32, #tpu.memory_space<vmem>> -> memref<40xi32, #tpu.memory_space<vmem>>
        %dma_wait3A_957 = arith.constant 0 : i32
        %dma_wait3A_958 = arith.constant 0 : i32
        %dma_wait3A_959 = tpu.memref_slice %arg4[%dma_wait3A_957, %dma_wait3A_958] : memref<10000x128xf32, #tpu.memory_space<hbm>> -> memref<10000x128xf32, #tpu.memory_space<hbm>>
        tpu.wait_indirect_dma semaphore(%arg11 : memref<!tpu.dma_semaphore, #tpu.memory_space<semaphore_mem>>) src(%dma_wait3A_959 : memref<10000x128xf32, #tpu.memory_space<hbm>>) dst(%dma_wait3A_953 : memref<40x128xf32, #tpu.memory_space<vmem>>)
        %dma_start3A_960 = arith.constant 4 : i32
        %dma_start3A_961 = arith.constant 1 : i32
        %dma_start3A_962 = arith.constant 4 : i32
        %dma_start3A_963 = arith.constant 0 : i32
        %dma_start3A_964 = arith.constant 0 : i32
        %dma_start3A_965 = tpu.memref_slice %arg10[%dma_start3A_960, %dma_start3A_963, %dma_start3A_964] : memref<5x40x128xf32, #tpu.memory_space<vmem>> -> memref<1x40x128xf32, #tpu.memory_space<vmem>>
        %dma_start3A_966 = tpu.memref_squeeze %dma_start3A_965 : memref<1x40x128xf32, #tpu.memory_space<vmem>> -> memref<40x128xf32, #tpu.memory_space<vmem>>
        %dma_start3A_967 = arith.constant 0 : i32
        %dma_start3A_968 = tpu.memref_slice %arg9[%dma_start3A_961, %dma_start3A_962, %dma_start3A_967] : memref<2x5x40xi32, #tpu.memory_space<vmem>> -> memref<1x1x40xi32, #tpu.memory_space<vmem>>
        %dma_start3A_969 = tpu.memref_squeeze %dma_start3A_968 : memref<1x1x40xi32, #tpu.memory_space<vmem>> -> memref<40xi32, #tpu.memory_space<vmem>>
        %dma_start3A_970 = arith.constant 0 : i32
        %dma_start3A_971 = arith.constant 0 : i32
        %dma_start3A_972 = tpu.memref_slice %arg7[%dma_start3A_970, %dma_start3A_971] : memref<10000x128xf32, #tpu.memory_space<vmem_shared>> -> memref<10000x128xf32, #tpu.memory_space<vmem_shared>>
        tpu.enqueue_indirect_dma source(%dma_start3A_966 : memref<40x128xf32, #tpu.memory_space<vmem>>) target(%dma_start3A_972 : memref<10000x128xf32, #tpu.memory_space<vmem_shared>>) offsets(%dma_start3A_969 : memref<40xi32, #tpu.memory_space<vmem>>) semaphore(%arg12 : memref<!tpu.dma_semaphore, #tpu.memory_space<semaphore_mem>>) {add = true}
        %add3A_973 = arith.constant 1 : i32
        %add3A_974 = arith.addi %add3A_745, %add3A_973 : i32
        %lt3A_975 = arith.constant 50 : i32
        %lt3A_976 = arith.cmpi slt, %add3A_974, %lt3A_975 : i32
        %convert_element_type3A_977 = arith.extui %lt3A_976 : i1 to i32
        %cond3A_978 = arith.constant 0 : i32
        %cond3A_979 = arith.cmpi ne, %convert_element_type3A_977, %cond3A_978 : i32
        scf.if %cond3A_979 {
          %add3A_980 = arith.constant 1 : i32
          %add3A_981 = arith.addi %add3A_745, %add3A_980 : i32
          %dma_wait3A_982 = arith.constant 0 : i32
          %dma_wait3A_983 = arith.constant 0 : i32
          %dma_wait3A_984 = arith.constant 0 : i32
          %dma_wait3A_985 = tpu.memref_slice %arg8[%dma_wait3A_982, %dma_wait3A_983, %dma_wait3A_984] : memref<2x5x40xi32, #tpu.memory_space<vmem>> -> memref<1x5x40xi32, #tpu.memory_space<vmem>>
          %dma_wait3A_986 = tpu.memref_squeeze %dma_wait3A_985 : memref<1x5x40xi32, #tpu.memory_space<vmem>> -> memref<5x40xi32, #tpu.memory_space<vmem>>
          %dma_wait3A_987 = arith.constant 0 : i32
          %dma_wait3A_988 = arith.constant 0 : i32
          %dma_wait3A_989 = tpu.memref_slice %arg3[%arg1, %add3A_981, %dma_wait3A_987, %dma_wait3A_988] : memref<16x50x5x40xi32, #tpu.memory_space<hbm>> -> memref<1x1x5x40xi32, #tpu.memory_space<hbm>>
          %dma_wait3A_990 = tpu.memref_squeeze %dma_wait3A_989 : memref<1x1x5x40xi32, #tpu.memory_space<hbm>> -> memref<5x40xi32, #tpu.memory_space<hbm>>
          %dma_wait3A_991 = arith.constant 0 : i32
          %dma_wait3A_992 = arith.constant 0 : i32
          %dma_wait3A_993 = tpu.memref_slice %arg8[%dma_wait3A_982, %dma_wait3A_991, %dma_wait3A_992] : memref<2x5x40xi32, #tpu.memory_space<vmem>> -> memref<1x5x40xi32, #tpu.memory_space<vmem>>
          %dma_wait3A_994 = tpu.memref_squeeze %dma_wait3A_993 : memref<1x5x40xi32, #tpu.memory_space<vmem>> -> memref<5x40xi32, #tpu.memory_space<vmem>>
          %dma_wait3A_995 = arith.constant 0 : i32
          %dma_wait3A_996 = arith.constant 0 : i32
          %dma_wait3A_997 = tpu.memref_slice %arg3[%arg1, %add3A_981, %dma_wait3A_995, %dma_wait3A_996] : memref<16x50x5x40xi32, #tpu.memory_space<hbm>> -> memref<1x1x5x40xi32, #tpu.memory_space<hbm>>
          %dma_wait3A_998 = tpu.memref_squeeze %dma_wait3A_997 : memref<1x1x5x40xi32, #tpu.memory_space<hbm>> -> memref<5x40xi32, #tpu.memory_space<hbm>>
          tpu.wait_dma2 semaphore(%arg13 : memref<!tpu.dma_semaphore, #tpu.memory_space<semaphore_mem>>) src(%dma_wait3A_998 : memref<5x40xi32, #tpu.memory_space<hbm>>) dst(%dma_wait3A_994 : memref<5x40xi32, #tpu.memory_space<vmem>>)
          %add3A_999 = arith.constant 1 : i32
          %add3A_1000 = arith.addi %add3A_745, %add3A_999 : i32
          %dma_wait3A_1001 = arith.constant 0 : i32
          %dma_wait3A_1002 = arith.constant 0 : i32
          %dma_wait3A_1003 = arith.constant 0 : i32
          %dma_wait3A_1004 = tpu.memref_slice %arg9[%dma_wait3A_1001, %dma_wait3A_1002, %dma_wait3A_1003] : memref<2x5x40xi32, #tpu.memory_space<vmem>> -> memref<1x5x40xi32, #tpu.memory_space<vmem>>
          %dma_wait3A_1005 = tpu.memref_squeeze %dma_wait3A_1004 : memref<1x5x40xi32, #tpu.memory_space<vmem>> -> memref<5x40xi32, #tpu.memory_space<vmem>>
          %dma_wait3A_1006 = arith.constant 0 : i32
          %dma_wait3A_1007 = arith.constant 0 : i32
          %dma_wait3A_1008 = tpu.memref_slice %arg2[%arg1, %add3A_1000, %dma_wait3A_1006, %dma_wait3A_1007] : memref<16x50x5x40xi32, #tpu.memory_space<hbm>> -> memref<1x1x5x40xi32, #tpu.memory_space<hbm>>
          %dma_wait3A_1009 = tpu.memref_squeeze %dma_wait3A_1008 : memref<1x1x5x40xi32, #tpu.memory_space<hbm>> -> memref<5x40xi32, #tpu.memory_space<hbm>>
          %dma_wait3A_1010 = arith.constant 0 : i32
          %dma_wait3A_1011 = arith.constant 0 : i32
          %dma_wait3A_1012 = tpu.memref_slice %arg9[%dma_wait3A_1001, %dma_wait3A_1010, %dma_wait3A_1011] : memref<2x5x40xi32, #tpu.memory_space<vmem>> -> memref<1x5x40xi32, #tpu.memory_space<vmem>>
          %dma_wait3A_1013 = tpu.memref_squeeze %dma_wait3A_1012 : memref<1x5x40xi32, #tpu.memory_space<vmem>> -> memref<5x40xi32, #tpu.memory_space<vmem>>
          %dma_wait3A_1014 = arith.constant 0 : i32
          %dma_wait3A_1015 = arith.constant 0 : i32
          %dma_wait3A_1016 = tpu.memref_slice %arg2[%arg1, %add3A_1000, %dma_wait3A_1014, %dma_wait3A_1015] : memref<16x50x5x40xi32, #tpu.memory_space<hbm>> -> memref<1x1x5x40xi32, #tpu.memory_space<hbm>>
          %dma_wait3A_1017 = tpu.memref_squeeze %dma_wait3A_1016 : memref<1x1x5x40xi32, #tpu.memory_space<hbm>> -> memref<5x40xi32, #tpu.memory_space<hbm>>
          tpu.wait_dma2 semaphore(%arg13 : memref<!tpu.dma_semaphore, #tpu.memory_space<semaphore_mem>>) src(%dma_wait3A_1017 : memref<5x40xi32, #tpu.memory_space<hbm>>) dst(%dma_wait3A_1013 : memref<5x40xi32, #tpu.memory_space<vmem>>)
        } else {
        }
      }
      %scan3A_439 = arith.constant 25 : i32
      %dma_wait3A_440 = arith.constant 0 : i32
      %dma_wait3A_441 = arith.constant 1 : i32
      %dma_wait3A_442 = arith.constant 0 : i32
      %dma_wait3A_443 = arith.constant 0 : i32
      %dma_wait3A_444 = arith.constant 0 : i32
      %dma_wait3A_445 = tpu.memref_slice %arg10[%dma_wait3A_440, %dma_wait3A_443, %dma_wait3A_444] : memref<5x40x128xf32, #tpu.memory_space<vmem>> -> memref<1x40x128xf32, #tpu.memory_space<vmem>>
      %dma_wait3A_446 = tpu.memref_squeeze %dma_wait3A_445 : memref<1x40x128xf32, #tpu.memory_space<vmem>> -> memref<40x128xf32, #tpu.memory_space<vmem>>
      %dma_wait3A_447 = arith.constant 0 : i32
      %dma_wait3A_448 = tpu.memref_slice %arg9[%dma_wait3A_441, %dma_wait3A_442, %dma_wait3A_447] : memref<2x5x40xi32, #tpu.memory_space<vmem>> -> memref<1x1x40xi32, #tpu.memory_space<vmem>>
      %dma_wait3A_449 = tpu.memref_squeeze %dma_wait3A_448 : memref<1x1x40xi32, #tpu.memory_space<vmem>> -> memref<40xi32, #tpu.memory_space<vmem>>
      %dma_wait3A_450 = arith.constant 0 : i32
      %dma_wait3A_451 = arith.constant 0 : i32
      %dma_wait3A_452 = tpu.memref_slice %arg7[%dma_wait3A_450, %dma_wait3A_451] : memref<10000x128xf32, #tpu.memory_space<vmem_shared>> -> memref<10000x128xf32, #tpu.memory_space<vmem_shared>>
      tpu.wait_indirect_dma semaphore(%arg12 : memref<!tpu.dma_semaphore, #tpu.memory_space<semaphore_mem>>) src(%dma_wait3A_446 : memref<40x128xf32, #tpu.memory_space<vmem>>) dst(%dma_wait3A_452 : memref<10000x128xf32, #tpu.memory_space<vmem_shared>>)
      %dma_wait3A_453 = arith.constant 1 : i32
      %dma_wait3A_454 = arith.constant 1 : i32
      %dma_wait3A_455 = arith.constant 1 : i32
      %dma_wait3A_456 = arith.constant 0 : i32
      %dma_wait3A_457 = arith.constant 0 : i32
      %dma_wait3A_458 = tpu.memref_slice %arg10[%dma_wait3A_453, %dma_wait3A_456, %dma_wait3A_457] : memref<5x40x128xf32, #tpu.memory_space<vmem>> -> memref<1x40x128xf32, #tpu.memory_space<vmem>>
      %dma_wait3A_459 = tpu.memref_squeeze %dma_wait3A_458 : memref<1x40x128xf32, #tpu.memory_space<vmem>> -> memref<40x128xf32, #tpu.memory_space<vmem>>
      %dma_wait3A_460 = arith.constant 0 : i32
      %dma_wait3A_461 = tpu.memref_slice %arg9[%dma_wait3A_454, %dma_wait3A_455, %dma_wait3A_460] : memref<2x5x40xi32, #tpu.memory_space<vmem>> -> memref<1x1x40xi32, #tpu.memory_space<vmem>>
      %dma_wait3A_462 = tpu.memref_squeeze %dma_wait3A_461 : memref<1x1x40xi32, #tpu.memory_space<vmem>> -> memref<40xi32, #tpu.memory_space<vmem>>
      %dma_wait3A_463 = arith.constant 0 : i32
      %dma_wait3A_464 = arith.constant 0 : i32
      %dma_wait3A_465 = tpu.memref_slice %arg7[%dma_wait3A_463, %dma_wait3A_464] : memref<10000x128xf32, #tpu.memory_space<vmem_shared>> -> memref<10000x128xf32, #tpu.memory_space<vmem_shared>>
      tpu.wait_indirect_dma semaphore(%arg12 : memref<!tpu.dma_semaphore, #tpu.memory_space<semaphore_mem>>) src(%dma_wait3A_459 : memref<40x128xf32, #tpu.memory_space<vmem>>) dst(%dma_wait3A_465 : memref<10000x128xf32, #tpu.memory_space<vmem_shared>>)
      %dma_wait3A_466 = arith.constant 2 : i32
      %dma_wait3A_467 = arith.constant 1 : i32
      %dma_wait3A_468 = arith.constant 2 : i32
      %dma_wait3A_469 = arith.constant 0 : i32
      %dma_wait3A_470 = arith.constant 0 : i32
      %dma_wait3A_471 = tpu.memref_slice %arg10[%dma_wait3A_466, %dma_wait3A_469, %dma_wait3A_470] : memref<5x40x128xf32, #tpu.memory_space<vmem>> -> memref<1x40x128xf32, #tpu.memory_space<vmem>>
      %dma_wait3A_472 = tpu.memref_squeeze %dma_wait3A_471 : memref<1x40x128xf32, #tpu.memory_space<vmem>> -> memref<40x128xf32, #tpu.memory_space<vmem>>
      %dma_wait3A_473 = arith.constant 0 : i32
      %dma_wait3A_474 = tpu.memref_slice %arg9[%dma_wait3A_467, %dma_wait3A_468, %dma_wait3A_473] : memref<2x5x40xi32, #tpu.memory_space<vmem>> -> memref<1x1x40xi32, #tpu.memory_space<vmem>>
      %dma_wait3A_475 = tpu.memref_squeeze %dma_wait3A_474 : memref<1x1x40xi32, #tpu.memory_space<vmem>> -> memref<40xi32, #tpu.memory_space<vmem>>
      %dma_wait3A_476 = arith.constant 0 : i32
      %dma_wait3A_477 = arith.constant 0 : i32
      %dma_wait3A_478 = tpu.memref_slice %arg7[%dma_wait3A_476, %dma_wait3A_477] : memref<10000x128xf32, #tpu.memory_space<vmem_shared>> -> memref<10000x128xf32, #tpu.memory_space<vmem_shared>>
      tpu.wait_indirect_dma semaphore(%arg12 : memref<!tpu.dma_semaphore, #tpu.memory_space<semaphore_mem>>) src(%dma_wait3A_472 : memref<40x128xf32, #tpu.memory_space<vmem>>) dst(%dma_wait3A_478 : memref<10000x128xf32, #tpu.memory_space<vmem_shared>>)
      %dma_wait3A_479 = arith.constant 3 : i32
      %dma_wait3A_480 = arith.constant 1 : i32
      %dma_wait3A_481 = arith.constant 3 : i32
      %dma_wait3A_482 = arith.constant 0 : i32
      %dma_wait3A_483 = arith.constant 0 : i32
      %dma_wait3A_484 = tpu.memref_slice %arg10[%dma_wait3A_479, %dma_wait3A_482, %dma_wait3A_483] : memref<5x40x128xf32, #tpu.memory_space<vmem>> -> memref<1x40x128xf32, #tpu.memory_space<vmem>>
      %dma_wait3A_485 = tpu.memref_squeeze %dma_wait3A_484 : memref<1x40x128xf32, #tpu.memory_space<vmem>> -> memref<40x128xf32, #tpu.memory_space<vmem>>
      %dma_wait3A_486 = arith.constant 0 : i32
      %dma_wait3A_487 = tpu.memref_slice %arg9[%dma_wait3A_480, %dma_wait3A_481, %dma_wait3A_486] : memref<2x5x40xi32, #tpu.memory_space<vmem>> -> memref<1x1x40xi32, #tpu.memory_space<vmem>>
      %dma_wait3A_488 = tpu.memref_squeeze %dma_wait3A_487 : memref<1x1x40xi32, #tpu.memory_space<vmem>> -> memref<40xi32, #tpu.memory_space<vmem>>
      %dma_wait3A_489 = arith.constant 0 : i32
      %dma_wait3A_490 = arith.constant 0 : i32
      %dma_wait3A_491 = tpu.memref_slice %arg7[%dma_wait3A_489, %dma_wait3A_490] : memref<10000x128xf32, #tpu.memory_space<vmem_shared>> -> memref<10000x128xf32, #tpu.memory_space<vmem_shared>>
      tpu.wait_indirect_dma semaphore(%arg12 : memref<!tpu.dma_semaphore, #tpu.memory_space<semaphore_mem>>) src(%dma_wait3A_485 : memref<40x128xf32, #tpu.memory_space<vmem>>) dst(%dma_wait3A_491 : memref<10000x128xf32, #tpu.memory_space<vmem_shared>>)
      %dma_wait3A_492 = arith.constant 4 : i32
      %dma_wait3A_493 = arith.constant 1 : i32
      %dma_wait3A_494 = arith.constant 4 : i32
      %dma_wait3A_495 = arith.constant 0 : i32
      %dma_wait3A_496 = arith.constant 0 : i32
      %dma_wait3A_497 = tpu.memref_slice %arg10[%dma_wait3A_492, %dma_wait3A_495, %dma_wait3A_496] : memref<5x40x128xf32, #tpu.memory_space<vmem>> -> memref<1x40x128xf32, #tpu.memory_space<vmem>>
      %dma_wait3A_498 = tpu.memref_squeeze %dma_wait3A_497 : memref<1x40x128xf32, #tpu.memory_space<vmem>> -> memref<40x128xf32, #tpu.memory_space<vmem>>
      %dma_wait3A_499 = arith.constant 0 : i32
      %dma_wait3A_500 = tpu.memref_slice %arg9[%dma_wait3A_493, %dma_wait3A_494, %dma_wait3A_499] : memref<2x5x40xi32, #tpu.memory_space<vmem>> -> memref<1x1x40xi32, #tpu.memory_space<vmem>>
      %dma_wait3A_501 = tpu.memref_squeeze %dma_wait3A_500 : memref<1x1x40xi32, #tpu.memory_space<vmem>> -> memref<40xi32, #tpu.memory_space<vmem>>
      %dma_wait3A_502 = arith.constant 0 : i32
      %dma_wait3A_503 = arith.constant 0 : i32
      %dma_wait3A_504 = tpu.memref_slice %arg7[%dma_wait3A_502, %dma_wait3A_503] : memref<10000x128xf32, #tpu.memory_space<vmem_shared>> -> memref<10000x128xf32, #tpu.memory_space<vmem_shared>>
      tpu.wait_indirect_dma semaphore(%arg12 : memref<!tpu.dma_semaphore, #tpu.memory_space<semaphore_mem>>) src(%dma_wait3A_498 : memref<40x128xf32, #tpu.memory_space<vmem>>) dst(%dma_wait3A_504 : memref<10000x128xf32, #tpu.memory_space<vmem_shared>>)
    } else {
    }
    %eq3A_230 = arith.constant 1 : i32
    %eq3A_231 = arith.cmpi eq, %arg0, %eq3A_230 : i32
    %convert_element_type3A_232 = arith.extui %eq3A_231 : i1 to i32
    %cond3A_233 = arith.constant 0 : i32
    %cond3A_234 = arith.cmpi ne, %convert_element_type3A_232, %cond3A_233 : i32
    scf.if %cond3A_234 {
      %run_scoped3A = arith.constant 0 : i32
      %run_scoped3A_431 = arith.constant 0 : i32
      "tpu.region"() ({
        %run_scoped3A_505 = tpu.sem_alloc : memref<!tpu.dma_semaphore, #tpu.memory_space<semaphore_mem>>
        %dma_start3A = arith.constant 0 : i32
        %dma_start3A_506 = arith.constant 0 : i32
        %dma_start3A_507 = tpu.memref_slice %arg8[%run_scoped3A_431, %dma_start3A, %dma_start3A_506] : memref<2x5x40xi32, #tpu.memory_space<vmem>> -> memref<1x5x40xi32, #tpu.memory_space<vmem>>
        %dma_start3A_508 = tpu.memref_squeeze %dma_start3A_507 : memref<1x5x40xi32, #tpu.memory_space<vmem>> -> memref<5x40xi32, #tpu.memory_space<vmem>>
        %dma_start3A_509 = arith.constant 0 : i32
        %dma_start3A_510 = arith.constant 0 : i32
        %dma_start3A_511 = tpu.memref_slice %arg3[%arg1, %run_scoped3A, %dma_start3A_509, %dma_start3A_510] : memref<16x50x5x40xi32, #tpu.memory_space<hbm>> -> memref<1x1x5x40xi32, #tpu.memory_space<hbm>>
        %dma_start3A_512 = tpu.memref_squeeze %dma_start3A_511 : memref<1x1x5x40xi32, #tpu.memory_space<hbm>> -> memref<5x40xi32, #tpu.memory_space<hbm>>
        %dma_start3A_513 = arith.constant 0 : i32
        %dma_start3A_514 = arith.constant 0 : i32
        %dma_start3A_515 = tpu.memref_slice %arg8[%run_scoped3A_431, %dma_start3A_513, %dma_start3A_514] : memref<2x5x40xi32, #tpu.memory_space<vmem>> -> memref<1x5x40xi32, #tpu.memory_space<vmem>>
        %dma_start3A_516 = tpu.memref_squeeze %dma_start3A_515 : memref<1x5x40xi32, #tpu.memory_space<vmem>> -> memref<5x40xi32, #tpu.memory_space<vmem>>
        %dma_start3A_517 = arith.constant 0 : i32
        %dma_start3A_518 = arith.constant 0 : i32
        %dma_start3A_519 = tpu.memref_slice %arg3[%arg1, %run_scoped3A, %dma_start3A_517, %dma_start3A_518] : memref<16x50x5x40xi32, #tpu.memory_space<hbm>> -> memref<1x1x5x40xi32, #tpu.memory_space<hbm>>
        %dma_start3A_520 = tpu.memref_squeeze %dma_start3A_519 : memref<1x1x5x40xi32, #tpu.memory_space<hbm>> -> memref<5x40xi32, #tpu.memory_space<hbm>>
        tpu.enqueue_dma source(%dma_start3A_520 : memref<5x40xi32, #tpu.memory_space<hbm>>) target(%dma_start3A_516 : memref<5x40xi32, #tpu.memory_space<vmem>>) target_semaphore(%run_scoped3A_505 : memref<!tpu.dma_semaphore, #tpu.memory_space<semaphore_mem>>)
        %dma_wait3A_521 = arith.constant 0 : i32
        %dma_wait3A_522 = arith.constant 0 : i32
        %dma_wait3A_523 = tpu.memref_slice %arg8[%run_scoped3A_431, %dma_wait3A_521, %dma_wait3A_522] : memref<2x5x40xi32, #tpu.memory_space<vmem>> -> memref<1x5x40xi32, #tpu.memory_space<vmem>>
        %dma_wait3A_524 = tpu.memref_squeeze %dma_wait3A_523 : memref<1x5x40xi32, #tpu.memory_space<vmem>> -> memref<5x40xi32, #tpu.memory_space<vmem>>
        %dma_wait3A_525 = arith.constant 0 : i32
        %dma_wait3A_526 = arith.constant 0 : i32
        %dma_wait3A_527 = tpu.memref_slice %arg3[%arg1, %run_scoped3A, %dma_wait3A_525, %dma_wait3A_526] : memref<16x50x5x40xi32, #tpu.memory_space<hbm>> -> memref<1x1x5x40xi32, #tpu.memory_space<hbm>>
        %dma_wait3A_528 = tpu.memref_squeeze %dma_wait3A_527 : memref<1x1x5x40xi32, #tpu.memory_space<hbm>> -> memref<5x40xi32, #tpu.memory_space<hbm>>
        %dma_wait3A_529 = arith.constant 0 : i32
        %dma_wait3A_530 = arith.constant 0 : i32
        %dma_wait3A_531 = tpu.memref_slice %arg8[%run_scoped3A_431, %dma_wait3A_529, %dma_wait3A_530] : memref<2x5x40xi32, #tpu.memory_space<vmem>> -> memref<1x5x40xi32, #tpu.memory_space<vmem>>
        %dma_wait3A_532 = tpu.memref_squeeze %dma_wait3A_531 : memref<1x5x40xi32, #tpu.memory_space<vmem>> -> memref<5x40xi32, #tpu.memory_space<vmem>>
        %dma_wait3A_533 = arith.constant 0 : i32
        %dma_wait3A_534 = arith.constant 0 : i32
        %dma_wait3A_535 = tpu.memref_slice %arg3[%arg1, %run_scoped3A, %dma_wait3A_533, %dma_wait3A_534] : memref<16x50x5x40xi32, #tpu.memory_space<hbm>> -> memref<1x1x5x40xi32, #tpu.memory_space<hbm>>
        %dma_wait3A_536 = tpu.memref_squeeze %dma_wait3A_535 : memref<1x1x5x40xi32, #tpu.memory_space<hbm>> -> memref<5x40xi32, #tpu.memory_space<hbm>>
        tpu.wait_dma2 semaphore(%run_scoped3A_505 : memref<!tpu.dma_semaphore, #tpu.memory_space<semaphore_mem>>) src(%dma_wait3A_536 : memref<5x40xi32, #tpu.memory_space<hbm>>) dst(%dma_wait3A_532 : memref<5x40xi32, #tpu.memory_space<vmem>>)
        tpu.yield
      }) : () -> ()
      %run_scoped3A_432 = arith.constant 0 : i32
      %run_scoped3A_433 = arith.constant 0 : i32
      "tpu.region"() ({
        %run_scoped3A_505 = tpu.sem_alloc : memref<!tpu.dma_semaphore, #tpu.memory_space<semaphore_mem>>
        %dma_start3A = arith.constant 0 : i32
        %dma_start3A_506 = arith.constant 0 : i32
        %dma_start3A_507 = tpu.memref_slice %arg9[%run_scoped3A_433, %dma_start3A, %dma_start3A_506] : memref<2x5x40xi32, #tpu.memory_space<vmem>> -> memref<1x5x40xi32, #tpu.memory_space<vmem>>
        %dma_start3A_508 = tpu.memref_squeeze %dma_start3A_507 : memref<1x5x40xi32, #tpu.memory_space<vmem>> -> memref<5x40xi32, #tpu.memory_space<vmem>>
        %dma_start3A_509 = arith.constant 0 : i32
        %dma_start3A_510 = arith.constant 0 : i32
        %dma_start3A_511 = tpu.memref_slice %arg2[%arg1, %run_scoped3A_432, %dma_start3A_509, %dma_start3A_510] : memref<16x50x5x40xi32, #tpu.memory_space<hbm>> -> memref<1x1x5x40xi32, #tpu.memory_space<hbm>>
        %dma_start3A_512 = tpu.memref_squeeze %dma_start3A_511 : memref<1x1x5x40xi32, #tpu.memory_space<hbm>> -> memref<5x40xi32, #tpu.memory_space<hbm>>
        %dma_start3A_513 = arith.constant 0 : i32
        %dma_start3A_514 = arith.constant 0 : i32
        %dma_start3A_515 = tpu.memref_slice %arg9[%run_scoped3A_433, %dma_start3A_513, %dma_start3A_514] : memref<2x5x40xi32, #tpu.memory_space<vmem>> -> memref<1x5x40xi32, #tpu.memory_space<vmem>>
        %dma_start3A_516 = tpu.memref_squeeze %dma_start3A_515 : memref<1x5x40xi32, #tpu.memory_space<vmem>> -> memref<5x40xi32, #tpu.memory_space<vmem>>
        %dma_start3A_517 = arith.constant 0 : i32
        %dma_start3A_518 = arith.constant 0 : i32
        %dma_start3A_519 = tpu.memref_slice %arg2[%arg1, %run_scoped3A_432, %dma_start3A_517, %dma_start3A_518] : memref<16x50x5x40xi32, #tpu.memory_space<hbm>> -> memref<1x1x5x40xi32, #tpu.memory_space<hbm>>
        %dma_start3A_520 = tpu.memref_squeeze %dma_start3A_519 : memref<1x1x5x40xi32, #tpu.memory_space<hbm>> -> memref<5x40xi32, #tpu.memory_space<hbm>>
        tpu.enqueue_dma source(%dma_start3A_520 : memref<5x40xi32, #tpu.memory_space<hbm>>) target(%dma_start3A_516 : memref<5x40xi32, #tpu.memory_space<vmem>>) target_semaphore(%run_scoped3A_505 : memref<!tpu.dma_semaphore, #tpu.memory_space<semaphore_mem>>)
        %dma_wait3A_521 = arith.constant 0 : i32
        %dma_wait3A_522 = arith.constant 0 : i32
        %dma_wait3A_523 = tpu.memref_slice %arg9[%run_scoped3A_433, %dma_wait3A_521, %dma_wait3A_522] : memref<2x5x40xi32, #tpu.memory_space<vmem>> -> memref<1x5x40xi32, #tpu.memory_space<vmem>>
        %dma_wait3A_524 = tpu.memref_squeeze %dma_wait3A_523 : memref<1x5x40xi32, #tpu.memory_space<vmem>> -> memref<5x40xi32, #tpu.memory_space<vmem>>
        %dma_wait3A_525 = arith.constant 0 : i32
        %dma_wait3A_526 = arith.constant 0 : i32
        %dma_wait3A_527 = tpu.memref_slice %arg2[%arg1, %run_scoped3A_432, %dma_wait3A_525, %dma_wait3A_526] : memref<16x50x5x40xi32, #tpu.memory_space<hbm>> -> memref<1x1x5x40xi32, #tpu.memory_space<hbm>>
        %dma_wait3A_528 = tpu.memref_squeeze %dma_wait3A_527 : memref<1x1x5x40xi32, #tpu.memory_space<hbm>> -> memref<5x40xi32, #tpu.memory_space<hbm>>
        %dma_wait3A_529 = arith.constant 0 : i32
        %dma_wait3A_530 = arith.constant 0 : i32
        %dma_wait3A_531 = tpu.memref_slice %arg9[%run_scoped3A_433, %dma_wait3A_529, %dma_wait3A_530] : memref<2x5x40xi32, #tpu.memory_space<vmem>> -> memref<1x5x40xi32, #tpu.memory_space<vmem>>
        %dma_wait3A_532 = tpu.memref_squeeze %dma_wait3A_531 : memref<1x5x40xi32, #tpu.memory_space<vmem>> -> memref<5x40xi32, #tpu.memory_space<vmem>>
        %dma_wait3A_533 = arith.constant 0 : i32
        %dma_wait3A_534 = arith.constant 0 : i32
        %dma_wait3A_535 = tpu.memref_slice %arg2[%arg1, %run_scoped3A_432, %dma_wait3A_533, %dma_wait3A_534] : memref<16x50x5x40xi32, #tpu.memory_space<hbm>> -> memref<1x1x5x40xi32, #tpu.memory_space<hbm>>
        %dma_wait3A_536 = tpu.memref_squeeze %dma_wait3A_535 : memref<1x1x5x40xi32, #tpu.memory_space<hbm>> -> memref<5x40xi32, #tpu.memory_space<hbm>>
        tpu.wait_dma2 semaphore(%run_scoped3A_505 : memref<!tpu.dma_semaphore, #tpu.memory_space<semaphore_mem>>) src(%dma_wait3A_536 : memref<5x40xi32, #tpu.memory_space<hbm>>) dst(%dma_wait3A_532 : memref<5x40xi32, #tpu.memory_space<vmem>>)
        tpu.yield
      }) : () -> ()
      %scan3A_434 = arith.constant 0 : i32
      %scan3A_435 = arith.constant 0 : i32
      %scan3A_436 = arith.constant 25 : i32
      %scan3A_437 = arith.addi %scan3A_435, %scan3A_436 : i32
      %scan3A_438 = arith.constant 1 : i32
      scf.for %scan3A_505 = %scan3A_435 to %scan3A_437 step %scan3A_438  : i32 {
        %mul3A_506 = arith.constant 2 : i32
        %mul3A_507 = arith.muli %scan3A_505, %mul3A_506 : i32
        %add3A_508 = arith.constant 0 : i32
        %add3A_509 = arith.addi %mul3A_507, %add3A_508 : i32
        %gt3A = arith.constant 0 : i32
        %gt3A_510 = arith.cmpi sgt, %add3A_509, %gt3A : i32
        %convert_element_type3A_511 = arith.extui %gt3A_510 : i1 to i32
        %cond3A_512 = arith.constant 0 : i32
        %cond3A_513 = arith.cmpi ne, %convert_element_type3A_511, %cond3A_512 : i32
        scf.if %cond3A_513 {
          %dma_wait3A_980 = arith.constant 0 : i32
          %dma_wait3A_981 = arith.constant 0 : i32
          %dma_wait3A_982 = arith.constant 0 : i32
          %dma_wait3A_983 = arith.constant 0 : i32
          %dma_wait3A_984 = arith.constant 0 : i32
          %dma_wait3A_985 = tpu.memref_slice %arg10[%dma_wait3A_980, %dma_wait3A_983, %dma_wait3A_984] : memref<5x40x128xf32, #tpu.memory_space<vmem>> -> memref<1x40x128xf32, #tpu.memory_space<vmem>>
          %dma_wait3A_986 = tpu.memref_squeeze %dma_wait3A_985 : memref<1x40x128xf32, #tpu.memory_space<vmem>> -> memref<40x128xf32, #tpu.memory_space<vmem>>
          %dma_wait3A_987 = arith.constant 0 : i32
          %dma_wait3A_988 = tpu.memref_slice %arg9[%dma_wait3A_981, %dma_wait3A_982, %dma_wait3A_987] : memref<2x5x40xi32, #tpu.memory_space<vmem>> -> memref<1x1x40xi32, #tpu.memory_space<vmem>>
          %dma_wait3A_989 = tpu.memref_squeeze %dma_wait3A_988 : memref<1x1x40xi32, #tpu.memory_space<vmem>> -> memref<40xi32, #tpu.memory_space<vmem>>
          %dma_wait3A_990 = arith.constant 0 : i32
          %dma_wait3A_991 = arith.constant 0 : i32
          %dma_wait3A_992 = tpu.memref_slice %arg7[%dma_wait3A_990, %dma_wait3A_991] : memref<10000x128xf32, #tpu.memory_space<vmem_shared>> -> memref<10000x128xf32, #tpu.memory_space<vmem_shared>>
          tpu.wait_indirect_dma semaphore(%arg12 : memref<!tpu.dma_semaphore, #tpu.memory_space<semaphore_mem>>) src(%dma_wait3A_986 : memref<40x128xf32, #tpu.memory_space<vmem>>) dst(%dma_wait3A_992 : memref<10000x128xf32, #tpu.memory_space<vmem_shared>>)
        } else {
        }
        %dma_start3A = arith.constant 0 : i32
        %dma_start3A_514 = arith.constant 0 : i32
        %dma_start3A_515 = arith.constant 0 : i32
        %dma_start3A_516 = arith.constant 0 : i32
        %dma_start3A_517 = arith.constant 0 : i32
        %dma_start3A_518 = tpu.memref_slice %arg10[%dma_start3A_515, %dma_start3A_516, %dma_start3A_517] : memref<5x40x128xf32, #tpu.memory_space<vmem>> -> memref<1x40x128xf32, #tpu.memory_space<vmem>>
        %dma_start3A_519 = tpu.memref_squeeze %dma_start3A_518 : memref<1x40x128xf32, #tpu.memory_space<vmem>> -> memref<40x128xf32, #tpu.memory_space<vmem>>
        %dma_start3A_520 = arith.constant 0 : i32
        %dma_start3A_521 = tpu.memref_slice %arg8[%dma_start3A, %dma_start3A_514, %dma_start3A_520] : memref<2x5x40xi32, #tpu.memory_space<vmem>> -> memref<1x1x40xi32, #tpu.memory_space<vmem>>
        %dma_start3A_522 = tpu.memref_squeeze %dma_start3A_521 : memref<1x1x40xi32, #tpu.memory_space<vmem>> -> memref<40xi32, #tpu.memory_space<vmem>>
        %dma_start3A_523 = arith.constant 0 : i32
        %dma_start3A_524 = arith.constant 0 : i32
        %dma_start3A_525 = tpu.memref_slice %arg5[%dma_start3A_523, %dma_start3A_524] : memref<10000x128xf32, #tpu.memory_space<hbm>> -> memref<10000x128xf32, #tpu.memory_space<hbm>>
        tpu.enqueue_indirect_dma source(%dma_start3A_525 : memref<10000x128xf32, #tpu.memory_space<hbm>>) target(%dma_start3A_519 : memref<40x128xf32, #tpu.memory_space<vmem>>) offsets(%dma_start3A_522 : memref<40xi32, #tpu.memory_space<vmem>>) semaphore(%arg11 : memref<!tpu.dma_semaphore, #tpu.memory_space<semaphore_mem>>)
        %gt3A_526 = arith.constant 0 : i32
        %gt3A_527 = arith.cmpi sgt, %add3A_509, %gt3A_526 : i32
        %convert_element_type3A_528 = arith.extui %gt3A_527 : i1 to i32
        %cond3A_529 = arith.constant 0 : i32
        %cond3A_530 = arith.cmpi ne, %convert_element_type3A_528, %cond3A_529 : i32
        scf.if %cond3A_530 {
          %dma_wait3A_980 = arith.constant 1 : i32
          %dma_wait3A_981 = arith.constant 0 : i32
          %dma_wait3A_982 = arith.constant 1 : i32
          %dma_wait3A_983 = arith.constant 0 : i32
          %dma_wait3A_984 = arith.constant 0 : i32
          %dma_wait3A_985 = tpu.memref_slice %arg10[%dma_wait3A_980, %dma_wait3A_983, %dma_wait3A_984] : memref<5x40x128xf32, #tpu.memory_space<vmem>> -> memref<1x40x128xf32, #tpu.memory_space<vmem>>
          %dma_wait3A_986 = tpu.memref_squeeze %dma_wait3A_985 : memref<1x40x128xf32, #tpu.memory_space<vmem>> -> memref<40x128xf32, #tpu.memory_space<vmem>>
          %dma_wait3A_987 = arith.constant 0 : i32
          %dma_wait3A_988 = tpu.memref_slice %arg9[%dma_wait3A_981, %dma_wait3A_982, %dma_wait3A_987] : memref<2x5x40xi32, #tpu.memory_space<vmem>> -> memref<1x1x40xi32, #tpu.memory_space<vmem>>
          %dma_wait3A_989 = tpu.memref_squeeze %dma_wait3A_988 : memref<1x1x40xi32, #tpu.memory_space<vmem>> -> memref<40xi32, #tpu.memory_space<vmem>>
          %dma_wait3A_990 = arith.constant 0 : i32
          %dma_wait3A_991 = arith.constant 0 : i32
          %dma_wait3A_992 = tpu.memref_slice %arg7[%dma_wait3A_990, %dma_wait3A_991] : memref<10000x128xf32, #tpu.memory_space<vmem_shared>> -> memref<10000x128xf32, #tpu.memory_space<vmem_shared>>
          tpu.wait_indirect_dma semaphore(%arg12 : memref<!tpu.dma_semaphore, #tpu.memory_space<semaphore_mem>>) src(%dma_wait3A_986 : memref<40x128xf32, #tpu.memory_space<vmem>>) dst(%dma_wait3A_992 : memref<10000x128xf32, #tpu.memory_space<vmem_shared>>)
        } else {
        }
        %dma_start3A_531 = arith.constant 0 : i32
        %dma_start3A_532 = arith.constant 1 : i32
        %dma_start3A_533 = arith.constant 1 : i32
        %dma_start3A_534 = arith.constant 0 : i32
        %dma_start3A_535 = arith.constant 0 : i32
        %dma_start3A_536 = tpu.memref_slice %arg10[%dma_start3A_533, %dma_start3A_534, %dma_start3A_535] : memref<5x40x128xf32, #tpu.memory_space<vmem>> -> memref<1x40x128xf32, #tpu.memory_space<vmem>>
        %dma_start3A_537 = tpu.memref_squeeze %dma_start3A_536 : memref<1x40x128xf32, #tpu.memory_space<vmem>> -> memref<40x128xf32, #tpu.memory_space<vmem>>
        %dma_start3A_538 = arith.constant 0 : i32
        %dma_start3A_539 = tpu.memref_slice %arg8[%dma_start3A_531, %dma_start3A_532, %dma_start3A_538] : memref<2x5x40xi32, #tpu.memory_space<vmem>> -> memref<1x1x40xi32, #tpu.memory_space<vmem>>
        %dma_start3A_540 = tpu.memref_squeeze %dma_start3A_539 : memref<1x1x40xi32, #tpu.memory_space<vmem>> -> memref<40xi32, #tpu.memory_space<vmem>>
        %dma_start3A_541 = arith.constant 0 : i32
        %dma_start3A_542 = arith.constant 0 : i32
        %dma_start3A_543 = tpu.memref_slice %arg5[%dma_start3A_541, %dma_start3A_542] : memref<10000x128xf32, #tpu.memory_space<hbm>> -> memref<10000x128xf32, #tpu.memory_space<hbm>>
        tpu.enqueue_indirect_dma source(%dma_start3A_543 : memref<10000x128xf32, #tpu.memory_space<hbm>>) target(%dma_start3A_537 : memref<40x128xf32, #tpu.memory_space<vmem>>) offsets(%dma_start3A_540 : memref<40xi32, #tpu.memory_space<vmem>>) semaphore(%arg11 : memref<!tpu.dma_semaphore, #tpu.memory_space<semaphore_mem>>)
        %gt3A_544 = arith.constant 0 : i32
        %gt3A_545 = arith.cmpi sgt, %add3A_509, %gt3A_544 : i32
        %convert_element_type3A_546 = arith.extui %gt3A_545 : i1 to i32
        %cond3A_547 = arith.constant 0 : i32
        %cond3A_548 = arith.cmpi ne, %convert_element_type3A_546, %cond3A_547 : i32
        scf.if %cond3A_548 {
          %dma_wait3A_980 = arith.constant 2 : i32
          %dma_wait3A_981 = arith.constant 0 : i32
          %dma_wait3A_982 = arith.constant 2 : i32
          %dma_wait3A_983 = arith.constant 0 : i32
          %dma_wait3A_984 = arith.constant 0 : i32
          %dma_wait3A_985 = tpu.memref_slice %arg10[%dma_wait3A_980, %dma_wait3A_983, %dma_wait3A_984] : memref<5x40x128xf32, #tpu.memory_space<vmem>> -> memref<1x40x128xf32, #tpu.memory_space<vmem>>
          %dma_wait3A_986 = tpu.memref_squeeze %dma_wait3A_985 : memref<1x40x128xf32, #tpu.memory_space<vmem>> -> memref<40x128xf32, #tpu.memory_space<vmem>>
          %dma_wait3A_987 = arith.constant 0 : i32
          %dma_wait3A_988 = tpu.memref_slice %arg9[%dma_wait3A_981, %dma_wait3A_982, %dma_wait3A_987] : memref<2x5x40xi32, #tpu.memory_space<vmem>> -> memref<1x1x40xi32, #tpu.memory_space<vmem>>
          %dma_wait3A_989 = tpu.memref_squeeze %dma_wait3A_988 : memref<1x1x40xi32, #tpu.memory_space<vmem>> -> memref<40xi32, #tpu.memory_space<vmem>>
          %dma_wait3A_990 = arith.constant 0 : i32
          %dma_wait3A_991 = arith.constant 0 : i32
          %dma_wait3A_992 = tpu.memref_slice %arg7[%dma_wait3A_990, %dma_wait3A_991] : memref<10000x128xf32, #tpu.memory_space<vmem_shared>> -> memref<10000x128xf32, #tpu.memory_space<vmem_shared>>
          tpu.wait_indirect_dma semaphore(%arg12 : memref<!tpu.dma_semaphore, #tpu.memory_space<semaphore_mem>>) src(%dma_wait3A_986 : memref<40x128xf32, #tpu.memory_space<vmem>>) dst(%dma_wait3A_992 : memref<10000x128xf32, #tpu.memory_space<vmem_shared>>)
        } else {
        }
        %dma_start3A_549 = arith.constant 0 : i32
        %dma_start3A_550 = arith.constant 2 : i32
        %dma_start3A_551 = arith.constant 2 : i32
        %dma_start3A_552 = arith.constant 0 : i32
        %dma_start3A_553 = arith.constant 0 : i32
        %dma_start3A_554 = tpu.memref_slice %arg10[%dma_start3A_551, %dma_start3A_552, %dma_start3A_553] : memref<5x40x128xf32, #tpu.memory_space<vmem>> -> memref<1x40x128xf32, #tpu.memory_space<vmem>>
        %dma_start3A_555 = tpu.memref_squeeze %dma_start3A_554 : memref<1x40x128xf32, #tpu.memory_space<vmem>> -> memref<40x128xf32, #tpu.memory_space<vmem>>
        %dma_start3A_556 = arith.constant 0 : i32
        %dma_start3A_557 = tpu.memref_slice %arg8[%dma_start3A_549, %dma_start3A_550, %dma_start3A_556] : memref<2x5x40xi32, #tpu.memory_space<vmem>> -> memref<1x1x40xi32, #tpu.memory_space<vmem>>
        %dma_start3A_558 = tpu.memref_squeeze %dma_start3A_557 : memref<1x1x40xi32, #tpu.memory_space<vmem>> -> memref<40xi32, #tpu.memory_space<vmem>>
        %dma_start3A_559 = arith.constant 0 : i32
        %dma_start3A_560 = arith.constant 0 : i32
        %dma_start3A_561 = tpu.memref_slice %arg5[%dma_start3A_559, %dma_start3A_560] : memref<10000x128xf32, #tpu.memory_space<hbm>> -> memref<10000x128xf32, #tpu.memory_space<hbm>>
        tpu.enqueue_indirect_dma source(%dma_start3A_561 : memref<10000x128xf32, #tpu.memory_space<hbm>>) target(%dma_start3A_555 : memref<40x128xf32, #tpu.memory_space<vmem>>) offsets(%dma_start3A_558 : memref<40xi32, #tpu.memory_space<vmem>>) semaphore(%arg11 : memref<!tpu.dma_semaphore, #tpu.memory_space<semaphore_mem>>)
        %gt3A_562 = arith.constant 0 : i32
        %gt3A_563 = arith.cmpi sgt, %add3A_509, %gt3A_562 : i32
        %convert_element_type3A_564 = arith.extui %gt3A_563 : i1 to i32
        %cond3A_565 = arith.constant 0 : i32
        %cond3A_566 = arith.cmpi ne, %convert_element_type3A_564, %cond3A_565 : i32
        scf.if %cond3A_566 {
          %dma_wait3A_980 = arith.constant 3 : i32
          %dma_wait3A_981 = arith.constant 0 : i32
          %dma_wait3A_982 = arith.constant 3 : i32
          %dma_wait3A_983 = arith.constant 0 : i32
          %dma_wait3A_984 = arith.constant 0 : i32
          %dma_wait3A_985 = tpu.memref_slice %arg10[%dma_wait3A_980, %dma_wait3A_983, %dma_wait3A_984] : memref<5x40x128xf32, #tpu.memory_space<vmem>> -> memref<1x40x128xf32, #tpu.memory_space<vmem>>
          %dma_wait3A_986 = tpu.memref_squeeze %dma_wait3A_985 : memref<1x40x128xf32, #tpu.memory_space<vmem>> -> memref<40x128xf32, #tpu.memory_space<vmem>>
          %dma_wait3A_987 = arith.constant 0 : i32
          %dma_wait3A_988 = tpu.memref_slice %arg9[%dma_wait3A_981, %dma_wait3A_982, %dma_wait3A_987] : memref<2x5x40xi32, #tpu.memory_space<vmem>> -> memref<1x1x40xi32, #tpu.memory_space<vmem>>
          %dma_wait3A_989 = tpu.memref_squeeze %dma_wait3A_988 : memref<1x1x40xi32, #tpu.memory_space<vmem>> -> memref<40xi32, #tpu.memory_space<vmem>>
          %dma_wait3A_990 = arith.constant 0 : i32
          %dma_wait3A_991 = arith.constant 0 : i32
          %dma_wait3A_992 = tpu.memref_slice %arg7[%dma_wait3A_990, %dma_wait3A_991] : memref<10000x128xf32, #tpu.memory_space<vmem_shared>> -> memref<10000x128xf32, #tpu.memory_space<vmem_shared>>
          tpu.wait_indirect_dma semaphore(%arg12 : memref<!tpu.dma_semaphore, #tpu.memory_space<semaphore_mem>>) src(%dma_wait3A_986 : memref<40x128xf32, #tpu.memory_space<vmem>>) dst(%dma_wait3A_992 : memref<10000x128xf32, #tpu.memory_space<vmem_shared>>)
        } else {
        }
        %dma_start3A_567 = arith.constant 0 : i32
        %dma_start3A_568 = arith.constant 3 : i32
        %dma_start3A_569 = arith.constant 3 : i32
        %dma_start3A_570 = arith.constant 0 : i32
        %dma_start3A_571 = arith.constant 0 : i32
        %dma_start3A_572 = tpu.memref_slice %arg10[%dma_start3A_569, %dma_start3A_570, %dma_start3A_571] : memref<5x40x128xf32, #tpu.memory_space<vmem>> -> memref<1x40x128xf32, #tpu.memory_space<vmem>>
        %dma_start3A_573 = tpu.memref_squeeze %dma_start3A_572 : memref<1x40x128xf32, #tpu.memory_space<vmem>> -> memref<40x128xf32, #tpu.memory_space<vmem>>
        %dma_start3A_574 = arith.constant 0 : i32
        %dma_start3A_575 = tpu.memref_slice %arg8[%dma_start3A_567, %dma_start3A_568, %dma_start3A_574] : memref<2x5x40xi32, #tpu.memory_space<vmem>> -> memref<1x1x40xi32, #tpu.memory_space<vmem>>
        %dma_start3A_576 = tpu.memref_squeeze %dma_start3A_575 : memref<1x1x40xi32, #tpu.memory_space<vmem>> -> memref<40xi32, #tpu.memory_space<vmem>>
        %dma_start3A_577 = arith.constant 0 : i32
        %dma_start3A_578 = arith.constant 0 : i32
        %dma_start3A_579 = tpu.memref_slice %arg5[%dma_start3A_577, %dma_start3A_578] : memref<10000x128xf32, #tpu.memory_space<hbm>> -> memref<10000x128xf32, #tpu.memory_space<hbm>>
        tpu.enqueue_indirect_dma source(%dma_start3A_579 : memref<10000x128xf32, #tpu.memory_space<hbm>>) target(%dma_start3A_573 : memref<40x128xf32, #tpu.memory_space<vmem>>) offsets(%dma_start3A_576 : memref<40xi32, #tpu.memory_space<vmem>>) semaphore(%arg11 : memref<!tpu.dma_semaphore, #tpu.memory_space<semaphore_mem>>)
        %gt3A_580 = arith.constant 0 : i32
        %gt3A_581 = arith.cmpi sgt, %add3A_509, %gt3A_580 : i32
        %convert_element_type3A_582 = arith.extui %gt3A_581 : i1 to i32
        %cond3A_583 = arith.constant 0 : i32
        %cond3A_584 = arith.cmpi ne, %convert_element_type3A_582, %cond3A_583 : i32
        scf.if %cond3A_584 {
          %dma_wait3A_980 = arith.constant 4 : i32
          %dma_wait3A_981 = arith.constant 0 : i32
          %dma_wait3A_982 = arith.constant 4 : i32
          %dma_wait3A_983 = arith.constant 0 : i32
          %dma_wait3A_984 = arith.constant 0 : i32
          %dma_wait3A_985 = tpu.memref_slice %arg10[%dma_wait3A_980, %dma_wait3A_983, %dma_wait3A_984] : memref<5x40x128xf32, #tpu.memory_space<vmem>> -> memref<1x40x128xf32, #tpu.memory_space<vmem>>
          %dma_wait3A_986 = tpu.memref_squeeze %dma_wait3A_985 : memref<1x40x128xf32, #tpu.memory_space<vmem>> -> memref<40x128xf32, #tpu.memory_space<vmem>>
          %dma_wait3A_987 = arith.constant 0 : i32
          %dma_wait3A_988 = tpu.memref_slice %arg9[%dma_wait3A_981, %dma_wait3A_982, %dma_wait3A_987] : memref<2x5x40xi32, #tpu.memory_space<vmem>> -> memref<1x1x40xi32, #tpu.memory_space<vmem>>
          %dma_wait3A_989 = tpu.memref_squeeze %dma_wait3A_988 : memref<1x1x40xi32, #tpu.memory_space<vmem>> -> memref<40xi32, #tpu.memory_space<vmem>>
          %dma_wait3A_990 = arith.constant 0 : i32
          %dma_wait3A_991 = arith.constant 0 : i32
          %dma_wait3A_992 = tpu.memref_slice %arg7[%dma_wait3A_990, %dma_wait3A_991] : memref<10000x128xf32, #tpu.memory_space<vmem_shared>> -> memref<10000x128xf32, #tpu.memory_space<vmem_shared>>
          tpu.wait_indirect_dma semaphore(%arg12 : memref<!tpu.dma_semaphore, #tpu.memory_space<semaphore_mem>>) src(%dma_wait3A_986 : memref<40x128xf32, #tpu.memory_space<vmem>>) dst(%dma_wait3A_992 : memref<10000x128xf32, #tpu.memory_space<vmem_shared>>)
        } else {
        }
        %dma_start3A_585 = arith.constant 0 : i32
        %dma_start3A_586 = arith.constant 4 : i32
        %dma_start3A_587 = arith.constant 4 : i32
        %dma_start3A_588 = arith.constant 0 : i32
        %dma_start3A_589 = arith.constant 0 : i32
        %dma_start3A_590 = tpu.memref_slice %arg10[%dma_start3A_587, %dma_start3A_588, %dma_start3A_589] : memref<5x40x128xf32, #tpu.memory_space<vmem>> -> memref<1x40x128xf32, #tpu.memory_space<vmem>>
        %dma_start3A_591 = tpu.memref_squeeze %dma_start3A_590 : memref<1x40x128xf32, #tpu.memory_space<vmem>> -> memref<40x128xf32, #tpu.memory_space<vmem>>
        %dma_start3A_592 = arith.constant 0 : i32
        %dma_start3A_593 = tpu.memref_slice %arg8[%dma_start3A_585, %dma_start3A_586, %dma_start3A_592] : memref<2x5x40xi32, #tpu.memory_space<vmem>> -> memref<1x1x40xi32, #tpu.memory_space<vmem>>
        %dma_start3A_594 = tpu.memref_squeeze %dma_start3A_593 : memref<1x1x40xi32, #tpu.memory_space<vmem>> -> memref<40xi32, #tpu.memory_space<vmem>>
        %dma_start3A_595 = arith.constant 0 : i32
        %dma_start3A_596 = arith.constant 0 : i32
        %dma_start3A_597 = tpu.memref_slice %arg5[%dma_start3A_595, %dma_start3A_596] : memref<10000x128xf32, #tpu.memory_space<hbm>> -> memref<10000x128xf32, #tpu.memory_space<hbm>>
        tpu.enqueue_indirect_dma source(%dma_start3A_597 : memref<10000x128xf32, #tpu.memory_space<hbm>>) target(%dma_start3A_591 : memref<40x128xf32, #tpu.memory_space<vmem>>) offsets(%dma_start3A_594 : memref<40xi32, #tpu.memory_space<vmem>>) semaphore(%arg11 : memref<!tpu.dma_semaphore, #tpu.memory_space<semaphore_mem>>)
        %add3A_598 = arith.constant 1 : i32
        %add3A_599 = arith.addi %add3A_509, %add3A_598 : i32
        %lt3A_600 = arith.constant 50 : i32
        %lt3A_601 = arith.cmpi slt, %add3A_599, %lt3A_600 : i32
        %convert_element_type3A_602 = arith.extui %lt3A_601 : i1 to i32
        %cond3A_603 = arith.constant 0 : i32
        %cond3A_604 = arith.cmpi ne, %convert_element_type3A_602, %cond3A_603 : i32
        scf.if %cond3A_604 {
          %add3A_980 = arith.constant 1 : i32
          %add3A_981 = arith.addi %add3A_509, %add3A_980 : i32
          %dma_start3A_982 = arith.constant 1 : i32
          %dma_start3A_983 = arith.constant 0 : i32
          %dma_start3A_984 = arith.constant 0 : i32
          %dma_start3A_985 = tpu.memref_slice %arg8[%dma_start3A_982, %dma_start3A_983, %dma_start3A_984] : memref<2x5x40xi32, #tpu.memory_space<vmem>> -> memref<1x5x40xi32, #tpu.memory_space<vmem>>
          %dma_start3A_986 = tpu.memref_squeeze %dma_start3A_985 : memref<1x5x40xi32, #tpu.memory_space<vmem>> -> memref<5x40xi32, #tpu.memory_space<vmem>>
          %dma_start3A_987 = arith.constant 0 : i32
          %dma_start3A_988 = arith.constant 0 : i32
          %dma_start3A_989 = tpu.memref_slice %arg3[%arg1, %add3A_981, %dma_start3A_987, %dma_start3A_988] : memref<16x50x5x40xi32, #tpu.memory_space<hbm>> -> memref<1x1x5x40xi32, #tpu.memory_space<hbm>>
          %dma_start3A_990 = tpu.memref_squeeze %dma_start3A_989 : memref<1x1x5x40xi32, #tpu.memory_space<hbm>> -> memref<5x40xi32, #tpu.memory_space<hbm>>
          %dma_start3A_991 = arith.constant 0 : i32
          %dma_start3A_992 = arith.constant 0 : i32
          %dma_start3A_993 = tpu.memref_slice %arg8[%dma_start3A_982, %dma_start3A_991, %dma_start3A_992] : memref<2x5x40xi32, #tpu.memory_space<vmem>> -> memref<1x5x40xi32, #tpu.memory_space<vmem>>
          %dma_start3A_994 = tpu.memref_squeeze %dma_start3A_993 : memref<1x5x40xi32, #tpu.memory_space<vmem>> -> memref<5x40xi32, #tpu.memory_space<vmem>>
          %dma_start3A_995 = arith.constant 0 : i32
          %dma_start3A_996 = arith.constant 0 : i32
          %dma_start3A_997 = tpu.memref_slice %arg3[%arg1, %add3A_981, %dma_start3A_995, %dma_start3A_996] : memref<16x50x5x40xi32, #tpu.memory_space<hbm>> -> memref<1x1x5x40xi32, #tpu.memory_space<hbm>>
          %dma_start3A_998 = tpu.memref_squeeze %dma_start3A_997 : memref<1x1x5x40xi32, #tpu.memory_space<hbm>> -> memref<5x40xi32, #tpu.memory_space<hbm>>
          tpu.enqueue_dma source(%dma_start3A_998 : memref<5x40xi32, #tpu.memory_space<hbm>>) target(%dma_start3A_994 : memref<5x40xi32, #tpu.memory_space<vmem>>) target_semaphore(%arg13 : memref<!tpu.dma_semaphore, #tpu.memory_space<semaphore_mem>>)
          %add3A_999 = arith.constant 1 : i32
          %add3A_1000 = arith.addi %add3A_509, %add3A_999 : i32
          %dma_start3A_1001 = arith.constant 1 : i32
          %dma_start3A_1002 = arith.constant 0 : i32
          %dma_start3A_1003 = arith.constant 0 : i32
          %dma_start3A_1004 = tpu.memref_slice %arg9[%dma_start3A_1001, %dma_start3A_1002, %dma_start3A_1003] : memref<2x5x40xi32, #tpu.memory_space<vmem>> -> memref<1x5x40xi32, #tpu.memory_space<vmem>>
          %dma_start3A_1005 = tpu.memref_squeeze %dma_start3A_1004 : memref<1x5x40xi32, #tpu.memory_space<vmem>> -> memref<5x40xi32, #tpu.memory_space<vmem>>
          %dma_start3A_1006 = arith.constant 0 : i32
          %dma_start3A_1007 = arith.constant 0 : i32
          %dma_start3A_1008 = tpu.memref_slice %arg2[%arg1, %add3A_1000, %dma_start3A_1006, %dma_start3A_1007] : memref<16x50x5x40xi32, #tpu.memory_space<hbm>> -> memref<1x1x5x40xi32, #tpu.memory_space<hbm>>
          %dma_start3A_1009 = tpu.memref_squeeze %dma_start3A_1008 : memref<1x1x5x40xi32, #tpu.memory_space<hbm>> -> memref<5x40xi32, #tpu.memory_space<hbm>>
          %dma_start3A_1010 = arith.constant 0 : i32
          %dma_start3A_1011 = arith.constant 0 : i32
          %dma_start3A_1012 = tpu.memref_slice %arg9[%dma_start3A_1001, %dma_start3A_1010, %dma_start3A_1011] : memref<2x5x40xi32, #tpu.memory_space<vmem>> -> memref<1x5x40xi32, #tpu.memory_space<vmem>>
          %dma_start3A_1013 = tpu.memref_squeeze %dma_start3A_1012 : memref<1x5x40xi32, #tpu.memory_space<vmem>> -> memref<5x40xi32, #tpu.memory_space<vmem>>
          %dma_start3A_1014 = arith.constant 0 : i32
          %dma_start3A_1015 = arith.constant 0 : i32
          %dma_start3A_1016 = tpu.memref_slice %arg2[%arg1, %add3A_1000, %dma_start3A_1014, %dma_start3A_1015] : memref<16x50x5x40xi32, #tpu.memory_space<hbm>> -> memref<1x1x5x40xi32, #tpu.memory_space<hbm>>
          %dma_start3A_1017 = tpu.memref_squeeze %dma_start3A_1016 : memref<1x1x5x40xi32, #tpu.memory_space<hbm>> -> memref<5x40xi32, #tpu.memory_space<hbm>>
          tpu.enqueue_dma source(%dma_start3A_1017 : memref<5x40xi32, #tpu.memory_space<hbm>>) target(%dma_start3A_1013 : memref<5x40xi32, #tpu.memory_space<vmem>>) target_semaphore(%arg13 : memref<!tpu.dma_semaphore, #tpu.memory_space<semaphore_mem>>)
        } else {
        }
        %dma_wait3A_605 = arith.constant 0 : i32
        %dma_wait3A_606 = arith.constant 0 : i32
        %dma_wait3A_607 = arith.constant 0 : i32
        %dma_wait3A_608 = arith.constant 0 : i32
        %dma_wait3A_609 = arith.constant 0 : i32
        %dma_wait3A_610 = tpu.memref_slice %arg10[%dma_wait3A_607, %dma_wait3A_608, %dma_wait3A_609] : memref<5x40x128xf32, #tpu.memory_space<vmem>> -> memref<1x40x128xf32, #tpu.memory_space<vmem>>
        %dma_wait3A_611 = tpu.memref_squeeze %dma_wait3A_610 : memref<1x40x128xf32, #tpu.memory_space<vmem>> -> memref<40x128xf32, #tpu.memory_space<vmem>>
        %dma_wait3A_612 = arith.constant 0 : i32
        %dma_wait3A_613 = tpu.memref_slice %arg8[%dma_wait3A_605, %dma_wait3A_606, %dma_wait3A_612] : memref<2x5x40xi32, #tpu.memory_space<vmem>> -> memref<1x1x40xi32, #tpu.memory_space<vmem>>
        %dma_wait3A_614 = tpu.memref_squeeze %dma_wait3A_613 : memref<1x1x40xi32, #tpu.memory_space<vmem>> -> memref<40xi32, #tpu.memory_space<vmem>>
        %dma_wait3A_615 = arith.constant 0 : i32
        %dma_wait3A_616 = arith.constant 0 : i32
        %dma_wait3A_617 = tpu.memref_slice %arg5[%dma_wait3A_615, %dma_wait3A_616] : memref<10000x128xf32, #tpu.memory_space<hbm>> -> memref<10000x128xf32, #tpu.memory_space<hbm>>
        tpu.wait_indirect_dma semaphore(%arg11 : memref<!tpu.dma_semaphore, #tpu.memory_space<semaphore_mem>>) src(%dma_wait3A_617 : memref<10000x128xf32, #tpu.memory_space<hbm>>) dst(%dma_wait3A_611 : memref<40x128xf32, #tpu.memory_space<vmem>>)
        %dma_start3A_618 = arith.constant 0 : i32
        %dma_start3A_619 = arith.constant 0 : i32
        %dma_start3A_620 = arith.constant 0 : i32
        %dma_start3A_621 = arith.constant 0 : i32
        %dma_start3A_622 = arith.constant 0 : i32
        %dma_start3A_623 = tpu.memref_slice %arg10[%dma_start3A_618, %dma_start3A_621, %dma_start3A_622] : memref<5x40x128xf32, #tpu.memory_space<vmem>> -> memref<1x40x128xf32, #tpu.memory_space<vmem>>
        %dma_start3A_624 = tpu.memref_squeeze %dma_start3A_623 : memref<1x40x128xf32, #tpu.memory_space<vmem>> -> memref<40x128xf32, #tpu.memory_space<vmem>>
        %dma_start3A_625 = arith.constant 0 : i32
        %dma_start3A_626 = tpu.memref_slice %arg9[%dma_start3A_619, %dma_start3A_620, %dma_start3A_625] : memref<2x5x40xi32, #tpu.memory_space<vmem>> -> memref<1x1x40xi32, #tpu.memory_space<vmem>>
        %dma_start3A_627 = tpu.memref_squeeze %dma_start3A_626 : memref<1x1x40xi32, #tpu.memory_space<vmem>> -> memref<40xi32, #tpu.memory_space<vmem>>
        %dma_start3A_628 = arith.constant 0 : i32
        %dma_start3A_629 = arith.constant 0 : i32
        %dma_start3A_630 = tpu.memref_slice %arg7[%dma_start3A_628, %dma_start3A_629] : memref<10000x128xf32, #tpu.memory_space<vmem_shared>> -> memref<10000x128xf32, #tpu.memory_space<vmem_shared>>
        tpu.enqueue_indirect_dma source(%dma_start3A_624 : memref<40x128xf32, #tpu.memory_space<vmem>>) target(%dma_start3A_630 : memref<10000x128xf32, #tpu.memory_space<vmem_shared>>) offsets(%dma_start3A_627 : memref<40xi32, #tpu.memory_space<vmem>>) semaphore(%arg12 : memref<!tpu.dma_semaphore, #tpu.memory_space<semaphore_mem>>) {add = true}
        %dma_wait3A_631 = arith.constant 0 : i32
        %dma_wait3A_632 = arith.constant 1 : i32
        %dma_wait3A_633 = arith.constant 1 : i32
        %dma_wait3A_634 = arith.constant 0 : i32
        %dma_wait3A_635 = arith.constant 0 : i32
        %dma_wait3A_636 = tpu.memref_slice %arg10[%dma_wait3A_633, %dma_wait3A_634, %dma_wait3A_635] : memref<5x40x128xf32, #tpu.memory_space<vmem>> -> memref<1x40x128xf32, #tpu.memory_space<vmem>>
        %dma_wait3A_637 = tpu.memref_squeeze %dma_wait3A_636 : memref<1x40x128xf32, #tpu.memory_space<vmem>> -> memref<40x128xf32, #tpu.memory_space<vmem>>
        %dma_wait3A_638 = arith.constant 0 : i32
        %dma_wait3A_639 = tpu.memref_slice %arg8[%dma_wait3A_631, %dma_wait3A_632, %dma_wait3A_638] : memref<2x5x40xi32, #tpu.memory_space<vmem>> -> memref<1x1x40xi32, #tpu.memory_space<vmem>>
        %dma_wait3A_640 = tpu.memref_squeeze %dma_wait3A_639 : memref<1x1x40xi32, #tpu.memory_space<vmem>> -> memref<40xi32, #tpu.memory_space<vmem>>
        %dma_wait3A_641 = arith.constant 0 : i32
        %dma_wait3A_642 = arith.constant 0 : i32
        %dma_wait3A_643 = tpu.memref_slice %arg5[%dma_wait3A_641, %dma_wait3A_642] : memref<10000x128xf32, #tpu.memory_space<hbm>> -> memref<10000x128xf32, #tpu.memory_space<hbm>>
        tpu.wait_indirect_dma semaphore(%arg11 : memref<!tpu.dma_semaphore, #tpu.memory_space<semaphore_mem>>) src(%dma_wait3A_643 : memref<10000x128xf32, #tpu.memory_space<hbm>>) dst(%dma_wait3A_637 : memref<40x128xf32, #tpu.memory_space<vmem>>)
        %dma_start3A_644 = arith.constant 1 : i32
        %dma_start3A_645 = arith.constant 0 : i32
        %dma_start3A_646 = arith.constant 1 : i32
        %dma_start3A_647 = arith.constant 0 : i32
        %dma_start3A_648 = arith.constant 0 : i32
        %dma_start3A_649 = tpu.memref_slice %arg10[%dma_start3A_644, %dma_start3A_647, %dma_start3A_648] : memref<5x40x128xf32, #tpu.memory_space<vmem>> -> memref<1x40x128xf32, #tpu.memory_space<vmem>>
        %dma_start3A_650 = tpu.memref_squeeze %dma_start3A_649 : memref<1x40x128xf32, #tpu.memory_space<vmem>> -> memref<40x128xf32, #tpu.memory_space<vmem>>
        %dma_start3A_651 = arith.constant 0 : i32
        %dma_start3A_652 = tpu.memref_slice %arg9[%dma_start3A_645, %dma_start3A_646, %dma_start3A_651] : memref<2x5x40xi32, #tpu.memory_space<vmem>> -> memref<1x1x40xi32, #tpu.memory_space<vmem>>
        %dma_start3A_653 = tpu.memref_squeeze %dma_start3A_652 : memref<1x1x40xi32, #tpu.memory_space<vmem>> -> memref<40xi32, #tpu.memory_space<vmem>>
        %dma_start3A_654 = arith.constant 0 : i32
        %dma_start3A_655 = arith.constant 0 : i32
        %dma_start3A_656 = tpu.memref_slice %arg7[%dma_start3A_654, %dma_start3A_655] : memref<10000x128xf32, #tpu.memory_space<vmem_shared>> -> memref<10000x128xf32, #tpu.memory_space<vmem_shared>>
        tpu.enqueue_indirect_dma source(%dma_start3A_650 : memref<40x128xf32, #tpu.memory_space<vmem>>) target(%dma_start3A_656 : memref<10000x128xf32, #tpu.memory_space<vmem_shared>>) offsets(%dma_start3A_653 : memref<40xi32, #tpu.memory_space<vmem>>) semaphore(%arg12 : memref<!tpu.dma_semaphore, #tpu.memory_space<semaphore_mem>>) {add = true}
        %dma_wait3A_657 = arith.constant 0 : i32
        %dma_wait3A_658 = arith.constant 2 : i32
        %dma_wait3A_659 = arith.constant 2 : i32
        %dma_wait3A_660 = arith.constant 0 : i32
        %dma_wait3A_661 = arith.constant 0 : i32
        %dma_wait3A_662 = tpu.memref_slice %arg10[%dma_wait3A_659, %dma_wait3A_660, %dma_wait3A_661] : memref<5x40x128xf32, #tpu.memory_space<vmem>> -> memref<1x40x128xf32, #tpu.memory_space<vmem>>
        %dma_wait3A_663 = tpu.memref_squeeze %dma_wait3A_662 : memref<1x40x128xf32, #tpu.memory_space<vmem>> -> memref<40x128xf32, #tpu.memory_space<vmem>>
        %dma_wait3A_664 = arith.constant 0 : i32
        %dma_wait3A_665 = tpu.memref_slice %arg8[%dma_wait3A_657, %dma_wait3A_658, %dma_wait3A_664] : memref<2x5x40xi32, #tpu.memory_space<vmem>> -> memref<1x1x40xi32, #tpu.memory_space<vmem>>
        %dma_wait3A_666 = tpu.memref_squeeze %dma_wait3A_665 : memref<1x1x40xi32, #tpu.memory_space<vmem>> -> memref<40xi32, #tpu.memory_space<vmem>>
        %dma_wait3A_667 = arith.constant 0 : i32
        %dma_wait3A_668 = arith.constant 0 : i32
        %dma_wait3A_669 = tpu.memref_slice %arg5[%dma_wait3A_667, %dma_wait3A_668] : memref<10000x128xf32, #tpu.memory_space<hbm>> -> memref<10000x128xf32, #tpu.memory_space<hbm>>
        tpu.wait_indirect_dma semaphore(%arg11 : memref<!tpu.dma_semaphore, #tpu.memory_space<semaphore_mem>>) src(%dma_wait3A_669 : memref<10000x128xf32, #tpu.memory_space<hbm>>) dst(%dma_wait3A_663 : memref<40x128xf32, #tpu.memory_space<vmem>>)
        %dma_start3A_670 = arith.constant 2 : i32
        %dma_start3A_671 = arith.constant 0 : i32
        %dma_start3A_672 = arith.constant 2 : i32
        %dma_start3A_673 = arith.constant 0 : i32
        %dma_start3A_674 = arith.constant 0 : i32
        %dma_start3A_675 = tpu.memref_slice %arg10[%dma_start3A_670, %dma_start3A_673, %dma_start3A_674] : memref<5x40x128xf32, #tpu.memory_space<vmem>> -> memref<1x40x128xf32, #tpu.memory_space<vmem>>
        %dma_start3A_676 = tpu.memref_squeeze %dma_start3A_675 : memref<1x40x128xf32, #tpu.memory_space<vmem>> -> memref<40x128xf32, #tpu.memory_space<vmem>>
        %dma_start3A_677 = arith.constant 0 : i32
        %dma_start3A_678 = tpu.memref_slice %arg9[%dma_start3A_671, %dma_start3A_672, %dma_start3A_677] : memref<2x5x40xi32, #tpu.memory_space<vmem>> -> memref<1x1x40xi32, #tpu.memory_space<vmem>>
        %dma_start3A_679 = tpu.memref_squeeze %dma_start3A_678 : memref<1x1x40xi32, #tpu.memory_space<vmem>> -> memref<40xi32, #tpu.memory_space<vmem>>
        %dma_start3A_680 = arith.constant 0 : i32
        %dma_start3A_681 = arith.constant 0 : i32
        %dma_start3A_682 = tpu.memref_slice %arg7[%dma_start3A_680, %dma_start3A_681] : memref<10000x128xf32, #tpu.memory_space<vmem_shared>> -> memref<10000x128xf32, #tpu.memory_space<vmem_shared>>
        tpu.enqueue_indirect_dma source(%dma_start3A_676 : memref<40x128xf32, #tpu.memory_space<vmem>>) target(%dma_start3A_682 : memref<10000x128xf32, #tpu.memory_space<vmem_shared>>) offsets(%dma_start3A_679 : memref<40xi32, #tpu.memory_space<vmem>>) semaphore(%arg12 : memref<!tpu.dma_semaphore, #tpu.memory_space<semaphore_mem>>) {add = true}
        %dma_wait3A_683 = arith.constant 0 : i32
        %dma_wait3A_684 = arith.constant 3 : i32
        %dma_wait3A_685 = arith.constant 3 : i32
        %dma_wait3A_686 = arith.constant 0 : i32
        %dma_wait3A_687 = arith.constant 0 : i32
        %dma_wait3A_688 = tpu.memref_slice %arg10[%dma_wait3A_685, %dma_wait3A_686, %dma_wait3A_687] : memref<5x40x128xf32, #tpu.memory_space<vmem>> -> memref<1x40x128xf32, #tpu.memory_space<vmem>>
        %dma_wait3A_689 = tpu.memref_squeeze %dma_wait3A_688 : memref<1x40x128xf32, #tpu.memory_space<vmem>> -> memref<40x128xf32, #tpu.memory_space<vmem>>
        %dma_wait3A_690 = arith.constant 0 : i32
        %dma_wait3A_691 = tpu.memref_slice %arg8[%dma_wait3A_683, %dma_wait3A_684, %dma_wait3A_690] : memref<2x5x40xi32, #tpu.memory_space<vmem>> -> memref<1x1x40xi32, #tpu.memory_space<vmem>>
        %dma_wait3A_692 = tpu.memref_squeeze %dma_wait3A_691 : memref<1x1x40xi32, #tpu.memory_space<vmem>> -> memref<40xi32, #tpu.memory_space<vmem>>
        %dma_wait3A_693 = arith.constant 0 : i32
        %dma_wait3A_694 = arith.constant 0 : i32
        %dma_wait3A_695 = tpu.memref_slice %arg5[%dma_wait3A_693, %dma_wait3A_694] : memref<10000x128xf32, #tpu.memory_space<hbm>> -> memref<10000x128xf32, #tpu.memory_space<hbm>>
        tpu.wait_indirect_dma semaphore(%arg11 : memref<!tpu.dma_semaphore, #tpu.memory_space<semaphore_mem>>) src(%dma_wait3A_695 : memref<10000x128xf32, #tpu.memory_space<hbm>>) dst(%dma_wait3A_689 : memref<40x128xf32, #tpu.memory_space<vmem>>)
        %dma_start3A_696 = arith.constant 3 : i32
        %dma_start3A_697 = arith.constant 0 : i32
        %dma_start3A_698 = arith.constant 3 : i32
        %dma_start3A_699 = arith.constant 0 : i32
        %dma_start3A_700 = arith.constant 0 : i32
        %dma_start3A_701 = tpu.memref_slice %arg10[%dma_start3A_696, %dma_start3A_699, %dma_start3A_700] : memref<5x40x128xf32, #tpu.memory_space<vmem>> -> memref<1x40x128xf32, #tpu.memory_space<vmem>>
        %dma_start3A_702 = tpu.memref_squeeze %dma_start3A_701 : memref<1x40x128xf32, #tpu.memory_space<vmem>> -> memref<40x128xf32, #tpu.memory_space<vmem>>
        %dma_start3A_703 = arith.constant 0 : i32
        %dma_start3A_704 = tpu.memref_slice %arg9[%dma_start3A_697, %dma_start3A_698, %dma_start3A_703] : memref<2x5x40xi32, #tpu.memory_space<vmem>> -> memref<1x1x40xi32, #tpu.memory_space<vmem>>
        %dma_start3A_705 = tpu.memref_squeeze %dma_start3A_704 : memref<1x1x40xi32, #tpu.memory_space<vmem>> -> memref<40xi32, #tpu.memory_space<vmem>>
        %dma_start3A_706 = arith.constant 0 : i32
        %dma_start3A_707 = arith.constant 0 : i32
        %dma_start3A_708 = tpu.memref_slice %arg7[%dma_start3A_706, %dma_start3A_707] : memref<10000x128xf32, #tpu.memory_space<vmem_shared>> -> memref<10000x128xf32, #tpu.memory_space<vmem_shared>>
        tpu.enqueue_indirect_dma source(%dma_start3A_702 : memref<40x128xf32, #tpu.memory_space<vmem>>) target(%dma_start3A_708 : memref<10000x128xf32, #tpu.memory_space<vmem_shared>>) offsets(%dma_start3A_705 : memref<40xi32, #tpu.memory_space<vmem>>) semaphore(%arg12 : memref<!tpu.dma_semaphore, #tpu.memory_space<semaphore_mem>>) {add = true}
        %dma_wait3A_709 = arith.constant 0 : i32
        %dma_wait3A_710 = arith.constant 4 : i32
        %dma_wait3A_711 = arith.constant 4 : i32
        %dma_wait3A_712 = arith.constant 0 : i32
        %dma_wait3A_713 = arith.constant 0 : i32
        %dma_wait3A_714 = tpu.memref_slice %arg10[%dma_wait3A_711, %dma_wait3A_712, %dma_wait3A_713] : memref<5x40x128xf32, #tpu.memory_space<vmem>> -> memref<1x40x128xf32, #tpu.memory_space<vmem>>
        %dma_wait3A_715 = tpu.memref_squeeze %dma_wait3A_714 : memref<1x40x128xf32, #tpu.memory_space<vmem>> -> memref<40x128xf32, #tpu.memory_space<vmem>>
        %dma_wait3A_716 = arith.constant 0 : i32
        %dma_wait3A_717 = tpu.memref_slice %arg8[%dma_wait3A_709, %dma_wait3A_710, %dma_wait3A_716] : memref<2x5x40xi32, #tpu.memory_space<vmem>> -> memref<1x1x40xi32, #tpu.memory_space<vmem>>
        %dma_wait3A_718 = tpu.memref_squeeze %dma_wait3A_717 : memref<1x1x40xi32, #tpu.memory_space<vmem>> -> memref<40xi32, #tpu.memory_space<vmem>>
        %dma_wait3A_719 = arith.constant 0 : i32
        %dma_wait3A_720 = arith.constant 0 : i32
        %dma_wait3A_721 = tpu.memref_slice %arg5[%dma_wait3A_719, %dma_wait3A_720] : memref<10000x128xf32, #tpu.memory_space<hbm>> -> memref<10000x128xf32, #tpu.memory_space<hbm>>
        tpu.wait_indirect_dma semaphore(%arg11 : memref<!tpu.dma_semaphore, #tpu.memory_space<semaphore_mem>>) src(%dma_wait3A_721 : memref<10000x128xf32, #tpu.memory_space<hbm>>) dst(%dma_wait3A_715 : memref<40x128xf32, #tpu.memory_space<vmem>>)
        %dma_start3A_722 = arith.constant 4 : i32
        %dma_start3A_723 = arith.constant 0 : i32
        %dma_start3A_724 = arith.constant 4 : i32
        %dma_start3A_725 = arith.constant 0 : i32
        %dma_start3A_726 = arith.constant 0 : i32
        %dma_start3A_727 = tpu.memref_slice %arg10[%dma_start3A_722, %dma_start3A_725, %dma_start3A_726] : memref<5x40x128xf32, #tpu.memory_space<vmem>> -> memref<1x40x128xf32, #tpu.memory_space<vmem>>
        %dma_start3A_728 = tpu.memref_squeeze %dma_start3A_727 : memref<1x40x128xf32, #tpu.memory_space<vmem>> -> memref<40x128xf32, #tpu.memory_space<vmem>>
        %dma_start3A_729 = arith.constant 0 : i32
        %dma_start3A_730 = tpu.memref_slice %arg9[%dma_start3A_723, %dma_start3A_724, %dma_start3A_729] : memref<2x5x40xi32, #tpu.memory_space<vmem>> -> memref<1x1x40xi32, #tpu.memory_space<vmem>>
        %dma_start3A_731 = tpu.memref_squeeze %dma_start3A_730 : memref<1x1x40xi32, #tpu.memory_space<vmem>> -> memref<40xi32, #tpu.memory_space<vmem>>
        %dma_start3A_732 = arith.constant 0 : i32
        %dma_start3A_733 = arith.constant 0 : i32
        %dma_start3A_734 = tpu.memref_slice %arg7[%dma_start3A_732, %dma_start3A_733] : memref<10000x128xf32, #tpu.memory_space<vmem_shared>> -> memref<10000x128xf32, #tpu.memory_space<vmem_shared>>
        tpu.enqueue_indirect_dma source(%dma_start3A_728 : memref<40x128xf32, #tpu.memory_space<vmem>>) target(%dma_start3A_734 : memref<10000x128xf32, #tpu.memory_space<vmem_shared>>) offsets(%dma_start3A_731 : memref<40xi32, #tpu.memory_space<vmem>>) semaphore(%arg12 : memref<!tpu.dma_semaphore, #tpu.memory_space<semaphore_mem>>) {add = true}
        %add3A_735 = arith.constant 1 : i32
        %add3A_736 = arith.addi %add3A_509, %add3A_735 : i32
        %lt3A_737 = arith.constant 50 : i32
        %lt3A_738 = arith.cmpi slt, %add3A_736, %lt3A_737 : i32
        %convert_element_type3A_739 = arith.extui %lt3A_738 : i1 to i32
        %cond3A_740 = arith.constant 0 : i32
        %cond3A_741 = arith.cmpi ne, %convert_element_type3A_739, %cond3A_740 : i32
        scf.if %cond3A_741 {
          %add3A_980 = arith.constant 1 : i32
          %add3A_981 = arith.addi %add3A_509, %add3A_980 : i32
          %dma_wait3A_982 = arith.constant 1 : i32
          %dma_wait3A_983 = arith.constant 0 : i32
          %dma_wait3A_984 = arith.constant 0 : i32
          %dma_wait3A_985 = tpu.memref_slice %arg8[%dma_wait3A_982, %dma_wait3A_983, %dma_wait3A_984] : memref<2x5x40xi32, #tpu.memory_space<vmem>> -> memref<1x5x40xi32, #tpu.memory_space<vmem>>
          %dma_wait3A_986 = tpu.memref_squeeze %dma_wait3A_985 : memref<1x5x40xi32, #tpu.memory_space<vmem>> -> memref<5x40xi32, #tpu.memory_space<vmem>>
          %dma_wait3A_987 = arith.constant 0 : i32
          %dma_wait3A_988 = arith.constant 0 : i32
          %dma_wait3A_989 = tpu.memref_slice %arg3[%arg1, %add3A_981, %dma_wait3A_987, %dma_wait3A_988] : memref<16x50x5x40xi32, #tpu.memory_space<hbm>> -> memref<1x1x5x40xi32, #tpu.memory_space<hbm>>
          %dma_wait3A_990 = tpu.memref_squeeze %dma_wait3A_989 : memref<1x1x5x40xi32, #tpu.memory_space<hbm>> -> memref<5x40xi32, #tpu.memory_space<hbm>>
          %dma_wait3A_991 = arith.constant 0 : i32
          %dma_wait3A_992 = arith.constant 0 : i32
          %dma_wait3A_993 = tpu.memref_slice %arg8[%dma_wait3A_982, %dma_wait3A_991, %dma_wait3A_992] : memref<2x5x40xi32, #tpu.memory_space<vmem>> -> memref<1x5x40xi32, #tpu.memory_space<vmem>>
          %dma_wait3A_994 = tpu.memref_squeeze %dma_wait3A_993 : memref<1x5x40xi32, #tpu.memory_space<vmem>> -> memref<5x40xi32, #tpu.memory_space<vmem>>
          %dma_wait3A_995 = arith.constant 0 : i32
          %dma_wait3A_996 = arith.constant 0 : i32
          %dma_wait3A_997 = tpu.memref_slice %arg3[%arg1, %add3A_981, %dma_wait3A_995, %dma_wait3A_996] : memref<16x50x5x40xi32, #tpu.memory_space<hbm>> -> memref<1x1x5x40xi32, #tpu.memory_space<hbm>>
          %dma_wait3A_998 = tpu.memref_squeeze %dma_wait3A_997 : memref<1x1x5x40xi32, #tpu.memory_space<hbm>> -> memref<5x40xi32, #tpu.memory_space<hbm>>
          tpu.wait_dma2 semaphore(%arg13 : memref<!tpu.dma_semaphore, #tpu.memory_space<semaphore_mem>>) src(%dma_wait3A_998 : memref<5x40xi32, #tpu.memory_space<hbm>>) dst(%dma_wait3A_994 : memref<5x40xi32, #tpu.memory_space<vmem>>)
          %add3A_999 = arith.constant 1 : i32
          %add3A_1000 = arith.addi %add3A_509, %add3A_999 : i32
          %dma_wait3A_1001 = arith.constant 1 : i32
          %dma_wait3A_1002 = arith.constant 0 : i32
          %dma_wait3A_1003 = arith.constant 0 : i32
          %dma_wait3A_1004 = tpu.memref_slice %arg9[%dma_wait3A_1001, %dma_wait3A_1002, %dma_wait3A_1003] : memref<2x5x40xi32, #tpu.memory_space<vmem>> -> memref<1x5x40xi32, #tpu.memory_space<vmem>>
          %dma_wait3A_1005 = tpu.memref_squeeze %dma_wait3A_1004 : memref<1x5x40xi32, #tpu.memory_space<vmem>> -> memref<5x40xi32, #tpu.memory_space<vmem>>
          %dma_wait3A_1006 = arith.constant 0 : i32
          %dma_wait3A_1007 = arith.constant 0 : i32
          %dma_wait3A_1008 = tpu.memref_slice %arg2[%arg1, %add3A_1000, %dma_wait3A_1006, %dma_wait3A_1007] : memref<16x50x5x40xi32, #tpu.memory_space<hbm>> -> memref<1x1x5x40xi32, #tpu.memory_space<hbm>>
          %dma_wait3A_1009 = tpu.memref_squeeze %dma_wait3A_1008 : memref<1x1x5x40xi32, #tpu.memory_space<hbm>> -> memref<5x40xi32, #tpu.memory_space<hbm>>
          %dma_wait3A_1010 = arith.constant 0 : i32
          %dma_wait3A_1011 = arith.constant 0 : i32
          %dma_wait3A_1012 = tpu.memref_slice %arg9[%dma_wait3A_1001, %dma_wait3A_1010, %dma_wait3A_1011] : memref<2x5x40xi32, #tpu.memory_space<vmem>> -> memref<1x5x40xi32, #tpu.memory_space<vmem>>
          %dma_wait3A_1013 = tpu.memref_squeeze %dma_wait3A_1012 : memref<1x5x40xi32, #tpu.memory_space<vmem>> -> memref<5x40xi32, #tpu.memory_space<vmem>>
          %dma_wait3A_1014 = arith.constant 0 : i32
          %dma_wait3A_1015 = arith.constant 0 : i32
          %dma_wait3A_1016 = tpu.memref_slice %arg2[%arg1, %add3A_1000, %dma_wait3A_1014, %dma_wait3A_1015] : memref<16x50x5x40xi32, #tpu.memory_space<hbm>> -> memref<1x1x5x40xi32, #tpu.memory_space<hbm>>
          %dma_wait3A_1017 = tpu.memref_squeeze %dma_wait3A_1016 : memref<1x1x5x40xi32, #tpu.memory_space<hbm>> -> memref<5x40xi32, #tpu.memory_space<hbm>>
          tpu.wait_dma2 semaphore(%arg13 : memref<!tpu.dma_semaphore, #tpu.memory_space<semaphore_mem>>) src(%dma_wait3A_1017 : memref<5x40xi32, #tpu.memory_space<hbm>>) dst(%dma_wait3A_1013 : memref<5x40xi32, #tpu.memory_space<vmem>>)
        } else {
        }
        %mul3A_742 = arith.constant 2 : i32
        %mul3A_743 = arith.muli %scan3A_505, %mul3A_742 : i32
        %add3A_744 = arith.constant 1 : i32
        %add3A_745 = arith.addi %mul3A_743, %add3A_744 : i32
        %gt3A_746 = arith.constant 0 : i32
        %gt3A_747 = arith.cmpi sgt, %add3A_745, %gt3A_746 : i32
        %convert_element_type3A_748 = arith.extui %gt3A_747 : i1 to i32
        %cond3A_749 = arith.constant 0 : i32
        %cond3A_750 = arith.cmpi ne, %convert_element_type3A_748, %cond3A_749 : i32
        scf.if %cond3A_750 {
          %dma_wait3A_980 = arith.constant 0 : i32
          %dma_wait3A_981 = arith.constant 1 : i32
          %dma_wait3A_982 = arith.constant 0 : i32
          %dma_wait3A_983 = arith.constant 0 : i32
          %dma_wait3A_984 = arith.constant 0 : i32
          %dma_wait3A_985 = tpu.memref_slice %arg10[%dma_wait3A_980, %dma_wait3A_983, %dma_wait3A_984] : memref<5x40x128xf32, #tpu.memory_space<vmem>> -> memref<1x40x128xf32, #tpu.memory_space<vmem>>
          %dma_wait3A_986 = tpu.memref_squeeze %dma_wait3A_985 : memref<1x40x128xf32, #tpu.memory_space<vmem>> -> memref<40x128xf32, #tpu.memory_space<vmem>>
          %dma_wait3A_987 = arith.constant 0 : i32
          %dma_wait3A_988 = tpu.memref_slice %arg9[%dma_wait3A_981, %dma_wait3A_982, %dma_wait3A_987] : memref<2x5x40xi32, #tpu.memory_space<vmem>> -> memref<1x1x40xi32, #tpu.memory_space<vmem>>
          %dma_wait3A_989 = tpu.memref_squeeze %dma_wait3A_988 : memref<1x1x40xi32, #tpu.memory_space<vmem>> -> memref<40xi32, #tpu.memory_space<vmem>>
          %dma_wait3A_990 = arith.constant 0 : i32
          %dma_wait3A_991 = arith.constant 0 : i32
          %dma_wait3A_992 = tpu.memref_slice %arg7[%dma_wait3A_990, %dma_wait3A_991] : memref<10000x128xf32, #tpu.memory_space<vmem_shared>> -> memref<10000x128xf32, #tpu.memory_space<vmem_shared>>
          tpu.wait_indirect_dma semaphore(%arg12 : memref<!tpu.dma_semaphore, #tpu.memory_space<semaphore_mem>>) src(%dma_wait3A_986 : memref<40x128xf32, #tpu.memory_space<vmem>>) dst(%dma_wait3A_992 : memref<10000x128xf32, #tpu.memory_space<vmem_shared>>)
        } else {
        }
        %dma_start3A_751 = arith.constant 1 : i32
        %dma_start3A_752 = arith.constant 0 : i32
        %dma_start3A_753 = arith.constant 0 : i32
        %dma_start3A_754 = arith.constant 0 : i32
        %dma_start3A_755 = arith.constant 0 : i32
        %dma_start3A_756 = tpu.memref_slice %arg10[%dma_start3A_753, %dma_start3A_754, %dma_start3A_755] : memref<5x40x128xf32, #tpu.memory_space<vmem>> -> memref<1x40x128xf32, #tpu.memory_space<vmem>>
        %dma_start3A_757 = tpu.memref_squeeze %dma_start3A_756 : memref<1x40x128xf32, #tpu.memory_space<vmem>> -> memref<40x128xf32, #tpu.memory_space<vmem>>
        %dma_start3A_758 = arith.constant 0 : i32
        %dma_start3A_759 = tpu.memref_slice %arg8[%dma_start3A_751, %dma_start3A_752, %dma_start3A_758] : memref<2x5x40xi32, #tpu.memory_space<vmem>> -> memref<1x1x40xi32, #tpu.memory_space<vmem>>
        %dma_start3A_760 = tpu.memref_squeeze %dma_start3A_759 : memref<1x1x40xi32, #tpu.memory_space<vmem>> -> memref<40xi32, #tpu.memory_space<vmem>>
        %dma_start3A_761 = arith.constant 0 : i32
        %dma_start3A_762 = arith.constant 0 : i32
        %dma_start3A_763 = tpu.memref_slice %arg5[%dma_start3A_761, %dma_start3A_762] : memref<10000x128xf32, #tpu.memory_space<hbm>> -> memref<10000x128xf32, #tpu.memory_space<hbm>>
        tpu.enqueue_indirect_dma source(%dma_start3A_763 : memref<10000x128xf32, #tpu.memory_space<hbm>>) target(%dma_start3A_757 : memref<40x128xf32, #tpu.memory_space<vmem>>) offsets(%dma_start3A_760 : memref<40xi32, #tpu.memory_space<vmem>>) semaphore(%arg11 : memref<!tpu.dma_semaphore, #tpu.memory_space<semaphore_mem>>)
        %gt3A_764 = arith.constant 0 : i32
        %gt3A_765 = arith.cmpi sgt, %add3A_745, %gt3A_764 : i32
        %convert_element_type3A_766 = arith.extui %gt3A_765 : i1 to i32
        %cond3A_767 = arith.constant 0 : i32
        %cond3A_768 = arith.cmpi ne, %convert_element_type3A_766, %cond3A_767 : i32
        scf.if %cond3A_768 {
          %dma_wait3A_980 = arith.constant 1 : i32
          %dma_wait3A_981 = arith.constant 1 : i32
          %dma_wait3A_982 = arith.constant 1 : i32
          %dma_wait3A_983 = arith.constant 0 : i32
          %dma_wait3A_984 = arith.constant 0 : i32
          %dma_wait3A_985 = tpu.memref_slice %arg10[%dma_wait3A_980, %dma_wait3A_983, %dma_wait3A_984] : memref<5x40x128xf32, #tpu.memory_space<vmem>> -> memref<1x40x128xf32, #tpu.memory_space<vmem>>
          %dma_wait3A_986 = tpu.memref_squeeze %dma_wait3A_985 : memref<1x40x128xf32, #tpu.memory_space<vmem>> -> memref<40x128xf32, #tpu.memory_space<vmem>>
          %dma_wait3A_987 = arith.constant 0 : i32
          %dma_wait3A_988 = tpu.memref_slice %arg9[%dma_wait3A_981, %dma_wait3A_982, %dma_wait3A_987] : memref<2x5x40xi32, #tpu.memory_space<vmem>> -> memref<1x1x40xi32, #tpu.memory_space<vmem>>
          %dma_wait3A_989 = tpu.memref_squeeze %dma_wait3A_988 : memref<1x1x40xi32, #tpu.memory_space<vmem>> -> memref<40xi32, #tpu.memory_space<vmem>>
          %dma_wait3A_990 = arith.constant 0 : i32
          %dma_wait3A_991 = arith.constant 0 : i32
          %dma_wait3A_992 = tpu.memref_slice %arg7[%dma_wait3A_990, %dma_wait3A_991] : memref<10000x128xf32, #tpu.memory_space<vmem_shared>> -> memref<10000x128xf32, #tpu.memory_space<vmem_shared>>
          tpu.wait_indirect_dma semaphore(%arg12 : memref<!tpu.dma_semaphore, #tpu.memory_space<semaphore_mem>>) src(%dma_wait3A_986 : memref<40x128xf32, #tpu.memory_space<vmem>>) dst(%dma_wait3A_992 : memref<10000x128xf32, #tpu.memory_space<vmem_shared>>)
        } else {
        }
        %dma_start3A_769 = arith.constant 1 : i32
        %dma_start3A_770 = arith.constant 1 : i32
        %dma_start3A_771 = arith.constant 1 : i32
        %dma_start3A_772 = arith.constant 0 : i32
        %dma_start3A_773 = arith.constant 0 : i32
        %dma_start3A_774 = tpu.memref_slice %arg10[%dma_start3A_771, %dma_start3A_772, %dma_start3A_773] : memref<5x40x128xf32, #tpu.memory_space<vmem>> -> memref<1x40x128xf32, #tpu.memory_space<vmem>>
        %dma_start3A_775 = tpu.memref_squeeze %dma_start3A_774 : memref<1x40x128xf32, #tpu.memory_space<vmem>> -> memref<40x128xf32, #tpu.memory_space<vmem>>
        %dma_start3A_776 = arith.constant 0 : i32
        %dma_start3A_777 = tpu.memref_slice %arg8[%dma_start3A_769, %dma_start3A_770, %dma_start3A_776] : memref<2x5x40xi32, #tpu.memory_space<vmem>> -> memref<1x1x40xi32, #tpu.memory_space<vmem>>
        %dma_start3A_778 = tpu.memref_squeeze %dma_start3A_777 : memref<1x1x40xi32, #tpu.memory_space<vmem>> -> memref<40xi32, #tpu.memory_space<vmem>>
        %dma_start3A_779 = arith.constant 0 : i32
        %dma_start3A_780 = arith.constant 0 : i32
        %dma_start3A_781 = tpu.memref_slice %arg5[%dma_start3A_779, %dma_start3A_780] : memref<10000x128xf32, #tpu.memory_space<hbm>> -> memref<10000x128xf32, #tpu.memory_space<hbm>>
        tpu.enqueue_indirect_dma source(%dma_start3A_781 : memref<10000x128xf32, #tpu.memory_space<hbm>>) target(%dma_start3A_775 : memref<40x128xf32, #tpu.memory_space<vmem>>) offsets(%dma_start3A_778 : memref<40xi32, #tpu.memory_space<vmem>>) semaphore(%arg11 : memref<!tpu.dma_semaphore, #tpu.memory_space<semaphore_mem>>)
        %gt3A_782 = arith.constant 0 : i32
        %gt3A_783 = arith.cmpi sgt, %add3A_745, %gt3A_782 : i32
        %convert_element_type3A_784 = arith.extui %gt3A_783 : i1 to i32
        %cond3A_785 = arith.constant 0 : i32
        %cond3A_786 = arith.cmpi ne, %convert_element_type3A_784, %cond3A_785 : i32
        scf.if %cond3A_786 {
          %dma_wait3A_980 = arith.constant 2 : i32
          %dma_wait3A_981 = arith.constant 1 : i32
          %dma_wait3A_982 = arith.constant 2 : i32
          %dma_wait3A_983 = arith.constant 0 : i32
          %dma_wait3A_984 = arith.constant 0 : i32
          %dma_wait3A_985 = tpu.memref_slice %arg10[%dma_wait3A_980, %dma_wait3A_983, %dma_wait3A_984] : memref<5x40x128xf32, #tpu.memory_space<vmem>> -> memref<1x40x128xf32, #tpu.memory_space<vmem>>
          %dma_wait3A_986 = tpu.memref_squeeze %dma_wait3A_985 : memref<1x40x128xf32, #tpu.memory_space<vmem>> -> memref<40x128xf32, #tpu.memory_space<vmem>>
          %dma_wait3A_987 = arith.constant 0 : i32
          %dma_wait3A_988 = tpu.memref_slice %arg9[%dma_wait3A_981, %dma_wait3A_982, %dma_wait3A_987] : memref<2x5x40xi32, #tpu.memory_space<vmem>> -> memref<1x1x40xi32, #tpu.memory_space<vmem>>
          %dma_wait3A_989 = tpu.memref_squeeze %dma_wait3A_988 : memref<1x1x40xi32, #tpu.memory_space<vmem>> -> memref<40xi32, #tpu.memory_space<vmem>>
          %dma_wait3A_990 = arith.constant 0 : i32
          %dma_wait3A_991 = arith.constant 0 : i32
          %dma_wait3A_992 = tpu.memref_slice %arg7[%dma_wait3A_990, %dma_wait3A_991] : memref<10000x128xf32, #tpu.memory_space<vmem_shared>> -> memref<10000x128xf32, #tpu.memory_space<vmem_shared>>
          tpu.wait_indirect_dma semaphore(%arg12 : memref<!tpu.dma_semaphore, #tpu.memory_space<semaphore_mem>>) src(%dma_wait3A_986 : memref<40x128xf32, #tpu.memory_space<vmem>>) dst(%dma_wait3A_992 : memref<10000x128xf32, #tpu.memory_space<vmem_shared>>)
        } else {
        }
        %dma_start3A_787 = arith.constant 1 : i32
        %dma_start3A_788 = arith.constant 2 : i32
        %dma_start3A_789 = arith.constant 2 : i32
        %dma_start3A_790 = arith.constant 0 : i32
        %dma_start3A_791 = arith.constant 0 : i32
        %dma_start3A_792 = tpu.memref_slice %arg10[%dma_start3A_789, %dma_start3A_790, %dma_start3A_791] : memref<5x40x128xf32, #tpu.memory_space<vmem>> -> memref<1x40x128xf32, #tpu.memory_space<vmem>>
        %dma_start3A_793 = tpu.memref_squeeze %dma_start3A_792 : memref<1x40x128xf32, #tpu.memory_space<vmem>> -> memref<40x128xf32, #tpu.memory_space<vmem>>
        %dma_start3A_794 = arith.constant 0 : i32
        %dma_start3A_795 = tpu.memref_slice %arg8[%dma_start3A_787, %dma_start3A_788, %dma_start3A_794] : memref<2x5x40xi32, #tpu.memory_space<vmem>> -> memref<1x1x40xi32, #tpu.memory_space<vmem>>
        %dma_start3A_796 = tpu.memref_squeeze %dma_start3A_795 : memref<1x1x40xi32, #tpu.memory_space<vmem>> -> memref<40xi32, #tpu.memory_space<vmem>>
        %dma_start3A_797 = arith.constant 0 : i32
        %dma_start3A_798 = arith.constant 0 : i32
        %dma_start3A_799 = tpu.memref_slice %arg5[%dma_start3A_797, %dma_start3A_798] : memref<10000x128xf32, #tpu.memory_space<hbm>> -> memref<10000x128xf32, #tpu.memory_space<hbm>>
        tpu.enqueue_indirect_dma source(%dma_start3A_799 : memref<10000x128xf32, #tpu.memory_space<hbm>>) target(%dma_start3A_793 : memref<40x128xf32, #tpu.memory_space<vmem>>) offsets(%dma_start3A_796 : memref<40xi32, #tpu.memory_space<vmem>>) semaphore(%arg11 : memref<!tpu.dma_semaphore, #tpu.memory_space<semaphore_mem>>)
        %gt3A_800 = arith.constant 0 : i32
        %gt3A_801 = arith.cmpi sgt, %add3A_745, %gt3A_800 : i32
        %convert_element_type3A_802 = arith.extui %gt3A_801 : i1 to i32
        %cond3A_803 = arith.constant 0 : i32
        %cond3A_804 = arith.cmpi ne, %convert_element_type3A_802, %cond3A_803 : i32
        scf.if %cond3A_804 {
          %dma_wait3A_980 = arith.constant 3 : i32
          %dma_wait3A_981 = arith.constant 1 : i32
          %dma_wait3A_982 = arith.constant 3 : i32
          %dma_wait3A_983 = arith.constant 0 : i32
          %dma_wait3A_984 = arith.constant 0 : i32
          %dma_wait3A_985 = tpu.memref_slice %arg10[%dma_wait3A_980, %dma_wait3A_983, %dma_wait3A_984] : memref<5x40x128xf32, #tpu.memory_space<vmem>> -> memref<1x40x128xf32, #tpu.memory_space<vmem>>
          %dma_wait3A_986 = tpu.memref_squeeze %dma_wait3A_985 : memref<1x40x128xf32, #tpu.memory_space<vmem>> -> memref<40x128xf32, #tpu.memory_space<vmem>>
          %dma_wait3A_987 = arith.constant 0 : i32
          %dma_wait3A_988 = tpu.memref_slice %arg9[%dma_wait3A_981, %dma_wait3A_982, %dma_wait3A_987] : memref<2x5x40xi32, #tpu.memory_space<vmem>> -> memref<1x1x40xi32, #tpu.memory_space<vmem>>
          %dma_wait3A_989 = tpu.memref_squeeze %dma_wait3A_988 : memref<1x1x40xi32, #tpu.memory_space<vmem>> -> memref<40xi32, #tpu.memory_space<vmem>>
          %dma_wait3A_990 = arith.constant 0 : i32
          %dma_wait3A_991 = arith.constant 0 : i32
          %dma_wait3A_992 = tpu.memref_slice %arg7[%dma_wait3A_990, %dma_wait3A_991] : memref<10000x128xf32, #tpu.memory_space<vmem_shared>> -> memref<10000x128xf32, #tpu.memory_space<vmem_shared>>
          tpu.wait_indirect_dma semaphore(%arg12 : memref<!tpu.dma_semaphore, #tpu.memory_space<semaphore_mem>>) src(%dma_wait3A_986 : memref<40x128xf32, #tpu.memory_space<vmem>>) dst(%dma_wait3A_992 : memref<10000x128xf32, #tpu.memory_space<vmem_shared>>)
        } else {
        }
        %dma_start3A_805 = arith.constant 1 : i32
        %dma_start3A_806 = arith.constant 3 : i32
        %dma_start3A_807 = arith.constant 3 : i32
        %dma_start3A_808 = arith.constant 0 : i32
        %dma_start3A_809 = arith.constant 0 : i32
        %dma_start3A_810 = tpu.memref_slice %arg10[%dma_start3A_807, %dma_start3A_808, %dma_start3A_809] : memref<5x40x128xf32, #tpu.memory_space<vmem>> -> memref<1x40x128xf32, #tpu.memory_space<vmem>>
        %dma_start3A_811 = tpu.memref_squeeze %dma_start3A_810 : memref<1x40x128xf32, #tpu.memory_space<vmem>> -> memref<40x128xf32, #tpu.memory_space<vmem>>
        %dma_start3A_812 = arith.constant 0 : i32
        %dma_start3A_813 = tpu.memref_slice %arg8[%dma_start3A_805, %dma_start3A_806, %dma_start3A_812] : memref<2x5x40xi32, #tpu.memory_space<vmem>> -> memref<1x1x40xi32, #tpu.memory_space<vmem>>
        %dma_start3A_814 = tpu.memref_squeeze %dma_start3A_813 : memref<1x1x40xi32, #tpu.memory_space<vmem>> -> memref<40xi32, #tpu.memory_space<vmem>>
        %dma_start3A_815 = arith.constant 0 : i32
        %dma_start3A_816 = arith.constant 0 : i32
        %dma_start3A_817 = tpu.memref_slice %arg5[%dma_start3A_815, %dma_start3A_816] : memref<10000x128xf32, #tpu.memory_space<hbm>> -> memref<10000x128xf32, #tpu.memory_space<hbm>>
        tpu.enqueue_indirect_dma source(%dma_start3A_817 : memref<10000x128xf32, #tpu.memory_space<hbm>>) target(%dma_start3A_811 : memref<40x128xf32, #tpu.memory_space<vmem>>) offsets(%dma_start3A_814 : memref<40xi32, #tpu.memory_space<vmem>>) semaphore(%arg11 : memref<!tpu.dma_semaphore, #tpu.memory_space<semaphore_mem>>)
        %gt3A_818 = arith.constant 0 : i32
        %gt3A_819 = arith.cmpi sgt, %add3A_745, %gt3A_818 : i32
        %convert_element_type3A_820 = arith.extui %gt3A_819 : i1 to i32
        %cond3A_821 = arith.constant 0 : i32
        %cond3A_822 = arith.cmpi ne, %convert_element_type3A_820, %cond3A_821 : i32
        scf.if %cond3A_822 {
          %dma_wait3A_980 = arith.constant 4 : i32
          %dma_wait3A_981 = arith.constant 1 : i32
          %dma_wait3A_982 = arith.constant 4 : i32
          %dma_wait3A_983 = arith.constant 0 : i32
          %dma_wait3A_984 = arith.constant 0 : i32
          %dma_wait3A_985 = tpu.memref_slice %arg10[%dma_wait3A_980, %dma_wait3A_983, %dma_wait3A_984] : memref<5x40x128xf32, #tpu.memory_space<vmem>> -> memref<1x40x128xf32, #tpu.memory_space<vmem>>
          %dma_wait3A_986 = tpu.memref_squeeze %dma_wait3A_985 : memref<1x40x128xf32, #tpu.memory_space<vmem>> -> memref<40x128xf32, #tpu.memory_space<vmem>>
          %dma_wait3A_987 = arith.constant 0 : i32
          %dma_wait3A_988 = tpu.memref_slice %arg9[%dma_wait3A_981, %dma_wait3A_982, %dma_wait3A_987] : memref<2x5x40xi32, #tpu.memory_space<vmem>> -> memref<1x1x40xi32, #tpu.memory_space<vmem>>
          %dma_wait3A_989 = tpu.memref_squeeze %dma_wait3A_988 : memref<1x1x40xi32, #tpu.memory_space<vmem>> -> memref<40xi32, #tpu.memory_space<vmem>>
          %dma_wait3A_990 = arith.constant 0 : i32
          %dma_wait3A_991 = arith.constant 0 : i32
          %dma_wait3A_992 = tpu.memref_slice %arg7[%dma_wait3A_990, %dma_wait3A_991] : memref<10000x128xf32, #tpu.memory_space<vmem_shared>> -> memref<10000x128xf32, #tpu.memory_space<vmem_shared>>
          tpu.wait_indirect_dma semaphore(%arg12 : memref<!tpu.dma_semaphore, #tpu.memory_space<semaphore_mem>>) src(%dma_wait3A_986 : memref<40x128xf32, #tpu.memory_space<vmem>>) dst(%dma_wait3A_992 : memref<10000x128xf32, #tpu.memory_space<vmem_shared>>)
        } else {
        }
        %dma_start3A_823 = arith.constant 1 : i32
        %dma_start3A_824 = arith.constant 4 : i32
        %dma_start3A_825 = arith.constant 4 : i32
        %dma_start3A_826 = arith.constant 0 : i32
        %dma_start3A_827 = arith.constant 0 : i32
        %dma_start3A_828 = tpu.memref_slice %arg10[%dma_start3A_825, %dma_start3A_826, %dma_start3A_827] : memref<5x40x128xf32, #tpu.memory_space<vmem>> -> memref<1x40x128xf32, #tpu.memory_space<vmem>>
        %dma_start3A_829 = tpu.memref_squeeze %dma_start3A_828 : memref<1x40x128xf32, #tpu.memory_space<vmem>> -> memref<40x128xf32, #tpu.memory_space<vmem>>
        %dma_start3A_830 = arith.constant 0 : i32
        %dma_start3A_831 = tpu.memref_slice %arg8[%dma_start3A_823, %dma_start3A_824, %dma_start3A_830] : memref<2x5x40xi32, #tpu.memory_space<vmem>> -> memref<1x1x40xi32, #tpu.memory_space<vmem>>
        %dma_start3A_832 = tpu.memref_squeeze %dma_start3A_831 : memref<1x1x40xi32, #tpu.memory_space<vmem>> -> memref<40xi32, #tpu.memory_space<vmem>>
        %dma_start3A_833 = arith.constant 0 : i32
        %dma_start3A_834 = arith.constant 0 : i32
        %dma_start3A_835 = tpu.memref_slice %arg5[%dma_start3A_833, %dma_start3A_834] : memref<10000x128xf32, #tpu.memory_space<hbm>> -> memref<10000x128xf32, #tpu.memory_space<hbm>>
        tpu.enqueue_indirect_dma source(%dma_start3A_835 : memref<10000x128xf32, #tpu.memory_space<hbm>>) target(%dma_start3A_829 : memref<40x128xf32, #tpu.memory_space<vmem>>) offsets(%dma_start3A_832 : memref<40xi32, #tpu.memory_space<vmem>>) semaphore(%arg11 : memref<!tpu.dma_semaphore, #tpu.memory_space<semaphore_mem>>)
        %add3A_836 = arith.constant 1 : i32
        %add3A_837 = arith.addi %add3A_745, %add3A_836 : i32
        %lt3A_838 = arith.constant 50 : i32
        %lt3A_839 = arith.cmpi slt, %add3A_837, %lt3A_838 : i32
        %convert_element_type3A_840 = arith.extui %lt3A_839 : i1 to i32
        %cond3A_841 = arith.constant 0 : i32
        %cond3A_842 = arith.cmpi ne, %convert_element_type3A_840, %cond3A_841 : i32
        scf.if %cond3A_842 {
          %add3A_980 = arith.constant 1 : i32
          %add3A_981 = arith.addi %add3A_745, %add3A_980 : i32
          %dma_start3A_982 = arith.constant 0 : i32
          %dma_start3A_983 = arith.constant 0 : i32
          %dma_start3A_984 = arith.constant 0 : i32
          %dma_start3A_985 = tpu.memref_slice %arg8[%dma_start3A_982, %dma_start3A_983, %dma_start3A_984] : memref<2x5x40xi32, #tpu.memory_space<vmem>> -> memref<1x5x40xi32, #tpu.memory_space<vmem>>
          %dma_start3A_986 = tpu.memref_squeeze %dma_start3A_985 : memref<1x5x40xi32, #tpu.memory_space<vmem>> -> memref<5x40xi32, #tpu.memory_space<vmem>>
          %dma_start3A_987 = arith.constant 0 : i32
          %dma_start3A_988 = arith.constant 0 : i32
          %dma_start3A_989 = tpu.memref_slice %arg3[%arg1, %add3A_981, %dma_start3A_987, %dma_start3A_988] : memref<16x50x5x40xi32, #tpu.memory_space<hbm>> -> memref<1x1x5x40xi32, #tpu.memory_space<hbm>>
          %dma_start3A_990 = tpu.memref_squeeze %dma_start3A_989 : memref<1x1x5x40xi32, #tpu.memory_space<hbm>> -> memref<5x40xi32, #tpu.memory_space<hbm>>
          %dma_start3A_991 = arith.constant 0 : i32
          %dma_start3A_992 = arith.constant 0 : i32
          %dma_start3A_993 = tpu.memref_slice %arg8[%dma_start3A_982, %dma_start3A_991, %dma_start3A_992] : memref<2x5x40xi32, #tpu.memory_space<vmem>> -> memref<1x5x40xi32, #tpu.memory_space<vmem>>
          %dma_start3A_994 = tpu.memref_squeeze %dma_start3A_993 : memref<1x5x40xi32, #tpu.memory_space<vmem>> -> memref<5x40xi32, #tpu.memory_space<vmem>>
          %dma_start3A_995 = arith.constant 0 : i32
          %dma_start3A_996 = arith.constant 0 : i32
          %dma_start3A_997 = tpu.memref_slice %arg3[%arg1, %add3A_981, %dma_start3A_995, %dma_start3A_996] : memref<16x50x5x40xi32, #tpu.memory_space<hbm>> -> memref<1x1x5x40xi32, #tpu.memory_space<hbm>>
          %dma_start3A_998 = tpu.memref_squeeze %dma_start3A_997 : memref<1x1x5x40xi32, #tpu.memory_space<hbm>> -> memref<5x40xi32, #tpu.memory_space<hbm>>
          tpu.enqueue_dma source(%dma_start3A_998 : memref<5x40xi32, #tpu.memory_space<hbm>>) target(%dma_start3A_994 : memref<5x40xi32, #tpu.memory_space<vmem>>) target_semaphore(%arg13 : memref<!tpu.dma_semaphore, #tpu.memory_space<semaphore_mem>>)
          %add3A_999 = arith.constant 1 : i32
          %add3A_1000 = arith.addi %add3A_745, %add3A_999 : i32
          %dma_start3A_1001 = arith.constant 0 : i32
          %dma_start3A_1002 = arith.constant 0 : i32
          %dma_start3A_1003 = arith.constant 0 : i32
          %dma_start3A_1004 = tpu.memref_slice %arg9[%dma_start3A_1001, %dma_start3A_1002, %dma_start3A_1003] : memref<2x5x40xi32, #tpu.memory_space<vmem>> -> memref<1x5x40xi32, #tpu.memory_space<vmem>>
          %dma_start3A_1005 = tpu.memref_squeeze %dma_start3A_1004 : memref<1x5x40xi32, #tpu.memory_space<vmem>> -> memref<5x40xi32, #tpu.memory_space<vmem>>
          %dma_start3A_1006 = arith.constant 0 : i32
          %dma_start3A_1007 = arith.constant 0 : i32
          %dma_start3A_1008 = tpu.memref_slice %arg2[%arg1, %add3A_1000, %dma_start3A_1006, %dma_start3A_1007] : memref<16x50x5x40xi32, #tpu.memory_space<hbm>> -> memref<1x1x5x40xi32, #tpu.memory_space<hbm>>
          %dma_start3A_1009 = tpu.memref_squeeze %dma_start3A_1008 : memref<1x1x5x40xi32, #tpu.memory_space<hbm>> -> memref<5x40xi32, #tpu.memory_space<hbm>>
          %dma_start3A_1010 = arith.constant 0 : i32
          %dma_start3A_1011 = arith.constant 0 : i32
          %dma_start3A_1012 = tpu.memref_slice %arg9[%dma_start3A_1001, %dma_start3A_1010, %dma_start3A_1011] : memref<2x5x40xi32, #tpu.memory_space<vmem>> -> memref<1x5x40xi32, #tpu.memory_space<vmem>>
          %dma_start3A_1013 = tpu.memref_squeeze %dma_start3A_1012 : memref<1x5x40xi32, #tpu.memory_space<vmem>> -> memref<5x40xi32, #tpu.memory_space<vmem>>
          %dma_start3A_1014 = arith.constant 0 : i32
          %dma_start3A_1015 = arith.constant 0 : i32
          %dma_start3A_1016 = tpu.memref_slice %arg2[%arg1, %add3A_1000, %dma_start3A_1014, %dma_start3A_1015] : memref<16x50x5x40xi32, #tpu.memory_space<hbm>> -> memref<1x1x5x40xi32, #tpu.memory_space<hbm>>
          %dma_start3A_1017 = tpu.memref_squeeze %dma_start3A_1016 : memref<1x1x5x40xi32, #tpu.memory_space<hbm>> -> memref<5x40xi32, #tpu.memory_space<hbm>>
          tpu.enqueue_dma source(%dma_start3A_1017 : memref<5x40xi32, #tpu.memory_space<hbm>>) target(%dma_start3A_1013 : memref<5x40xi32, #tpu.memory_space<vmem>>) target_semaphore(%arg13 : memref<!tpu.dma_semaphore, #tpu.memory_space<semaphore_mem>>)
        } else {
        }
        %dma_wait3A_843 = arith.constant 1 : i32
        %dma_wait3A_844 = arith.constant 0 : i32
        %dma_wait3A_845 = arith.constant 0 : i32
        %dma_wait3A_846 = arith.constant 0 : i32
        %dma_wait3A_847 = arith.constant 0 : i32
        %dma_wait3A_848 = tpu.memref_slice %arg10[%dma_wait3A_845, %dma_wait3A_846, %dma_wait3A_847] : memref<5x40x128xf32, #tpu.memory_space<vmem>> -> memref<1x40x128xf32, #tpu.memory_space<vmem>>
        %dma_wait3A_849 = tpu.memref_squeeze %dma_wait3A_848 : memref<1x40x128xf32, #tpu.memory_space<vmem>> -> memref<40x128xf32, #tpu.memory_space<vmem>>
        %dma_wait3A_850 = arith.constant 0 : i32
        %dma_wait3A_851 = tpu.memref_slice %arg8[%dma_wait3A_843, %dma_wait3A_844, %dma_wait3A_850] : memref<2x5x40xi32, #tpu.memory_space<vmem>> -> memref<1x1x40xi32, #tpu.memory_space<vmem>>
        %dma_wait3A_852 = tpu.memref_squeeze %dma_wait3A_851 : memref<1x1x40xi32, #tpu.memory_space<vmem>> -> memref<40xi32, #tpu.memory_space<vmem>>
        %dma_wait3A_853 = arith.constant 0 : i32
        %dma_wait3A_854 = arith.constant 0 : i32
        %dma_wait3A_855 = tpu.memref_slice %arg5[%dma_wait3A_853, %dma_wait3A_854] : memref<10000x128xf32, #tpu.memory_space<hbm>> -> memref<10000x128xf32, #tpu.memory_space<hbm>>
        tpu.wait_indirect_dma semaphore(%arg11 : memref<!tpu.dma_semaphore, #tpu.memory_space<semaphore_mem>>) src(%dma_wait3A_855 : memref<10000x128xf32, #tpu.memory_space<hbm>>) dst(%dma_wait3A_849 : memref<40x128xf32, #tpu.memory_space<vmem>>)
        %dma_start3A_856 = arith.constant 0 : i32
        %dma_start3A_857 = arith.constant 1 : i32
        %dma_start3A_858 = arith.constant 0 : i32
        %dma_start3A_859 = arith.constant 0 : i32
        %dma_start3A_860 = arith.constant 0 : i32
        %dma_start3A_861 = tpu.memref_slice %arg10[%dma_start3A_856, %dma_start3A_859, %dma_start3A_860] : memref<5x40x128xf32, #tpu.memory_space<vmem>> -> memref<1x40x128xf32, #tpu.memory_space<vmem>>
        %dma_start3A_862 = tpu.memref_squeeze %dma_start3A_861 : memref<1x40x128xf32, #tpu.memory_space<vmem>> -> memref<40x128xf32, #tpu.memory_space<vmem>>
        %dma_start3A_863 = arith.constant 0 : i32
        %dma_start3A_864 = tpu.memref_slice %arg9[%dma_start3A_857, %dma_start3A_858, %dma_start3A_863] : memref<2x5x40xi32, #tpu.memory_space<vmem>> -> memref<1x1x40xi32, #tpu.memory_space<vmem>>
        %dma_start3A_865 = tpu.memref_squeeze %dma_start3A_864 : memref<1x1x40xi32, #tpu.memory_space<vmem>> -> memref<40xi32, #tpu.memory_space<vmem>>
        %dma_start3A_866 = arith.constant 0 : i32
        %dma_start3A_867 = arith.constant 0 : i32
        %dma_start3A_868 = tpu.memref_slice %arg7[%dma_start3A_866, %dma_start3A_867] : memref<10000x128xf32, #tpu.memory_space<vmem_shared>> -> memref<10000x128xf32, #tpu.memory_space<vmem_shared>>
        tpu.enqueue_indirect_dma source(%dma_start3A_862 : memref<40x128xf32, #tpu.memory_space<vmem>>) target(%dma_start3A_868 : memref<10000x128xf32, #tpu.memory_space<vmem_shared>>) offsets(%dma_start3A_865 : memref<40xi32, #tpu.memory_space<vmem>>) semaphore(%arg12 : memref<!tpu.dma_semaphore, #tpu.memory_space<semaphore_mem>>) {add = true}
        %dma_wait3A_869 = arith.constant 1 : i32
        %dma_wait3A_870 = arith.constant 1 : i32
        %dma_wait3A_871 = arith.constant 1 : i32
        %dma_wait3A_872 = arith.constant 0 : i32
        %dma_wait3A_873 = arith.constant 0 : i32
        %dma_wait3A_874 = tpu.memref_slice %arg10[%dma_wait3A_871, %dma_wait3A_872, %dma_wait3A_873] : memref<5x40x128xf32, #tpu.memory_space<vmem>> -> memref<1x40x128xf32, #tpu.memory_space<vmem>>
        %dma_wait3A_875 = tpu.memref_squeeze %dma_wait3A_874 : memref<1x40x128xf32, #tpu.memory_space<vmem>> -> memref<40x128xf32, #tpu.memory_space<vmem>>
        %dma_wait3A_876 = arith.constant 0 : i32
        %dma_wait3A_877 = tpu.memref_slice %arg8[%dma_wait3A_869, %dma_wait3A_870, %dma_wait3A_876] : memref<2x5x40xi32, #tpu.memory_space<vmem>> -> memref<1x1x40xi32, #tpu.memory_space<vmem>>
        %dma_wait3A_878 = tpu.memref_squeeze %dma_wait3A_877 : memref<1x1x40xi32, #tpu.memory_space<vmem>> -> memref<40xi32, #tpu.memory_space<vmem>>
        %dma_wait3A_879 = arith.constant 0 : i32
        %dma_wait3A_880 = arith.constant 0 : i32
        %dma_wait3A_881 = tpu.memref_slice %arg5[%dma_wait3A_879, %dma_wait3A_880] : memref<10000x128xf32, #tpu.memory_space<hbm>> -> memref<10000x128xf32, #tpu.memory_space<hbm>>
        tpu.wait_indirect_dma semaphore(%arg11 : memref<!tpu.dma_semaphore, #tpu.memory_space<semaphore_mem>>) src(%dma_wait3A_881 : memref<10000x128xf32, #tpu.memory_space<hbm>>) dst(%dma_wait3A_875 : memref<40x128xf32, #tpu.memory_space<vmem>>)
        %dma_start3A_882 = arith.constant 1 : i32
        %dma_start3A_883 = arith.constant 1 : i32
        %dma_start3A_884 = arith.constant 1 : i32
        %dma_start3A_885 = arith.constant 0 : i32
        %dma_start3A_886 = arith.constant 0 : i32
        %dma_start3A_887 = tpu.memref_slice %arg10[%dma_start3A_882, %dma_start3A_885, %dma_start3A_886] : memref<5x40x128xf32, #tpu.memory_space<vmem>> -> memref<1x40x128xf32, #tpu.memory_space<vmem>>
        %dma_start3A_888 = tpu.memref_squeeze %dma_start3A_887 : memref<1x40x128xf32, #tpu.memory_space<vmem>> -> memref<40x128xf32, #tpu.memory_space<vmem>>
        %dma_start3A_889 = arith.constant 0 : i32
        %dma_start3A_890 = tpu.memref_slice %arg9[%dma_start3A_883, %dma_start3A_884, %dma_start3A_889] : memref<2x5x40xi32, #tpu.memory_space<vmem>> -> memref<1x1x40xi32, #tpu.memory_space<vmem>>
        %dma_start3A_891 = tpu.memref_squeeze %dma_start3A_890 : memref<1x1x40xi32, #tpu.memory_space<vmem>> -> memref<40xi32, #tpu.memory_space<vmem>>
        %dma_start3A_892 = arith.constant 0 : i32
        %dma_start3A_893 = arith.constant 0 : i32
        %dma_start3A_894 = tpu.memref_slice %arg7[%dma_start3A_892, %dma_start3A_893] : memref<10000x128xf32, #tpu.memory_space<vmem_shared>> -> memref<10000x128xf32, #tpu.memory_space<vmem_shared>>
        tpu.enqueue_indirect_dma source(%dma_start3A_888 : memref<40x128xf32, #tpu.memory_space<vmem>>) target(%dma_start3A_894 : memref<10000x128xf32, #tpu.memory_space<vmem_shared>>) offsets(%dma_start3A_891 : memref<40xi32, #tpu.memory_space<vmem>>) semaphore(%arg12 : memref<!tpu.dma_semaphore, #tpu.memory_space<semaphore_mem>>) {add = true}
        %dma_wait3A_895 = arith.constant 1 : i32
        %dma_wait3A_896 = arith.constant 2 : i32
        %dma_wait3A_897 = arith.constant 2 : i32
        %dma_wait3A_898 = arith.constant 0 : i32
        %dma_wait3A_899 = arith.constant 0 : i32
        %dma_wait3A_900 = tpu.memref_slice %arg10[%dma_wait3A_897, %dma_wait3A_898, %dma_wait3A_899] : memref<5x40x128xf32, #tpu.memory_space<vmem>> -> memref<1x40x128xf32, #tpu.memory_space<vmem>>
        %dma_wait3A_901 = tpu.memref_squeeze %dma_wait3A_900 : memref<1x40x128xf32, #tpu.memory_space<vmem>> -> memref<40x128xf32, #tpu.memory_space<vmem>>
        %dma_wait3A_902 = arith.constant 0 : i32
        %dma_wait3A_903 = tpu.memref_slice %arg8[%dma_wait3A_895, %dma_wait3A_896, %dma_wait3A_902] : memref<2x5x40xi32, #tpu.memory_space<vmem>> -> memref<1x1x40xi32, #tpu.memory_space<vmem>>
        %dma_wait3A_904 = tpu.memref_squeeze %dma_wait3A_903 : memref<1x1x40xi32, #tpu.memory_space<vmem>> -> memref<40xi32, #tpu.memory_space<vmem>>
        %dma_wait3A_905 = arith.constant 0 : i32
        %dma_wait3A_906 = arith.constant 0 : i32
        %dma_wait3A_907 = tpu.memref_slice %arg5[%dma_wait3A_905, %dma_wait3A_906] : memref<10000x128xf32, #tpu.memory_space<hbm>> -> memref<10000x128xf32, #tpu.memory_space<hbm>>
        tpu.wait_indirect_dma semaphore(%arg11 : memref<!tpu.dma_semaphore, #tpu.memory_space<semaphore_mem>>) src(%dma_wait3A_907 : memref<10000x128xf32, #tpu.memory_space<hbm>>) dst(%dma_wait3A_901 : memref<40x128xf32, #tpu.memory_space<vmem>>)
        %dma_start3A_908 = arith.constant 2 : i32
        %dma_start3A_909 = arith.constant 1 : i32
        %dma_start3A_910 = arith.constant 2 : i32
        %dma_start3A_911 = arith.constant 0 : i32
        %dma_start3A_912 = arith.constant 0 : i32
        %dma_start3A_913 = tpu.memref_slice %arg10[%dma_start3A_908, %dma_start3A_911, %dma_start3A_912] : memref<5x40x128xf32, #tpu.memory_space<vmem>> -> memref<1x40x128xf32, #tpu.memory_space<vmem>>
        %dma_start3A_914 = tpu.memref_squeeze %dma_start3A_913 : memref<1x40x128xf32, #tpu.memory_space<vmem>> -> memref<40x128xf32, #tpu.memory_space<vmem>>
        %dma_start3A_915 = arith.constant 0 : i32
        %dma_start3A_916 = tpu.memref_slice %arg9[%dma_start3A_909, %dma_start3A_910, %dma_start3A_915] : memref<2x5x40xi32, #tpu.memory_space<vmem>> -> memref<1x1x40xi32, #tpu.memory_space<vmem>>
        %dma_start3A_917 = tpu.memref_squeeze %dma_start3A_916 : memref<1x1x40xi32, #tpu.memory_space<vmem>> -> memref<40xi32, #tpu.memory_space<vmem>>
        %dma_start3A_918 = arith.constant 0 : i32
        %dma_start3A_919 = arith.constant 0 : i32
        %dma_start3A_920 = tpu.memref_slice %arg7[%dma_start3A_918, %dma_start3A_919] : memref<10000x128xf32, #tpu.memory_space<vmem_shared>> -> memref<10000x128xf32, #tpu.memory_space<vmem_shared>>
        tpu.enqueue_indirect_dma source(%dma_start3A_914 : memref<40x128xf32, #tpu.memory_space<vmem>>) target(%dma_start3A_920 : memref<10000x128xf32, #tpu.memory_space<vmem_shared>>) offsets(%dma_start3A_917 : memref<40xi32, #tpu.memory_space<vmem>>) semaphore(%arg12 : memref<!tpu.dma_semaphore, #tpu.memory_space<semaphore_mem>>) {add = true}
        %dma_wait3A_921 = arith.constant 1 : i32
        %dma_wait3A_922 = arith.constant 3 : i32
        %dma_wait3A_923 = arith.constant 3 : i32
        %dma_wait3A_924 = arith.constant 0 : i32
        %dma_wait3A_925 = arith.constant 0 : i32
        %dma_wait3A_926 = tpu.memref_slice %arg10[%dma_wait3A_923, %dma_wait3A_924, %dma_wait3A_925] : memref<5x40x128xf32, #tpu.memory_space<vmem>> -> memref<1x40x128xf32, #tpu.memory_space<vmem>>
        %dma_wait3A_927 = tpu.memref_squeeze %dma_wait3A_926 : memref<1x40x128xf32, #tpu.memory_space<vmem>> -> memref<40x128xf32, #tpu.memory_space<vmem>>
        %dma_wait3A_928 = arith.constant 0 : i32
        %dma_wait3A_929 = tpu.memref_slice %arg8[%dma_wait3A_921, %dma_wait3A_922, %dma_wait3A_928] : memref<2x5x40xi32, #tpu.memory_space<vmem>> -> memref<1x1x40xi32, #tpu.memory_space<vmem>>
        %dma_wait3A_930 = tpu.memref_squeeze %dma_wait3A_929 : memref<1x1x40xi32, #tpu.memory_space<vmem>> -> memref<40xi32, #tpu.memory_space<vmem>>
        %dma_wait3A_931 = arith.constant 0 : i32
        %dma_wait3A_932 = arith.constant 0 : i32
        %dma_wait3A_933 = tpu.memref_slice %arg5[%dma_wait3A_931, %dma_wait3A_932] : memref<10000x128xf32, #tpu.memory_space<hbm>> -> memref<10000x128xf32, #tpu.memory_space<hbm>>
        tpu.wait_indirect_dma semaphore(%arg11 : memref<!tpu.dma_semaphore, #tpu.memory_space<semaphore_mem>>) src(%dma_wait3A_933 : memref<10000x128xf32, #tpu.memory_space<hbm>>) dst(%dma_wait3A_927 : memref<40x128xf32, #tpu.memory_space<vmem>>)
        %dma_start3A_934 = arith.constant 3 : i32
        %dma_start3A_935 = arith.constant 1 : i32
        %dma_start3A_936 = arith.constant 3 : i32
        %dma_start3A_937 = arith.constant 0 : i32
        %dma_start3A_938 = arith.constant 0 : i32
        %dma_start3A_939 = tpu.memref_slice %arg10[%dma_start3A_934, %dma_start3A_937, %dma_start3A_938] : memref<5x40x128xf32, #tpu.memory_space<vmem>> -> memref<1x40x128xf32, #tpu.memory_space<vmem>>
        %dma_start3A_940 = tpu.memref_squeeze %dma_start3A_939 : memref<1x40x128xf32, #tpu.memory_space<vmem>> -> memref<40x128xf32, #tpu.memory_space<vmem>>
        %dma_start3A_941 = arith.constant 0 : i32
        %dma_start3A_942 = tpu.memref_slice %arg9[%dma_start3A_935, %dma_start3A_936, %dma_start3A_941] : memref<2x5x40xi32, #tpu.memory_space<vmem>> -> memref<1x1x40xi32, #tpu.memory_space<vmem>>
        %dma_start3A_943 = tpu.memref_squeeze %dma_start3A_942 : memref<1x1x40xi32, #tpu.memory_space<vmem>> -> memref<40xi32, #tpu.memory_space<vmem>>
        %dma_start3A_944 = arith.constant 0 : i32
        %dma_start3A_945 = arith.constant 0 : i32
        %dma_start3A_946 = tpu.memref_slice %arg7[%dma_start3A_944, %dma_start3A_945] : memref<10000x128xf32, #tpu.memory_space<vmem_shared>> -> memref<10000x128xf32, #tpu.memory_space<vmem_shared>>
        tpu.enqueue_indirect_dma source(%dma_start3A_940 : memref<40x128xf32, #tpu.memory_space<vmem>>) target(%dma_start3A_946 : memref<10000x128xf32, #tpu.memory_space<vmem_shared>>) offsets(%dma_start3A_943 : memref<40xi32, #tpu.memory_space<vmem>>) semaphore(%arg12 : memref<!tpu.dma_semaphore, #tpu.memory_space<semaphore_mem>>) {add = true}
        %dma_wait3A_947 = arith.constant 1 : i32
        %dma_wait3A_948 = arith.constant 4 : i32
        %dma_wait3A_949 = arith.constant 4 : i32
        %dma_wait3A_950 = arith.constant 0 : i32
        %dma_wait3A_951 = arith.constant 0 : i32
        %dma_wait3A_952 = tpu.memref_slice %arg10[%dma_wait3A_949, %dma_wait3A_950, %dma_wait3A_951] : memref<5x40x128xf32, #tpu.memory_space<vmem>> -> memref<1x40x128xf32, #tpu.memory_space<vmem>>
        %dma_wait3A_953 = tpu.memref_squeeze %dma_wait3A_952 : memref<1x40x128xf32, #tpu.memory_space<vmem>> -> memref<40x128xf32, #tpu.memory_space<vmem>>
        %dma_wait3A_954 = arith.constant 0 : i32
        %dma_wait3A_955 = tpu.memref_slice %arg8[%dma_wait3A_947, %dma_wait3A_948, %dma_wait3A_954] : memref<2x5x40xi32, #tpu.memory_space<vmem>> -> memref<1x1x40xi32, #tpu.memory_space<vmem>>
        %dma_wait3A_956 = tpu.memref_squeeze %dma_wait3A_955 : memref<1x1x40xi32, #tpu.memory_space<vmem>> -> memref<40xi32, #tpu.memory_space<vmem>>
        %dma_wait3A_957 = arith.constant 0 : i32
        %dma_wait3A_958 = arith.constant 0 : i32
        %dma_wait3A_959 = tpu.memref_slice %arg5[%dma_wait3A_957, %dma_wait3A_958] : memref<10000x128xf32, #tpu.memory_space<hbm>> -> memref<10000x128xf32, #tpu.memory_space<hbm>>
        tpu.wait_indirect_dma semaphore(%arg11 : memref<!tpu.dma_semaphore, #tpu.memory_space<semaphore_mem>>) src(%dma_wait3A_959 : memref<10000x128xf32, #tpu.memory_space<hbm>>) dst(%dma_wait3A_953 : memref<40x128xf32, #tpu.memory_space<vmem>>)
        %dma_start3A_960 = arith.constant 4 : i32
        %dma_start3A_961 = arith.constant 1 : i32
        %dma_start3A_962 = arith.constant 4 : i32
        %dma_start3A_963 = arith.constant 0 : i32
        %dma_start3A_964 = arith.constant 0 : i32
        %dma_start3A_965 = tpu.memref_slice %arg10[%dma_start3A_960, %dma_start3A_963, %dma_start3A_964] : memref<5x40x128xf32, #tpu.memory_space<vmem>> -> memref<1x40x128xf32, #tpu.memory_space<vmem>>
        %dma_start3A_966 = tpu.memref_squeeze %dma_start3A_965 : memref<1x40x128xf32, #tpu.memory_space<vmem>> -> memref<40x128xf32, #tpu.memory_space<vmem>>
        %dma_start3A_967 = arith.constant 0 : i32
        %dma_start3A_968 = tpu.memref_slice %arg9[%dma_start3A_961, %dma_start3A_962, %dma_start3A_967] : memref<2x5x40xi32, #tpu.memory_space<vmem>> -> memref<1x1x40xi32, #tpu.memory_space<vmem>>
        %dma_start3A_969 = tpu.memref_squeeze %dma_start3A_968 : memref<1x1x40xi32, #tpu.memory_space<vmem>> -> memref<40xi32, #tpu.memory_space<vmem>>
        %dma_start3A_970 = arith.constant 0 : i32
        %dma_start3A_971 = arith.constant 0 : i32
        %dma_start3A_972 = tpu.memref_slice %arg7[%dma_start3A_970, %dma_start3A_971] : memref<10000x128xf32, #tpu.memory_space<vmem_shared>> -> memref<10000x128xf32, #tpu.memory_space<vmem_shared>>
        tpu.enqueue_indirect_dma source(%dma_start3A_966 : memref<40x128xf32, #tpu.memory_space<vmem>>) target(%dma_start3A_972 : memref<10000x128xf32, #tpu.memory_space<vmem_shared>>) offsets(%dma_start3A_969 : memref<40xi32, #tpu.memory_space<vmem>>) semaphore(%arg12 : memref<!tpu.dma_semaphore, #tpu.memory_space<semaphore_mem>>) {add = true}
        %add3A_973 = arith.constant 1 : i32
        %add3A_974 = arith.addi %add3A_745, %add3A_973 : i32
        %lt3A_975 = arith.constant 50 : i32
        %lt3A_976 = arith.cmpi slt, %add3A_974, %lt3A_975 : i32
        %convert_element_type3A_977 = arith.extui %lt3A_976 : i1 to i32
        %cond3A_978 = arith.constant 0 : i32
        %cond3A_979 = arith.cmpi ne, %convert_element_type3A_977, %cond3A_978 : i32
        scf.if %cond3A_979 {
          %add3A_980 = arith.constant 1 : i32
          %add3A_981 = arith.addi %add3A_745, %add3A_980 : i32
          %dma_wait3A_982 = arith.constant 0 : i32
          %dma_wait3A_983 = arith.constant 0 : i32
          %dma_wait3A_984 = arith.constant 0 : i32
          %dma_wait3A_985 = tpu.memref_slice %arg8[%dma_wait3A_982, %dma_wait3A_983, %dma_wait3A_984] : memref<2x5x40xi32, #tpu.memory_space<vmem>> -> memref<1x5x40xi32, #tpu.memory_space<vmem>>
          %dma_wait3A_986 = tpu.memref_squeeze %dma_wait3A_985 : memref<1x5x40xi32, #tpu.memory_space<vmem>> -> memref<5x40xi32, #tpu.memory_space<vmem>>
          %dma_wait3A_987 = arith.constant 0 : i32
          %dma_wait3A_988 = arith.constant 0 : i32
          %dma_wait3A_989 = tpu.memref_slice %arg3[%arg1, %add3A_981, %dma_wait3A_987, %dma_wait3A_988] : memref<16x50x5x40xi32, #tpu.memory_space<hbm>> -> memref<1x1x5x40xi32, #tpu.memory_space<hbm>>
          %dma_wait3A_990 = tpu.memref_squeeze %dma_wait3A_989 : memref<1x1x5x40xi32, #tpu.memory_space<hbm>> -> memref<5x40xi32, #tpu.memory_space<hbm>>
          %dma_wait3A_991 = arith.constant 0 : i32
          %dma_wait3A_992 = arith.constant 0 : i32
          %dma_wait3A_993 = tpu.memref_slice %arg8[%dma_wait3A_982, %dma_wait3A_991, %dma_wait3A_992] : memref<2x5x40xi32, #tpu.memory_space<vmem>> -> memref<1x5x40xi32, #tpu.memory_space<vmem>>
          %dma_wait3A_994 = tpu.memref_squeeze %dma_wait3A_993 : memref<1x5x40xi32, #tpu.memory_space<vmem>> -> memref<5x40xi32, #tpu.memory_space<vmem>>
          %dma_wait3A_995 = arith.constant 0 : i32
          %dma_wait3A_996 = arith.constant 0 : i32
          %dma_wait3A_997 = tpu.memref_slice %arg3[%arg1, %add3A_981, %dma_wait3A_995, %dma_wait3A_996] : memref<16x50x5x40xi32, #tpu.memory_space<hbm>> -> memref<1x1x5x40xi32, #tpu.memory_space<hbm>>
          %dma_wait3A_998 = tpu.memref_squeeze %dma_wait3A_997 : memref<1x1x5x40xi32, #tpu.memory_space<hbm>> -> memref<5x40xi32, #tpu.memory_space<hbm>>
          tpu.wait_dma2 semaphore(%arg13 : memref<!tpu.dma_semaphore, #tpu.memory_space<semaphore_mem>>) src(%dma_wait3A_998 : memref<5x40xi32, #tpu.memory_space<hbm>>) dst(%dma_wait3A_994 : memref<5x40xi32, #tpu.memory_space<vmem>>)
          %add3A_999 = arith.constant 1 : i32
          %add3A_1000 = arith.addi %add3A_745, %add3A_999 : i32
          %dma_wait3A_1001 = arith.constant 0 : i32
          %dma_wait3A_1002 = arith.constant 0 : i32
          %dma_wait3A_1003 = arith.constant 0 : i32
          %dma_wait3A_1004 = tpu.memref_slice %arg9[%dma_wait3A_1001, %dma_wait3A_1002, %dma_wait3A_1003] : memref<2x5x40xi32, #tpu.memory_space<vmem>> -> memref<1x5x40xi32, #tpu.memory_space<vmem>>
          %dma_wait3A_1005 = tpu.memref_squeeze %dma_wait3A_1004 : memref<1x5x40xi32, #tpu.memory_space<vmem>> -> memref<5x40xi32, #tpu.memory_space<vmem>>
          %dma_wait3A_1006 = arith.constant 0 : i32
          %dma_wait3A_1007 = arith.constant 0 : i32
          %dma_wait3A_1008 = tpu.memref_slice %arg2[%arg1, %add3A_1000, %dma_wait3A_1006, %dma_wait3A_1007] : memref<16x50x5x40xi32, #tpu.memory_space<hbm>> -> memref<1x1x5x40xi32, #tpu.memory_space<hbm>>
          %dma_wait3A_1009 = tpu.memref_squeeze %dma_wait3A_1008 : memref<1x1x5x40xi32, #tpu.memory_space<hbm>> -> memref<5x40xi32, #tpu.memory_space<hbm>>
          %dma_wait3A_1010 = arith.constant 0 : i32
          %dma_wait3A_1011 = arith.constant 0 : i32
          %dma_wait3A_1012 = tpu.memref_slice %arg9[%dma_wait3A_1001, %dma_wait3A_1010, %dma_wait3A_1011] : memref<2x5x40xi32, #tpu.memory_space<vmem>> -> memref<1x5x40xi32, #tpu.memory_space<vmem>>
          %dma_wait3A_1013 = tpu.memref_squeeze %dma_wait3A_1012 : memref<1x5x40xi32, #tpu.memory_space<vmem>> -> memref<5x40xi32, #tpu.memory_space<vmem>>
          %dma_wait3A_1014 = arith.constant 0 : i32
          %dma_wait3A_1015 = arith.constant 0 : i32
          %dma_wait3A_1016 = tpu.memref_slice %arg2[%arg1, %add3A_1000, %dma_wait3A_1014, %dma_wait3A_1015] : memref<16x50x5x40xi32, #tpu.memory_space<hbm>> -> memref<1x1x5x40xi32, #tpu.memory_space<hbm>>
          %dma_wait3A_1017 = tpu.memref_squeeze %dma_wait3A_1016 : memref<1x1x5x40xi32, #tpu.memory_space<hbm>> -> memref<5x40xi32, #tpu.memory_space<hbm>>
          tpu.wait_dma2 semaphore(%arg13 : memref<!tpu.dma_semaphore, #tpu.memory_space<semaphore_mem>>) src(%dma_wait3A_1017 : memref<5x40xi32, #tpu.memory_space<hbm>>) dst(%dma_wait3A_1013 : memref<5x40xi32, #tpu.memory_space<vmem>>)
        } else {
        }
      }
      %scan3A_439 = arith.constant 25 : i32
      %dma_wait3A_440 = arith.constant 0 : i32
      %dma_wait3A_441 = arith.constant 1 : i32
      %dma_wait3A_442 = arith.constant 0 : i32
      %dma_wait3A_443 = arith.constant 0 : i32
      %dma_wait3A_444 = arith.constant 0 : i32
      %dma_wait3A_445 = tpu.memref_slice %arg10[%dma_wait3A_440, %dma_wait3A_443, %dma_wait3A_444] : memref<5x40x128xf32, #tpu.memory_space<vmem>> -> memref<1x40x128xf32, #tpu.memory_space<vmem>>
      %dma_wait3A_446 = tpu.memref_squeeze %dma_wait3A_445 : memref<1x40x128xf32, #tpu.memory_space<vmem>> -> memref<40x128xf32, #tpu.memory_space<vmem>>
      %dma_wait3A_447 = arith.constant 0 : i32
      %dma_wait3A_448 = tpu.memref_slice %arg9[%dma_wait3A_441, %dma_wait3A_442, %dma_wait3A_447] : memref<2x5x40xi32, #tpu.memory_space<vmem>> -> memref<1x1x40xi32, #tpu.memory_space<vmem>>
      %dma_wait3A_449 = tpu.memref_squeeze %dma_wait3A_448 : memref<1x1x40xi32, #tpu.memory_space<vmem>> -> memref<40xi32, #tpu.memory_space<vmem>>
      %dma_wait3A_450 = arith.constant 0 : i32
      %dma_wait3A_451 = arith.constant 0 : i32
      %dma_wait3A_452 = tpu.memref_slice %arg7[%dma_wait3A_450, %dma_wait3A_451] : memref<10000x128xf32, #tpu.memory_space<vmem_shared>> -> memref<10000x128xf32, #tpu.memory_space<vmem_shared>>
      tpu.wait_indirect_dma semaphore(%arg12 : memref<!tpu.dma_semaphore, #tpu.memory_space<semaphore_mem>>) src(%dma_wait3A_446 : memref<40x128xf32, #tpu.memory_space<vmem>>) dst(%dma_wait3A_452 : memref<10000x128xf32, #tpu.memory_space<vmem_shared>>)
      %dma_wait3A_453 = arith.constant 1 : i32
      %dma_wait3A_454 = arith.constant 1 : i32
      %dma_wait3A_455 = arith.constant 1 : i32
      %dma_wait3A_456 = arith.constant 0 : i32
      %dma_wait3A_457 = arith.constant 0 : i32
      %dma_wait3A_458 = tpu.memref_slice %arg10[%dma_wait3A_453, %dma_wait3A_456, %dma_wait3A_457] : memref<5x40x128xf32, #tpu.memory_space<vmem>> -> memref<1x40x128xf32, #tpu.memory_space<vmem>>
      %dma_wait3A_459 = tpu.memref_squeeze %dma_wait3A_458 : memref<1x40x128xf32, #tpu.memory_space<vmem>> -> memref<40x128xf32, #tpu.memory_space<vmem>>
      %dma_wait3A_460 = arith.constant 0 : i32
      %dma_wait3A_461 = tpu.memref_slice %arg9[%dma_wait3A_454, %dma_wait3A_455, %dma_wait3A_460] : memref<2x5x40xi32, #tpu.memory_space<vmem>> -> memref<1x1x40xi32, #tpu.memory_space<vmem>>
      %dma_wait3A_462 = tpu.memref_squeeze %dma_wait3A_461 : memref<1x1x40xi32, #tpu.memory_space<vmem>> -> memref<40xi32, #tpu.memory_space<vmem>>
      %dma_wait3A_463 = arith.constant 0 : i32
      %dma_wait3A_464 = arith.constant 0 : i32
      %dma_wait3A_465 = tpu.memref_slice %arg7[%dma_wait3A_463, %dma_wait3A_464] : memref<10000x128xf32, #tpu.memory_space<vmem_shared>> -> memref<10000x128xf32, #tpu.memory_space<vmem_shared>>
      tpu.wait_indirect_dma semaphore(%arg12 : memref<!tpu.dma_semaphore, #tpu.memory_space<semaphore_mem>>) src(%dma_wait3A_459 : memref<40x128xf32, #tpu.memory_space<vmem>>) dst(%dma_wait3A_465 : memref<10000x128xf32, #tpu.memory_space<vmem_shared>>)
      %dma_wait3A_466 = arith.constant 2 : i32
      %dma_wait3A_467 = arith.constant 1 : i32
      %dma_wait3A_468 = arith.constant 2 : i32
      %dma_wait3A_469 = arith.constant 0 : i32
      %dma_wait3A_470 = arith.constant 0 : i32
      %dma_wait3A_471 = tpu.memref_slice %arg10[%dma_wait3A_466, %dma_wait3A_469, %dma_wait3A_470] : memref<5x40x128xf32, #tpu.memory_space<vmem>> -> memref<1x40x128xf32, #tpu.memory_space<vmem>>
      %dma_wait3A_472 = tpu.memref_squeeze %dma_wait3A_471 : memref<1x40x128xf32, #tpu.memory_space<vmem>> -> memref<40x128xf32, #tpu.memory_space<vmem>>
      %dma_wait3A_473 = arith.constant 0 : i32
      %dma_wait3A_474 = tpu.memref_slice %arg9[%dma_wait3A_467, %dma_wait3A_468, %dma_wait3A_473] : memref<2x5x40xi32, #tpu.memory_space<vmem>> -> memref<1x1x40xi32, #tpu.memory_space<vmem>>
      %dma_wait3A_475 = tpu.memref_squeeze %dma_wait3A_474 : memref<1x1x40xi32, #tpu.memory_space<vmem>> -> memref<40xi32, #tpu.memory_space<vmem>>
      %dma_wait3A_476 = arith.constant 0 : i32
      %dma_wait3A_477 = arith.constant 0 : i32
      %dma_wait3A_478 = tpu.memref_slice %arg7[%dma_wait3A_476, %dma_wait3A_477] : memref<10000x128xf32, #tpu.memory_space<vmem_shared>> -> memref<10000x128xf32, #tpu.memory_space<vmem_shared>>
      tpu.wait_indirect_dma semaphore(%arg12 : memref<!tpu.dma_semaphore, #tpu.memory_space<semaphore_mem>>) src(%dma_wait3A_472 : memref<40x128xf32, #tpu.memory_space<vmem>>) dst(%dma_wait3A_478 : memref<10000x128xf32, #tpu.memory_space<vmem_shared>>)
      %dma_wait3A_479 = arith.constant 3 : i32
      %dma_wait3A_480 = arith.constant 1 : i32
      %dma_wait3A_481 = arith.constant 3 : i32
      %dma_wait3A_482 = arith.constant 0 : i32
      %dma_wait3A_483 = arith.constant 0 : i32
      %dma_wait3A_484 = tpu.memref_slice %arg10[%dma_wait3A_479, %dma_wait3A_482, %dma_wait3A_483] : memref<5x40x128xf32, #tpu.memory_space<vmem>> -> memref<1x40x128xf32, #tpu.memory_space<vmem>>
      %dma_wait3A_485 = tpu.memref_squeeze %dma_wait3A_484 : memref<1x40x128xf32, #tpu.memory_space<vmem>> -> memref<40x128xf32, #tpu.memory_space<vmem>>
      %dma_wait3A_486 = arith.constant 0 : i32
      %dma_wait3A_487 = tpu.memref_slice %arg9[%dma_wait3A_480, %dma_wait3A_481, %dma_wait3A_486] : memref<2x5x40xi32, #tpu.memory_space<vmem>> -> memref<1x1x40xi32, #tpu.memory_space<vmem>>
      %dma_wait3A_488 = tpu.memref_squeeze %dma_wait3A_487 : memref<1x1x40xi32, #tpu.memory_space<vmem>> -> memref<40xi32, #tpu.memory_space<vmem>>
      %dma_wait3A_489 = arith.constant 0 : i32
      %dma_wait3A_490 = arith.constant 0 : i32
      %dma_wait3A_491 = tpu.memref_slice %arg7[%dma_wait3A_489, %dma_wait3A_490] : memref<10000x128xf32, #tpu.memory_space<vmem_shared>> -> memref<10000x128xf32, #tpu.memory_space<vmem_shared>>
      tpu.wait_indirect_dma semaphore(%arg12 : memref<!tpu.dma_semaphore, #tpu.memory_space<semaphore_mem>>) src(%dma_wait3A_485 : memref<40x128xf32, #tpu.memory_space<vmem>>) dst(%dma_wait3A_491 : memref<10000x128xf32, #tpu.memory_space<vmem_shared>>)
      %dma_wait3A_492 = arith.constant 4 : i32
      %dma_wait3A_493 = arith.constant 1 : i32
      %dma_wait3A_494 = arith.constant 4 : i32
      %dma_wait3A_495 = arith.constant 0 : i32
      %dma_wait3A_496 = arith.constant 0 : i32
      %dma_wait3A_497 = tpu.memref_slice %arg10[%dma_wait3A_492, %dma_wait3A_495, %dma_wait3A_496] : memref<5x40x128xf32, #tpu.memory_space<vmem>> -> memref<1x40x128xf32, #tpu.memory_space<vmem>>
      %dma_wait3A_498 = tpu.memref_squeeze %dma_wait3A_497 : memref<1x40x128xf32, #tpu.memory_space<vmem>> -> memref<40x128xf32, #tpu.memory_space<vmem>>
      %dma_wait3A_499 = arith.constant 0 : i32
      %dma_wait3A_500 = tpu.memref_slice %arg9[%dma_wait3A_493, %dma_wait3A_494, %dma_wait3A_499] : memref<2x5x40xi32, #tpu.memory_space<vmem>> -> memref<1x1x40xi32, #tpu.memory_space<vmem>>
      %dma_wait3A_501 = tpu.memref_squeeze %dma_wait3A_500 : memref<1x1x40xi32, #tpu.memory_space<vmem>> -> memref<40xi32, #tpu.memory_space<vmem>>
      %dma_wait3A_502 = arith.constant 0 : i32
      %dma_wait3A_503 = arith.constant 0 : i32
      %dma_wait3A_504 = tpu.memref_slice %arg7[%dma_wait3A_502, %dma_wait3A_503] : memref<10000x128xf32, #tpu.memory_space<vmem_shared>> -> memref<10000x128xf32, #tpu.memory_space<vmem_shared>>
      tpu.wait_indirect_dma semaphore(%arg12 : memref<!tpu.dma_semaphore, #tpu.memory_space<semaphore_mem>>) src(%dma_wait3A_498 : memref<40x128xf32, #tpu.memory_space<vmem>>) dst(%dma_wait3A_504 : memref<10000x128xf32, #tpu.memory_space<vmem_shared>>)
    } else {
    }
    %barrier3A_235 = arith.constant 0 : index
    tpu.barrier barrier_id(%barrier3A_235)
    %add3A_236 = arith.constant 0 : i32
    %add3A_237 = arith.addi %add3A_236, %arg1 : i32
    %lt3A_238 = arith.constant 250 : i32
    %lt3A_239 = arith.cmpi slt, %add3A_237, %lt3A_238 : i32
    %convert_element_type3A_240 = arith.extui %lt3A_239 : i1 to i32
    %cond3A_241 = arith.constant 0 : i32
    %cond3A_242 = arith.cmpi ne, %convert_element_type3A_240, %cond3A_241 : i32
    scf.if %cond3A_242 {
      %mul3A_431 = arith.constant 40 : i32
      %mul3A_432 = arith.muli %add3A_237, %mul3A_431 : i32
      %dma_start3A = arith.constant 0 : i32
      %dma_start3A_433 = arith.constant 0 : i32
      %dma_start3A_434 = arith.constant 0 : i32
      %dma_start3A_435 = tpu.memref_slice %arg10[%dma_start3A, %dma_start3A_433, %dma_start3A_434] : memref<5x40x128xf32, #tpu.memory_space<vmem>> -> memref<1x40x128xf32, #tpu.memory_space<vmem>>
      %dma_start3A_436 = tpu.memref_squeeze %dma_start3A_435 : memref<1x40x128xf32, #tpu.memory_space<vmem>> -> memref<40x128xf32, #tpu.memory_space<vmem>>
      %dma_start3A_437 = arith.constant 0 : i32
      %dma_start3A_438 = tpu.memref_slice %arg7[%mul3A_432, %dma_start3A_437] : memref<10000x128xf32, #tpu.memory_space<vmem_shared>> -> memref<40x128xf32, #tpu.memory_space<vmem_shared>>
      %dma_start3A_439 = arith.constant 0 : i32
      %dma_start3A_440 = arith.constant 0 : i32
      %dma_start3A_441 = tpu.memref_slice %arg10[%dma_start3A, %dma_start3A_439, %dma_start3A_440] : memref<5x40x128xf32, #tpu.memory_space<vmem>> -> memref<1x40x128xf32, #tpu.memory_space<vmem>>
      %dma_start3A_442 = tpu.memref_squeeze %dma_start3A_441 : memref<1x40x128xf32, #tpu.memory_space<vmem>> -> memref<40x128xf32, #tpu.memory_space<vmem>>
      %dma_start3A_443 = arith.constant 0 : i32
      %dma_start3A_444 = tpu.memref_slice %arg7[%mul3A_432, %dma_start3A_443] : memref<10000x128xf32, #tpu.memory_space<vmem_shared>> -> memref<40x128xf32, #tpu.memory_space<vmem_shared>>
      tpu.enqueue_dma source(%dma_start3A_444 : memref<40x128xf32, #tpu.memory_space<vmem_shared>>) target(%dma_start3A_442 : memref<40x128xf32, #tpu.memory_space<vmem>>) target_semaphore(%arg11 : memref<!tpu.dma_semaphore, #tpu.memory_space<semaphore_mem>>)
      %dma_wait3A_445 = arith.constant 0 : i32
      %dma_wait3A_446 = arith.constant 0 : i32
      %dma_wait3A_447 = arith.constant 0 : i32
      %dma_wait3A_448 = tpu.memref_slice %arg10[%dma_wait3A_445, %dma_wait3A_446, %dma_wait3A_447] : memref<5x40x128xf32, #tpu.memory_space<vmem>> -> memref<1x40x128xf32, #tpu.memory_space<vmem>>
      %dma_wait3A_449 = tpu.memref_squeeze %dma_wait3A_448 : memref<1x40x128xf32, #tpu.memory_space<vmem>> -> memref<40x128xf32, #tpu.memory_space<vmem>>
      %dma_wait3A_450 = arith.constant 0 : i32
      %dma_wait3A_451 = tpu.memref_slice %arg7[%mul3A_432, %dma_wait3A_450] : memref<10000x128xf32, #tpu.memory_space<vmem_shared>> -> memref<40x128xf32, #tpu.memory_space<vmem_shared>>
      %dma_wait3A_452 = arith.constant 0 : i32
      %dma_wait3A_453 = arith.constant 0 : i32
      %dma_wait3A_454 = tpu.memref_slice %arg10[%dma_wait3A_445, %dma_wait3A_452, %dma_wait3A_453] : memref<5x40x128xf32, #tpu.memory_space<vmem>> -> memref<1x40x128xf32, #tpu.memory_space<vmem>>
      %dma_wait3A_455 = tpu.memref_squeeze %dma_wait3A_454 : memref<1x40x128xf32, #tpu.memory_space<vmem>> -> memref<40x128xf32, #tpu.memory_space<vmem>>
      %dma_wait3A_456 = arith.constant 0 : i32
      %dma_wait3A_457 = tpu.memref_slice %arg7[%mul3A_432, %dma_wait3A_456] : memref<10000x128xf32, #tpu.memory_space<vmem_shared>> -> memref<40x128xf32, #tpu.memory_space<vmem_shared>>
      tpu.wait_dma2 semaphore(%arg11 : memref<!tpu.dma_semaphore, #tpu.memory_space<semaphore_mem>>) src(%dma_wait3A_457 : memref<40x128xf32, #tpu.memory_space<vmem_shared>>) dst(%dma_wait3A_455 : memref<40x128xf32, #tpu.memory_space<vmem>>)
      %mul3A_458 = arith.constant 40 : i32
      %mul3A_459 = arith.muli %add3A_237, %mul3A_458 : i32
      %dma_start3A_460 = arith.constant 0 : i32
      %dma_start3A_461 = arith.constant 0 : i32
      %dma_start3A_462 = arith.constant 0 : i32
      %dma_start3A_463 = tpu.memref_slice %arg10[%dma_start3A_460, %dma_start3A_461, %dma_start3A_462] : memref<5x40x128xf32, #tpu.memory_space<vmem>> -> memref<1x40x128xf32, #tpu.memory_space<vmem>>
      %dma_start3A_464 = tpu.memref_squeeze %dma_start3A_463 : memref<1x40x128xf32, #tpu.memory_space<vmem>> -> memref<40x128xf32, #tpu.memory_space<vmem>>
      %dma_start3A_465 = arith.constant 0 : i32
      %dma_start3A_466 = tpu.memref_slice %arg6[%arg0, %mul3A_459, %dma_start3A_465] : memref<2x10000x128xf32, #tpu.memory_space<hbm>> -> memref<1x40x128xf32, #tpu.memory_space<hbm>>
      %dma_start3A_467 = tpu.memref_squeeze %dma_start3A_466 : memref<1x40x128xf32, #tpu.memory_space<hbm>> -> memref<40x128xf32, #tpu.memory_space<hbm>>
      %dma_start3A_468 = arith.constant 0 : i32
      %dma_start3A_469 = tpu.memref_slice %arg6[%arg0, %mul3A_459, %dma_start3A_468] : memref<2x10000x128xf32, #tpu.memory_space<hbm>> -> memref<1x40x128xf32, #tpu.memory_space<hbm>>
      %dma_start3A_470 = tpu.memref_squeeze %dma_start3A_469 : memref<1x40x128xf32, #tpu.memory_space<hbm>> -> memref<40x128xf32, #tpu.memory_space<hbm>>
      %dma_start3A_471 = arith.constant 0 : i32
      %dma_start3A_472 = arith.constant 0 : i32
      %dma_start3A_473 = tpu.memref_slice %arg10[%dma_start3A_460, %dma_start3A_471, %dma_start3A_472] : memref<5x40x128xf32, #tpu.memory_space<vmem>> -> memref<1x40x128xf32, #tpu.memory_space<vmem>>
      %dma_start3A_474 = tpu.memref_squeeze %dma_start3A_473 : memref<1x40x128xf32, #tpu.memory_space<vmem>> -> memref<40x128xf32, #tpu.memory_space<vmem>>
      tpu.enqueue_dma source(%dma_start3A_474 : memref<40x128xf32, #tpu.memory_space<vmem>>) target(%dma_start3A_470 : memref<40x128xf32, #tpu.memory_space<hbm>>) target_semaphore(%arg12 : memref<!tpu.dma_semaphore, #tpu.memory_space<semaphore_mem>>)
    } else {
    }
    %add3A_243 = arith.constant 16 : i32
    %add3A_244 = arith.addi %add3A_243, %arg1 : i32
    %lt3A_245 = arith.constant 250 : i32
    %lt3A_246 = arith.cmpi slt, %add3A_244, %lt3A_245 : i32
    %convert_element_type3A_247 = arith.extui %lt3A_246 : i1 to i32
    %cond3A_248 = arith.constant 0 : i32
    %cond3A_249 = arith.cmpi ne, %convert_element_type3A_247, %cond3A_248 : i32
    scf.if %cond3A_249 {
      %mul3A_431 = arith.constant 40 : i32
      %mul3A_432 = arith.muli %add3A_244, %mul3A_431 : i32
      %dma_start3A = arith.constant 1 : i32
      %dma_start3A_433 = arith.constant 0 : i32
      %dma_start3A_434 = arith.constant 0 : i32
      %dma_start3A_435 = tpu.memref_slice %arg10[%dma_start3A, %dma_start3A_433, %dma_start3A_434] : memref<5x40x128xf32, #tpu.memory_space<vmem>> -> memref<1x40x128xf32, #tpu.memory_space<vmem>>
      %dma_start3A_436 = tpu.memref_squeeze %dma_start3A_435 : memref<1x40x128xf32, #tpu.memory_space<vmem>> -> memref<40x128xf32, #tpu.memory_space<vmem>>
      %dma_start3A_437 = arith.constant 0 : i32
      %dma_start3A_438 = tpu.memref_slice %arg7[%mul3A_432, %dma_start3A_437] : memref<10000x128xf32, #tpu.memory_space<vmem_shared>> -> memref<40x128xf32, #tpu.memory_space<vmem_shared>>
      %dma_start3A_439 = arith.constant 0 : i32
      %dma_start3A_440 = arith.constant 0 : i32
      %dma_start3A_441 = tpu.memref_slice %arg10[%dma_start3A, %dma_start3A_439, %dma_start3A_440] : memref<5x40x128xf32, #tpu.memory_space<vmem>> -> memref<1x40x128xf32, #tpu.memory_space<vmem>>
      %dma_start3A_442 = tpu.memref_squeeze %dma_start3A_441 : memref<1x40x128xf32, #tpu.memory_space<vmem>> -> memref<40x128xf32, #tpu.memory_space<vmem>>
      %dma_start3A_443 = arith.constant 0 : i32
      %dma_start3A_444 = tpu.memref_slice %arg7[%mul3A_432, %dma_start3A_443] : memref<10000x128xf32, #tpu.memory_space<vmem_shared>> -> memref<40x128xf32, #tpu.memory_space<vmem_shared>>
      tpu.enqueue_dma source(%dma_start3A_444 : memref<40x128xf32, #tpu.memory_space<vmem_shared>>) target(%dma_start3A_442 : memref<40x128xf32, #tpu.memory_space<vmem>>) target_semaphore(%arg11 : memref<!tpu.dma_semaphore, #tpu.memory_space<semaphore_mem>>)
      %dma_wait3A_445 = arith.constant 1 : i32
      %dma_wait3A_446 = arith.constant 0 : i32
      %dma_wait3A_447 = arith.constant 0 : i32
      %dma_wait3A_448 = tpu.memref_slice %arg10[%dma_wait3A_445, %dma_wait3A_446, %dma_wait3A_447] : memref<5x40x128xf32, #tpu.memory_space<vmem>> -> memref<1x40x128xf32, #tpu.memory_space<vmem>>
      %dma_wait3A_449 = tpu.memref_squeeze %dma_wait3A_448 : memref<1x40x128xf32, #tpu.memory_space<vmem>> -> memref<40x128xf32, #tpu.memory_space<vmem>>
      %dma_wait3A_450 = arith.constant 0 : i32
      %dma_wait3A_451 = tpu.memref_slice %arg7[%mul3A_432, %dma_wait3A_450] : memref<10000x128xf32, #tpu.memory_space<vmem_shared>> -> memref<40x128xf32, #tpu.memory_space<vmem_shared>>
      %dma_wait3A_452 = arith.constant 0 : i32
      %dma_wait3A_453 = arith.constant 0 : i32
      %dma_wait3A_454 = tpu.memref_slice %arg10[%dma_wait3A_445, %dma_wait3A_452, %dma_wait3A_453] : memref<5x40x128xf32, #tpu.memory_space<vmem>> -> memref<1x40x128xf32, #tpu.memory_space<vmem>>
      %dma_wait3A_455 = tpu.memref_squeeze %dma_wait3A_454 : memref<1x40x128xf32, #tpu.memory_space<vmem>> -> memref<40x128xf32, #tpu.memory_space<vmem>>
      %dma_wait3A_456 = arith.constant 0 : i32
      %dma_wait3A_457 = tpu.memref_slice %arg7[%mul3A_432, %dma_wait3A_456] : memref<10000x128xf32, #tpu.memory_space<vmem_shared>> -> memref<40x128xf32, #tpu.memory_space<vmem_shared>>
      tpu.wait_dma2 semaphore(%arg11 : memref<!tpu.dma_semaphore, #tpu.memory_space<semaphore_mem>>) src(%dma_wait3A_457 : memref<40x128xf32, #tpu.memory_space<vmem_shared>>) dst(%dma_wait3A_455 : memref<40x128xf32, #tpu.memory_space<vmem>>)
      %mul3A_458 = arith.constant 40 : i32
      %mul3A_459 = arith.muli %add3A_244, %mul3A_458 : i32
      %dma_start3A_460 = arith.constant 1 : i32
      %dma_start3A_461 = arith.constant 0 : i32
      %dma_start3A_462 = arith.constant 0 : i32
      %dma_start3A_463 = tpu.memref_slice %arg10[%dma_start3A_460, %dma_start3A_461, %dma_start3A_462] : memref<5x40x128xf32, #tpu.memory_space<vmem>> -> memref<1x40x128xf32, #tpu.memory_space<vmem>>
      %dma_start3A_464 = tpu.memref_squeeze %dma_start3A_463 : memref<1x40x128xf32, #tpu.memory_space<vmem>> -> memref<40x128xf32, #tpu.memory_space<vmem>>
      %dma_start3A_465 = arith.constant 0 : i32
      %dma_start3A_466 = tpu.memref_slice %arg6[%arg0, %mul3A_459, %dma_start3A_465] : memref<2x10000x128xf32, #tpu.memory_space<hbm>> -> memref<1x40x128xf32, #tpu.memory_space<hbm>>
      %dma_start3A_467 = tpu.memref_squeeze %dma_start3A_466 : memref<1x40x128xf32, #tpu.memory_space<hbm>> -> memref<40x128xf32, #tpu.memory_space<hbm>>
      %dma_start3A_468 = arith.constant 0 : i32
      %dma_start3A_469 = tpu.memref_slice %arg6[%arg0, %mul3A_459, %dma_start3A_468] : memref<2x10000x128xf32, #tpu.memory_space<hbm>> -> memref<1x40x128xf32, #tpu.memory_space<hbm>>
      %dma_start3A_470 = tpu.memref_squeeze %dma_start3A_469 : memref<1x40x128xf32, #tpu.memory_space<hbm>> -> memref<40x128xf32, #tpu.memory_space<hbm>>
      %dma_start3A_471 = arith.constant 0 : i32
      %dma_start3A_472 = arith.constant 0 : i32
      %dma_start3A_473 = tpu.memref_slice %arg10[%dma_start3A_460, %dma_start3A_471, %dma_start3A_472] : memref<5x40x128xf32, #tpu.memory_space<vmem>> -> memref<1x40x128xf32, #tpu.memory_space<vmem>>
      %dma_start3A_474 = tpu.memref_squeeze %dma_start3A_473 : memref<1x40x128xf32, #tpu.memory_space<vmem>> -> memref<40x128xf32, #tpu.memory_space<vmem>>
      tpu.enqueue_dma source(%dma_start3A_474 : memref<40x128xf32, #tpu.memory_space<vmem>>) target(%dma_start3A_470 : memref<40x128xf32, #tpu.memory_space<hbm>>) target_semaphore(%arg12 : memref<!tpu.dma_semaphore, #tpu.memory_space<semaphore_mem>>)
    } else {
    }
    %add3A_250 = arith.constant 32 : i32
    %add3A_251 = arith.addi %add3A_250, %arg1 : i32
    %lt3A_252 = arith.constant 250 : i32
    %lt3A_253 = arith.cmpi slt, %add3A_251, %lt3A_252 : i32
    %convert_element_type3A_254 = arith.extui %lt3A_253 : i1 to i32
    %cond3A_255 = arith.constant 0 : i32
    %cond3A_256 = arith.cmpi ne, %convert_element_type3A_254, %cond3A_255 : i32
    scf.if %cond3A_256 {
      %mul3A_431 = arith.constant 40 : i32
      %mul3A_432 = arith.muli %add3A_251, %mul3A_431 : i32
      %dma_start3A = arith.constant 2 : i32
      %dma_start3A_433 = arith.constant 0 : i32
      %dma_start3A_434 = arith.constant 0 : i32
      %dma_start3A_435 = tpu.memref_slice %arg10[%dma_start3A, %dma_start3A_433, %dma_start3A_434] : memref<5x40x128xf32, #tpu.memory_space<vmem>> -> memref<1x40x128xf32, #tpu.memory_space<vmem>>
      %dma_start3A_436 = tpu.memref_squeeze %dma_start3A_435 : memref<1x40x128xf32, #tpu.memory_space<vmem>> -> memref<40x128xf32, #tpu.memory_space<vmem>>
      %dma_start3A_437 = arith.constant 0 : i32
      %dma_start3A_438 = tpu.memref_slice %arg7[%mul3A_432, %dma_start3A_437] : memref<10000x128xf32, #tpu.memory_space<vmem_shared>> -> memref<40x128xf32, #tpu.memory_space<vmem_shared>>
      %dma_start3A_439 = arith.constant 0 : i32
      %dma_start3A_440 = arith.constant 0 : i32
      %dma_start3A_441 = tpu.memref_slice %arg10[%dma_start3A, %dma_start3A_439, %dma_start3A_440] : memref<5x40x128xf32, #tpu.memory_space<vmem>> -> memref<1x40x128xf32, #tpu.memory_space<vmem>>
      %dma_start3A_442 = tpu.memref_squeeze %dma_start3A_441 : memref<1x40x128xf32, #tpu.memory_space<vmem>> -> memref<40x128xf32, #tpu.memory_space<vmem>>
      %dma_start3A_443 = arith.constant 0 : i32
      %dma_start3A_444 = tpu.memref_slice %arg7[%mul3A_432, %dma_start3A_443] : memref<10000x128xf32, #tpu.memory_space<vmem_shared>> -> memref<40x128xf32, #tpu.memory_space<vmem_shared>>
      tpu.enqueue_dma source(%dma_start3A_444 : memref<40x128xf32, #tpu.memory_space<vmem_shared>>) target(%dma_start3A_442 : memref<40x128xf32, #tpu.memory_space<vmem>>) target_semaphore(%arg11 : memref<!tpu.dma_semaphore, #tpu.memory_space<semaphore_mem>>)
      %dma_wait3A_445 = arith.constant 2 : i32
      %dma_wait3A_446 = arith.constant 0 : i32
      %dma_wait3A_447 = arith.constant 0 : i32
      %dma_wait3A_448 = tpu.memref_slice %arg10[%dma_wait3A_445, %dma_wait3A_446, %dma_wait3A_447] : memref<5x40x128xf32, #tpu.memory_space<vmem>> -> memref<1x40x128xf32, #tpu.memory_space<vmem>>
      %dma_wait3A_449 = tpu.memref_squeeze %dma_wait3A_448 : memref<1x40x128xf32, #tpu.memory_space<vmem>> -> memref<40x128xf32, #tpu.memory_space<vmem>>
      %dma_wait3A_450 = arith.constant 0 : i32
      %dma_wait3A_451 = tpu.memref_slice %arg7[%mul3A_432, %dma_wait3A_450] : memref<10000x128xf32, #tpu.memory_space<vmem_shared>> -> memref<40x128xf32, #tpu.memory_space<vmem_shared>>
      %dma_wait3A_452 = arith.constant 0 : i32
      %dma_wait3A_453 = arith.constant 0 : i32
      %dma_wait3A_454 = tpu.memref_slice %arg10[%dma_wait3A_445, %dma_wait3A_452, %dma_wait3A_453] : memref<5x40x128xf32, #tpu.memory_space<vmem>> -> memref<1x40x128xf32, #tpu.memory_space<vmem>>
      %dma_wait3A_455 = tpu.memref_squeeze %dma_wait3A_454 : memref<1x40x128xf32, #tpu.memory_space<vmem>> -> memref<40x128xf32, #tpu.memory_space<vmem>>
      %dma_wait3A_456 = arith.constant 0 : i32
      %dma_wait3A_457 = tpu.memref_slice %arg7[%mul3A_432, %dma_wait3A_456] : memref<10000x128xf32, #tpu.memory_space<vmem_shared>> -> memref<40x128xf32, #tpu.memory_space<vmem_shared>>
      tpu.wait_dma2 semaphore(%arg11 : memref<!tpu.dma_semaphore, #tpu.memory_space<semaphore_mem>>) src(%dma_wait3A_457 : memref<40x128xf32, #tpu.memory_space<vmem_shared>>) dst(%dma_wait3A_455 : memref<40x128xf32, #tpu.memory_space<vmem>>)
      %mul3A_458 = arith.constant 40 : i32
      %mul3A_459 = arith.muli %add3A_251, %mul3A_458 : i32
      %dma_start3A_460 = arith.constant 2 : i32
      %dma_start3A_461 = arith.constant 0 : i32
      %dma_start3A_462 = arith.constant 0 : i32
      %dma_start3A_463 = tpu.memref_slice %arg10[%dma_start3A_460, %dma_start3A_461, %dma_start3A_462] : memref<5x40x128xf32, #tpu.memory_space<vmem>> -> memref<1x40x128xf32, #tpu.memory_space<vmem>>
      %dma_start3A_464 = tpu.memref_squeeze %dma_start3A_463 : memref<1x40x128xf32, #tpu.memory_space<vmem>> -> memref<40x128xf32, #tpu.memory_space<vmem>>
      %dma_start3A_465 = arith.constant 0 : i32
      %dma_start3A_466 = tpu.memref_slice %arg6[%arg0, %mul3A_459, %dma_start3A_465] : memref<2x10000x128xf32, #tpu.memory_space<hbm>> -> memref<1x40x128xf32, #tpu.memory_space<hbm>>
      %dma_start3A_467 = tpu.memref_squeeze %dma_start3A_466 : memref<1x40x128xf32, #tpu.memory_space<hbm>> -> memref<40x128xf32, #tpu.memory_space<hbm>>
      %dma_start3A_468 = arith.constant 0 : i32
      %dma_start3A_469 = tpu.memref_slice %arg6[%arg0, %mul3A_459, %dma_start3A_468] : memref<2x10000x128xf32, #tpu.memory_space<hbm>> -> memref<1x40x128xf32, #tpu.memory_space<hbm>>
      %dma_start3A_470 = tpu.memref_squeeze %dma_start3A_469 : memref<1x40x128xf32, #tpu.memory_space<hbm>> -> memref<40x128xf32, #tpu.memory_space<hbm>>
      %dma_start3A_471 = arith.constant 0 : i32
      %dma_start3A_472 = arith.constant 0 : i32
      %dma_start3A_473 = tpu.memref_slice %arg10[%dma_start3A_460, %dma_start3A_471, %dma_start3A_472] : memref<5x40x128xf32, #tpu.memory_space<vmem>> -> memref<1x40x128xf32, #tpu.memory_space<vmem>>
      %dma_start3A_474 = tpu.memref_squeeze %dma_start3A_473 : memref<1x40x128xf32, #tpu.memory_space<vmem>> -> memref<40x128xf32, #tpu.memory_space<vmem>>
      tpu.enqueue_dma source(%dma_start3A_474 : memref<40x128xf32, #tpu.memory_space<vmem>>) target(%dma_start3A_470 : memref<40x128xf32, #tpu.memory_space<hbm>>) target_semaphore(%arg12 : memref<!tpu.dma_semaphore, #tpu.memory_space<semaphore_mem>>)
    } else {
    }
    %add3A_257 = arith.constant 48 : i32
    %add3A_258 = arith.addi %add3A_257, %arg1 : i32
    %lt3A_259 = arith.constant 250 : i32
    %lt3A_260 = arith.cmpi slt, %add3A_258, %lt3A_259 : i32
    %convert_element_type3A_261 = arith.extui %lt3A_260 : i1 to i32
    %cond3A_262 = arith.constant 0 : i32
    %cond3A_263 = arith.cmpi ne, %convert_element_type3A_261, %cond3A_262 : i32
    scf.if %cond3A_263 {
      %mul3A_431 = arith.constant 40 : i32
      %mul3A_432 = arith.muli %add3A_258, %mul3A_431 : i32
      %dma_start3A = arith.constant 3 : i32
      %dma_start3A_433 = arith.constant 0 : i32
      %dma_start3A_434 = arith.constant 0 : i32
      %dma_start3A_435 = tpu.memref_slice %arg10[%dma_start3A, %dma_start3A_433, %dma_start3A_434] : memref<5x40x128xf32, #tpu.memory_space<vmem>> -> memref<1x40x128xf32, #tpu.memory_space<vmem>>
      %dma_start3A_436 = tpu.memref_squeeze %dma_start3A_435 : memref<1x40x128xf32, #tpu.memory_space<vmem>> -> memref<40x128xf32, #tpu.memory_space<vmem>>
      %dma_start3A_437 = arith.constant 0 : i32
      %dma_start3A_438 = tpu.memref_slice %arg7[%mul3A_432, %dma_start3A_437] : memref<10000x128xf32, #tpu.memory_space<vmem_shared>> -> memref<40x128xf32, #tpu.memory_space<vmem_shared>>
      %dma_start3A_439 = arith.constant 0 : i32
      %dma_start3A_440 = arith.constant 0 : i32
      %dma_start3A_441 = tpu.memref_slice %arg10[%dma_start3A, %dma_start3A_439, %dma_start3A_440] : memref<5x40x128xf32, #tpu.memory_space<vmem>> -> memref<1x40x128xf32, #tpu.memory_space<vmem>>
      %dma_start3A_442 = tpu.memref_squeeze %dma_start3A_441 : memref<1x40x128xf32, #tpu.memory_space<vmem>> -> memref<40x128xf32, #tpu.memory_space<vmem>>
      %dma_start3A_443 = arith.constant 0 : i32
      %dma_start3A_444 = tpu.memref_slice %arg7[%mul3A_432, %dma_start3A_443] : memref<10000x128xf32, #tpu.memory_space<vmem_shared>> -> memref<40x128xf32, #tpu.memory_space<vmem_shared>>
      tpu.enqueue_dma source(%dma_start3A_444 : memref<40x128xf32, #tpu.memory_space<vmem_shared>>) target(%dma_start3A_442 : memref<40x128xf32, #tpu.memory_space<vmem>>) target_semaphore(%arg11 : memref<!tpu.dma_semaphore, #tpu.memory_space<semaphore_mem>>)
      %dma_wait3A_445 = arith.constant 3 : i32
      %dma_wait3A_446 = arith.constant 0 : i32
      %dma_wait3A_447 = arith.constant 0 : i32
      %dma_wait3A_448 = tpu.memref_slice %arg10[%dma_wait3A_445, %dma_wait3A_446, %dma_wait3A_447] : memref<5x40x128xf32, #tpu.memory_space<vmem>> -> memref<1x40x128xf32, #tpu.memory_space<vmem>>
      %dma_wait3A_449 = tpu.memref_squeeze %dma_wait3A_448 : memref<1x40x128xf32, #tpu.memory_space<vmem>> -> memref<40x128xf32, #tpu.memory_space<vmem>>
      %dma_wait3A_450 = arith.constant 0 : i32
      %dma_wait3A_451 = tpu.memref_slice %arg7[%mul3A_432, %dma_wait3A_450] : memref<10000x128xf32, #tpu.memory_space<vmem_shared>> -> memref<40x128xf32, #tpu.memory_space<vmem_shared>>
      %dma_wait3A_452 = arith.constant 0 : i32
      %dma_wait3A_453 = arith.constant 0 : i32
      %dma_wait3A_454 = tpu.memref_slice %arg10[%dma_wait3A_445, %dma_wait3A_452, %dma_wait3A_453] : memref<5x40x128xf32, #tpu.memory_space<vmem>> -> memref<1x40x128xf32, #tpu.memory_space<vmem>>
      %dma_wait3A_455 = tpu.memref_squeeze %dma_wait3A_454 : memref<1x40x128xf32, #tpu.memory_space<vmem>> -> memref<40x128xf32, #tpu.memory_space<vmem>>
      %dma_wait3A_456 = arith.constant 0 : i32
      %dma_wait3A_457 = tpu.memref_slice %arg7[%mul3A_432, %dma_wait3A_456] : memref<10000x128xf32, #tpu.memory_space<vmem_shared>> -> memref<40x128xf32, #tpu.memory_space<vmem_shared>>
      tpu.wait_dma2 semaphore(%arg11 : memref<!tpu.dma_semaphore, #tpu.memory_space<semaphore_mem>>) src(%dma_wait3A_457 : memref<40x128xf32, #tpu.memory_space<vmem_shared>>) dst(%dma_wait3A_455 : memref<40x128xf32, #tpu.memory_space<vmem>>)
      %mul3A_458 = arith.constant 40 : i32
      %mul3A_459 = arith.muli %add3A_258, %mul3A_458 : i32
      %dma_start3A_460 = arith.constant 3 : i32
      %dma_start3A_461 = arith.constant 0 : i32
      %dma_start3A_462 = arith.constant 0 : i32
      %dma_start3A_463 = tpu.memref_slice %arg10[%dma_start3A_460, %dma_start3A_461, %dma_start3A_462] : memref<5x40x128xf32, #tpu.memory_space<vmem>> -> memref<1x40x128xf32, #tpu.memory_space<vmem>>
      %dma_start3A_464 = tpu.memref_squeeze %dma_start3A_463 : memref<1x40x128xf32, #tpu.memory_space<vmem>> -> memref<40x128xf32, #tpu.memory_space<vmem>>
      %dma_start3A_465 = arith.constant 0 : i32
      %dma_start3A_466 = tpu.memref_slice %arg6[%arg0, %mul3A_459, %dma_start3A_465] : memref<2x10000x128xf32, #tpu.memory_space<hbm>> -> memref<1x40x128xf32, #tpu.memory_space<hbm>>
      %dma_start3A_467 = tpu.memref_squeeze %dma_start3A_466 : memref<1x40x128xf32, #tpu.memory_space<hbm>> -> memref<40x128xf32, #tpu.memory_space<hbm>>
      %dma_start3A_468 = arith.constant 0 : i32
      %dma_start3A_469 = tpu.memref_slice %arg6[%arg0, %mul3A_459, %dma_start3A_468] : memref<2x10000x128xf32, #tpu.memory_space<hbm>> -> memref<1x40x128xf32, #tpu.memory_space<hbm>>
      %dma_start3A_470 = tpu.memref_squeeze %dma_start3A_469 : memref<1x40x128xf32, #tpu.memory_space<hbm>> -> memref<40x128xf32, #tpu.memory_space<hbm>>
      %dma_start3A_471 = arith.constant 0 : i32
      %dma_start3A_472 = arith.constant 0 : i32
      %dma_start3A_473 = tpu.memref_slice %arg10[%dma_start3A_460, %dma_start3A_471, %dma_start3A_472] : memref<5x40x128xf32, #tpu.memory_space<vmem>> -> memref<1x40x128xf32, #tpu.memory_space<vmem>>
      %dma_start3A_474 = tpu.memref_squeeze %dma_start3A_473 : memref<1x40x128xf32, #tpu.memory_space<vmem>> -> memref<40x128xf32, #tpu.memory_space<vmem>>
      tpu.enqueue_dma source(%dma_start3A_474 : memref<40x128xf32, #tpu.memory_space<vmem>>) target(%dma_start3A_470 : memref<40x128xf32, #tpu.memory_space<hbm>>) target_semaphore(%arg12 : memref<!tpu.dma_semaphore, #tpu.memory_space<semaphore_mem>>)
    } else {
    }
    %add3A_264 = arith.constant 64 : i32
    %add3A_265 = arith.addi %add3A_264, %arg1 : i32
    %lt3A_266 = arith.constant 250 : i32
    %lt3A_267 = arith.cmpi slt, %add3A_265, %lt3A_266 : i32
    %convert_element_type3A_268 = arith.extui %lt3A_267 : i1 to i32
    %cond3A_269 = arith.constant 0 : i32
    %cond3A_270 = arith.cmpi ne, %convert_element_type3A_268, %cond3A_269 : i32
    scf.if %cond3A_270 {
      %mul3A_431 = arith.constant 40 : i32
      %mul3A_432 = arith.muli %add3A_265, %mul3A_431 : i32
      %dma_start3A = arith.constant 4 : i32
      %dma_start3A_433 = arith.constant 0 : i32
      %dma_start3A_434 = arith.constant 0 : i32
      %dma_start3A_435 = tpu.memref_slice %arg10[%dma_start3A, %dma_start3A_433, %dma_start3A_434] : memref<5x40x128xf32, #tpu.memory_space<vmem>> -> memref<1x40x128xf32, #tpu.memory_space<vmem>>
      %dma_start3A_436 = tpu.memref_squeeze %dma_start3A_435 : memref<1x40x128xf32, #tpu.memory_space<vmem>> -> memref<40x128xf32, #tpu.memory_space<vmem>>
      %dma_start3A_437 = arith.constant 0 : i32
      %dma_start3A_438 = tpu.memref_slice %arg7[%mul3A_432, %dma_start3A_437] : memref<10000x128xf32, #tpu.memory_space<vmem_shared>> -> memref<40x128xf32, #tpu.memory_space<vmem_shared>>
      %dma_start3A_439 = arith.constant 0 : i32
      %dma_start3A_440 = arith.constant 0 : i32
      %dma_start3A_441 = tpu.memref_slice %arg10[%dma_start3A, %dma_start3A_439, %dma_start3A_440] : memref<5x40x128xf32, #tpu.memory_space<vmem>> -> memref<1x40x128xf32, #tpu.memory_space<vmem>>
      %dma_start3A_442 = tpu.memref_squeeze %dma_start3A_441 : memref<1x40x128xf32, #tpu.memory_space<vmem>> -> memref<40x128xf32, #tpu.memory_space<vmem>>
      %dma_start3A_443 = arith.constant 0 : i32
      %dma_start3A_444 = tpu.memref_slice %arg7[%mul3A_432, %dma_start3A_443] : memref<10000x128xf32, #tpu.memory_space<vmem_shared>> -> memref<40x128xf32, #tpu.memory_space<vmem_shared>>
      tpu.enqueue_dma source(%dma_start3A_444 : memref<40x128xf32, #tpu.memory_space<vmem_shared>>) target(%dma_start3A_442 : memref<40x128xf32, #tpu.memory_space<vmem>>) target_semaphore(%arg11 : memref<!tpu.dma_semaphore, #tpu.memory_space<semaphore_mem>>)
      %dma_wait3A_445 = arith.constant 4 : i32
      %dma_wait3A_446 = arith.constant 0 : i32
      %dma_wait3A_447 = arith.constant 0 : i32
      %dma_wait3A_448 = tpu.memref_slice %arg10[%dma_wait3A_445, %dma_wait3A_446, %dma_wait3A_447] : memref<5x40x128xf32, #tpu.memory_space<vmem>> -> memref<1x40x128xf32, #tpu.memory_space<vmem>>
      %dma_wait3A_449 = tpu.memref_squeeze %dma_wait3A_448 : memref<1x40x128xf32, #tpu.memory_space<vmem>> -> memref<40x128xf32, #tpu.memory_space<vmem>>
      %dma_wait3A_450 = arith.constant 0 : i32
      %dma_wait3A_451 = tpu.memref_slice %arg7[%mul3A_432, %dma_wait3A_450] : memref<10000x128xf32, #tpu.memory_space<vmem_shared>> -> memref<40x128xf32, #tpu.memory_space<vmem_shared>>
      %dma_wait3A_452 = arith.constant 0 : i32
      %dma_wait3A_453 = arith.constant 0 : i32
      %dma_wait3A_454 = tpu.memref_slice %arg10[%dma_wait3A_445, %dma_wait3A_452, %dma_wait3A_453] : memref<5x40x128xf32, #tpu.memory_space<vmem>> -> memref<1x40x128xf32, #tpu.memory_space<vmem>>
      %dma_wait3A_455 = tpu.memref_squeeze %dma_wait3A_454 : memref<1x40x128xf32, #tpu.memory_space<vmem>> -> memref<40x128xf32, #tpu.memory_space<vmem>>
      %dma_wait3A_456 = arith.constant 0 : i32
      %dma_wait3A_457 = tpu.memref_slice %arg7[%mul3A_432, %dma_wait3A_456] : memref<10000x128xf32, #tpu.memory_space<vmem_shared>> -> memref<40x128xf32, #tpu.memory_space<vmem_shared>>
      tpu.wait_dma2 semaphore(%arg11 : memref<!tpu.dma_semaphore, #tpu.memory_space<semaphore_mem>>) src(%dma_wait3A_457 : memref<40x128xf32, #tpu.memory_space<vmem_shared>>) dst(%dma_wait3A_455 : memref<40x128xf32, #tpu.memory_space<vmem>>)
      %mul3A_458 = arith.constant 40 : i32
      %mul3A_459 = arith.muli %add3A_265, %mul3A_458 : i32
      %dma_start3A_460 = arith.constant 4 : i32
      %dma_start3A_461 = arith.constant 0 : i32
      %dma_start3A_462 = arith.constant 0 : i32
      %dma_start3A_463 = tpu.memref_slice %arg10[%dma_start3A_460, %dma_start3A_461, %dma_start3A_462] : memref<5x40x128xf32, #tpu.memory_space<vmem>> -> memref<1x40x128xf32, #tpu.memory_space<vmem>>
      %dma_start3A_464 = tpu.memref_squeeze %dma_start3A_463 : memref<1x40x128xf32, #tpu.memory_space<vmem>> -> memref<40x128xf32, #tpu.memory_space<vmem>>
      %dma_start3A_465 = arith.constant 0 : i32
      %dma_start3A_466 = tpu.memref_slice %arg6[%arg0, %mul3A_459, %dma_start3A_465] : memref<2x10000x128xf32, #tpu.memory_space<hbm>> -> memref<1x40x128xf32, #tpu.memory_space<hbm>>
      %dma_start3A_467 = tpu.memref_squeeze %dma_start3A_466 : memref<1x40x128xf32, #tpu.memory_space<hbm>> -> memref<40x128xf32, #tpu.memory_space<hbm>>
      %dma_start3A_468 = arith.constant 0 : i32
      %dma_start3A_469 = tpu.memref_slice %arg6[%arg0, %mul3A_459, %dma_start3A_468] : memref<2x10000x128xf32, #tpu.memory_space<hbm>> -> memref<1x40x128xf32, #tpu.memory_space<hbm>>
      %dma_start3A_470 = tpu.memref_squeeze %dma_start3A_469 : memref<1x40x128xf32, #tpu.memory_space<hbm>> -> memref<40x128xf32, #tpu.memory_space<hbm>>
      %dma_start3A_471 = arith.constant 0 : i32
      %dma_start3A_472 = arith.constant 0 : i32
      %dma_start3A_473 = tpu.memref_slice %arg10[%dma_start3A_460, %dma_start3A_471, %dma_start3A_472] : memref<5x40x128xf32, #tpu.memory_space<vmem>> -> memref<1x40x128xf32, #tpu.memory_space<vmem>>
      %dma_start3A_474 = tpu.memref_squeeze %dma_start3A_473 : memref<1x40x128xf32, #tpu.memory_space<vmem>> -> memref<40x128xf32, #tpu.memory_space<vmem>>
      tpu.enqueue_dma source(%dma_start3A_474 : memref<40x128xf32, #tpu.memory_space<vmem>>) target(%dma_start3A_470 : memref<40x128xf32, #tpu.memory_space<hbm>>) target_semaphore(%arg12 : memref<!tpu.dma_semaphore, #tpu.memory_space<semaphore_mem>>)
    } else {
    }
    %add3A_271 = arith.constant 80 : i32
    %add3A_272 = arith.addi %add3A_271, %arg1 : i32
    %lt3A_273 = arith.constant 250 : i32
    %lt3A_274 = arith.cmpi slt, %add3A_272, %lt3A_273 : i32
    %convert_element_type3A_275 = arith.extui %lt3A_274 : i1 to i32
    %cond3A_276 = arith.constant 0 : i32
    %cond3A_277 = arith.cmpi ne, %convert_element_type3A_275, %cond3A_276 : i32
    scf.if %cond3A_277 {
      %mul3A_431 = arith.constant 40 : i32
      %mul3A_432 = arith.muli %add3A_272, %mul3A_431 : i32
      %dma_wait3A_433 = arith.constant 0 : i32
      %dma_wait3A_434 = arith.constant 0 : i32
      %dma_wait3A_435 = arith.constant 0 : i32
      %dma_wait3A_436 = tpu.memref_slice %arg10[%dma_wait3A_433, %dma_wait3A_434, %dma_wait3A_435] : memref<5x40x128xf32, #tpu.memory_space<vmem>> -> memref<1x40x128xf32, #tpu.memory_space<vmem>>
      %dma_wait3A_437 = tpu.memref_squeeze %dma_wait3A_436 : memref<1x40x128xf32, #tpu.memory_space<vmem>> -> memref<40x128xf32, #tpu.memory_space<vmem>>
      %dma_wait3A_438 = arith.constant 0 : i32
      %dma_wait3A_439 = tpu.memref_slice %arg6[%arg0, %mul3A_432, %dma_wait3A_438] : memref<2x10000x128xf32, #tpu.memory_space<hbm>> -> memref<1x40x128xf32, #tpu.memory_space<hbm>>
      %dma_wait3A_440 = tpu.memref_squeeze %dma_wait3A_439 : memref<1x40x128xf32, #tpu.memory_space<hbm>> -> memref<40x128xf32, #tpu.memory_space<hbm>>
      %dma_wait3A_441 = arith.constant 0 : i32
      %dma_wait3A_442 = tpu.memref_slice %arg6[%arg0, %mul3A_432, %dma_wait3A_441] : memref<2x10000x128xf32, #tpu.memory_space<hbm>> -> memref<1x40x128xf32, #tpu.memory_space<hbm>>
      %dma_wait3A_443 = tpu.memref_squeeze %dma_wait3A_442 : memref<1x40x128xf32, #tpu.memory_space<hbm>> -> memref<40x128xf32, #tpu.memory_space<hbm>>
      %dma_wait3A_444 = arith.constant 0 : i32
      %dma_wait3A_445 = arith.constant 0 : i32
      %dma_wait3A_446 = tpu.memref_slice %arg10[%dma_wait3A_433, %dma_wait3A_444, %dma_wait3A_445] : memref<5x40x128xf32, #tpu.memory_space<vmem>> -> memref<1x40x128xf32, #tpu.memory_space<vmem>>
      %dma_wait3A_447 = tpu.memref_squeeze %dma_wait3A_446 : memref<1x40x128xf32, #tpu.memory_space<vmem>> -> memref<40x128xf32, #tpu.memory_space<vmem>>
      tpu.wait_dma2 semaphore(%arg12 : memref<!tpu.dma_semaphore, #tpu.memory_space<semaphore_mem>>) src(%dma_wait3A_447 : memref<40x128xf32, #tpu.memory_space<vmem>>) dst(%dma_wait3A_443 : memref<40x128xf32, #tpu.memory_space<hbm>>)
      %mul3A_448 = arith.constant 40 : i32
      %mul3A_449 = arith.muli %add3A_272, %mul3A_448 : i32
      %dma_start3A = arith.constant 0 : i32
      %dma_start3A_450 = arith.constant 0 : i32
      %dma_start3A_451 = arith.constant 0 : i32
      %dma_start3A_452 = tpu.memref_slice %arg10[%dma_start3A, %dma_start3A_450, %dma_start3A_451] : memref<5x40x128xf32, #tpu.memory_space<vmem>> -> memref<1x40x128xf32, #tpu.memory_space<vmem>>
      %dma_start3A_453 = tpu.memref_squeeze %dma_start3A_452 : memref<1x40x128xf32, #tpu.memory_space<vmem>> -> memref<40x128xf32, #tpu.memory_space<vmem>>
      %dma_start3A_454 = arith.constant 0 : i32
      %dma_start3A_455 = tpu.memref_slice %arg7[%mul3A_449, %dma_start3A_454] : memref<10000x128xf32, #tpu.memory_space<vmem_shared>> -> memref<40x128xf32, #tpu.memory_space<vmem_shared>>
      %dma_start3A_456 = arith.constant 0 : i32
      %dma_start3A_457 = arith.constant 0 : i32
      %dma_start3A_458 = tpu.memref_slice %arg10[%dma_start3A, %dma_start3A_456, %dma_start3A_457] : memref<5x40x128xf32, #tpu.memory_space<vmem>> -> memref<1x40x128xf32, #tpu.memory_space<vmem>>
      %dma_start3A_459 = tpu.memref_squeeze %dma_start3A_458 : memref<1x40x128xf32, #tpu.memory_space<vmem>> -> memref<40x128xf32, #tpu.memory_space<vmem>>
      %dma_start3A_460 = arith.constant 0 : i32
      %dma_start3A_461 = tpu.memref_slice %arg7[%mul3A_449, %dma_start3A_460] : memref<10000x128xf32, #tpu.memory_space<vmem_shared>> -> memref<40x128xf32, #tpu.memory_space<vmem_shared>>
      tpu.enqueue_dma source(%dma_start3A_461 : memref<40x128xf32, #tpu.memory_space<vmem_shared>>) target(%dma_start3A_459 : memref<40x128xf32, #tpu.memory_space<vmem>>) target_semaphore(%arg11 : memref<!tpu.dma_semaphore, #tpu.memory_space<semaphore_mem>>)
      %dma_wait3A_462 = arith.constant 0 : i32
      %dma_wait3A_463 = arith.constant 0 : i32
      %dma_wait3A_464 = arith.constant 0 : i32
      %dma_wait3A_465 = tpu.memref_slice %arg10[%dma_wait3A_462, %dma_wait3A_463, %dma_wait3A_464] : memref<5x40x128xf32, #tpu.memory_space<vmem>> -> memref<1x40x128xf32, #tpu.memory_space<vmem>>
      %dma_wait3A_466 = tpu.memref_squeeze %dma_wait3A_465 : memref<1x40x128xf32, #tpu.memory_space<vmem>> -> memref<40x128xf32, #tpu.memory_space<vmem>>
      %dma_wait3A_467 = arith.constant 0 : i32
      %dma_wait3A_468 = tpu.memref_slice %arg7[%mul3A_449, %dma_wait3A_467] : memref<10000x128xf32, #tpu.memory_space<vmem_shared>> -> memref<40x128xf32, #tpu.memory_space<vmem_shared>>
      %dma_wait3A_469 = arith.constant 0 : i32
      %dma_wait3A_470 = arith.constant 0 : i32
      %dma_wait3A_471 = tpu.memref_slice %arg10[%dma_wait3A_462, %dma_wait3A_469, %dma_wait3A_470] : memref<5x40x128xf32, #tpu.memory_space<vmem>> -> memref<1x40x128xf32, #tpu.memory_space<vmem>>
      %dma_wait3A_472 = tpu.memref_squeeze %dma_wait3A_471 : memref<1x40x128xf32, #tpu.memory_space<vmem>> -> memref<40x128xf32, #tpu.memory_space<vmem>>
      %dma_wait3A_473 = arith.constant 0 : i32
      %dma_wait3A_474 = tpu.memref_slice %arg7[%mul3A_449, %dma_wait3A_473] : memref<10000x128xf32, #tpu.memory_space<vmem_shared>> -> memref<40x128xf32, #tpu.memory_space<vmem_shared>>
      tpu.wait_dma2 semaphore(%arg11 : memref<!tpu.dma_semaphore, #tpu.memory_space<semaphore_mem>>) src(%dma_wait3A_474 : memref<40x128xf32, #tpu.memory_space<vmem_shared>>) dst(%dma_wait3A_472 : memref<40x128xf32, #tpu.memory_space<vmem>>)
      %mul3A_475 = arith.constant 40 : i32
      %mul3A_476 = arith.muli %add3A_272, %mul3A_475 : i32
      %dma_start3A_477 = arith.constant 0 : i32
      %dma_start3A_478 = arith.constant 0 : i32
      %dma_start3A_479 = arith.constant 0 : i32
      %dma_start3A_480 = tpu.memref_slice %arg10[%dma_start3A_477, %dma_start3A_478, %dma_start3A_479] : memref<5x40x128xf32, #tpu.memory_space<vmem>> -> memref<1x40x128xf32, #tpu.memory_space<vmem>>
      %dma_start3A_481 = tpu.memref_squeeze %dma_start3A_480 : memref<1x40x128xf32, #tpu.memory_space<vmem>> -> memref<40x128xf32, #tpu.memory_space<vmem>>
      %dma_start3A_482 = arith.constant 0 : i32
      %dma_start3A_483 = tpu.memref_slice %arg6[%arg0, %mul3A_476, %dma_start3A_482] : memref<2x10000x128xf32, #tpu.memory_space<hbm>> -> memref<1x40x128xf32, #tpu.memory_space<hbm>>
      %dma_start3A_484 = tpu.memref_squeeze %dma_start3A_483 : memref<1x40x128xf32, #tpu.memory_space<hbm>> -> memref<40x128xf32, #tpu.memory_space<hbm>>
      %dma_start3A_485 = arith.constant 0 : i32
      %dma_start3A_486 = tpu.memref_slice %arg6[%arg0, %mul3A_476, %dma_start3A_485] : memref<2x10000x128xf32, #tpu.memory_space<hbm>> -> memref<1x40x128xf32, #tpu.memory_space<hbm>>
      %dma_start3A_487 = tpu.memref_squeeze %dma_start3A_486 : memref<1x40x128xf32, #tpu.memory_space<hbm>> -> memref<40x128xf32, #tpu.memory_space<hbm>>
      %dma_start3A_488 = arith.constant 0 : i32
      %dma_start3A_489 = arith.constant 0 : i32
      %dma_start3A_490 = tpu.memref_slice %arg10[%dma_start3A_477, %dma_start3A_488, %dma_start3A_489] : memref<5x40x128xf32, #tpu.memory_space<vmem>> -> memref<1x40x128xf32, #tpu.memory_space<vmem>>
      %dma_start3A_491 = tpu.memref_squeeze %dma_start3A_490 : memref<1x40x128xf32, #tpu.memory_space<vmem>> -> memref<40x128xf32, #tpu.memory_space<vmem>>
      tpu.enqueue_dma source(%dma_start3A_491 : memref<40x128xf32, #tpu.memory_space<vmem>>) target(%dma_start3A_487 : memref<40x128xf32, #tpu.memory_space<hbm>>) target_semaphore(%arg12 : memref<!tpu.dma_semaphore, #tpu.memory_space<semaphore_mem>>)
    } else {
    }
    %add3A_278 = arith.constant 96 : i32
    %add3A_279 = arith.addi %add3A_278, %arg1 : i32
    %lt3A_280 = arith.constant 250 : i32
    %lt3A_281 = arith.cmpi slt, %add3A_279, %lt3A_280 : i32
    %convert_element_type3A_282 = arith.extui %lt3A_281 : i1 to i32
    %cond3A_283 = arith.constant 0 : i32
    %cond3A_284 = arith.cmpi ne, %convert_element_type3A_282, %cond3A_283 : i32
    scf.if %cond3A_284 {
      %mul3A_431 = arith.constant 40 : i32
      %mul3A_432 = arith.muli %add3A_279, %mul3A_431 : i32
      %dma_wait3A_433 = arith.constant 1 : i32
      %dma_wait3A_434 = arith.constant 0 : i32
      %dma_wait3A_435 = arith.constant 0 : i32
      %dma_wait3A_436 = tpu.memref_slice %arg10[%dma_wait3A_433, %dma_wait3A_434, %dma_wait3A_435] : memref<5x40x128xf32, #tpu.memory_space<vmem>> -> memref<1x40x128xf32, #tpu.memory_space<vmem>>
      %dma_wait3A_437 = tpu.memref_squeeze %dma_wait3A_436 : memref<1x40x128xf32, #tpu.memory_space<vmem>> -> memref<40x128xf32, #tpu.memory_space<vmem>>
      %dma_wait3A_438 = arith.constant 0 : i32
      %dma_wait3A_439 = tpu.memref_slice %arg6[%arg0, %mul3A_432, %dma_wait3A_438] : memref<2x10000x128xf32, #tpu.memory_space<hbm>> -> memref<1x40x128xf32, #tpu.memory_space<hbm>>
      %dma_wait3A_440 = tpu.memref_squeeze %dma_wait3A_439 : memref<1x40x128xf32, #tpu.memory_space<hbm>> -> memref<40x128xf32, #tpu.memory_space<hbm>>
      %dma_wait3A_441 = arith.constant 0 : i32
      %dma_wait3A_442 = tpu.memref_slice %arg6[%arg0, %mul3A_432, %dma_wait3A_441] : memref<2x10000x128xf32, #tpu.memory_space<hbm>> -> memref<1x40x128xf32, #tpu.memory_space<hbm>>
      %dma_wait3A_443 = tpu.memref_squeeze %dma_wait3A_442 : memref<1x40x128xf32, #tpu.memory_space<hbm>> -> memref<40x128xf32, #tpu.memory_space<hbm>>
      %dma_wait3A_444 = arith.constant 0 : i32
      %dma_wait3A_445 = arith.constant 0 : i32
      %dma_wait3A_446 = tpu.memref_slice %arg10[%dma_wait3A_433, %dma_wait3A_444, %dma_wait3A_445] : memref<5x40x128xf32, #tpu.memory_space<vmem>> -> memref<1x40x128xf32, #tpu.memory_space<vmem>>
      %dma_wait3A_447 = tpu.memref_squeeze %dma_wait3A_446 : memref<1x40x128xf32, #tpu.memory_space<vmem>> -> memref<40x128xf32, #tpu.memory_space<vmem>>
      tpu.wait_dma2 semaphore(%arg12 : memref<!tpu.dma_semaphore, #tpu.memory_space<semaphore_mem>>) src(%dma_wait3A_447 : memref<40x128xf32, #tpu.memory_space<vmem>>) dst(%dma_wait3A_443 : memref<40x128xf32, #tpu.memory_space<hbm>>)
      %mul3A_448 = arith.constant 40 : i32
      %mul3A_449 = arith.muli %add3A_279, %mul3A_448 : i32
      %dma_start3A = arith.constant 1 : i32
      %dma_start3A_450 = arith.constant 0 : i32
      %dma_start3A_451 = arith.constant 0 : i32
      %dma_start3A_452 = tpu.memref_slice %arg10[%dma_start3A, %dma_start3A_450, %dma_start3A_451] : memref<5x40x128xf32, #tpu.memory_space<vmem>> -> memref<1x40x128xf32, #tpu.memory_space<vmem>>
      %dma_start3A_453 = tpu.memref_squeeze %dma_start3A_452 : memref<1x40x128xf32, #tpu.memory_space<vmem>> -> memref<40x128xf32, #tpu.memory_space<vmem>>
      %dma_start3A_454 = arith.constant 0 : i32
      %dma_start3A_455 = tpu.memref_slice %arg7[%mul3A_449, %dma_start3A_454] : memref<10000x128xf32, #tpu.memory_space<vmem_shared>> -> memref<40x128xf32, #tpu.memory_space<vmem_shared>>
      %dma_start3A_456 = arith.constant 0 : i32
      %dma_start3A_457 = arith.constant 0 : i32
      %dma_start3A_458 = tpu.memref_slice %arg10[%dma_start3A, %dma_start3A_456, %dma_start3A_457] : memref<5x40x128xf32, #tpu.memory_space<vmem>> -> memref<1x40x128xf32, #tpu.memory_space<vmem>>
      %dma_start3A_459 = tpu.memref_squeeze %dma_start3A_458 : memref<1x40x128xf32, #tpu.memory_space<vmem>> -> memref<40x128xf32, #tpu.memory_space<vmem>>
      %dma_start3A_460 = arith.constant 0 : i32
      %dma_start3A_461 = tpu.memref_slice %arg7[%mul3A_449, %dma_start3A_460] : memref<10000x128xf32, #tpu.memory_space<vmem_shared>> -> memref<40x128xf32, #tpu.memory_space<vmem_shared>>
      tpu.enqueue_dma source(%dma_start3A_461 : memref<40x128xf32, #tpu.memory_space<vmem_shared>>) target(%dma_start3A_459 : memref<40x128xf32, #tpu.memory_space<vmem>>) target_semaphore(%arg11 : memref<!tpu.dma_semaphore, #tpu.memory_space<semaphore_mem>>)
      %dma_wait3A_462 = arith.constant 1 : i32
      %dma_wait3A_463 = arith.constant 0 : i32
      %dma_wait3A_464 = arith.constant 0 : i32
      %dma_wait3A_465 = tpu.memref_slice %arg10[%dma_wait3A_462, %dma_wait3A_463, %dma_wait3A_464] : memref<5x40x128xf32, #tpu.memory_space<vmem>> -> memref<1x40x128xf32, #tpu.memory_space<vmem>>
      %dma_wait3A_466 = tpu.memref_squeeze %dma_wait3A_465 : memref<1x40x128xf32, #tpu.memory_space<vmem>> -> memref<40x128xf32, #tpu.memory_space<vmem>>
      %dma_wait3A_467 = arith.constant 0 : i32
      %dma_wait3A_468 = tpu.memref_slice %arg7[%mul3A_449, %dma_wait3A_467] : memref<10000x128xf32, #tpu.memory_space<vmem_shared>> -> memref<40x128xf32, #tpu.memory_space<vmem_shared>>
      %dma_wait3A_469 = arith.constant 0 : i32
      %dma_wait3A_470 = arith.constant 0 : i32
      %dma_wait3A_471 = tpu.memref_slice %arg10[%dma_wait3A_462, %dma_wait3A_469, %dma_wait3A_470] : memref<5x40x128xf32, #tpu.memory_space<vmem>> -> memref<1x40x128xf32, #tpu.memory_space<vmem>>
      %dma_wait3A_472 = tpu.memref_squeeze %dma_wait3A_471 : memref<1x40x128xf32, #tpu.memory_space<vmem>> -> memref<40x128xf32, #tpu.memory_space<vmem>>
      %dma_wait3A_473 = arith.constant 0 : i32
      %dma_wait3A_474 = tpu.memref_slice %arg7[%mul3A_449, %dma_wait3A_473] : memref<10000x128xf32, #tpu.memory_space<vmem_shared>> -> memref<40x128xf32, #tpu.memory_space<vmem_shared>>
      tpu.wait_dma2 semaphore(%arg11 : memref<!tpu.dma_semaphore, #tpu.memory_space<semaphore_mem>>) src(%dma_wait3A_474 : memref<40x128xf32, #tpu.memory_space<vmem_shared>>) dst(%dma_wait3A_472 : memref<40x128xf32, #tpu.memory_space<vmem>>)
      %mul3A_475 = arith.constant 40 : i32
      %mul3A_476 = arith.muli %add3A_279, %mul3A_475 : i32
      %dma_start3A_477 = arith.constant 1 : i32
      %dma_start3A_478 = arith.constant 0 : i32
      %dma_start3A_479 = arith.constant 0 : i32
      %dma_start3A_480 = tpu.memref_slice %arg10[%dma_start3A_477, %dma_start3A_478, %dma_start3A_479] : memref<5x40x128xf32, #tpu.memory_space<vmem>> -> memref<1x40x128xf32, #tpu.memory_space<vmem>>
      %dma_start3A_481 = tpu.memref_squeeze %dma_start3A_480 : memref<1x40x128xf32, #tpu.memory_space<vmem>> -> memref<40x128xf32, #tpu.memory_space<vmem>>
      %dma_start3A_482 = arith.constant 0 : i32
      %dma_start3A_483 = tpu.memref_slice %arg6[%arg0, %mul3A_476, %dma_start3A_482] : memref<2x10000x128xf32, #tpu.memory_space<hbm>> -> memref<1x40x128xf32, #tpu.memory_space<hbm>>
      %dma_start3A_484 = tpu.memref_squeeze %dma_start3A_483 : memref<1x40x128xf32, #tpu.memory_space<hbm>> -> memref<40x128xf32, #tpu.memory_space<hbm>>
      %dma_start3A_485 = arith.constant 0 : i32
      %dma_start3A_486 = tpu.memref_slice %arg6[%arg0, %mul3A_476, %dma_start3A_485] : memref<2x10000x128xf32, #tpu.memory_space<hbm>> -> memref<1x40x128xf32, #tpu.memory_space<hbm>>
      %dma_start3A_487 = tpu.memref_squeeze %dma_start3A_486 : memref<1x40x128xf32, #tpu.memory_space<hbm>> -> memref<40x128xf32, #tpu.memory_space<hbm>>
      %dma_start3A_488 = arith.constant 0 : i32
      %dma_start3A_489 = arith.constant 0 : i32
      %dma_start3A_490 = tpu.memref_slice %arg10[%dma_start3A_477, %dma_start3A_488, %dma_start3A_489] : memref<5x40x128xf32, #tpu.memory_space<vmem>> -> memref<1x40x128xf32, #tpu.memory_space<vmem>>
      %dma_start3A_491 = tpu.memref_squeeze %dma_start3A_490 : memref<1x40x128xf32, #tpu.memory_space<vmem>> -> memref<40x128xf32, #tpu.memory_space<vmem>>
      tpu.enqueue_dma source(%dma_start3A_491 : memref<40x128xf32, #tpu.memory_space<vmem>>) target(%dma_start3A_487 : memref<40x128xf32, #tpu.memory_space<hbm>>) target_semaphore(%arg12 : memref<!tpu.dma_semaphore, #tpu.memory_space<semaphore_mem>>)
    } else {
    }
    %add3A_285 = arith.constant 112 : i32
    %add3A_286 = arith.addi %add3A_285, %arg1 : i32
    %lt3A_287 = arith.constant 250 : i32
    %lt3A_288 = arith.cmpi slt, %add3A_286, %lt3A_287 : i32
    %convert_element_type3A_289 = arith.extui %lt3A_288 : i1 to i32
    %cond3A_290 = arith.constant 0 : i32
    %cond3A_291 = arith.cmpi ne, %convert_element_type3A_289, %cond3A_290 : i32
    scf.if %cond3A_291 {
      %mul3A_431 = arith.constant 40 : i32
      %mul3A_432 = arith.muli %add3A_286, %mul3A_431 : i32
      %dma_wait3A_433 = arith.constant 2 : i32
      %dma_wait3A_434 = arith.constant 0 : i32
      %dma_wait3A_435 = arith.constant 0 : i32
      %dma_wait3A_436 = tpu.memref_slice %arg10[%dma_wait3A_433, %dma_wait3A_434, %dma_wait3A_435] : memref<5x40x128xf32, #tpu.memory_space<vmem>> -> memref<1x40x128xf32, #tpu.memory_space<vmem>>
      %dma_wait3A_437 = tpu.memref_squeeze %dma_wait3A_436 : memref<1x40x128xf32, #tpu.memory_space<vmem>> -> memref<40x128xf32, #tpu.memory_space<vmem>>
      %dma_wait3A_438 = arith.constant 0 : i32
      %dma_wait3A_439 = tpu.memref_slice %arg6[%arg0, %mul3A_432, %dma_wait3A_438] : memref<2x10000x128xf32, #tpu.memory_space<hbm>> -> memref<1x40x128xf32, #tpu.memory_space<hbm>>
      %dma_wait3A_440 = tpu.memref_squeeze %dma_wait3A_439 : memref<1x40x128xf32, #tpu.memory_space<hbm>> -> memref<40x128xf32, #tpu.memory_space<hbm>>
      %dma_wait3A_441 = arith.constant 0 : i32
      %dma_wait3A_442 = tpu.memref_slice %arg6[%arg0, %mul3A_432, %dma_wait3A_441] : memref<2x10000x128xf32, #tpu.memory_space<hbm>> -> memref<1x40x128xf32, #tpu.memory_space<hbm>>
      %dma_wait3A_443 = tpu.memref_squeeze %dma_wait3A_442 : memref<1x40x128xf32, #tpu.memory_space<hbm>> -> memref<40x128xf32, #tpu.memory_space<hbm>>
      %dma_wait3A_444 = arith.constant 0 : i32
      %dma_wait3A_445 = arith.constant 0 : i32
      %dma_wait3A_446 = tpu.memref_slice %arg10[%dma_wait3A_433, %dma_wait3A_444, %dma_wait3A_445] : memref<5x40x128xf32, #tpu.memory_space<vmem>> -> memref<1x40x128xf32, #tpu.memory_space<vmem>>
      %dma_wait3A_447 = tpu.memref_squeeze %dma_wait3A_446 : memref<1x40x128xf32, #tpu.memory_space<vmem>> -> memref<40x128xf32, #tpu.memory_space<vmem>>
      tpu.wait_dma2 semaphore(%arg12 : memref<!tpu.dma_semaphore, #tpu.memory_space<semaphore_mem>>) src(%dma_wait3A_447 : memref<40x128xf32, #tpu.memory_space<vmem>>) dst(%dma_wait3A_443 : memref<40x128xf32, #tpu.memory_space<hbm>>)
      %mul3A_448 = arith.constant 40 : i32
      %mul3A_449 = arith.muli %add3A_286, %mul3A_448 : i32
      %dma_start3A = arith.constant 2 : i32
      %dma_start3A_450 = arith.constant 0 : i32
      %dma_start3A_451 = arith.constant 0 : i32
      %dma_start3A_452 = tpu.memref_slice %arg10[%dma_start3A, %dma_start3A_450, %dma_start3A_451] : memref<5x40x128xf32, #tpu.memory_space<vmem>> -> memref<1x40x128xf32, #tpu.memory_space<vmem>>
      %dma_start3A_453 = tpu.memref_squeeze %dma_start3A_452 : memref<1x40x128xf32, #tpu.memory_space<vmem>> -> memref<40x128xf32, #tpu.memory_space<vmem>>
      %dma_start3A_454 = arith.constant 0 : i32
      %dma_start3A_455 = tpu.memref_slice %arg7[%mul3A_449, %dma_start3A_454] : memref<10000x128xf32, #tpu.memory_space<vmem_shared>> -> memref<40x128xf32, #tpu.memory_space<vmem_shared>>
      %dma_start3A_456 = arith.constant 0 : i32
      %dma_start3A_457 = arith.constant 0 : i32
      %dma_start3A_458 = tpu.memref_slice %arg10[%dma_start3A, %dma_start3A_456, %dma_start3A_457] : memref<5x40x128xf32, #tpu.memory_space<vmem>> -> memref<1x40x128xf32, #tpu.memory_space<vmem>>
      %dma_start3A_459 = tpu.memref_squeeze %dma_start3A_458 : memref<1x40x128xf32, #tpu.memory_space<vmem>> -> memref<40x128xf32, #tpu.memory_space<vmem>>
      %dma_start3A_460 = arith.constant 0 : i32
      %dma_start3A_461 = tpu.memref_slice %arg7[%mul3A_449, %dma_start3A_460] : memref<10000x128xf32, #tpu.memory_space<vmem_shared>> -> memref<40x128xf32, #tpu.memory_space<vmem_shared>>
      tpu.enqueue_dma source(%dma_start3A_461 : memref<40x128xf32, #tpu.memory_space<vmem_shared>>) target(%dma_start3A_459 : memref<40x128xf32, #tpu.memory_space<vmem>>) target_semaphore(%arg11 : memref<!tpu.dma_semaphore, #tpu.memory_space<semaphore_mem>>)
      %dma_wait3A_462 = arith.constant 2 : i32
      %dma_wait3A_463 = arith.constant 0 : i32
      %dma_wait3A_464 = arith.constant 0 : i32
      %dma_wait3A_465 = tpu.memref_slice %arg10[%dma_wait3A_462, %dma_wait3A_463, %dma_wait3A_464] : memref<5x40x128xf32, #tpu.memory_space<vmem>> -> memref<1x40x128xf32, #tpu.memory_space<vmem>>
      %dma_wait3A_466 = tpu.memref_squeeze %dma_wait3A_465 : memref<1x40x128xf32, #tpu.memory_space<vmem>> -> memref<40x128xf32, #tpu.memory_space<vmem>>
      %dma_wait3A_467 = arith.constant 0 : i32
      %dma_wait3A_468 = tpu.memref_slice %arg7[%mul3A_449, %dma_wait3A_467] : memref<10000x128xf32, #tpu.memory_space<vmem_shared>> -> memref<40x128xf32, #tpu.memory_space<vmem_shared>>
      %dma_wait3A_469 = arith.constant 0 : i32
      %dma_wait3A_470 = arith.constant 0 : i32
      %dma_wait3A_471 = tpu.memref_slice %arg10[%dma_wait3A_462, %dma_wait3A_469, %dma_wait3A_470] : memref<5x40x128xf32, #tpu.memory_space<vmem>> -> memref<1x40x128xf32, #tpu.memory_space<vmem>>
      %dma_wait3A_472 = tpu.memref_squeeze %dma_wait3A_471 : memref<1x40x128xf32, #tpu.memory_space<vmem>> -> memref<40x128xf32, #tpu.memory_space<vmem>>
      %dma_wait3A_473 = arith.constant 0 : i32
      %dma_wait3A_474 = tpu.memref_slice %arg7[%mul3A_449, %dma_wait3A_473] : memref<10000x128xf32, #tpu.memory_space<vmem_shared>> -> memref<40x128xf32, #tpu.memory_space<vmem_shared>>
      tpu.wait_dma2 semaphore(%arg11 : memref<!tpu.dma_semaphore, #tpu.memory_space<semaphore_mem>>) src(%dma_wait3A_474 : memref<40x128xf32, #tpu.memory_space<vmem_shared>>) dst(%dma_wait3A_472 : memref<40x128xf32, #tpu.memory_space<vmem>>)
      %mul3A_475 = arith.constant 40 : i32
      %mul3A_476 = arith.muli %add3A_286, %mul3A_475 : i32
      %dma_start3A_477 = arith.constant 2 : i32
      %dma_start3A_478 = arith.constant 0 : i32
      %dma_start3A_479 = arith.constant 0 : i32
      %dma_start3A_480 = tpu.memref_slice %arg10[%dma_start3A_477, %dma_start3A_478, %dma_start3A_479] : memref<5x40x128xf32, #tpu.memory_space<vmem>> -> memref<1x40x128xf32, #tpu.memory_space<vmem>>
      %dma_start3A_481 = tpu.memref_squeeze %dma_start3A_480 : memref<1x40x128xf32, #tpu.memory_space<vmem>> -> memref<40x128xf32, #tpu.memory_space<vmem>>
      %dma_start3A_482 = arith.constant 0 : i32
      %dma_start3A_483 = tpu.memref_slice %arg6[%arg0, %mul3A_476, %dma_start3A_482] : memref<2x10000x128xf32, #tpu.memory_space<hbm>> -> memref<1x40x128xf32, #tpu.memory_space<hbm>>
      %dma_start3A_484 = tpu.memref_squeeze %dma_start3A_483 : memref<1x40x128xf32, #tpu.memory_space<hbm>> -> memref<40x128xf32, #tpu.memory_space<hbm>>
      %dma_start3A_485 = arith.constant 0 : i32
      %dma_start3A_486 = tpu.memref_slice %arg6[%arg0, %mul3A_476, %dma_start3A_485] : memref<2x10000x128xf32, #tpu.memory_space<hbm>> -> memref<1x40x128xf32, #tpu.memory_space<hbm>>
      %dma_start3A_487 = tpu.memref_squeeze %dma_start3A_486 : memref<1x40x128xf32, #tpu.memory_space<hbm>> -> memref<40x128xf32, #tpu.memory_space<hbm>>
      %dma_start3A_488 = arith.constant 0 : i32
      %dma_start3A_489 = arith.constant 0 : i32
      %dma_start3A_490 = tpu.memref_slice %arg10[%dma_start3A_477, %dma_start3A_488, %dma_start3A_489] : memref<5x40x128xf32, #tpu.memory_space<vmem>> -> memref<1x40x128xf32, #tpu.memory_space<vmem>>
      %dma_start3A_491 = tpu.memref_squeeze %dma_start3A_490 : memref<1x40x128xf32, #tpu.memory_space<vmem>> -> memref<40x128xf32, #tpu.memory_space<vmem>>
      tpu.enqueue_dma source(%dma_start3A_491 : memref<40x128xf32, #tpu.memory_space<vmem>>) target(%dma_start3A_487 : memref<40x128xf32, #tpu.memory_space<hbm>>) target_semaphore(%arg12 : memref<!tpu.dma_semaphore, #tpu.memory_space<semaphore_mem>>)
    } else {
    }
    %add3A_292 = arith.constant 128 : i32
    %add3A_293 = arith.addi %add3A_292, %arg1 : i32
    %lt3A_294 = arith.constant 250 : i32
    %lt3A_295 = arith.cmpi slt, %add3A_293, %lt3A_294 : i32
    %convert_element_type3A_296 = arith.extui %lt3A_295 : i1 to i32
    %cond3A_297 = arith.constant 0 : i32
    %cond3A_298 = arith.cmpi ne, %convert_element_type3A_296, %cond3A_297 : i32
    scf.if %cond3A_298 {
      %mul3A_431 = arith.constant 40 : i32
      %mul3A_432 = arith.muli %add3A_293, %mul3A_431 : i32
      %dma_wait3A_433 = arith.constant 3 : i32
      %dma_wait3A_434 = arith.constant 0 : i32
      %dma_wait3A_435 = arith.constant 0 : i32
      %dma_wait3A_436 = tpu.memref_slice %arg10[%dma_wait3A_433, %dma_wait3A_434, %dma_wait3A_435] : memref<5x40x128xf32, #tpu.memory_space<vmem>> -> memref<1x40x128xf32, #tpu.memory_space<vmem>>
      %dma_wait3A_437 = tpu.memref_squeeze %dma_wait3A_436 : memref<1x40x128xf32, #tpu.memory_space<vmem>> -> memref<40x128xf32, #tpu.memory_space<vmem>>
      %dma_wait3A_438 = arith.constant 0 : i32
      %dma_wait3A_439 = tpu.memref_slice %arg6[%arg0, %mul3A_432, %dma_wait3A_438] : memref<2x10000x128xf32, #tpu.memory_space<hbm>> -> memref<1x40x128xf32, #tpu.memory_space<hbm>>
      %dma_wait3A_440 = tpu.memref_squeeze %dma_wait3A_439 : memref<1x40x128xf32, #tpu.memory_space<hbm>> -> memref<40x128xf32, #tpu.memory_space<hbm>>
      %dma_wait3A_441 = arith.constant 0 : i32
      %dma_wait3A_442 = tpu.memref_slice %arg6[%arg0, %mul3A_432, %dma_wait3A_441] : memref<2x10000x128xf32, #tpu.memory_space<hbm>> -> memref<1x40x128xf32, #tpu.memory_space<hbm>>
      %dma_wait3A_443 = tpu.memref_squeeze %dma_wait3A_442 : memref<1x40x128xf32, #tpu.memory_space<hbm>> -> memref<40x128xf32, #tpu.memory_space<hbm>>
      %dma_wait3A_444 = arith.constant 0 : i32
      %dma_wait3A_445 = arith.constant 0 : i32
      %dma_wait3A_446 = tpu.memref_slice %arg10[%dma_wait3A_433, %dma_wait3A_444, %dma_wait3A_445] : memref<5x40x128xf32, #tpu.memory_space<vmem>> -> memref<1x40x128xf32, #tpu.memory_space<vmem>>
      %dma_wait3A_447 = tpu.memref_squeeze %dma_wait3A_446 : memref<1x40x128xf32, #tpu.memory_space<vmem>> -> memref<40x128xf32, #tpu.memory_space<vmem>>
      tpu.wait_dma2 semaphore(%arg12 : memref<!tpu.dma_semaphore, #tpu.memory_space<semaphore_mem>>) src(%dma_wait3A_447 : memref<40x128xf32, #tpu.memory_space<vmem>>) dst(%dma_wait3A_443 : memref<40x128xf32, #tpu.memory_space<hbm>>)
      %mul3A_448 = arith.constant 40 : i32
      %mul3A_449 = arith.muli %add3A_293, %mul3A_448 : i32
      %dma_start3A = arith.constant 3 : i32
      %dma_start3A_450 = arith.constant 0 : i32
      %dma_start3A_451 = arith.constant 0 : i32
      %dma_start3A_452 = tpu.memref_slice %arg10[%dma_start3A, %dma_start3A_450, %dma_start3A_451] : memref<5x40x128xf32, #tpu.memory_space<vmem>> -> memref<1x40x128xf32, #tpu.memory_space<vmem>>
      %dma_start3A_453 = tpu.memref_squeeze %dma_start3A_452 : memref<1x40x128xf32, #tpu.memory_space<vmem>> -> memref<40x128xf32, #tpu.memory_space<vmem>>
      %dma_start3A_454 = arith.constant 0 : i32
      %dma_start3A_455 = tpu.memref_slice %arg7[%mul3A_449, %dma_start3A_454] : memref<10000x128xf32, #tpu.memory_space<vmem_shared>> -> memref<40x128xf32, #tpu.memory_space<vmem_shared>>
      %dma_start3A_456 = arith.constant 0 : i32
      %dma_start3A_457 = arith.constant 0 : i32
      %dma_start3A_458 = tpu.memref_slice %arg10[%dma_start3A, %dma_start3A_456, %dma_start3A_457] : memref<5x40x128xf32, #tpu.memory_space<vmem>> -> memref<1x40x128xf32, #tpu.memory_space<vmem>>
      %dma_start3A_459 = tpu.memref_squeeze %dma_start3A_458 : memref<1x40x128xf32, #tpu.memory_space<vmem>> -> memref<40x128xf32, #tpu.memory_space<vmem>>
      %dma_start3A_460 = arith.constant 0 : i32
      %dma_start3A_461 = tpu.memref_slice %arg7[%mul3A_449, %dma_start3A_460] : memref<10000x128xf32, #tpu.memory_space<vmem_shared>> -> memref<40x128xf32, #tpu.memory_space<vmem_shared>>
      tpu.enqueue_dma source(%dma_start3A_461 : memref<40x128xf32, #tpu.memory_space<vmem_shared>>) target(%dma_start3A_459 : memref<40x128xf32, #tpu.memory_space<vmem>>) target_semaphore(%arg11 : memref<!tpu.dma_semaphore, #tpu.memory_space<semaphore_mem>>)
      %dma_wait3A_462 = arith.constant 3 : i32
      %dma_wait3A_463 = arith.constant 0 : i32
      %dma_wait3A_464 = arith.constant 0 : i32
      %dma_wait3A_465 = tpu.memref_slice %arg10[%dma_wait3A_462, %dma_wait3A_463, %dma_wait3A_464] : memref<5x40x128xf32, #tpu.memory_space<vmem>> -> memref<1x40x128xf32, #tpu.memory_space<vmem>>
      %dma_wait3A_466 = tpu.memref_squeeze %dma_wait3A_465 : memref<1x40x128xf32, #tpu.memory_space<vmem>> -> memref<40x128xf32, #tpu.memory_space<vmem>>
      %dma_wait3A_467 = arith.constant 0 : i32
      %dma_wait3A_468 = tpu.memref_slice %arg7[%mul3A_449, %dma_wait3A_467] : memref<10000x128xf32, #tpu.memory_space<vmem_shared>> -> memref<40x128xf32, #tpu.memory_space<vmem_shared>>
      %dma_wait3A_469 = arith.constant 0 : i32
      %dma_wait3A_470 = arith.constant 0 : i32
      %dma_wait3A_471 = tpu.memref_slice %arg10[%dma_wait3A_462, %dma_wait3A_469, %dma_wait3A_470] : memref<5x40x128xf32, #tpu.memory_space<vmem>> -> memref<1x40x128xf32, #tpu.memory_space<vmem>>
      %dma_wait3A_472 = tpu.memref_squeeze %dma_wait3A_471 : memref<1x40x128xf32, #tpu.memory_space<vmem>> -> memref<40x128xf32, #tpu.memory_space<vmem>>
      %dma_wait3A_473 = arith.constant 0 : i32
      %dma_wait3A_474 = tpu.memref_slice %arg7[%mul3A_449, %dma_wait3A_473] : memref<10000x128xf32, #tpu.memory_space<vmem_shared>> -> memref<40x128xf32, #tpu.memory_space<vmem_shared>>
      tpu.wait_dma2 semaphore(%arg11 : memref<!tpu.dma_semaphore, #tpu.memory_space<semaphore_mem>>) src(%dma_wait3A_474 : memref<40x128xf32, #tpu.memory_space<vmem_shared>>) dst(%dma_wait3A_472 : memref<40x128xf32, #tpu.memory_space<vmem>>)
      %mul3A_475 = arith.constant 40 : i32
      %mul3A_476 = arith.muli %add3A_293, %mul3A_475 : i32
      %dma_start3A_477 = arith.constant 3 : i32
      %dma_start3A_478 = arith.constant 0 : i32
      %dma_start3A_479 = arith.constant 0 : i32
      %dma_start3A_480 = tpu.memref_slice %arg10[%dma_start3A_477, %dma_start3A_478, %dma_start3A_479] : memref<5x40x128xf32, #tpu.memory_space<vmem>> -> memref<1x40x128xf32, #tpu.memory_space<vmem>>
      %dma_start3A_481 = tpu.memref_squeeze %dma_start3A_480 : memref<1x40x128xf32, #tpu.memory_space<vmem>> -> memref<40x128xf32, #tpu.memory_space<vmem>>
      %dma_start3A_482 = arith.constant 0 : i32
      %dma_start3A_483 = tpu.memref_slice %arg6[%arg0, %mul3A_476, %dma_start3A_482] : memref<2x10000x128xf32, #tpu.memory_space<hbm>> -> memref<1x40x128xf32, #tpu.memory_space<hbm>>
      %dma_start3A_484 = tpu.memref_squeeze %dma_start3A_483 : memref<1x40x128xf32, #tpu.memory_space<hbm>> -> memref<40x128xf32, #tpu.memory_space<hbm>>
      %dma_start3A_485 = arith.constant 0 : i32
      %dma_start3A_486 = tpu.memref_slice %arg6[%arg0, %mul3A_476, %dma_start3A_485] : memref<2x10000x128xf32, #tpu.memory_space<hbm>> -> memref<1x40x128xf32, #tpu.memory_space<hbm>>
      %dma_start3A_487 = tpu.memref_squeeze %dma_start3A_486 : memref<1x40x128xf32, #tpu.memory_space<hbm>> -> memref<40x128xf32, #tpu.memory_space<hbm>>
      %dma_start3A_488 = arith.constant 0 : i32
      %dma_start3A_489 = arith.constant 0 : i32
      %dma_start3A_490 = tpu.memref_slice %arg10[%dma_start3A_477, %dma_start3A_488, %dma_start3A_489] : memref<5x40x128xf32, #tpu.memory_space<vmem>> -> memref<1x40x128xf32, #tpu.memory_space<vmem>>
      %dma_start3A_491 = tpu.memref_squeeze %dma_start3A_490 : memref<1x40x128xf32, #tpu.memory_space<vmem>> -> memref<40x128xf32, #tpu.memory_space<vmem>>
      tpu.enqueue_dma source(%dma_start3A_491 : memref<40x128xf32, #tpu.memory_space<vmem>>) target(%dma_start3A_487 : memref<40x128xf32, #tpu.memory_space<hbm>>) target_semaphore(%arg12 : memref<!tpu.dma_semaphore, #tpu.memory_space<semaphore_mem>>)
    } else {
    }
    %add3A_299 = arith.constant 144 : i32
    %add3A_300 = arith.addi %add3A_299, %arg1 : i32
    %lt3A_301 = arith.constant 250 : i32
    %lt3A_302 = arith.cmpi slt, %add3A_300, %lt3A_301 : i32
    %convert_element_type3A_303 = arith.extui %lt3A_302 : i1 to i32
    %cond3A_304 = arith.constant 0 : i32
    %cond3A_305 = arith.cmpi ne, %convert_element_type3A_303, %cond3A_304 : i32
    scf.if %cond3A_305 {
      %mul3A_431 = arith.constant 40 : i32
      %mul3A_432 = arith.muli %add3A_300, %mul3A_431 : i32
      %dma_wait3A_433 = arith.constant 4 : i32
      %dma_wait3A_434 = arith.constant 0 : i32
      %dma_wait3A_435 = arith.constant 0 : i32
      %dma_wait3A_436 = tpu.memref_slice %arg10[%dma_wait3A_433, %dma_wait3A_434, %dma_wait3A_435] : memref<5x40x128xf32, #tpu.memory_space<vmem>> -> memref<1x40x128xf32, #tpu.memory_space<vmem>>
      %dma_wait3A_437 = tpu.memref_squeeze %dma_wait3A_436 : memref<1x40x128xf32, #tpu.memory_space<vmem>> -> memref<40x128xf32, #tpu.memory_space<vmem>>
      %dma_wait3A_438 = arith.constant 0 : i32
      %dma_wait3A_439 = tpu.memref_slice %arg6[%arg0, %mul3A_432, %dma_wait3A_438] : memref<2x10000x128xf32, #tpu.memory_space<hbm>> -> memref<1x40x128xf32, #tpu.memory_space<hbm>>
      %dma_wait3A_440 = tpu.memref_squeeze %dma_wait3A_439 : memref<1x40x128xf32, #tpu.memory_space<hbm>> -> memref<40x128xf32, #tpu.memory_space<hbm>>
      %dma_wait3A_441 = arith.constant 0 : i32
      %dma_wait3A_442 = tpu.memref_slice %arg6[%arg0, %mul3A_432, %dma_wait3A_441] : memref<2x10000x128xf32, #tpu.memory_space<hbm>> -> memref<1x40x128xf32, #tpu.memory_space<hbm>>
      %dma_wait3A_443 = tpu.memref_squeeze %dma_wait3A_442 : memref<1x40x128xf32, #tpu.memory_space<hbm>> -> memref<40x128xf32, #tpu.memory_space<hbm>>
      %dma_wait3A_444 = arith.constant 0 : i32
      %dma_wait3A_445 = arith.constant 0 : i32
      %dma_wait3A_446 = tpu.memref_slice %arg10[%dma_wait3A_433, %dma_wait3A_444, %dma_wait3A_445] : memref<5x40x128xf32, #tpu.memory_space<vmem>> -> memref<1x40x128xf32, #tpu.memory_space<vmem>>
      %dma_wait3A_447 = tpu.memref_squeeze %dma_wait3A_446 : memref<1x40x128xf32, #tpu.memory_space<vmem>> -> memref<40x128xf32, #tpu.memory_space<vmem>>
      tpu.wait_dma2 semaphore(%arg12 : memref<!tpu.dma_semaphore, #tpu.memory_space<semaphore_mem>>) src(%dma_wait3A_447 : memref<40x128xf32, #tpu.memory_space<vmem>>) dst(%dma_wait3A_443 : memref<40x128xf32, #tpu.memory_space<hbm>>)
      %mul3A_448 = arith.constant 40 : i32
      %mul3A_449 = arith.muli %add3A_300, %mul3A_448 : i32
      %dma_start3A = arith.constant 4 : i32
      %dma_start3A_450 = arith.constant 0 : i32
      %dma_start3A_451 = arith.constant 0 : i32
      %dma_start3A_452 = tpu.memref_slice %arg10[%dma_start3A, %dma_start3A_450, %dma_start3A_451] : memref<5x40x128xf32, #tpu.memory_space<vmem>> -> memref<1x40x128xf32, #tpu.memory_space<vmem>>
      %dma_start3A_453 = tpu.memref_squeeze %dma_start3A_452 : memref<1x40x128xf32, #tpu.memory_space<vmem>> -> memref<40x128xf32, #tpu.memory_space<vmem>>
      %dma_start3A_454 = arith.constant 0 : i32
      %dma_start3A_455 = tpu.memref_slice %arg7[%mul3A_449, %dma_start3A_454] : memref<10000x128xf32, #tpu.memory_space<vmem_shared>> -> memref<40x128xf32, #tpu.memory_space<vmem_shared>>
      %dma_start3A_456 = arith.constant 0 : i32
      %dma_start3A_457 = arith.constant 0 : i32
      %dma_start3A_458 = tpu.memref_slice %arg10[%dma_start3A, %dma_start3A_456, %dma_start3A_457] : memref<5x40x128xf32, #tpu.memory_space<vmem>> -> memref<1x40x128xf32, #tpu.memory_space<vmem>>
      %dma_start3A_459 = tpu.memref_squeeze %dma_start3A_458 : memref<1x40x128xf32, #tpu.memory_space<vmem>> -> memref<40x128xf32, #tpu.memory_space<vmem>>
      %dma_start3A_460 = arith.constant 0 : i32
      %dma_start3A_461 = tpu.memref_slice %arg7[%mul3A_449, %dma_start3A_460] : memref<10000x128xf32, #tpu.memory_space<vmem_shared>> -> memref<40x128xf32, #tpu.memory_space<vmem_shared>>
      tpu.enqueue_dma source(%dma_start3A_461 : memref<40x128xf32, #tpu.memory_space<vmem_shared>>) target(%dma_start3A_459 : memref<40x128xf32, #tpu.memory_space<vmem>>) target_semaphore(%arg11 : memref<!tpu.dma_semaphore, #tpu.memory_space<semaphore_mem>>)
      %dma_wait3A_462 = arith.constant 4 : i32
      %dma_wait3A_463 = arith.constant 0 : i32
      %dma_wait3A_464 = arith.constant 0 : i32
      %dma_wait3A_465 = tpu.memref_slice %arg10[%dma_wait3A_462, %dma_wait3A_463, %dma_wait3A_464] : memref<5x40x128xf32, #tpu.memory_space<vmem>> -> memref<1x40x128xf32, #tpu.memory_space<vmem>>
      %dma_wait3A_466 = tpu.memref_squeeze %dma_wait3A_465 : memref<1x40x128xf32, #tpu.memory_space<vmem>> -> memref<40x128xf32, #tpu.memory_space<vmem>>
      %dma_wait3A_467 = arith.constant 0 : i32
      %dma_wait3A_468 = tpu.memref_slice %arg7[%mul3A_449, %dma_wait3A_467] : memref<10000x128xf32, #tpu.memory_space<vmem_shared>> -> memref<40x128xf32, #tpu.memory_space<vmem_shared>>
      %dma_wait3A_469 = arith.constant 0 : i32
      %dma_wait3A_470 = arith.constant 0 : i32
      %dma_wait3A_471 = tpu.memref_slice %arg10[%dma_wait3A_462, %dma_wait3A_469, %dma_wait3A_470] : memref<5x40x128xf32, #tpu.memory_space<vmem>> -> memref<1x40x128xf32, #tpu.memory_space<vmem>>
      %dma_wait3A_472 = tpu.memref_squeeze %dma_wait3A_471 : memref<1x40x128xf32, #tpu.memory_space<vmem>> -> memref<40x128xf32, #tpu.memory_space<vmem>>
      %dma_wait3A_473 = arith.constant 0 : i32
      %dma_wait3A_474 = tpu.memref_slice %arg7[%mul3A_449, %dma_wait3A_473] : memref<10000x128xf32, #tpu.memory_space<vmem_shared>> -> memref<40x128xf32, #tpu.memory_space<vmem_shared>>
      tpu.wait_dma2 semaphore(%arg11 : memref<!tpu.dma_semaphore, #tpu.memory_space<semaphore_mem>>) src(%dma_wait3A_474 : memref<40x128xf32, #tpu.memory_space<vmem_shared>>) dst(%dma_wait3A_472 : memref<40x128xf32, #tpu.memory_space<vmem>>)
      %mul3A_475 = arith.constant 40 : i32
      %mul3A_476 = arith.muli %add3A_300, %mul3A_475 : i32
      %dma_start3A_477 = arith.constant 4 : i32
      %dma_start3A_478 = arith.constant 0 : i32
      %dma_start3A_479 = arith.constant 0 : i32
      %dma_start3A_480 = tpu.memref_slice %arg10[%dma_start3A_477, %dma_start3A_478, %dma_start3A_479] : memref<5x40x128xf32, #tpu.memory_space<vmem>> -> memref<1x40x128xf32, #tpu.memory_space<vmem>>
      %dma_start3A_481 = tpu.memref_squeeze %dma_start3A_480 : memref<1x40x128xf32, #tpu.memory_space<vmem>> -> memref<40x128xf32, #tpu.memory_space<vmem>>
      %dma_start3A_482 = arith.constant 0 : i32
      %dma_start3A_483 = tpu.memref_slice %arg6[%arg0, %mul3A_476, %dma_start3A_482] : memref<2x10000x128xf32, #tpu.memory_space<hbm>> -> memref<1x40x128xf32, #tpu.memory_space<hbm>>
      %dma_start3A_484 = tpu.memref_squeeze %dma_start3A_483 : memref<1x40x128xf32, #tpu.memory_space<hbm>> -> memref<40x128xf32, #tpu.memory_space<hbm>>
      %dma_start3A_485 = arith.constant 0 : i32
      %dma_start3A_486 = tpu.memref_slice %arg6[%arg0, %mul3A_476, %dma_start3A_485] : memref<2x10000x128xf32, #tpu.memory_space<hbm>> -> memref<1x40x128xf32, #tpu.memory_space<hbm>>
      %dma_start3A_487 = tpu.memref_squeeze %dma_start3A_486 : memref<1x40x128xf32, #tpu.memory_space<hbm>> -> memref<40x128xf32, #tpu.memory_space<hbm>>
      %dma_start3A_488 = arith.constant 0 : i32
      %dma_start3A_489 = arith.constant 0 : i32
      %dma_start3A_490 = tpu.memref_slice %arg10[%dma_start3A_477, %dma_start3A_488, %dma_start3A_489] : memref<5x40x128xf32, #tpu.memory_space<vmem>> -> memref<1x40x128xf32, #tpu.memory_space<vmem>>
      %dma_start3A_491 = tpu.memref_squeeze %dma_start3A_490 : memref<1x40x128xf32, #tpu.memory_space<vmem>> -> memref<40x128xf32, #tpu.memory_space<vmem>>
      tpu.enqueue_dma source(%dma_start3A_491 : memref<40x128xf32, #tpu.memory_space<vmem>>) target(%dma_start3A_487 : memref<40x128xf32, #tpu.memory_space<hbm>>) target_semaphore(%arg12 : memref<!tpu.dma_semaphore, #tpu.memory_space<semaphore_mem>>)
    } else {
    }
    %add3A_306 = arith.constant 160 : i32
    %add3A_307 = arith.addi %add3A_306, %arg1 : i32
    %lt3A_308 = arith.constant 250 : i32
    %lt3A_309 = arith.cmpi slt, %add3A_307, %lt3A_308 : i32
    %convert_element_type3A_310 = arith.extui %lt3A_309 : i1 to i32
    %cond3A_311 = arith.constant 0 : i32
    %cond3A_312 = arith.cmpi ne, %convert_element_type3A_310, %cond3A_311 : i32
    scf.if %cond3A_312 {
      %mul3A_431 = arith.constant 40 : i32
      %mul3A_432 = arith.muli %add3A_307, %mul3A_431 : i32
      %dma_wait3A_433 = arith.constant 0 : i32
      %dma_wait3A_434 = arith.constant 0 : i32
      %dma_wait3A_435 = arith.constant 0 : i32
      %dma_wait3A_436 = tpu.memref_slice %arg10[%dma_wait3A_433, %dma_wait3A_434, %dma_wait3A_435] : memref<5x40x128xf32, #tpu.memory_space<vmem>> -> memref<1x40x128xf32, #tpu.memory_space<vmem>>
      %dma_wait3A_437 = tpu.memref_squeeze %dma_wait3A_436 : memref<1x40x128xf32, #tpu.memory_space<vmem>> -> memref<40x128xf32, #tpu.memory_space<vmem>>
      %dma_wait3A_438 = arith.constant 0 : i32
      %dma_wait3A_439 = tpu.memref_slice %arg6[%arg0, %mul3A_432, %dma_wait3A_438] : memref<2x10000x128xf32, #tpu.memory_space<hbm>> -> memref<1x40x128xf32, #tpu.memory_space<hbm>>
      %dma_wait3A_440 = tpu.memref_squeeze %dma_wait3A_439 : memref<1x40x128xf32, #tpu.memory_space<hbm>> -> memref<40x128xf32, #tpu.memory_space<hbm>>
      %dma_wait3A_441 = arith.constant 0 : i32
      %dma_wait3A_442 = tpu.memref_slice %arg6[%arg0, %mul3A_432, %dma_wait3A_441] : memref<2x10000x128xf32, #tpu.memory_space<hbm>> -> memref<1x40x128xf32, #tpu.memory_space<hbm>>
      %dma_wait3A_443 = tpu.memref_squeeze %dma_wait3A_442 : memref<1x40x128xf32, #tpu.memory_space<hbm>> -> memref<40x128xf32, #tpu.memory_space<hbm>>
      %dma_wait3A_444 = arith.constant 0 : i32
      %dma_wait3A_445 = arith.constant 0 : i32
      %dma_wait3A_446 = tpu.memref_slice %arg10[%dma_wait3A_433, %dma_wait3A_444, %dma_wait3A_445] : memref<5x40x128xf32, #tpu.memory_space<vmem>> -> memref<1x40x128xf32, #tpu.memory_space<vmem>>
      %dma_wait3A_447 = tpu.memref_squeeze %dma_wait3A_446 : memref<1x40x128xf32, #tpu.memory_space<vmem>> -> memref<40x128xf32, #tpu.memory_space<vmem>>
      tpu.wait_dma2 semaphore(%arg12 : memref<!tpu.dma_semaphore, #tpu.memory_space<semaphore_mem>>) src(%dma_wait3A_447 : memref<40x128xf32, #tpu.memory_space<vmem>>) dst(%dma_wait3A_443 : memref<40x128xf32, #tpu.memory_space<hbm>>)
      %mul3A_448 = arith.constant 40 : i32
      %mul3A_449 = arith.muli %add3A_307, %mul3A_448 : i32
      %dma_start3A = arith.constant 0 : i32
      %dma_start3A_450 = arith.constant 0 : i32
      %dma_start3A_451 = arith.constant 0 : i32
      %dma_start3A_452 = tpu.memref_slice %arg10[%dma_start3A, %dma_start3A_450, %dma_start3A_451] : memref<5x40x128xf32, #tpu.memory_space<vmem>> -> memref<1x40x128xf32, #tpu.memory_space<vmem>>
      %dma_start3A_453 = tpu.memref_squeeze %dma_start3A_452 : memref<1x40x128xf32, #tpu.memory_space<vmem>> -> memref<40x128xf32, #tpu.memory_space<vmem>>
      %dma_start3A_454 = arith.constant 0 : i32
      %dma_start3A_455 = tpu.memref_slice %arg7[%mul3A_449, %dma_start3A_454] : memref<10000x128xf32, #tpu.memory_space<vmem_shared>> -> memref<40x128xf32, #tpu.memory_space<vmem_shared>>
      %dma_start3A_456 = arith.constant 0 : i32
      %dma_start3A_457 = arith.constant 0 : i32
      %dma_start3A_458 = tpu.memref_slice %arg10[%dma_start3A, %dma_start3A_456, %dma_start3A_457] : memref<5x40x128xf32, #tpu.memory_space<vmem>> -> memref<1x40x128xf32, #tpu.memory_space<vmem>>
      %dma_start3A_459 = tpu.memref_squeeze %dma_start3A_458 : memref<1x40x128xf32, #tpu.memory_space<vmem>> -> memref<40x128xf32, #tpu.memory_space<vmem>>
      %dma_start3A_460 = arith.constant 0 : i32
      %dma_start3A_461 = tpu.memref_slice %arg7[%mul3A_449, %dma_start3A_460] : memref<10000x128xf32, #tpu.memory_space<vmem_shared>> -> memref<40x128xf32, #tpu.memory_space<vmem_shared>>
      tpu.enqueue_dma source(%dma_start3A_461 : memref<40x128xf32, #tpu.memory_space<vmem_shared>>) target(%dma_start3A_459 : memref<40x128xf32, #tpu.memory_space<vmem>>) target_semaphore(%arg11 : memref<!tpu.dma_semaphore, #tpu.memory_space<semaphore_mem>>)
      %dma_wait3A_462 = arith.constant 0 : i32
      %dma_wait3A_463 = arith.constant 0 : i32
      %dma_wait3A_464 = arith.constant 0 : i32
      %dma_wait3A_465 = tpu.memref_slice %arg10[%dma_wait3A_462, %dma_wait3A_463, %dma_wait3A_464] : memref<5x40x128xf32, #tpu.memory_space<vmem>> -> memref<1x40x128xf32, #tpu.memory_space<vmem>>
      %dma_wait3A_466 = tpu.memref_squeeze %dma_wait3A_465 : memref<1x40x128xf32, #tpu.memory_space<vmem>> -> memref<40x128xf32, #tpu.memory_space<vmem>>
      %dma_wait3A_467 = arith.constant 0 : i32
      %dma_wait3A_468 = tpu.memref_slice %arg7[%mul3A_449, %dma_wait3A_467] : memref<10000x128xf32, #tpu.memory_space<vmem_shared>> -> memref<40x128xf32, #tpu.memory_space<vmem_shared>>
      %dma_wait3A_469 = arith.constant 0 : i32
      %dma_wait3A_470 = arith.constant 0 : i32
      %dma_wait3A_471 = tpu.memref_slice %arg10[%dma_wait3A_462, %dma_wait3A_469, %dma_wait3A_470] : memref<5x40x128xf32, #tpu.memory_space<vmem>> -> memref<1x40x128xf32, #tpu.memory_space<vmem>>
      %dma_wait3A_472 = tpu.memref_squeeze %dma_wait3A_471 : memref<1x40x128xf32, #tpu.memory_space<vmem>> -> memref<40x128xf32, #tpu.memory_space<vmem>>
      %dma_wait3A_473 = arith.constant 0 : i32
      %dma_wait3A_474 = tpu.memref_slice %arg7[%mul3A_449, %dma_wait3A_473] : memref<10000x128xf32, #tpu.memory_space<vmem_shared>> -> memref<40x128xf32, #tpu.memory_space<vmem_shared>>
      tpu.wait_dma2 semaphore(%arg11 : memref<!tpu.dma_semaphore, #tpu.memory_space<semaphore_mem>>) src(%dma_wait3A_474 : memref<40x128xf32, #tpu.memory_space<vmem_shared>>) dst(%dma_wait3A_472 : memref<40x128xf32, #tpu.memory_space<vmem>>)
      %mul3A_475 = arith.constant 40 : i32
      %mul3A_476 = arith.muli %add3A_307, %mul3A_475 : i32
      %dma_start3A_477 = arith.constant 0 : i32
      %dma_start3A_478 = arith.constant 0 : i32
      %dma_start3A_479 = arith.constant 0 : i32
      %dma_start3A_480 = tpu.memref_slice %arg10[%dma_start3A_477, %dma_start3A_478, %dma_start3A_479] : memref<5x40x128xf32, #tpu.memory_space<vmem>> -> memref<1x40x128xf32, #tpu.memory_space<vmem>>
      %dma_start3A_481 = tpu.memref_squeeze %dma_start3A_480 : memref<1x40x128xf32, #tpu.memory_space<vmem>> -> memref<40x128xf32, #tpu.memory_space<vmem>>
      %dma_start3A_482 = arith.constant 0 : i32
      %dma_start3A_483 = tpu.memref_slice %arg6[%arg0, %mul3A_476, %dma_start3A_482] : memref<2x10000x128xf32, #tpu.memory_space<hbm>> -> memref<1x40x128xf32, #tpu.memory_space<hbm>>
      %dma_start3A_484 = tpu.memref_squeeze %dma_start3A_483 : memref<1x40x128xf32, #tpu.memory_space<hbm>> -> memref<40x128xf32, #tpu.memory_space<hbm>>
      %dma_start3A_485 = arith.constant 0 : i32
      %dma_start3A_486 = tpu.memref_slice %arg6[%arg0, %mul3A_476, %dma_start3A_485] : memref<2x10000x128xf32, #tpu.memory_space<hbm>> -> memref<1x40x128xf32, #tpu.memory_space<hbm>>
      %dma_start3A_487 = tpu.memref_squeeze %dma_start3A_486 : memref<1x40x128xf32, #tpu.memory_space<hbm>> -> memref<40x128xf32, #tpu.memory_space<hbm>>
      %dma_start3A_488 = arith.constant 0 : i32
      %dma_start3A_489 = arith.constant 0 : i32
      %dma_start3A_490 = tpu.memref_slice %arg10[%dma_start3A_477, %dma_start3A_488, %dma_start3A_489] : memref<5x40x128xf32, #tpu.memory_space<vmem>> -> memref<1x40x128xf32, #tpu.memory_space<vmem>>
      %dma_start3A_491 = tpu.memref_squeeze %dma_start3A_490 : memref<1x40x128xf32, #tpu.memory_space<vmem>> -> memref<40x128xf32, #tpu.memory_space<vmem>>
      tpu.enqueue_dma source(%dma_start3A_491 : memref<40x128xf32, #tpu.memory_space<vmem>>) target(%dma_start3A_487 : memref<40x128xf32, #tpu.memory_space<hbm>>) target_semaphore(%arg12 : memref<!tpu.dma_semaphore, #tpu.memory_space<semaphore_mem>>)
    } else {
    }
    %add3A_313 = arith.constant 176 : i32
    %add3A_314 = arith.addi %add3A_313, %arg1 : i32
    %lt3A_315 = arith.constant 250 : i32
    %lt3A_316 = arith.cmpi slt, %add3A_314, %lt3A_315 : i32
    %convert_element_type3A_317 = arith.extui %lt3A_316 : i1 to i32
    %cond3A_318 = arith.constant 0 : i32
    %cond3A_319 = arith.cmpi ne, %convert_element_type3A_317, %cond3A_318 : i32
    scf.if %cond3A_319 {
      %mul3A_431 = arith.constant 40 : i32
      %mul3A_432 = arith.muli %add3A_314, %mul3A_431 : i32
      %dma_wait3A_433 = arith.constant 1 : i32
      %dma_wait3A_434 = arith.constant 0 : i32
      %dma_wait3A_435 = arith.constant 0 : i32
      %dma_wait3A_436 = tpu.memref_slice %arg10[%dma_wait3A_433, %dma_wait3A_434, %dma_wait3A_435] : memref<5x40x128xf32, #tpu.memory_space<vmem>> -> memref<1x40x128xf32, #tpu.memory_space<vmem>>
      %dma_wait3A_437 = tpu.memref_squeeze %dma_wait3A_436 : memref<1x40x128xf32, #tpu.memory_space<vmem>> -> memref<40x128xf32, #tpu.memory_space<vmem>>
      %dma_wait3A_438 = arith.constant 0 : i32
      %dma_wait3A_439 = tpu.memref_slice %arg6[%arg0, %mul3A_432, %dma_wait3A_438] : memref<2x10000x128xf32, #tpu.memory_space<hbm>> -> memref<1x40x128xf32, #tpu.memory_space<hbm>>
      %dma_wait3A_440 = tpu.memref_squeeze %dma_wait3A_439 : memref<1x40x128xf32, #tpu.memory_space<hbm>> -> memref<40x128xf32, #tpu.memory_space<hbm>>
      %dma_wait3A_441 = arith.constant 0 : i32
      %dma_wait3A_442 = tpu.memref_slice %arg6[%arg0, %mul3A_432, %dma_wait3A_441] : memref<2x10000x128xf32, #tpu.memory_space<hbm>> -> memref<1x40x128xf32, #tpu.memory_space<hbm>>
      %dma_wait3A_443 = tpu.memref_squeeze %dma_wait3A_442 : memref<1x40x128xf32, #tpu.memory_space<hbm>> -> memref<40x128xf32, #tpu.memory_space<hbm>>
      %dma_wait3A_444 = arith.constant 0 : i32
      %dma_wait3A_445 = arith.constant 0 : i32
      %dma_wait3A_446 = tpu.memref_slice %arg10[%dma_wait3A_433, %dma_wait3A_444, %dma_wait3A_445] : memref<5x40x128xf32, #tpu.memory_space<vmem>> -> memref<1x40x128xf32, #tpu.memory_space<vmem>>
      %dma_wait3A_447 = tpu.memref_squeeze %dma_wait3A_446 : memref<1x40x128xf32, #tpu.memory_space<vmem>> -> memref<40x128xf32, #tpu.memory_space<vmem>>
      tpu.wait_dma2 semaphore(%arg12 : memref<!tpu.dma_semaphore, #tpu.memory_space<semaphore_mem>>) src(%dma_wait3A_447 : memref<40x128xf32, #tpu.memory_space<vmem>>) dst(%dma_wait3A_443 : memref<40x128xf32, #tpu.memory_space<hbm>>)
      %mul3A_448 = arith.constant 40 : i32
      %mul3A_449 = arith.muli %add3A_314, %mul3A_448 : i32
      %dma_start3A = arith.constant 1 : i32
      %dma_start3A_450 = arith.constant 0 : i32
      %dma_start3A_451 = arith.constant 0 : i32
      %dma_start3A_452 = tpu.memref_slice %arg10[%dma_start3A, %dma_start3A_450, %dma_start3A_451] : memref<5x40x128xf32, #tpu.memory_space<vmem>> -> memref<1x40x128xf32, #tpu.memory_space<vmem>>
      %dma_start3A_453 = tpu.memref_squeeze %dma_start3A_452 : memref<1x40x128xf32, #tpu.memory_space<vmem>> -> memref<40x128xf32, #tpu.memory_space<vmem>>
      %dma_start3A_454 = arith.constant 0 : i32
      %dma_start3A_455 = tpu.memref_slice %arg7[%mul3A_449, %dma_start3A_454] : memref<10000x128xf32, #tpu.memory_space<vmem_shared>> -> memref<40x128xf32, #tpu.memory_space<vmem_shared>>
      %dma_start3A_456 = arith.constant 0 : i32
      %dma_start3A_457 = arith.constant 0 : i32
      %dma_start3A_458 = tpu.memref_slice %arg10[%dma_start3A, %dma_start3A_456, %dma_start3A_457] : memref<5x40x128xf32, #tpu.memory_space<vmem>> -> memref<1x40x128xf32, #tpu.memory_space<vmem>>
      %dma_start3A_459 = tpu.memref_squeeze %dma_start3A_458 : memref<1x40x128xf32, #tpu.memory_space<vmem>> -> memref<40x128xf32, #tpu.memory_space<vmem>>
      %dma_start3A_460 = arith.constant 0 : i32
      %dma_start3A_461 = tpu.memref_slice %arg7[%mul3A_449, %dma_start3A_460] : memref<10000x128xf32, #tpu.memory_space<vmem_shared>> -> memref<40x128xf32, #tpu.memory_space<vmem_shared>>
      tpu.enqueue_dma source(%dma_start3A_461 : memref<40x128xf32, #tpu.memory_space<vmem_shared>>) target(%dma_start3A_459 : memref<40x128xf32, #tpu.memory_space<vmem>>) target_semaphore(%arg11 : memref<!tpu.dma_semaphore, #tpu.memory_space<semaphore_mem>>)
      %dma_wait3A_462 = arith.constant 1 : i32
      %dma_wait3A_463 = arith.constant 0 : i32
      %dma_wait3A_464 = arith.constant 0 : i32
      %dma_wait3A_465 = tpu.memref_slice %arg10[%dma_wait3A_462, %dma_wait3A_463, %dma_wait3A_464] : memref<5x40x128xf32, #tpu.memory_space<vmem>> -> memref<1x40x128xf32, #tpu.memory_space<vmem>>
      %dma_wait3A_466 = tpu.memref_squeeze %dma_wait3A_465 : memref<1x40x128xf32, #tpu.memory_space<vmem>> -> memref<40x128xf32, #tpu.memory_space<vmem>>
      %dma_wait3A_467 = arith.constant 0 : i32
      %dma_wait3A_468 = tpu.memref_slice %arg7[%mul3A_449, %dma_wait3A_467] : memref<10000x128xf32, #tpu.memory_space<vmem_shared>> -> memref<40x128xf32, #tpu.memory_space<vmem_shared>>
      %dma_wait3A_469 = arith.constant 0 : i32
      %dma_wait3A_470 = arith.constant 0 : i32
      %dma_wait3A_471 = tpu.memref_slice %arg10[%dma_wait3A_462, %dma_wait3A_469, %dma_wait3A_470] : memref<5x40x128xf32, #tpu.memory_space<vmem>> -> memref<1x40x128xf32, #tpu.memory_space<vmem>>
      %dma_wait3A_472 = tpu.memref_squeeze %dma_wait3A_471 : memref<1x40x128xf32, #tpu.memory_space<vmem>> -> memref<40x128xf32, #tpu.memory_space<vmem>>
      %dma_wait3A_473 = arith.constant 0 : i32
      %dma_wait3A_474 = tpu.memref_slice %arg7[%mul3A_449, %dma_wait3A_473] : memref<10000x128xf32, #tpu.memory_space<vmem_shared>> -> memref<40x128xf32, #tpu.memory_space<vmem_shared>>
      tpu.wait_dma2 semaphore(%arg11 : memref<!tpu.dma_semaphore, #tpu.memory_space<semaphore_mem>>) src(%dma_wait3A_474 : memref<40x128xf32, #tpu.memory_space<vmem_shared>>) dst(%dma_wait3A_472 : memref<40x128xf32, #tpu.memory_space<vmem>>)
      %mul3A_475 = arith.constant 40 : i32
      %mul3A_476 = arith.muli %add3A_314, %mul3A_475 : i32
      %dma_start3A_477 = arith.constant 1 : i32
      %dma_start3A_478 = arith.constant 0 : i32
      %dma_start3A_479 = arith.constant 0 : i32
      %dma_start3A_480 = tpu.memref_slice %arg10[%dma_start3A_477, %dma_start3A_478, %dma_start3A_479] : memref<5x40x128xf32, #tpu.memory_space<vmem>> -> memref<1x40x128xf32, #tpu.memory_space<vmem>>
      %dma_start3A_481 = tpu.memref_squeeze %dma_start3A_480 : memref<1x40x128xf32, #tpu.memory_space<vmem>> -> memref<40x128xf32, #tpu.memory_space<vmem>>
      %dma_start3A_482 = arith.constant 0 : i32
      %dma_start3A_483 = tpu.memref_slice %arg6[%arg0, %mul3A_476, %dma_start3A_482] : memref<2x10000x128xf32, #tpu.memory_space<hbm>> -> memref<1x40x128xf32, #tpu.memory_space<hbm>>
      %dma_start3A_484 = tpu.memref_squeeze %dma_start3A_483 : memref<1x40x128xf32, #tpu.memory_space<hbm>> -> memref<40x128xf32, #tpu.memory_space<hbm>>
      %dma_start3A_485 = arith.constant 0 : i32
      %dma_start3A_486 = tpu.memref_slice %arg6[%arg0, %mul3A_476, %dma_start3A_485] : memref<2x10000x128xf32, #tpu.memory_space<hbm>> -> memref<1x40x128xf32, #tpu.memory_space<hbm>>
      %dma_start3A_487 = tpu.memref_squeeze %dma_start3A_486 : memref<1x40x128xf32, #tpu.memory_space<hbm>> -> memref<40x128xf32, #tpu.memory_space<hbm>>
      %dma_start3A_488 = arith.constant 0 : i32
      %dma_start3A_489 = arith.constant 0 : i32
      %dma_start3A_490 = tpu.memref_slice %arg10[%dma_start3A_477, %dma_start3A_488, %dma_start3A_489] : memref<5x40x128xf32, #tpu.memory_space<vmem>> -> memref<1x40x128xf32, #tpu.memory_space<vmem>>
      %dma_start3A_491 = tpu.memref_squeeze %dma_start3A_490 : memref<1x40x128xf32, #tpu.memory_space<vmem>> -> memref<40x128xf32, #tpu.memory_space<vmem>>
      tpu.enqueue_dma source(%dma_start3A_491 : memref<40x128xf32, #tpu.memory_space<vmem>>) target(%dma_start3A_487 : memref<40x128xf32, #tpu.memory_space<hbm>>) target_semaphore(%arg12 : memref<!tpu.dma_semaphore, #tpu.memory_space<semaphore_mem>>)
    } else {
    }
    %add3A_320 = arith.constant 192 : i32
    %add3A_321 = arith.addi %add3A_320, %arg1 : i32
    %lt3A_322 = arith.constant 250 : i32
    %lt3A_323 = arith.cmpi slt, %add3A_321, %lt3A_322 : i32
    %convert_element_type3A_324 = arith.extui %lt3A_323 : i1 to i32
    %cond3A_325 = arith.constant 0 : i32
    %cond3A_326 = arith.cmpi ne, %convert_element_type3A_324, %cond3A_325 : i32
    scf.if %cond3A_326 {
      %mul3A_431 = arith.constant 40 : i32
      %mul3A_432 = arith.muli %add3A_321, %mul3A_431 : i32
      %dma_wait3A_433 = arith.constant 2 : i32
      %dma_wait3A_434 = arith.constant 0 : i32
      %dma_wait3A_435 = arith.constant 0 : i32
      %dma_wait3A_436 = tpu.memref_slice %arg10[%dma_wait3A_433, %dma_wait3A_434, %dma_wait3A_435] : memref<5x40x128xf32, #tpu.memory_space<vmem>> -> memref<1x40x128xf32, #tpu.memory_space<vmem>>
      %dma_wait3A_437 = tpu.memref_squeeze %dma_wait3A_436 : memref<1x40x128xf32, #tpu.memory_space<vmem>> -> memref<40x128xf32, #tpu.memory_space<vmem>>
      %dma_wait3A_438 = arith.constant 0 : i32
      %dma_wait3A_439 = tpu.memref_slice %arg6[%arg0, %mul3A_432, %dma_wait3A_438] : memref<2x10000x128xf32, #tpu.memory_space<hbm>> -> memref<1x40x128xf32, #tpu.memory_space<hbm>>
      %dma_wait3A_440 = tpu.memref_squeeze %dma_wait3A_439 : memref<1x40x128xf32, #tpu.memory_space<hbm>> -> memref<40x128xf32, #tpu.memory_space<hbm>>
      %dma_wait3A_441 = arith.constant 0 : i32
      %dma_wait3A_442 = tpu.memref_slice %arg6[%arg0, %mul3A_432, %dma_wait3A_441] : memref<2x10000x128xf32, #tpu.memory_space<hbm>> -> memref<1x40x128xf32, #tpu.memory_space<hbm>>
      %dma_wait3A_443 = tpu.memref_squeeze %dma_wait3A_442 : memref<1x40x128xf32, #tpu.memory_space<hbm>> -> memref<40x128xf32, #tpu.memory_space<hbm>>
      %dma_wait3A_444 = arith.constant 0 : i32
      %dma_wait3A_445 = arith.constant 0 : i32
      %dma_wait3A_446 = tpu.memref_slice %arg10[%dma_wait3A_433, %dma_wait3A_444, %dma_wait3A_445] : memref<5x40x128xf32, #tpu.memory_space<vmem>> -> memref<1x40x128xf32, #tpu.memory_space<vmem>>
      %dma_wait3A_447 = tpu.memref_squeeze %dma_wait3A_446 : memref<1x40x128xf32, #tpu.memory_space<vmem>> -> memref<40x128xf32, #tpu.memory_space<vmem>>
      tpu.wait_dma2 semaphore(%arg12 : memref<!tpu.dma_semaphore, #tpu.memory_space<semaphore_mem>>) src(%dma_wait3A_447 : memref<40x128xf32, #tpu.memory_space<vmem>>) dst(%dma_wait3A_443 : memref<40x128xf32, #tpu.memory_space<hbm>>)
      %mul3A_448 = arith.constant 40 : i32
      %mul3A_449 = arith.muli %add3A_321, %mul3A_448 : i32
      %dma_start3A = arith.constant 2 : i32
      %dma_start3A_450 = arith.constant 0 : i32
      %dma_start3A_451 = arith.constant 0 : i32
      %dma_start3A_452 = tpu.memref_slice %arg10[%dma_start3A, %dma_start3A_450, %dma_start3A_451] : memref<5x40x128xf32, #tpu.memory_space<vmem>> -> memref<1x40x128xf32, #tpu.memory_space<vmem>>
      %dma_start3A_453 = tpu.memref_squeeze %dma_start3A_452 : memref<1x40x128xf32, #tpu.memory_space<vmem>> -> memref<40x128xf32, #tpu.memory_space<vmem>>
      %dma_start3A_454 = arith.constant 0 : i32
      %dma_start3A_455 = tpu.memref_slice %arg7[%mul3A_449, %dma_start3A_454] : memref<10000x128xf32, #tpu.memory_space<vmem_shared>> -> memref<40x128xf32, #tpu.memory_space<vmem_shared>>
      %dma_start3A_456 = arith.constant 0 : i32
      %dma_start3A_457 = arith.constant 0 : i32
      %dma_start3A_458 = tpu.memref_slice %arg10[%dma_start3A, %dma_start3A_456, %dma_start3A_457] : memref<5x40x128xf32, #tpu.memory_space<vmem>> -> memref<1x40x128xf32, #tpu.memory_space<vmem>>
      %dma_start3A_459 = tpu.memref_squeeze %dma_start3A_458 : memref<1x40x128xf32, #tpu.memory_space<vmem>> -> memref<40x128xf32, #tpu.memory_space<vmem>>
      %dma_start3A_460 = arith.constant 0 : i32
      %dma_start3A_461 = tpu.memref_slice %arg7[%mul3A_449, %dma_start3A_460] : memref<10000x128xf32, #tpu.memory_space<vmem_shared>> -> memref<40x128xf32, #tpu.memory_space<vmem_shared>>
      tpu.enqueue_dma source(%dma_start3A_461 : memref<40x128xf32, #tpu.memory_space<vmem_shared>>) target(%dma_start3A_459 : memref<40x128xf32, #tpu.memory_space<vmem>>) target_semaphore(%arg11 : memref<!tpu.dma_semaphore, #tpu.memory_space<semaphore_mem>>)
      %dma_wait3A_462 = arith.constant 2 : i32
      %dma_wait3A_463 = arith.constant 0 : i32
      %dma_wait3A_464 = arith.constant 0 : i32
      %dma_wait3A_465 = tpu.memref_slice %arg10[%dma_wait3A_462, %dma_wait3A_463, %dma_wait3A_464] : memref<5x40x128xf32, #tpu.memory_space<vmem>> -> memref<1x40x128xf32, #tpu.memory_space<vmem>>
      %dma_wait3A_466 = tpu.memref_squeeze %dma_wait3A_465 : memref<1x40x128xf32, #tpu.memory_space<vmem>> -> memref<40x128xf32, #tpu.memory_space<vmem>>
      %dma_wait3A_467 = arith.constant 0 : i32
      %dma_wait3A_468 = tpu.memref_slice %arg7[%mul3A_449, %dma_wait3A_467] : memref<10000x128xf32, #tpu.memory_space<vmem_shared>> -> memref<40x128xf32, #tpu.memory_space<vmem_shared>>
      %dma_wait3A_469 = arith.constant 0 : i32
      %dma_wait3A_470 = arith.constant 0 : i32
      %dma_wait3A_471 = tpu.memref_slice %arg10[%dma_wait3A_462, %dma_wait3A_469, %dma_wait3A_470] : memref<5x40x128xf32, #tpu.memory_space<vmem>> -> memref<1x40x128xf32, #tpu.memory_space<vmem>>
      %dma_wait3A_472 = tpu.memref_squeeze %dma_wait3A_471 : memref<1x40x128xf32, #tpu.memory_space<vmem>> -> memref<40x128xf32, #tpu.memory_space<vmem>>
      %dma_wait3A_473 = arith.constant 0 : i32
      %dma_wait3A_474 = tpu.memref_slice %arg7[%mul3A_449, %dma_wait3A_473] : memref<10000x128xf32, #tpu.memory_space<vmem_shared>> -> memref<40x128xf32, #tpu.memory_space<vmem_shared>>
      tpu.wait_dma2 semaphore(%arg11 : memref<!tpu.dma_semaphore, #tpu.memory_space<semaphore_mem>>) src(%dma_wait3A_474 : memref<40x128xf32, #tpu.memory_space<vmem_shared>>) dst(%dma_wait3A_472 : memref<40x128xf32, #tpu.memory_space<vmem>>)
      %mul3A_475 = arith.constant 40 : i32
      %mul3A_476 = arith.muli %add3A_321, %mul3A_475 : i32
      %dma_start3A_477 = arith.constant 2 : i32
      %dma_start3A_478 = arith.constant 0 : i32
      %dma_start3A_479 = arith.constant 0 : i32
      %dma_start3A_480 = tpu.memref_slice %arg10[%dma_start3A_477, %dma_start3A_478, %dma_start3A_479] : memref<5x40x128xf32, #tpu.memory_space<vmem>> -> memref<1x40x128xf32, #tpu.memory_space<vmem>>
      %dma_start3A_481 = tpu.memref_squeeze %dma_start3A_480 : memref<1x40x128xf32, #tpu.memory_space<vmem>> -> memref<40x128xf32, #tpu.memory_space<vmem>>
      %dma_start3A_482 = arith.constant 0 : i32
      %dma_start3A_483 = tpu.memref_slice %arg6[%arg0, %mul3A_476, %dma_start3A_482] : memref<2x10000x128xf32, #tpu.memory_space<hbm>> -> memref<1x40x128xf32, #tpu.memory_space<hbm>>
      %dma_start3A_484 = tpu.memref_squeeze %dma_start3A_483 : memref<1x40x128xf32, #tpu.memory_space<hbm>> -> memref<40x128xf32, #tpu.memory_space<hbm>>
      %dma_start3A_485 = arith.constant 0 : i32
      %dma_start3A_486 = tpu.memref_slice %arg6[%arg0, %mul3A_476, %dma_start3A_485] : memref<2x10000x128xf32, #tpu.memory_space<hbm>> -> memref<1x40x128xf32, #tpu.memory_space<hbm>>
      %dma_start3A_487 = tpu.memref_squeeze %dma_start3A_486 : memref<1x40x128xf32, #tpu.memory_space<hbm>> -> memref<40x128xf32, #tpu.memory_space<hbm>>
      %dma_start3A_488 = arith.constant 0 : i32
      %dma_start3A_489 = arith.constant 0 : i32
      %dma_start3A_490 = tpu.memref_slice %arg10[%dma_start3A_477, %dma_start3A_488, %dma_start3A_489] : memref<5x40x128xf32, #tpu.memory_space<vmem>> -> memref<1x40x128xf32, #tpu.memory_space<vmem>>
      %dma_start3A_491 = tpu.memref_squeeze %dma_start3A_490 : memref<1x40x128xf32, #tpu.memory_space<vmem>> -> memref<40x128xf32, #tpu.memory_space<vmem>>
      tpu.enqueue_dma source(%dma_start3A_491 : memref<40x128xf32, #tpu.memory_space<vmem>>) target(%dma_start3A_487 : memref<40x128xf32, #tpu.memory_space<hbm>>) target_semaphore(%arg12 : memref<!tpu.dma_semaphore, #tpu.memory_space<semaphore_mem>>)
    } else {
    }
    %add3A_327 = arith.constant 208 : i32
    %add3A_328 = arith.addi %add3A_327, %arg1 : i32
    %lt3A_329 = arith.constant 250 : i32
    %lt3A_330 = arith.cmpi slt, %add3A_328, %lt3A_329 : i32
    %convert_element_type3A_331 = arith.extui %lt3A_330 : i1 to i32
    %cond3A_332 = arith.constant 0 : i32
    %cond3A_333 = arith.cmpi ne, %convert_element_type3A_331, %cond3A_332 : i32
    scf.if %cond3A_333 {
      %mul3A_431 = arith.constant 40 : i32
      %mul3A_432 = arith.muli %add3A_328, %mul3A_431 : i32
      %dma_wait3A_433 = arith.constant 3 : i32
      %dma_wait3A_434 = arith.constant 0 : i32
      %dma_wait3A_435 = arith.constant 0 : i32
      %dma_wait3A_436 = tpu.memref_slice %arg10[%dma_wait3A_433, %dma_wait3A_434, %dma_wait3A_435] : memref<5x40x128xf32, #tpu.memory_space<vmem>> -> memref<1x40x128xf32, #tpu.memory_space<vmem>>
      %dma_wait3A_437 = tpu.memref_squeeze %dma_wait3A_436 : memref<1x40x128xf32, #tpu.memory_space<vmem>> -> memref<40x128xf32, #tpu.memory_space<vmem>>
      %dma_wait3A_438 = arith.constant 0 : i32
      %dma_wait3A_439 = tpu.memref_slice %arg6[%arg0, %mul3A_432, %dma_wait3A_438] : memref<2x10000x128xf32, #tpu.memory_space<hbm>> -> memref<1x40x128xf32, #tpu.memory_space<hbm>>
      %dma_wait3A_440 = tpu.memref_squeeze %dma_wait3A_439 : memref<1x40x128xf32, #tpu.memory_space<hbm>> -> memref<40x128xf32, #tpu.memory_space<hbm>>
      %dma_wait3A_441 = arith.constant 0 : i32
      %dma_wait3A_442 = tpu.memref_slice %arg6[%arg0, %mul3A_432, %dma_wait3A_441] : memref<2x10000x128xf32, #tpu.memory_space<hbm>> -> memref<1x40x128xf32, #tpu.memory_space<hbm>>
      %dma_wait3A_443 = tpu.memref_squeeze %dma_wait3A_442 : memref<1x40x128xf32, #tpu.memory_space<hbm>> -> memref<40x128xf32, #tpu.memory_space<hbm>>
      %dma_wait3A_444 = arith.constant 0 : i32
      %dma_wait3A_445 = arith.constant 0 : i32
      %dma_wait3A_446 = tpu.memref_slice %arg10[%dma_wait3A_433, %dma_wait3A_444, %dma_wait3A_445] : memref<5x40x128xf32, #tpu.memory_space<vmem>> -> memref<1x40x128xf32, #tpu.memory_space<vmem>>
      %dma_wait3A_447 = tpu.memref_squeeze %dma_wait3A_446 : memref<1x40x128xf32, #tpu.memory_space<vmem>> -> memref<40x128xf32, #tpu.memory_space<vmem>>
      tpu.wait_dma2 semaphore(%arg12 : memref<!tpu.dma_semaphore, #tpu.memory_space<semaphore_mem>>) src(%dma_wait3A_447 : memref<40x128xf32, #tpu.memory_space<vmem>>) dst(%dma_wait3A_443 : memref<40x128xf32, #tpu.memory_space<hbm>>)
      %mul3A_448 = arith.constant 40 : i32
      %mul3A_449 = arith.muli %add3A_328, %mul3A_448 : i32
      %dma_start3A = arith.constant 3 : i32
      %dma_start3A_450 = arith.constant 0 : i32
      %dma_start3A_451 = arith.constant 0 : i32
      %dma_start3A_452 = tpu.memref_slice %arg10[%dma_start3A, %dma_start3A_450, %dma_start3A_451] : memref<5x40x128xf32, #tpu.memory_space<vmem>> -> memref<1x40x128xf32, #tpu.memory_space<vmem>>
      %dma_start3A_453 = tpu.memref_squeeze %dma_start3A_452 : memref<1x40x128xf32, #tpu.memory_space<vmem>> -> memref<40x128xf32, #tpu.memory_space<vmem>>
      %dma_start3A_454 = arith.constant 0 : i32
      %dma_start3A_455 = tpu.memref_slice %arg7[%mul3A_449, %dma_start3A_454] : memref<10000x128xf32, #tpu.memory_space<vmem_shared>> -> memref<40x128xf32, #tpu.memory_space<vmem_shared>>
      %dma_start3A_456 = arith.constant 0 : i32
      %dma_start3A_457 = arith.constant 0 : i32
      %dma_start3A_458 = tpu.memref_slice %arg10[%dma_start3A, %dma_start3A_456, %dma_start3A_457] : memref<5x40x128xf32, #tpu.memory_space<vmem>> -> memref<1x40x128xf32, #tpu.memory_space<vmem>>
      %dma_start3A_459 = tpu.memref_squeeze %dma_start3A_458 : memref<1x40x128xf32, #tpu.memory_space<vmem>> -> memref<40x128xf32, #tpu.memory_space<vmem>>
      %dma_start3A_460 = arith.constant 0 : i32
      %dma_start3A_461 = tpu.memref_slice %arg7[%mul3A_449, %dma_start3A_460] : memref<10000x128xf32, #tpu.memory_space<vmem_shared>> -> memref<40x128xf32, #tpu.memory_space<vmem_shared>>
      tpu.enqueue_dma source(%dma_start3A_461 : memref<40x128xf32, #tpu.memory_space<vmem_shared>>) target(%dma_start3A_459 : memref<40x128xf32, #tpu.memory_space<vmem>>) target_semaphore(%arg11 : memref<!tpu.dma_semaphore, #tpu.memory_space<semaphore_mem>>)
      %dma_wait3A_462 = arith.constant 3 : i32
      %dma_wait3A_463 = arith.constant 0 : i32
      %dma_wait3A_464 = arith.constant 0 : i32
      %dma_wait3A_465 = tpu.memref_slice %arg10[%dma_wait3A_462, %dma_wait3A_463, %dma_wait3A_464] : memref<5x40x128xf32, #tpu.memory_space<vmem>> -> memref<1x40x128xf32, #tpu.memory_space<vmem>>
      %dma_wait3A_466 = tpu.memref_squeeze %dma_wait3A_465 : memref<1x40x128xf32, #tpu.memory_space<vmem>> -> memref<40x128xf32, #tpu.memory_space<vmem>>
      %dma_wait3A_467 = arith.constant 0 : i32
      %dma_wait3A_468 = tpu.memref_slice %arg7[%mul3A_449, %dma_wait3A_467] : memref<10000x128xf32, #tpu.memory_space<vmem_shared>> -> memref<40x128xf32, #tpu.memory_space<vmem_shared>>
      %dma_wait3A_469 = arith.constant 0 : i32
      %dma_wait3A_470 = arith.constant 0 : i32
      %dma_wait3A_471 = tpu.memref_slice %arg10[%dma_wait3A_462, %dma_wait3A_469, %dma_wait3A_470] : memref<5x40x128xf32, #tpu.memory_space<vmem>> -> memref<1x40x128xf32, #tpu.memory_space<vmem>>
      %dma_wait3A_472 = tpu.memref_squeeze %dma_wait3A_471 : memref<1x40x128xf32, #tpu.memory_space<vmem>> -> memref<40x128xf32, #tpu.memory_space<vmem>>
      %dma_wait3A_473 = arith.constant 0 : i32
      %dma_wait3A_474 = tpu.memref_slice %arg7[%mul3A_449, %dma_wait3A_473] : memref<10000x128xf32, #tpu.memory_space<vmem_shared>> -> memref<40x128xf32, #tpu.memory_space<vmem_shared>>
      tpu.wait_dma2 semaphore(%arg11 : memref<!tpu.dma_semaphore, #tpu.memory_space<semaphore_mem>>) src(%dma_wait3A_474 : memref<40x128xf32, #tpu.memory_space<vmem_shared>>) dst(%dma_wait3A_472 : memref<40x128xf32, #tpu.memory_space<vmem>>)
      %mul3A_475 = arith.constant 40 : i32
      %mul3A_476 = arith.muli %add3A_328, %mul3A_475 : i32
      %dma_start3A_477 = arith.constant 3 : i32
      %dma_start3A_478 = arith.constant 0 : i32
      %dma_start3A_479 = arith.constant 0 : i32
      %dma_start3A_480 = tpu.memref_slice %arg10[%dma_start3A_477, %dma_start3A_478, %dma_start3A_479] : memref<5x40x128xf32, #tpu.memory_space<vmem>> -> memref<1x40x128xf32, #tpu.memory_space<vmem>>
      %dma_start3A_481 = tpu.memref_squeeze %dma_start3A_480 : memref<1x40x128xf32, #tpu.memory_space<vmem>> -> memref<40x128xf32, #tpu.memory_space<vmem>>
      %dma_start3A_482 = arith.constant 0 : i32
      %dma_start3A_483 = tpu.memref_slice %arg6[%arg0, %mul3A_476, %dma_start3A_482] : memref<2x10000x128xf32, #tpu.memory_space<hbm>> -> memref<1x40x128xf32, #tpu.memory_space<hbm>>
      %dma_start3A_484 = tpu.memref_squeeze %dma_start3A_483 : memref<1x40x128xf32, #tpu.memory_space<hbm>> -> memref<40x128xf32, #tpu.memory_space<hbm>>
      %dma_start3A_485 = arith.constant 0 : i32
      %dma_start3A_486 = tpu.memref_slice %arg6[%arg0, %mul3A_476, %dma_start3A_485] : memref<2x10000x128xf32, #tpu.memory_space<hbm>> -> memref<1x40x128xf32, #tpu.memory_space<hbm>>
      %dma_start3A_487 = tpu.memref_squeeze %dma_start3A_486 : memref<1x40x128xf32, #tpu.memory_space<hbm>> -> memref<40x128xf32, #tpu.memory_space<hbm>>
      %dma_start3A_488 = arith.constant 0 : i32
      %dma_start3A_489 = arith.constant 0 : i32
      %dma_start3A_490 = tpu.memref_slice %arg10[%dma_start3A_477, %dma_start3A_488, %dma_start3A_489] : memref<5x40x128xf32, #tpu.memory_space<vmem>> -> memref<1x40x128xf32, #tpu.memory_space<vmem>>
      %dma_start3A_491 = tpu.memref_squeeze %dma_start3A_490 : memref<1x40x128xf32, #tpu.memory_space<vmem>> -> memref<40x128xf32, #tpu.memory_space<vmem>>
      tpu.enqueue_dma source(%dma_start3A_491 : memref<40x128xf32, #tpu.memory_space<vmem>>) target(%dma_start3A_487 : memref<40x128xf32, #tpu.memory_space<hbm>>) target_semaphore(%arg12 : memref<!tpu.dma_semaphore, #tpu.memory_space<semaphore_mem>>)
    } else {
    }
    %add3A_334 = arith.constant 224 : i32
    %add3A_335 = arith.addi %add3A_334, %arg1 : i32
    %lt3A_336 = arith.constant 250 : i32
    %lt3A_337 = arith.cmpi slt, %add3A_335, %lt3A_336 : i32
    %convert_element_type3A_338 = arith.extui %lt3A_337 : i1 to i32
    %cond3A_339 = arith.constant 0 : i32
    %cond3A_340 = arith.cmpi ne, %convert_element_type3A_338, %cond3A_339 : i32
    scf.if %cond3A_340 {
      %mul3A_431 = arith.constant 40 : i32
      %mul3A_432 = arith.muli %add3A_335, %mul3A_431 : i32
      %dma_wait3A_433 = arith.constant 4 : i32
      %dma_wait3A_434 = arith.constant 0 : i32
      %dma_wait3A_435 = arith.constant 0 : i32
      %dma_wait3A_436 = tpu.memref_slice %arg10[%dma_wait3A_433, %dma_wait3A_434, %dma_wait3A_435] : memref<5x40x128xf32, #tpu.memory_space<vmem>> -> memref<1x40x128xf32, #tpu.memory_space<vmem>>
      %dma_wait3A_437 = tpu.memref_squeeze %dma_wait3A_436 : memref<1x40x128xf32, #tpu.memory_space<vmem>> -> memref<40x128xf32, #tpu.memory_space<vmem>>
      %dma_wait3A_438 = arith.constant 0 : i32
      %dma_wait3A_439 = tpu.memref_slice %arg6[%arg0, %mul3A_432, %dma_wait3A_438] : memref<2x10000x128xf32, #tpu.memory_space<hbm>> -> memref<1x40x128xf32, #tpu.memory_space<hbm>>
      %dma_wait3A_440 = tpu.memref_squeeze %dma_wait3A_439 : memref<1x40x128xf32, #tpu.memory_space<hbm>> -> memref<40x128xf32, #tpu.memory_space<hbm>>
      %dma_wait3A_441 = arith.constant 0 : i32
      %dma_wait3A_442 = tpu.memref_slice %arg6[%arg0, %mul3A_432, %dma_wait3A_441] : memref<2x10000x128xf32, #tpu.memory_space<hbm>> -> memref<1x40x128xf32, #tpu.memory_space<hbm>>
      %dma_wait3A_443 = tpu.memref_squeeze %dma_wait3A_442 : memref<1x40x128xf32, #tpu.memory_space<hbm>> -> memref<40x128xf32, #tpu.memory_space<hbm>>
      %dma_wait3A_444 = arith.constant 0 : i32
      %dma_wait3A_445 = arith.constant 0 : i32
      %dma_wait3A_446 = tpu.memref_slice %arg10[%dma_wait3A_433, %dma_wait3A_444, %dma_wait3A_445] : memref<5x40x128xf32, #tpu.memory_space<vmem>> -> memref<1x40x128xf32, #tpu.memory_space<vmem>>
      %dma_wait3A_447 = tpu.memref_squeeze %dma_wait3A_446 : memref<1x40x128xf32, #tpu.memory_space<vmem>> -> memref<40x128xf32, #tpu.memory_space<vmem>>
      tpu.wait_dma2 semaphore(%arg12 : memref<!tpu.dma_semaphore, #tpu.memory_space<semaphore_mem>>) src(%dma_wait3A_447 : memref<40x128xf32, #tpu.memory_space<vmem>>) dst(%dma_wait3A_443 : memref<40x128xf32, #tpu.memory_space<hbm>>)
      %mul3A_448 = arith.constant 40 : i32
      %mul3A_449 = arith.muli %add3A_335, %mul3A_448 : i32
      %dma_start3A = arith.constant 4 : i32
      %dma_start3A_450 = arith.constant 0 : i32
      %dma_start3A_451 = arith.constant 0 : i32
      %dma_start3A_452 = tpu.memref_slice %arg10[%dma_start3A, %dma_start3A_450, %dma_start3A_451] : memref<5x40x128xf32, #tpu.memory_space<vmem>> -> memref<1x40x128xf32, #tpu.memory_space<vmem>>
      %dma_start3A_453 = tpu.memref_squeeze %dma_start3A_452 : memref<1x40x128xf32, #tpu.memory_space<vmem>> -> memref<40x128xf32, #tpu.memory_space<vmem>>
      %dma_start3A_454 = arith.constant 0 : i32
      %dma_start3A_455 = tpu.memref_slice %arg7[%mul3A_449, %dma_start3A_454] : memref<10000x128xf32, #tpu.memory_space<vmem_shared>> -> memref<40x128xf32, #tpu.memory_space<vmem_shared>>
      %dma_start3A_456 = arith.constant 0 : i32
      %dma_start3A_457 = arith.constant 0 : i32
      %dma_start3A_458 = tpu.memref_slice %arg10[%dma_start3A, %dma_start3A_456, %dma_start3A_457] : memref<5x40x128xf32, #tpu.memory_space<vmem>> -> memref<1x40x128xf32, #tpu.memory_space<vmem>>
      %dma_start3A_459 = tpu.memref_squeeze %dma_start3A_458 : memref<1x40x128xf32, #tpu.memory_space<vmem>> -> memref<40x128xf32, #tpu.memory_space<vmem>>
      %dma_start3A_460 = arith.constant 0 : i32
      %dma_start3A_461 = tpu.memref_slice %arg7[%mul3A_449, %dma_start3A_460] : memref<10000x128xf32, #tpu.memory_space<vmem_shared>> -> memref<40x128xf32, #tpu.memory_space<vmem_shared>>
      tpu.enqueue_dma source(%dma_start3A_461 : memref<40x128xf32, #tpu.memory_space<vmem_shared>>) target(%dma_start3A_459 : memref<40x128xf32, #tpu.memory_space<vmem>>) target_semaphore(%arg11 : memref<!tpu.dma_semaphore, #tpu.memory_space<semaphore_mem>>)
      %dma_wait3A_462 = arith.constant 4 : i32
      %dma_wait3A_463 = arith.constant 0 : i32
      %dma_wait3A_464 = arith.constant 0 : i32
      %dma_wait3A_465 = tpu.memref_slice %arg10[%dma_wait3A_462, %dma_wait3A_463, %dma_wait3A_464] : memref<5x40x128xf32, #tpu.memory_space<vmem>> -> memref<1x40x128xf32, #tpu.memory_space<vmem>>
      %dma_wait3A_466 = tpu.memref_squeeze %dma_wait3A_465 : memref<1x40x128xf32, #tpu.memory_space<vmem>> -> memref<40x128xf32, #tpu.memory_space<vmem>>
      %dma_wait3A_467 = arith.constant 0 : i32
      %dma_wait3A_468 = tpu.memref_slice %arg7[%mul3A_449, %dma_wait3A_467] : memref<10000x128xf32, #tpu.memory_space<vmem_shared>> -> memref<40x128xf32, #tpu.memory_space<vmem_shared>>
      %dma_wait3A_469 = arith.constant 0 : i32
      %dma_wait3A_470 = arith.constant 0 : i32
      %dma_wait3A_471 = tpu.memref_slice %arg10[%dma_wait3A_462, %dma_wait3A_469, %dma_wait3A_470] : memref<5x40x128xf32, #tpu.memory_space<vmem>> -> memref<1x40x128xf32, #tpu.memory_space<vmem>>
      %dma_wait3A_472 = tpu.memref_squeeze %dma_wait3A_471 : memref<1x40x128xf32, #tpu.memory_space<vmem>> -> memref<40x128xf32, #tpu.memory_space<vmem>>
      %dma_wait3A_473 = arith.constant 0 : i32
      %dma_wait3A_474 = tpu.memref_slice %arg7[%mul3A_449, %dma_wait3A_473] : memref<10000x128xf32, #tpu.memory_space<vmem_shared>> -> memref<40x128xf32, #tpu.memory_space<vmem_shared>>
      tpu.wait_dma2 semaphore(%arg11 : memref<!tpu.dma_semaphore, #tpu.memory_space<semaphore_mem>>) src(%dma_wait3A_474 : memref<40x128xf32, #tpu.memory_space<vmem_shared>>) dst(%dma_wait3A_472 : memref<40x128xf32, #tpu.memory_space<vmem>>)
      %mul3A_475 = arith.constant 40 : i32
      %mul3A_476 = arith.muli %add3A_335, %mul3A_475 : i32
      %dma_start3A_477 = arith.constant 4 : i32
      %dma_start3A_478 = arith.constant 0 : i32
      %dma_start3A_479 = arith.constant 0 : i32
      %dma_start3A_480 = tpu.memref_slice %arg10[%dma_start3A_477, %dma_start3A_478, %dma_start3A_479] : memref<5x40x128xf32, #tpu.memory_space<vmem>> -> memref<1x40x128xf32, #tpu.memory_space<vmem>>
      %dma_start3A_481 = tpu.memref_squeeze %dma_start3A_480 : memref<1x40x128xf32, #tpu.memory_space<vmem>> -> memref<40x128xf32, #tpu.memory_space<vmem>>
      %dma_start3A_482 = arith.constant 0 : i32
      %dma_start3A_483 = tpu.memref_slice %arg6[%arg0, %mul3A_476, %dma_start3A_482] : memref<2x10000x128xf32, #tpu.memory_space<hbm>> -> memref<1x40x128xf32, #tpu.memory_space<hbm>>
      %dma_start3A_484 = tpu.memref_squeeze %dma_start3A_483 : memref<1x40x128xf32, #tpu.memory_space<hbm>> -> memref<40x128xf32, #tpu.memory_space<hbm>>
      %dma_start3A_485 = arith.constant 0 : i32
      %dma_start3A_486 = tpu.memref_slice %arg6[%arg0, %mul3A_476, %dma_start3A_485] : memref<2x10000x128xf32, #tpu.memory_space<hbm>> -> memref<1x40x128xf32, #tpu.memory_space<hbm>>
      %dma_start3A_487 = tpu.memref_squeeze %dma_start3A_486 : memref<1x40x128xf32, #tpu.memory_space<hbm>> -> memref<40x128xf32, #tpu.memory_space<hbm>>
      %dma_start3A_488 = arith.constant 0 : i32
      %dma_start3A_489 = arith.constant 0 : i32
      %dma_start3A_490 = tpu.memref_slice %arg10[%dma_start3A_477, %dma_start3A_488, %dma_start3A_489] : memref<5x40x128xf32, #tpu.memory_space<vmem>> -> memref<1x40x128xf32, #tpu.memory_space<vmem>>
      %dma_start3A_491 = tpu.memref_squeeze %dma_start3A_490 : memref<1x40x128xf32, #tpu.memory_space<vmem>> -> memref<40x128xf32, #tpu.memory_space<vmem>>
      tpu.enqueue_dma source(%dma_start3A_491 : memref<40x128xf32, #tpu.memory_space<vmem>>) target(%dma_start3A_487 : memref<40x128xf32, #tpu.memory_space<hbm>>) target_semaphore(%arg12 : memref<!tpu.dma_semaphore, #tpu.memory_space<semaphore_mem>>)
    } else {
    }
    %add3A_341 = arith.constant 240 : i32
    %add3A_342 = arith.addi %add3A_341, %arg1 : i32
    %lt3A_343 = arith.constant 250 : i32
    %lt3A_344 = arith.cmpi slt, %add3A_342, %lt3A_343 : i32
    %convert_element_type3A_345 = arith.extui %lt3A_344 : i1 to i32
    %cond3A_346 = arith.constant 0 : i32
    %cond3A_347 = arith.cmpi ne, %convert_element_type3A_345, %cond3A_346 : i32
    scf.if %cond3A_347 {
      %mul3A_431 = arith.constant 40 : i32
      %mul3A_432 = arith.muli %add3A_342, %mul3A_431 : i32
      %dma_wait3A_433 = arith.constant 0 : i32
      %dma_wait3A_434 = arith.constant 0 : i32
      %dma_wait3A_435 = arith.constant 0 : i32
      %dma_wait3A_436 = tpu.memref_slice %arg10[%dma_wait3A_433, %dma_wait3A_434, %dma_wait3A_435] : memref<5x40x128xf32, #tpu.memory_space<vmem>> -> memref<1x40x128xf32, #tpu.memory_space<vmem>>
      %dma_wait3A_437 = tpu.memref_squeeze %dma_wait3A_436 : memref<1x40x128xf32, #tpu.memory_space<vmem>> -> memref<40x128xf32, #tpu.memory_space<vmem>>
      %dma_wait3A_438 = arith.constant 0 : i32
      %dma_wait3A_439 = tpu.memref_slice %arg6[%arg0, %mul3A_432, %dma_wait3A_438] : memref<2x10000x128xf32, #tpu.memory_space<hbm>> -> memref<1x40x128xf32, #tpu.memory_space<hbm>>
      %dma_wait3A_440 = tpu.memref_squeeze %dma_wait3A_439 : memref<1x40x128xf32, #tpu.memory_space<hbm>> -> memref<40x128xf32, #tpu.memory_space<hbm>>
      %dma_wait3A_441 = arith.constant 0 : i32
      %dma_wait3A_442 = tpu.memref_slice %arg6[%arg0, %mul3A_432, %dma_wait3A_441] : memref<2x10000x128xf32, #tpu.memory_space<hbm>> -> memref<1x40x128xf32, #tpu.memory_space<hbm>>
      %dma_wait3A_443 = tpu.memref_squeeze %dma_wait3A_442 : memref<1x40x128xf32, #tpu.memory_space<hbm>> -> memref<40x128xf32, #tpu.memory_space<hbm>>
      %dma_wait3A_444 = arith.constant 0 : i32
      %dma_wait3A_445 = arith.constant 0 : i32
      %dma_wait3A_446 = tpu.memref_slice %arg10[%dma_wait3A_433, %dma_wait3A_444, %dma_wait3A_445] : memref<5x40x128xf32, #tpu.memory_space<vmem>> -> memref<1x40x128xf32, #tpu.memory_space<vmem>>
      %dma_wait3A_447 = tpu.memref_squeeze %dma_wait3A_446 : memref<1x40x128xf32, #tpu.memory_space<vmem>> -> memref<40x128xf32, #tpu.memory_space<vmem>>
      tpu.wait_dma2 semaphore(%arg12 : memref<!tpu.dma_semaphore, #tpu.memory_space<semaphore_mem>>) src(%dma_wait3A_447 : memref<40x128xf32, #tpu.memory_space<vmem>>) dst(%dma_wait3A_443 : memref<40x128xf32, #tpu.memory_space<hbm>>)
      %mul3A_448 = arith.constant 40 : i32
      %mul3A_449 = arith.muli %add3A_342, %mul3A_448 : i32
      %dma_start3A = arith.constant 0 : i32
      %dma_start3A_450 = arith.constant 0 : i32
      %dma_start3A_451 = arith.constant 0 : i32
      %dma_start3A_452 = tpu.memref_slice %arg10[%dma_start3A, %dma_start3A_450, %dma_start3A_451] : memref<5x40x128xf32, #tpu.memory_space<vmem>> -> memref<1x40x128xf32, #tpu.memory_space<vmem>>
      %dma_start3A_453 = tpu.memref_squeeze %dma_start3A_452 : memref<1x40x128xf32, #tpu.memory_space<vmem>> -> memref<40x128xf32, #tpu.memory_space<vmem>>
      %dma_start3A_454 = arith.constant 0 : i32
      %dma_start3A_455 = tpu.memref_slice %arg7[%mul3A_449, %dma_start3A_454] : memref<10000x128xf32, #tpu.memory_space<vmem_shared>> -> memref<40x128xf32, #tpu.memory_space<vmem_shared>>
      %dma_start3A_456 = arith.constant 0 : i32
      %dma_start3A_457 = arith.constant 0 : i32
      %dma_start3A_458 = tpu.memref_slice %arg10[%dma_start3A, %dma_start3A_456, %dma_start3A_457] : memref<5x40x128xf32, #tpu.memory_space<vmem>> -> memref<1x40x128xf32, #tpu.memory_space<vmem>>
      %dma_start3A_459 = tpu.memref_squeeze %dma_start3A_458 : memref<1x40x128xf32, #tpu.memory_space<vmem>> -> memref<40x128xf32, #tpu.memory_space<vmem>>
      %dma_start3A_460 = arith.constant 0 : i32
      %dma_start3A_461 = tpu.memref_slice %arg7[%mul3A_449, %dma_start3A_460] : memref<10000x128xf32, #tpu.memory_space<vmem_shared>> -> memref<40x128xf32, #tpu.memory_space<vmem_shared>>
      tpu.enqueue_dma source(%dma_start3A_461 : memref<40x128xf32, #tpu.memory_space<vmem_shared>>) target(%dma_start3A_459 : memref<40x128xf32, #tpu.memory_space<vmem>>) target_semaphore(%arg11 : memref<!tpu.dma_semaphore, #tpu.memory_space<semaphore_mem>>)
      %dma_wait3A_462 = arith.constant 0 : i32
      %dma_wait3A_463 = arith.constant 0 : i32
      %dma_wait3A_464 = arith.constant 0 : i32
      %dma_wait3A_465 = tpu.memref_slice %arg10[%dma_wait3A_462, %dma_wait3A_463, %dma_wait3A_464] : memref<5x40x128xf32, #tpu.memory_space<vmem>> -> memref<1x40x128xf32, #tpu.memory_space<vmem>>
      %dma_wait3A_466 = tpu.memref_squeeze %dma_wait3A_465 : memref<1x40x128xf32, #tpu.memory_space<vmem>> -> memref<40x128xf32, #tpu.memory_space<vmem>>
      %dma_wait3A_467 = arith.constant 0 : i32
      %dma_wait3A_468 = tpu.memref_slice %arg7[%mul3A_449, %dma_wait3A_467] : memref<10000x128xf32, #tpu.memory_space<vmem_shared>> -> memref<40x128xf32, #tpu.memory_space<vmem_shared>>
      %dma_wait3A_469 = arith.constant 0 : i32
      %dma_wait3A_470 = arith.constant 0 : i32
      %dma_wait3A_471 = tpu.memref_slice %arg10[%dma_wait3A_462, %dma_wait3A_469, %dma_wait3A_470] : memref<5x40x128xf32, #tpu.memory_space<vmem>> -> memref<1x40x128xf32, #tpu.memory_space<vmem>>
      %dma_wait3A_472 = tpu.memref_squeeze %dma_wait3A_471 : memref<1x40x128xf32, #tpu.memory_space<vmem>> -> memref<40x128xf32, #tpu.memory_space<vmem>>
      %dma_wait3A_473 = arith.constant 0 : i32
      %dma_wait3A_474 = tpu.memref_slice %arg7[%mul3A_449, %dma_wait3A_473] : memref<10000x128xf32, #tpu.memory_space<vmem_shared>> -> memref<40x128xf32, #tpu.memory_space<vmem_shared>>
      tpu.wait_dma2 semaphore(%arg11 : memref<!tpu.dma_semaphore, #tpu.memory_space<semaphore_mem>>) src(%dma_wait3A_474 : memref<40x128xf32, #tpu.memory_space<vmem_shared>>) dst(%dma_wait3A_472 : memref<40x128xf32, #tpu.memory_space<vmem>>)
      %mul3A_475 = arith.constant 40 : i32
      %mul3A_476 = arith.muli %add3A_342, %mul3A_475 : i32
      %dma_start3A_477 = arith.constant 0 : i32
      %dma_start3A_478 = arith.constant 0 : i32
      %dma_start3A_479 = arith.constant 0 : i32
      %dma_start3A_480 = tpu.memref_slice %arg10[%dma_start3A_477, %dma_start3A_478, %dma_start3A_479] : memref<5x40x128xf32, #tpu.memory_space<vmem>> -> memref<1x40x128xf32, #tpu.memory_space<vmem>>
      %dma_start3A_481 = tpu.memref_squeeze %dma_start3A_480 : memref<1x40x128xf32, #tpu.memory_space<vmem>> -> memref<40x128xf32, #tpu.memory_space<vmem>>
      %dma_start3A_482 = arith.constant 0 : i32
      %dma_start3A_483 = tpu.memref_slice %arg6[%arg0, %mul3A_476, %dma_start3A_482] : memref<2x10000x128xf32, #tpu.memory_space<hbm>> -> memref<1x40x128xf32, #tpu.memory_space<hbm>>
      %dma_start3A_484 = tpu.memref_squeeze %dma_start3A_483 : memref<1x40x128xf32, #tpu.memory_space<hbm>> -> memref<40x128xf32, #tpu.memory_space<hbm>>
      %dma_start3A_485 = arith.constant 0 : i32
      %dma_start3A_486 = tpu.memref_slice %arg6[%arg0, %mul3A_476, %dma_start3A_485] : memref<2x10000x128xf32, #tpu.memory_space<hbm>> -> memref<1x40x128xf32, #tpu.memory_space<hbm>>
      %dma_start3A_487 = tpu.memref_squeeze %dma_start3A_486 : memref<1x40x128xf32, #tpu.memory_space<hbm>> -> memref<40x128xf32, #tpu.memory_space<hbm>>
      %dma_start3A_488 = arith.constant 0 : i32
      %dma_start3A_489 = arith.constant 0 : i32
      %dma_start3A_490 = tpu.memref_slice %arg10[%dma_start3A_477, %dma_start3A_488, %dma_start3A_489] : memref<5x40x128xf32, #tpu.memory_space<vmem>> -> memref<1x40x128xf32, #tpu.memory_space<vmem>>
      %dma_start3A_491 = tpu.memref_squeeze %dma_start3A_490 : memref<1x40x128xf32, #tpu.memory_space<vmem>> -> memref<40x128xf32, #tpu.memory_space<vmem>>
      tpu.enqueue_dma source(%dma_start3A_491 : memref<40x128xf32, #tpu.memory_space<vmem>>) target(%dma_start3A_487 : memref<40x128xf32, #tpu.memory_space<hbm>>) target_semaphore(%arg12 : memref<!tpu.dma_semaphore, #tpu.memory_space<semaphore_mem>>)
    } else {
    }
    %mul3A = arith.constant 40 : i32
    %mul3A_348 = arith.muli %arg1, %mul3A : i32
    %dma_wait3A = arith.constant 0 : i32
    %dma_wait3A_349 = arith.constant 0 : i32
    %dma_wait3A_350 = arith.constant 0 : i32
    %dma_wait3A_351 = tpu.memref_slice %arg10[%dma_wait3A, %dma_wait3A_349, %dma_wait3A_350] : memref<5x40x128xf32, #tpu.memory_space<vmem>> -> memref<1x40x128xf32, #tpu.memory_space<vmem>>
    %dma_wait3A_352 = tpu.memref_squeeze %dma_wait3A_351 : memref<1x40x128xf32, #tpu.memory_space<vmem>> -> memref<40x128xf32, #tpu.memory_space<vmem>>
    %dma_wait3A_353 = arith.constant 0 : i32
    %dma_wait3A_354 = tpu.memref_slice %arg6[%arg0, %mul3A_348, %dma_wait3A_353] : memref<2x10000x128xf32, #tpu.memory_space<hbm>> -> memref<1x40x128xf32, #tpu.memory_space<hbm>>
    %dma_wait3A_355 = tpu.memref_squeeze %dma_wait3A_354 : memref<1x40x128xf32, #tpu.memory_space<hbm>> -> memref<40x128xf32, #tpu.memory_space<hbm>>
    %dma_wait3A_356 = arith.constant 0 : i32
    %dma_wait3A_357 = tpu.memref_slice %arg6[%arg0, %mul3A_348, %dma_wait3A_356] : memref<2x10000x128xf32, #tpu.memory_space<hbm>> -> memref<1x40x128xf32, #tpu.memory_space<hbm>>
    %dma_wait3A_358 = tpu.memref_squeeze %dma_wait3A_357 : memref<1x40x128xf32, #tpu.memory_space<hbm>> -> memref<40x128xf32, #tpu.memory_space<hbm>>
    %dma_wait3A_359 = arith.constant 0 : i32
    %dma_wait3A_360 = arith.constant 0 : i32
    %dma_wait3A_361 = tpu.memref_slice %arg10[%dma_wait3A, %dma_wait3A_359, %dma_wait3A_360] : memref<5x40x128xf32, #tpu.memory_space<vmem>> -> memref<1x40x128xf32, #tpu.memory_space<vmem>>
    %dma_wait3A_362 = tpu.memref_squeeze %dma_wait3A_361 : memref<1x40x128xf32, #tpu.memory_space<vmem>> -> memref<40x128xf32, #tpu.memory_space<vmem>>
    tpu.wait_dma2 semaphore(%arg12 : memref<!tpu.dma_semaphore, #tpu.memory_space<semaphore_mem>>) src(%dma_wait3A_362 : memref<40x128xf32, #tpu.memory_space<vmem>>) dst(%dma_wait3A_358 : memref<40x128xf32, #tpu.memory_space<hbm>>)
    %mul3A_363 = arith.constant 40 : i32
    %mul3A_364 = arith.muli %arg1, %mul3A_363 : i32
    %dma_wait3A_365 = arith.constant 1 : i32
    %dma_wait3A_366 = arith.constant 0 : i32
    %dma_wait3A_367 = arith.constant 0 : i32
    %dma_wait3A_368 = tpu.memref_slice %arg10[%dma_wait3A_365, %dma_wait3A_366, %dma_wait3A_367] : memref<5x40x128xf32, #tpu.memory_space<vmem>> -> memref<1x40x128xf32, #tpu.memory_space<vmem>>
    %dma_wait3A_369 = tpu.memref_squeeze %dma_wait3A_368 : memref<1x40x128xf32, #tpu.memory_space<vmem>> -> memref<40x128xf32, #tpu.memory_space<vmem>>
    %dma_wait3A_370 = arith.constant 0 : i32
    %dma_wait3A_371 = tpu.memref_slice %arg6[%arg0, %mul3A_364, %dma_wait3A_370] : memref<2x10000x128xf32, #tpu.memory_space<hbm>> -> memref<1x40x128xf32, #tpu.memory_space<hbm>>
    %dma_wait3A_372 = tpu.memref_squeeze %dma_wait3A_371 : memref<1x40x128xf32, #tpu.memory_space<hbm>> -> memref<40x128xf32, #tpu.memory_space<hbm>>
    %dma_wait3A_373 = arith.constant 0 : i32
    %dma_wait3A_374 = tpu.memref_slice %arg6[%arg0, %mul3A_364, %dma_wait3A_373] : memref<2x10000x128xf32, #tpu.memory_space<hbm>> -> memref<1x40x128xf32, #tpu.memory_space<hbm>>
    %dma_wait3A_375 = tpu.memref_squeeze %dma_wait3A_374 : memref<1x40x128xf32, #tpu.memory_space<hbm>> -> memref<40x128xf32, #tpu.memory_space<hbm>>
    %dma_wait3A_376 = arith.constant 0 : i32
    %dma_wait3A_377 = arith.constant 0 : i32
    %dma_wait3A_378 = tpu.memref_slice %arg10[%dma_wait3A_365, %dma_wait3A_376, %dma_wait3A_377] : memref<5x40x128xf32, #tpu.memory_space<vmem>> -> memref<1x40x128xf32, #tpu.memory_space<vmem>>
    %dma_wait3A_379 = tpu.memref_squeeze %dma_wait3A_378 : memref<1x40x128xf32, #tpu.memory_space<vmem>> -> memref<40x128xf32, #tpu.memory_space<vmem>>
    tpu.wait_dma2 semaphore(%arg12 : memref<!tpu.dma_semaphore, #tpu.memory_space<semaphore_mem>>) src(%dma_wait3A_379 : memref<40x128xf32, #tpu.memory_space<vmem>>) dst(%dma_wait3A_375 : memref<40x128xf32, #tpu.memory_space<hbm>>)
    %mul3A_380 = arith.constant 40 : i32
    %mul3A_381 = arith.muli %arg1, %mul3A_380 : i32
    %dma_wait3A_382 = arith.constant 2 : i32
    %dma_wait3A_383 = arith.constant 0 : i32
    %dma_wait3A_384 = arith.constant 0 : i32
    %dma_wait3A_385 = tpu.memref_slice %arg10[%dma_wait3A_382, %dma_wait3A_383, %dma_wait3A_384] : memref<5x40x128xf32, #tpu.memory_space<vmem>> -> memref<1x40x128xf32, #tpu.memory_space<vmem>>
    %dma_wait3A_386 = tpu.memref_squeeze %dma_wait3A_385 : memref<1x40x128xf32, #tpu.memory_space<vmem>> -> memref<40x128xf32, #tpu.memory_space<vmem>>
    %dma_wait3A_387 = arith.constant 0 : i32
    %dma_wait3A_388 = tpu.memref_slice %arg6[%arg0, %mul3A_381, %dma_wait3A_387] : memref<2x10000x128xf32, #tpu.memory_space<hbm>> -> memref<1x40x128xf32, #tpu.memory_space<hbm>>
    %dma_wait3A_389 = tpu.memref_squeeze %dma_wait3A_388 : memref<1x40x128xf32, #tpu.memory_space<hbm>> -> memref<40x128xf32, #tpu.memory_space<hbm>>
    %dma_wait3A_390 = arith.constant 0 : i32
    %dma_wait3A_391 = tpu.memref_slice %arg6[%arg0, %mul3A_381, %dma_wait3A_390] : memref<2x10000x128xf32, #tpu.memory_space<hbm>> -> memref<1x40x128xf32, #tpu.memory_space<hbm>>
    %dma_wait3A_392 = tpu.memref_squeeze %dma_wait3A_391 : memref<1x40x128xf32, #tpu.memory_space<hbm>> -> memref<40x128xf32, #tpu.memory_space<hbm>>
    %dma_wait3A_393 = arith.constant 0 : i32
    %dma_wait3A_394 = arith.constant 0 : i32
    %dma_wait3A_395 = tpu.memref_slice %arg10[%dma_wait3A_382, %dma_wait3A_393, %dma_wait3A_394] : memref<5x40x128xf32, #tpu.memory_space<vmem>> -> memref<1x40x128xf32, #tpu.memory_space<vmem>>
    %dma_wait3A_396 = tpu.memref_squeeze %dma_wait3A_395 : memref<1x40x128xf32, #tpu.memory_space<vmem>> -> memref<40x128xf32, #tpu.memory_space<vmem>>
    tpu.wait_dma2 semaphore(%arg12 : memref<!tpu.dma_semaphore, #tpu.memory_space<semaphore_mem>>) src(%dma_wait3A_396 : memref<40x128xf32, #tpu.memory_space<vmem>>) dst(%dma_wait3A_392 : memref<40x128xf32, #tpu.memory_space<hbm>>)
    %mul3A_397 = arith.constant 40 : i32
    %mul3A_398 = arith.muli %arg1, %mul3A_397 : i32
    %dma_wait3A_399 = arith.constant 3 : i32
    %dma_wait3A_400 = arith.constant 0 : i32
    %dma_wait3A_401 = arith.constant 0 : i32
    %dma_wait3A_402 = tpu.memref_slice %arg10[%dma_wait3A_399, %dma_wait3A_400, %dma_wait3A_401] : memref<5x40x128xf32, #tpu.memory_space<vmem>> -> memref<1x40x128xf32, #tpu.memory_space<vmem>>
    %dma_wait3A_403 = tpu.memref_squeeze %dma_wait3A_402 : memref<1x40x128xf32, #tpu.memory_space<vmem>> -> memref<40x128xf32, #tpu.memory_space<vmem>>
    %dma_wait3A_404 = arith.constant 0 : i32
    %dma_wait3A_405 = tpu.memref_slice %arg6[%arg0, %mul3A_398, %dma_wait3A_404] : memref<2x10000x128xf32, #tpu.memory_space<hbm>> -> memref<1x40x128xf32, #tpu.memory_space<hbm>>
    %dma_wait3A_406 = tpu.memref_squeeze %dma_wait3A_405 : memref<1x40x128xf32, #tpu.memory_space<hbm>> -> memref<40x128xf32, #tpu.memory_space<hbm>>
    %dma_wait3A_407 = arith.constant 0 : i32
    %dma_wait3A_408 = tpu.memref_slice %arg6[%arg0, %mul3A_398, %dma_wait3A_407] : memref<2x10000x128xf32, #tpu.memory_space<hbm>> -> memref<1x40x128xf32, #tpu.memory_space<hbm>>
    %dma_wait3A_409 = tpu.memref_squeeze %dma_wait3A_408 : memref<1x40x128xf32, #tpu.memory_space<hbm>> -> memref<40x128xf32, #tpu.memory_space<hbm>>
    %dma_wait3A_410 = arith.constant 0 : i32
    %dma_wait3A_411 = arith.constant 0 : i32
    %dma_wait3A_412 = tpu.memref_slice %arg10[%dma_wait3A_399, %dma_wait3A_410, %dma_wait3A_411] : memref<5x40x128xf32, #tpu.memory_space<vmem>> -> memref<1x40x128xf32, #tpu.memory_space<vmem>>
    %dma_wait3A_413 = tpu.memref_squeeze %dma_wait3A_412 : memref<1x40x128xf32, #tpu.memory_space<vmem>> -> memref<40x128xf32, #tpu.memory_space<vmem>>
    tpu.wait_dma2 semaphore(%arg12 : memref<!tpu.dma_semaphore, #tpu.memory_space<semaphore_mem>>) src(%dma_wait3A_413 : memref<40x128xf32, #tpu.memory_space<vmem>>) dst(%dma_wait3A_409 : memref<40x128xf32, #tpu.memory_space<hbm>>)
    %mul3A_414 = arith.constant 40 : i32
    %mul3A_415 = arith.muli %arg1, %mul3A_414 : i32
    %dma_wait3A_416 = arith.constant 4 : i32
    %dma_wait3A_417 = arith.constant 0 : i32
    %dma_wait3A_418 = arith.constant 0 : i32
    %dma_wait3A_419 = tpu.memref_slice %arg10[%dma_wait3A_416, %dma_wait3A_417, %dma_wait3A_418] : memref<5x40x128xf32, #tpu.memory_space<vmem>> -> memref<1x40x128xf32, #tpu.memory_space<vmem>>
    %dma_wait3A_420 = tpu.memref_squeeze %dma_wait3A_419 : memref<1x40x128xf32, #tpu.memory_space<vmem>> -> memref<40x128xf32, #tpu.memory_space<vmem>>
    %dma_wait3A_421 = arith.constant 0 : i32
    %dma_wait3A_422 = tpu.memref_slice %arg6[%arg0, %mul3A_415, %dma_wait3A_421] : memref<2x10000x128xf32, #tpu.memory_space<hbm>> -> memref<1x40x128xf32, #tpu.memory_space<hbm>>
    %dma_wait3A_423 = tpu.memref_squeeze %dma_wait3A_422 : memref<1x40x128xf32, #tpu.memory_space<hbm>> -> memref<40x128xf32, #tpu.memory_space<hbm>>
    %dma_wait3A_424 = arith.constant 0 : i32
    %dma_wait3A_425 = tpu.memref_slice %arg6[%arg0, %mul3A_415, %dma_wait3A_424] : memref<2x10000x128xf32, #tpu.memory_space<hbm>> -> memref<1x40x128xf32, #tpu.memory_space<hbm>>
    %dma_wait3A_426 = tpu.memref_squeeze %dma_wait3A_425 : memref<1x40x128xf32, #tpu.memory_space<hbm>> -> memref<40x128xf32, #tpu.memory_space<hbm>>
    %dma_wait3A_427 = arith.constant 0 : i32
    %dma_wait3A_428 = arith.constant 0 : i32
    %dma_wait3A_429 = tpu.memref_slice %arg10[%dma_wait3A_416, %dma_wait3A_427, %dma_wait3A_428] : memref<5x40x128xf32, #tpu.memory_space<vmem>> -> memref<1x40x128xf32, #tpu.memory_space<vmem>>
    %dma_wait3A_430 = tpu.memref_squeeze %dma_wait3A_429 : memref<1x40x128xf32, #tpu.memory_space<vmem>> -> memref<40x128xf32, #tpu.memory_space<vmem>>
    tpu.wait_dma2 semaphore(%arg12 : memref<!tpu.dma_semaphore, #tpu.memory_space<semaphore_mem>>) src(%dma_wait3A_430 : memref<40x128xf32, #tpu.memory_space<vmem>>) dst(%dma_wait3A_426 : memref<40x128xf32, #tpu.memory_space<hbm>>)
    return
  }
}

#map = affine_map<(d0, d1) -> (0)>
module attributes {stable_mosaic.version = 14 : i64} {
  func.func @_deg_body(%arg0: i32, %arg1: i32, %arg2: memref<160000xi32, #tpu.memory_space<hbm>>, %arg3: memref<20480xf32, #tpu.memory_space<hbm>>, %arg4: memref<5016xi32, #tpu.memory_space<vmem>>, %arg5: memref<10240xf32, #tpu.memory_space<vmem>>, %arg6: memref<16x10240xf32, #tpu.memory_space<vmem_shared>>, %arg7: memref<16x640xf32, #tpu.memory_space<vmem>>, %arg8: memref<640xf32, #tpu.memory_space<vmem>>) attributes {dimension_semantics = [#tpu.dimension_semantics<core_parallel>, #tpu.dimension_semantics<subcore_parallel>], iteration_bounds = array<i64: 2, 16>, scalar_prefetch = 0 : i64, scratch_operands = 5 : i64, tpu.core_type = #tpu.core_type<sc_vector_subcore>, window_params = [{transform_indices = #map}, {transform_indices = #map}]} {
    %mul3A = arith.constant 16 : i32
    %mul3A_0 = arith.muli %arg0, %mul3A : i32
    %add3A = arith.addi %mul3A_0, %arg1 : i32
    %broadcast_in_dim3A = arith.constant 0.000000e+00 : f32
    %broadcast_in_dim3A_1 = vector.broadcast %broadcast_in_dim3A : f32 to vector<16xf32>
    %broadcast_in_dim3A_2 = arith.constant 1.000000e+00 : f32
    %broadcast_in_dim3A_3 = vector.broadcast %broadcast_in_dim3A_2 : f32 to vector<16xf32>
    %iota3A = tpu.iota {dimensions = array<i32: 0>} : vector<16xi32>
    %scan3A = arith.constant 0 : i32
    %scan3A_4 = arith.constant 0 : i32
    %scan3A_5 = arith.constant 640 : i32
    %scan3A_6 = arith.addi %scan3A_4, %scan3A_5 : i32
    %scan3A_7 = arith.constant 1 : i32
    scf.for %scan3A_28 = %scan3A_4 to %scan3A_6 step %scan3A_7  : i32 {
      %mul3A_29 = arith.constant 16 : i32
      %mul3A_30 = arith.muli %scan3A_28, %mul3A_29 : i32
      %swap3A = arith.index_cast %mul3A_30 : i32 to index
      %swap3A_31 = tpu.vector_load %arg5[%swap3A] {strides = array<i32>} : memref<10240xf32, #tpu.memory_space<vmem>>, vector<16xf32>,
      tpu.vector_store %arg5[%swap3A], %broadcast_in_dim3A_1 {strides = array<i32>} : memref<10240xf32, #tpu.memory_space<vmem>>, vector<16xf32>,
    }
    %scan3A_8 = arith.constant 640 : i32
    %mul3A_9 = arith.constant 5000 : i32
    %mul3A_10 = arith.muli %add3A, %mul3A_9 : i32
    "tpu.region"() ({
      %run_scoped3A = tpu.sem_alloc : memref<!tpu.dma_semaphore, #tpu.memory_space<semaphore_mem>>
      %dma_start3A = arith.constant 0 : i32
      %dma_start3A_28 = tpu.memref_slice %arg4[%dma_start3A] : memref<5016xi32, #tpu.memory_space<vmem>> -> memref<5000xi32, #tpu.memory_space<vmem>>
      %dma_start3A_29 = tpu.memref_slice %arg2[%mul3A_10] : memref<160000xi32, #tpu.memory_space<hbm>> -> memref<5000xi32, #tpu.memory_space<hbm>>
      %dma_start3A_30 = arith.constant 0 : i32
      %dma_start3A_31 = tpu.memref_slice %arg4[%dma_start3A_30] : memref<5016xi32, #tpu.memory_space<vmem>> -> memref<5000xi32, #tpu.memory_space<vmem>>
      %dma_start3A_32 = tpu.memref_slice %arg2[%mul3A_10] : memref<160000xi32, #tpu.memory_space<hbm>> -> memref<5000xi32, #tpu.memory_space<hbm>>
      tpu.enqueue_dma source(%dma_start3A_32 : memref<5000xi32, #tpu.memory_space<hbm>>) target(%dma_start3A_31 : memref<5000xi32, #tpu.memory_space<vmem>>) target_semaphore(%run_scoped3A : memref<!tpu.dma_semaphore, #tpu.memory_space<semaphore_mem>>)
      %dma_wait3A = arith.constant 0 : i32
      %dma_wait3A_33 = tpu.memref_slice %arg4[%dma_wait3A] : memref<5016xi32, #tpu.memory_space<vmem>> -> memref<5000xi32, #tpu.memory_space<vmem>>
      %dma_wait3A_34 = tpu.memref_slice %arg2[%mul3A_10] : memref<160000xi32, #tpu.memory_space<hbm>> -> memref<5000xi32, #tpu.memory_space<hbm>>
      %dma_wait3A_35 = arith.constant 0 : i32
      %dma_wait3A_36 = tpu.memref_slice %arg4[%dma_wait3A_35] : memref<5016xi32, #tpu.memory_space<vmem>> -> memref<5000xi32, #tpu.memory_space<vmem>>
      %dma_wait3A_37 = tpu.memref_slice %arg2[%mul3A_10] : memref<160000xi32, #tpu.memory_space<hbm>> -> memref<5000xi32, #tpu.memory_space<hbm>>
      tpu.wait_dma2 semaphore(%run_scoped3A : memref<!tpu.dma_semaphore, #tpu.memory_space<semaphore_mem>>) src(%dma_wait3A_37 : memref<5000xi32, #tpu.memory_space<hbm>>) dst(%dma_wait3A_36 : memref<5000xi32, #tpu.memory_space<vmem>>)
      tpu.yield
    }) : () -> ()
    %scan3A_11 = arith.constant 0 : i32
    %scan3A_12 = arith.constant 0 : i32
    %scan3A_13 = arith.constant 313 : i32
    %scan3A_14 = arith.addi %scan3A_12, %scan3A_13 : i32
    %scan3A_15 = arith.constant 1 : i32
    scf.for %scan3A_28 = %scan3A_12 to %scan3A_14 step %scan3A_15  : i32 {
      %mul3A_29 = arith.constant 16 : i32
      %mul3A_30 = arith.muli %scan3A_28, %mul3A_29 : i32
      %get3A = arith.index_cast %mul3A_30 : i32 to index
      %get3A_31 = tpu.vector_load %arg4[%get3A] {strides = array<i32>} : memref<5016xi32, #tpu.memory_space<vmem>>, vector<16xi32>,
      %max3A = arith.constant 0 : i32
      %max3A_32 = vector.broadcast %max3A : i32 to vector<16xi32>
      %max3A_33 = arith.maxsi %get3A_31, %max3A_32 : vector<16xi32>
      %min3A = arith.constant 10239 : i32
      %min3A_34 = vector.broadcast %min3A : i32 to vector<16xi32>
      %min3A_35 = arith.minsi %max3A_33, %min3A_34 : vector<16xi32>
      %sub3A = arith.constant 5000 : i32
      %sub3A_36 = arith.subi %sub3A, %mul3A_30 : i32
      %lt3A = vector.broadcast %sub3A_36 : i32 to vector<16xi32>
      %lt3A_37 = arith.cmpi slt, %iota3A, %lt3A : vector<16xi32>
      tpu.vector_store_idx %arg5[%min3A_35], %broadcast_in_dim3A_3 masked %lt3A_37 {add = true} : memref<10240xf32, #tpu.memory_space<vmem>>[vector<16xi32>], vector<16xf32>, vector<16xi1>
    }
    %scan3A_16 = arith.constant 313 : i32
    "tpu.region"() ({
      %run_scoped3A = tpu.sem_alloc : memref<!tpu.dma_semaphore, #tpu.memory_space<semaphore_mem>>
      %dma_start3A = arith.constant 0 : i32
      %dma_start3A_28 = tpu.memref_slice %arg6[%arg1, %dma_start3A] : memref<16x10240xf32, #tpu.memory_space<vmem_shared>> -> memref<1x10240xf32, #tpu.memory_space<vmem_shared>>
      %dma_start3A_29 = tpu.memref_squeeze %dma_start3A_28 : memref<1x10240xf32, #tpu.memory_space<vmem_shared>> -> memref<10240xf32, #tpu.memory_space<vmem_shared>>
      %dma_start3A_30 = arith.constant 0 : i32
      %dma_start3A_31 = tpu.memref_slice %arg6[%arg1, %dma_start3A_30] : memref<16x10240xf32, #tpu.memory_space<vmem_shared>> -> memref<1x10240xf32, #tpu.memory_space<vmem_shared>>
      %dma_start3A_32 = tpu.memref_squeeze %dma_start3A_31 : memref<1x10240xf32, #tpu.memory_space<vmem_shared>> -> memref<10240xf32, #tpu.memory_space<vmem_shared>>
      tpu.enqueue_dma source(%arg5 : memref<10240xf32, #tpu.memory_space<vmem>>) target(%dma_start3A_32 : memref<10240xf32, #tpu.memory_space<vmem_shared>>) target_semaphore(%run_scoped3A : memref<!tpu.dma_semaphore, #tpu.memory_space<semaphore_mem>>)
      %dma_wait3A = arith.constant 0 : i32
      %dma_wait3A_33 = tpu.memref_slice %arg6[%arg1, %dma_wait3A] : memref<16x10240xf32, #tpu.memory_space<vmem_shared>> -> memref<1x10240xf32, #tpu.memory_space<vmem_shared>>
      %dma_wait3A_34 = tpu.memref_squeeze %dma_wait3A_33 : memref<1x10240xf32, #tpu.memory_space<vmem_shared>> -> memref<10240xf32, #tpu.memory_space<vmem_shared>>
      %dma_wait3A_35 = arith.constant 0 : i32
      %dma_wait3A_36 = tpu.memref_slice %arg6[%arg1, %dma_wait3A_35] : memref<16x10240xf32, #tpu.memory_space<vmem_shared>> -> memref<1x10240xf32, #tpu.memory_space<vmem_shared>>
      %dma_wait3A_37 = tpu.memref_squeeze %dma_wait3A_36 : memref<1x10240xf32, #tpu.memory_space<vmem_shared>> -> memref<10240xf32, #tpu.memory_space<vmem_shared>>
      tpu.wait_dma2 semaphore(%run_scoped3A : memref<!tpu.dma_semaphore, #tpu.memory_space<semaphore_mem>>) src(%arg5 : memref<10240xf32, #tpu.memory_space<vmem>>) dst(%dma_wait3A_37 : memref<10240xf32, #tpu.memory_space<vmem_shared>>)
      tpu.yield
    }) : () -> ()
    %barrier3A = arith.constant 0 : index
    tpu.barrier barrier_id(%barrier3A)
    %mul3A_17 = arith.constant 640 : i32
    %mul3A_18 = arith.muli %arg1, %mul3A_17 : i32
    "tpu.region"() ({
      %run_scoped3A = tpu.sem_alloc : memref<!tpu.dma_semaphore, #tpu.memory_space<semaphore_mem>>
      %dma_start3A = arith.constant 0 : i32
      %dma_start3A_28 = tpu.memref_slice %arg6[%dma_start3A, %mul3A_18] : memref<16x10240xf32, #tpu.memory_space<vmem_shared>> -> memref<16x640xf32, #tpu.memory_space<vmem_shared>>
      %dma_start3A_29 = arith.constant 0 : i32
      %dma_start3A_30 = tpu.memref_slice %arg6[%dma_start3A_29, %mul3A_18] : memref<16x10240xf32, #tpu.memory_space<vmem_shared>> -> memref<16x640xf32, #tpu.memory_space<vmem_shared>>
      tpu.enqueue_dma source(%dma_start3A_30 : memref<16x640xf32, #tpu.memory_space<vmem_shared>>) target(%arg7 : memref<16x640xf32, #tpu.memory_space<vmem>>) target_semaphore(%run_scoped3A : memref<!tpu.dma_semaphore, #tpu.memory_space<semaphore_mem>>)
      %dma_wait3A = arith.constant 0 : i32
      %dma_wait3A_31 = tpu.memref_slice %arg6[%dma_wait3A, %mul3A_18] : memref<16x10240xf32, #tpu.memory_space<vmem_shared>> -> memref<16x640xf32, #tpu.memory_space<vmem_shared>>
      %dma_wait3A_32 = arith.constant 0 : i32
      %dma_wait3A_33 = tpu.memref_slice %arg6[%dma_wait3A_32, %mul3A_18] : memref<16x10240xf32, #tpu.memory_space<vmem_shared>> -> memref<16x640xf32, #tpu.memory_space<vmem_shared>>
      tpu.wait_dma2 semaphore(%run_scoped3A : memref<!tpu.dma_semaphore, #tpu.memory_space<semaphore_mem>>) src(%dma_wait3A_33 : memref<16x640xf32, #tpu.memory_space<vmem_shared>>) dst(%arg7 : memref<16x640xf32, #tpu.memory_space<vmem>>)
      tpu.yield
    }) : () -> ()
    %scan3A_19 = arith.constant 0 : i32
    %scan3A_20 = arith.constant 0 : i32
    %scan3A_21 = arith.constant 40 : i32
    %scan3A_22 = arith.addi %scan3A_20, %scan3A_21 : i32
    %scan3A_23 = arith.constant 1 : i32
    scf.for %scan3A_28 = %scan3A_20 to %scan3A_22 step %scan3A_23  : i32 {
      %mul3A_29 = arith.constant 16 : i32
      %mul3A_30 = arith.muli %scan3A_28, %mul3A_29 : i32
      %get3A = arith.constant 0 : i32
      %get3A_31 = arith.index_cast %get3A : i32 to index
      %get3A_32 = arith.index_cast %mul3A_30 : i32 to index
      %get3A_33 = tpu.vector_load %arg7[%get3A_31, %get3A_32] {strides = array<i32>} : memref<16x640xf32, #tpu.memory_space<vmem>>, vector<16xf32>,
      %mul3A_34 = arith.constant 16 : i32
      %mul3A_35 = arith.muli %scan3A_28, %mul3A_34 : i32
      %get3A_36 = arith.constant 1 : i32
      %get3A_37 = arith.index_cast %get3A_36 : i32 to index
      %get3A_38 = arith.index_cast %mul3A_35 : i32 to index
      %get3A_39 = tpu.vector_load %arg7[%get3A_37, %get3A_38] {strides = array<i32>} : memref<16x640xf32, #tpu.memory_space<vmem>>, vector<16xf32>,
      %add3A_40 = arith.addf %get3A_33, %get3A_39 : vector<16xf32>
      %mul3A_41 = arith.constant 16 : i32
      %mul3A_42 = arith.muli %scan3A_28, %mul3A_41 : i32
      %get3A_43 = arith.constant 2 : i32
      %get3A_44 = arith.index_cast %get3A_43 : i32 to index
      %get3A_45 = arith.index_cast %mul3A_42 : i32 to index
      %get3A_46 = tpu.vector_load %arg7[%get3A_44, %get3A_45] {strides = array<i32>} : memref<16x640xf32, #tpu.memory_space<vmem>>, vector<16xf32>,
      %add3A_47 = arith.addf %add3A_40, %get3A_46 : vector<16xf32>
      %mul3A_48 = arith.constant 16 : i32
      %mul3A_49 = arith.muli %scan3A_28, %mul3A_48 : i32
      %get3A_50 = arith.constant 3 : i32
      %get3A_51 = arith.index_cast %get3A_50 : i32 to index
      %get3A_52 = arith.index_cast %mul3A_49 : i32 to index
      %get3A_53 = tpu.vector_load %arg7[%get3A_51, %get3A_52] {strides = array<i32>} : memref<16x640xf32, #tpu.memory_space<vmem>>, vector<16xf32>,
      %add3A_54 = arith.addf %add3A_47, %get3A_53 : vector<16xf32>
      %mul3A_55 = arith.constant 16 : i32
      %mul3A_56 = arith.muli %scan3A_28, %mul3A_55 : i32
      %get3A_57 = arith.constant 4 : i32
      %get3A_58 = arith.index_cast %get3A_57 : i32 to index
      %get3A_59 = arith.index_cast %mul3A_56 : i32 to index
      %get3A_60 = tpu.vector_load %arg7[%get3A_58, %get3A_59] {strides = array<i32>} : memref<16x640xf32, #tpu.memory_space<vmem>>, vector<16xf32>,
      %add3A_61 = arith.addf %add3A_54, %get3A_60 : vector<16xf32>
      %mul3A_62 = arith.constant 16 : i32
      %mul3A_63 = arith.muli %scan3A_28, %mul3A_62 : i32
      %get3A_64 = arith.constant 5 : i32
      %get3A_65 = arith.index_cast %get3A_64 : i32 to index
      %get3A_66 = arith.index_cast %mul3A_63 : i32 to index
      %get3A_67 = tpu.vector_load %arg7[%get3A_65, %get3A_66] {strides = array<i32>} : memref<16x640xf32, #tpu.memory_space<vmem>>, vector<16xf32>,
      %add3A_68 = arith.addf %add3A_61, %get3A_67 : vector<16xf32>
      %mul3A_69 = arith.constant 16 : i32
      %mul3A_70 = arith.muli %scan3A_28, %mul3A_69 : i32
      %get3A_71 = arith.constant 6 : i32
      %get3A_72 = arith.index_cast %get3A_71 : i32 to index
      %get3A_73 = arith.index_cast %mul3A_70 : i32 to index
      %get3A_74 = tpu.vector_load %arg7[%get3A_72, %get3A_73] {strides = array<i32>} : memref<16x640xf32, #tpu.memory_space<vmem>>, vector<16xf32>,
      %add3A_75 = arith.addf %add3A_68, %get3A_74 : vector<16xf32>
      %mul3A_76 = arith.constant 16 : i32
      %mul3A_77 = arith.muli %scan3A_28, %mul3A_76 : i32
      %get3A_78 = arith.constant 7 : i32
      %get3A_79 = arith.index_cast %get3A_78 : i32 to index
      %get3A_80 = arith.index_cast %mul3A_77 : i32 to index
      %get3A_81 = tpu.vector_load %arg7[%get3A_79, %get3A_80] {strides = array<i32>} : memref<16x640xf32, #tpu.memory_space<vmem>>, vector<16xf32>,
      %add3A_82 = arith.addf %add3A_75, %get3A_81 : vector<16xf32>
      %mul3A_83 = arith.constant 16 : i32
      %mul3A_84 = arith.muli %scan3A_28, %mul3A_83 : i32
      %get3A_85 = arith.constant 8 : i32
      %get3A_86 = arith.index_cast %get3A_85 : i32 to index
      %get3A_87 = arith.index_cast %mul3A_84 : i32 to index
      %get3A_88 = tpu.vector_load %arg7[%get3A_86, %get3A_87] {strides = array<i32>} : memref<16x640xf32, #tpu.memory_space<vmem>>, vector<16xf32>,
      %add3A_89 = arith.addf %add3A_82, %get3A_88 : vector<16xf32>
      %mul3A_90 = arith.constant 16 : i32
      %mul3A_91 = arith.muli %scan3A_28, %mul3A_90 : i32
      %get3A_92 = arith.constant 9 : i32
      %get3A_93 = arith.index_cast %get3A_92 : i32 to index
      %get3A_94 = arith.index_cast %mul3A_91 : i32 to index
      %get3A_95 = tpu.vector_load %arg7[%get3A_93, %get3A_94] {strides = array<i32>} : memref<16x640xf32, #tpu.memory_space<vmem>>, vector<16xf32>,
      %add3A_96 = arith.addf %add3A_89, %get3A_95 : vector<16xf32>
      %mul3A_97 = arith.constant 16 : i32
      %mul3A_98 = arith.muli %scan3A_28, %mul3A_97 : i32
      %get3A_99 = arith.constant 10 : i32
      %get3A_100 = arith.index_cast %get3A_99 : i32 to index
      %get3A_101 = arith.index_cast %mul3A_98 : i32 to index
      %get3A_102 = tpu.vector_load %arg7[%get3A_100, %get3A_101] {strides = array<i32>} : memref<16x640xf32, #tpu.memory_space<vmem>>, vector<16xf32>,
      %add3A_103 = arith.addf %add3A_96, %get3A_102 : vector<16xf32>
      %mul3A_104 = arith.constant 16 : i32
      %mul3A_105 = arith.muli %scan3A_28, %mul3A_104 : i32
      %get3A_106 = arith.constant 11 : i32
      %get3A_107 = arith.index_cast %get3A_106 : i32 to index
      %get3A_108 = arith.index_cast %mul3A_105 : i32 to index
      %get3A_109 = tpu.vector_load %arg7[%get3A_107, %get3A_108] {strides = array<i32>} : memref<16x640xf32, #tpu.memory_space<vmem>>, vector<16xf32>,
      %add3A_110 = arith.addf %add3A_103, %get3A_109 : vector<16xf32>
      %mul3A_111 = arith.constant 16 : i32
      %mul3A_112 = arith.muli %scan3A_28, %mul3A_111 : i32
      %get3A_113 = arith.constant 12 : i32
      %get3A_114 = arith.index_cast %get3A_113 : i32 to index
      %get3A_115 = arith.index_cast %mul3A_112 : i32 to index
      %get3A_116 = tpu.vector_load %arg7[%get3A_114, %get3A_115] {strides = array<i32>} : memref<16x640xf32, #tpu.memory_space<vmem>>, vector<16xf32>,
      %add3A_117 = arith.addf %add3A_110, %get3A_116 : vector<16xf32>
      %mul3A_118 = arith.constant 16 : i32
      %mul3A_119 = arith.muli %scan3A_28, %mul3A_118 : i32
      %get3A_120 = arith.constant 13 : i32
      %get3A_121 = arith.index_cast %get3A_120 : i32 to index
      %get3A_122 = arith.index_cast %mul3A_119 : i32 to index
      %get3A_123 = tpu.vector_load %arg7[%get3A_121, %get3A_122] {strides = array<i32>} : memref<16x640xf32, #tpu.memory_space<vmem>>, vector<16xf32>,
      %add3A_124 = arith.addf %add3A_117, %get3A_123 : vector<16xf32>
      %mul3A_125 = arith.constant 16 : i32
      %mul3A_126 = arith.muli %scan3A_28, %mul3A_125 : i32
      %get3A_127 = arith.constant 14 : i32
      %get3A_128 = arith.index_cast %get3A_127 : i32 to index
      %get3A_129 = arith.index_cast %mul3A_126 : i32 to index
      %get3A_130 = tpu.vector_load %arg7[%get3A_128, %get3A_129] {strides = array<i32>} : memref<16x640xf32, #tpu.memory_space<vmem>>, vector<16xf32>,
      %add3A_131 = arith.addf %add3A_124, %get3A_130 : vector<16xf32>
      %mul3A_132 = arith.constant 16 : i32
      %mul3A_133 = arith.muli %scan3A_28, %mul3A_132 : i32
      %get3A_134 = arith.constant 15 : i32
      %get3A_135 = arith.index_cast %get3A_134 : i32 to index
      %get3A_136 = arith.index_cast %mul3A_133 : i32 to index
      %get3A_137 = tpu.vector_load %arg7[%get3A_135, %get3A_136] {strides = array<i32>} : memref<16x640xf32, #tpu.memory_space<vmem>>, vector<16xf32>,
      %add3A_138 = arith.addf %add3A_131, %get3A_137 : vector<16xf32>
      %mul3A_139 = arith.constant 16 : i32
      %mul3A_140 = arith.muli %scan3A_28, %mul3A_139 : i32
      %swap3A = arith.index_cast %mul3A_140 : i32 to index
      %swap3A_141 = tpu.vector_load %arg8[%swap3A] {strides = array<i32>} : memref<640xf32, #tpu.memory_space<vmem>>, vector<16xf32>,
      tpu.vector_store %arg8[%swap3A], %add3A_138 {strides = array<i32>} : memref<640xf32, #tpu.memory_space<vmem>>, vector<16xf32>,
    }
    %scan3A_24 = arith.constant 40 : i32
    %mul3A_25 = arith.constant 10240 : i32
    %mul3A_26 = arith.muli %arg0, %mul3A_25 : i32
    %add3A_27 = arith.addi %mul3A_26, %mul3A_18 : i32
    "tpu.region"() ({
      %run_scoped3A = tpu.sem_alloc : memref<!tpu.dma_semaphore, #tpu.memory_space<semaphore_mem>>
      %dma_start3A = tpu.memref_slice %arg3[%add3A_27] : memref<20480xf32, #tpu.memory_space<hbm>> -> memref<640xf32, #tpu.memory_space<hbm>>
      %dma_start3A_28 = tpu.memref_slice %arg3[%add3A_27] : memref<20480xf32, #tpu.memory_space<hbm>> -> memref<640xf32, #tpu.memory_space<hbm>>
      tpu.enqueue_dma source(%arg8 : memref<640xf32, #tpu.memory_space<vmem>>) target(%dma_start3A_28 : memref<640xf32, #tpu.memory_space<hbm>>) target_semaphore(%run_scoped3A : memref<!tpu.dma_semaphore, #tpu.memory_space<semaphore_mem>>)
      %dma_wait3A = tpu.memref_slice %arg3[%add3A_27] : memref<20480xf32, #tpu.memory_space<hbm>> -> memref<640xf32, #tpu.memory_space<hbm>>
      %dma_wait3A_29 = tpu.memref_slice %arg3[%add3A_27] : memref<20480xf32, #tpu.memory_space<hbm>> -> memref<640xf32, #tpu.memory_space<hbm>>
      tpu.wait_dma2 semaphore(%run_scoped3A : memref<!tpu.dma_semaphore, #tpu.memory_space<semaphore_mem>>) src(%arg8 : memref<640xf32, #tpu.memory_space<vmem>>) dst(%dma_wait3A_29 : memref<640xf32, #tpu.memory_space<hbm>>)
      tpu.yield
    }) : () -> ()
    return
  }
}

module attributes {stable_mosaic.version = 14 : i64} {
  func.func @_mm_body(%arg0: i32, %arg1: memref<2000x2xf32, #tpu.memory_space<vmem>>, %arg2: memref<2000x256xf32, #tpu.memory_space<vmem>>, %arg3: memref<256x256xf32, #tpu.memory_space<vmem>>, %arg4: memref<2000x128xf32, #tpu.memory_space<vmem>>, %arg5: memref<2000x128xf32, #tpu.memory_space<vmem>>) attributes {dimension_semantics = [#tpu.dimension_semantics<arbitrary>], iteration_bounds = array<i64: 5>, scalar_prefetch = 0 : i64, scratch_operands = 0 : i64, tpu.core_type = #tpu.core_type<tc>, window_params = [{transform_indices = @transform_0, window_bounds = array<i64: 2000, 2>}, {transform_indices = @transform_1, window_bounds = array<i64: 2000, 256>}, {pipeline_mode = #tpu.pipeline_mode<synchronous>, transform_indices = @transform_2, window_bounds = array<i64: 256, 256>}, {transform_indices = @transform_3, window_bounds = array<i64: 2000, 128>}, {transform_indices = @transform_4, window_bounds = array<i64: 2000, 128>}]} {
    %get3A = arith.constant 0 : index
    %get3A_0 = arith.constant 0 : index
    %get3A_1 = vector.load %arg1[%get3A, %get3A_0] : memref<2000x2xf32, #tpu.memory_space<vmem>>, vector<2000x2xf32>
    %slice3A = vector.extract_strided_slice %get3A_1 {offsets = [0, 0], sizes = [2000, 1], strides = [1, 1]} : vector<2000x2xf32> to vector<2000x1xf32>
    %slice3A_2 = vector.extract_strided_slice %get3A_1 {offsets = [0, 1], sizes = [2000, 1], strides = [1, 1]} : vector<2000x2xf32> to vector<2000x1xf32>
    %add3A = arith.addf %slice3A, %slice3A_2 : vector<2000x1xf32>
    %gt3A = arith.constant 0.000000e+00 : f32
    %gt3A_3 = vector.broadcast %gt3A : f32 to vector<2000x1xf32>
    %gt3A_4 = arith.cmpf ogt, %add3A, %gt3A_3 : vector<2000x1xf32>
    %rsqrt3A = math.rsqrt %add3A : vector<2000x1xf32>
    %jit3A = arith.constant 0.000000e+00 : f32
    %broadcast_in_dim3A = vector.broadcast %jit3A : f32 to vector<2000x1xf32>
    %select_n3A = arith.select %gt3A_4, %rsqrt3A, %broadcast_in_dim3A : vector<2000x1xi1>, vector<2000x1xf32>
    %get3A_5 = arith.constant 0 : index
    %get3A_6 = arith.constant 0 : index
    %get3A_7 = vector.load %arg2[%get3A_5, %get3A_6] : memref<2000x256xf32, #tpu.memory_space<vmem>>, vector<2000x256xf32>
    %get3A_8 = arith.constant 0 : index
    %get3A_9 = arith.constant 0 : index
    %get3A_10 = vector.load %arg3[%get3A_8, %get3A_9] : memref<256x256xf32, #tpu.memory_space<vmem>>, vector<256x256xf32>
    %dot_general3A = arith.constant dense<0.000000e+00> : vector<2000x256xf32>
    %dot_general3A_11 = tpu.matmul %get3A_7, %get3A_10, %dot_general3A {dimension_numbers = #tpu.dot_dimension_numbers<[1], [0], [0], [1], [0, 0, 1, 1], [], []>, transpose_lhs_hint = false} : vector<2000x256xf32>, vector<256x256xf32>, vector<2000x256xf32> -> vector<2000x256xf32>
    %slice3A_12 = vector.extract_strided_slice %dot_general3A_11 {offsets = [0, 0], sizes = [2000, 128], strides = [1, 1]} : vector<2000x256xf32> to vector<2000x128xf32>
    %mul3A = vector.broadcast %select_n3A : vector<2000x1xf32> to vector<2000x128xf32>
    %mul3A_13 = arith.mulf %slice3A_12, %mul3A : vector<2000x128xf32>
    %swap3A = arith.constant 0 : index
    %swap3A_14 = arith.constant 0 : index
    %swap3A_15 = vector.load %arg4[%swap3A, %swap3A_14] : memref<2000x128xf32, #tpu.memory_space<vmem>>, vector<2000x128xf32>
    tpu.vector_store %arg4[%swap3A, %swap3A_14], %mul3A_13 {strides = array<i32>} : memref<2000x128xf32, #tpu.memory_space<vmem>>, vector<2000x128xf32>,
    %slice3A_16 = vector.extract_strided_slice %dot_general3A_11 {offsets = [0, 128], sizes = [2000, 128], strides = [1, 1]} : vector<2000x256xf32> to vector<2000x128xf32>
    %mul3A_17 = vector.broadcast %select_n3A : vector<2000x1xf32> to vector<2000x128xf32>
    %mul3A_18 = arith.mulf %slice3A_16, %mul3A_17 : vector<2000x128xf32>
    %swap3A_19 = arith.constant 0 : index
    %swap3A_20 = arith.constant 0 : index
    %swap3A_21 = vector.load %arg5[%swap3A_19, %swap3A_20] : memref<2000x128xf32, #tpu.memory_space<vmem>>, vector<2000x128xf32>
    tpu.vector_store %arg5[%swap3A_19, %swap3A_20], %mul3A_18 {strides = array<i32>} : memref<2000x128xf32, #tpu.memory_space<vmem>>, vector<2000x128xf32>,
    return
  }
  func.func @transform_0(%arg0: i32) -> (i32, i32) {
    %c0_i32 = arith.constant 0 : i32
    %c0_i32_0 = arith.constant 0 : i32
    return %arg0, %c0_i32 : i32, i32
  }
  func.func @transform_1(%arg0: i32) -> (i32, i32) {
    %c0_i32 = arith.constant 0 : i32
    %c0_i32_0 = arith.constant 0 : i32
    return %arg0, %c0_i32 : i32, i32
  }
  func.func @transform_2(%arg0: i32) -> (i32, i32) {
    %c0_i32 = arith.constant 0 : i32
    %c0_i32_0 = arith.constant 0 : i32
    %c0_i32_1 = arith.constant 0 : i32
    return %c0_i32, %c0_i32_0 : i32, i32
  }
  func.func @transform_3(%arg0: i32) -> (i32, i32) {
    %c0_i32 = arith.constant 0 : i32
    %c0_i32_0 = arith.constant 0 : i32
    return %arg0, %c0_i32 : i32, i32
  }
  func.func @transform_4(%arg0: i32) -> (i32, i32) {
    %c0_i32 = arith.constant 0 : i32
    %c0_i32_0 = arith.constant 0 : i32
    return %arg0, %c0_i32 : i32, i32
  }
}

module attributes {stable_mosaic.version = 14 : i64} {
  func.func @_fin_body(%arg0: i32, %arg1: memref<2000x2xf32, #tpu.memory_space<vmem>>, %arg2: memref<1x256xf32, #tpu.memory_space<vmem>>, %arg3: memref<2x2000x128xf32, #tpu.memory_space<vmem>>, %arg4: memref<2000x256xf32, #tpu.memory_space<vmem>>) attributes {dimension_semantics = [#tpu.dimension_semantics<arbitrary>], iteration_bounds = array<i64: 5>, scalar_prefetch = 0 : i64, scratch_operands = 0 : i64, tpu.core_type = #tpu.core_type<tc>, window_params = [{transform_indices = @transform_0, window_bounds = array<i64: 2000, 2>}, {pipeline_mode = #tpu.pipeline_mode<synchronous>, transform_indices = @transform_1, window_bounds = array<i64: 1, 256>}, {transform_indices = @transform_2, window_bounds = array<i64: 2, 2000, 128>}, {transform_indices = @transform_3, window_bounds = array<i64: 2000, 256>}]} {
    %get3A = arith.constant 0 : index
    %get3A_0 = arith.constant 0 : index
    %get3A_1 = vector.load %arg1[%get3A, %get3A_0] : memref<2000x2xf32, #tpu.memory_space<vmem>>, vector<2000x2xf32>
    %slice3A = vector.extract_strided_slice %get3A_1 {offsets = [0, 0], sizes = [2000, 1], strides = [1, 1]} : vector<2000x2xf32> to vector<2000x1xf32>
    %slice3A_2 = vector.extract_strided_slice %get3A_1 {offsets = [0, 1], sizes = [2000, 1], strides = [1, 1]} : vector<2000x2xf32> to vector<2000x1xf32>
    %add3A = arith.addf %slice3A, %slice3A_2 : vector<2000x1xf32>
    %gt3A = arith.constant 0.000000e+00 : f32
    %gt3A_3 = vector.broadcast %gt3A : f32 to vector<2000x1xf32>
    %gt3A_4 = arith.cmpf ogt, %add3A, %gt3A_3 : vector<2000x1xf32>
    %rsqrt3A = math.rsqrt %add3A : vector<2000x1xf32>
    %jit3A = arith.constant 0.000000e+00 : f32
    %broadcast_in_dim3A = vector.broadcast %jit3A : f32 to vector<2000x1xf32>
    %select_n3A = arith.select %gt3A_4, %rsqrt3A, %broadcast_in_dim3A : vector<2000x1xi1>, vector<2000x1xf32>
    %get3A_5 = arith.constant 0 : index
    %get3A_6 = arith.constant 0 : index
    %get3A_7 = arith.constant 0 : index
    %get3A_8 = vector.load %arg3[%get3A_5, %get3A_6, %get3A_7] : memref<2x2000x128xf32, #tpu.memory_space<vmem>>, vector<1x2000x128xf32>
    %get3A_9 = vector.shape_cast %get3A_8 : vector<1x2000x128xf32> to vector<2000x128xf32>
    %mul3A = vector.broadcast %select_n3A : vector<2000x1xf32> to vector<2000x128xf32>
    %mul3A_10 = arith.mulf %get3A_9, %mul3A : vector<2000x128xf32>
    %get3A_11 = arith.constant 0 : index
    %get3A_12 = arith.constant 0 : index
    %get3A_13 = vector.load %arg2[%get3A_11, %get3A_12] : memref<1x256xf32, #tpu.memory_space<vmem>>, vector<1x128xf32>
    %add3A_14 = vector.broadcast %get3A_13 : vector<1x128xf32> to vector<2000x128xf32>
    %add3A_15 = arith.addf %mul3A_10, %add3A_14 : vector<2000x128xf32>
    %swap3A = arith.constant 0 : index
    %swap3A_16 = arith.constant 0 : index
    %swap3A_17 = vector.load %arg4[%swap3A, %swap3A_16] : memref<2000x256xf32, #tpu.memory_space<vmem>>, vector<2000x128xf32>
    tpu.vector_store %arg4[%swap3A, %swap3A_16], %add3A_15 {strides = array<i32>} : memref<2000x256xf32, #tpu.memory_space<vmem>>, vector<2000x128xf32>,
    %get3A_18 = arith.constant 1 : index
    %get3A_19 = arith.constant 0 : index
    %get3A_20 = arith.constant 0 : index
    %get3A_21 = vector.load %arg3[%get3A_18, %get3A_19, %get3A_20] : memref<2x2000x128xf32, #tpu.memory_space<vmem>>, vector<1x2000x128xf32>
    %get3A_22 = vector.shape_cast %get3A_21 : vector<1x2000x128xf32> to vector<2000x128xf32>
    %mul3A_23 = vector.broadcast %select_n3A : vector<2000x1xf32> to vector<2000x128xf32>
    %mul3A_24 = arith.mulf %get3A_22, %mul3A_23 : vector<2000x128xf32>
    %get3A_25 = arith.constant 0 : index
    %get3A_26 = arith.constant 128 : index
    %get3A_27 = vector.load %arg2[%get3A_25, %get3A_26] : memref<1x256xf32, #tpu.memory_space<vmem>>, vector<1x128xf32>
    %add3A_28 = vector.broadcast %get3A_27 : vector<1x128xf32> to vector<2000x128xf32>
    %add3A_29 = arith.addf %mul3A_24, %add3A_28 : vector<2000x128xf32>
    %swap3A_30 = arith.constant 0 : index
    %swap3A_31 = arith.constant 128 : index
    %swap3A_32 = vector.load %arg4[%swap3A_30, %swap3A_31] : memref<2000x256xf32, #tpu.memory_space<vmem>>, vector<2000x128xf32>
    tpu.vector_store %arg4[%swap3A_30, %swap3A_31], %add3A_29 {strides = array<i32>} : memref<2000x256xf32, #tpu.memory_space<vmem>>, vector<2000x128xf32>,
    return
  }
  func.func @transform_0(%arg0: i32) -> (i32, i32) {
    %c0_i32 = arith.constant 0 : i32
    %c0_i32_0 = arith.constant 0 : i32
    return %arg0, %c0_i32 : i32, i32
  }
  func.func @transform_1(%arg0: i32) -> (i32, i32) {
    %c0_i32 = arith.constant 0 : i32
    %c0_i32_0 = arith.constant 0 : i32
    %c0_i32_1 = arith.constant 0 : i32
    return %c0_i32, %c0_i32_0 : i32, i32
  }
  func.func @transform_2(%arg0: i32) -> (i32, i32, i32) {
    %c0_i32 = arith.constant 0 : i32
    %c0_i32_0 = arith.constant 0 : i32
    %c0_i32_1 = arith.constant 0 : i32
    return %c0_i32, %arg0, %c0_i32_0 : i32, i32, i32
  }
  func.func @transform_3(%arg0: i32) -> (i32, i32) {
    %c0_i32 = arith.constant 0 : i32
    %c0_i32_0 = arith.constant 0 : i32
    return %arg0, %c0_i32 : i32, i32
  }
}

</mosaic_0001>

<sc_bundles>
// kernel: kernel.6.cloned.1.call-start
scs
__scs_entry_jumppad:
0x0: {  	(pc) =	sbr.rel $0x88, $3  }
0x1: {  	(tag) =	ssettag $0x0;
	lr =	simm.s32 $0x1  }
0x2: {  	[smem:$0x3F9D] =	sst lr;
	_ =	strace $0xD0000000  }
0x3: {  	_ = 	snop  }
0x4: {  	_ = 	snop  }
0x5: {  	_ = 	snop  }
0x6: {  	_ = 	snop  }
0x7: {  	_ = 	snop  }
__scs_overlays_trampoline_lowered:
0x8: {  	[smem:$0x3FAC] =	sst s0  }
0x9: {  	[smem:$0x3FAD] =	sst s1  }
0xa: {  	[smem:$0x3FAE] =	sst s2  }
0xb: {  	[smem:$0x3FAF] =	sst s3  }
0xc: {  	[smem:$0x3FB0] =	sst s4  }
0xd: {  	[smem:$0x3FB1] =	sst s5  }
0xe: {  	[smem:$0x3FB2] =	sst s6  }
0xf: {  	[smem:$0x3FB3] =	sst s7  }
0x10: {  	[smem:$0x3FB4] =	sst s8  }
0x11: {  	[smem:$0x3FB5] =	sst s9;
	s0 =	simm.s32 @!p0 $0x0  }
0x12: {  	s1 =	sld [smem:$0x3F9B];
	s0 =	simm.s32 @p0 $0x1  }
0x13: {  	[smem:$0x3FB6] =	sst s0;
	s0 =	simm.s32 @!p1 $0x0  }
0x14: {  	s2 =	sld [smem:$0x3F9A];
	s0 =	simm.s32 @p1 $0x1  }
0x15: {  	[smem:$0x3FB7] =	sst s0;
	s0 =	simm.s32 @!p2 $0x0  }
0x16: {  	s3 =	sld [smem:$0x3FDB];
	s0 =	simm.s32 @p2 $0x1  }
0x17: {  	s4 =	simm.s32 $0x1BF5;
	[smem:$0x3FB9] =	sst s0  }
0x18: {  	s0 =	sld [smem:$0x3F9C];
	_ =	swait.ge [sflag:s4], $0x0  }
0x19: {  	s7 =	sld [smem:$0x3F9D]  }
0x1a: {  	s8 =	sadd.s32 $0xFFFFE003, lr  }
0x1b: {  	s9 =	sadd.s32 $0xFFFFFEF7, lr;
	s5 =	simm.s32 $0xFFFFFFFF;
	p2 =	slt.u32 s8, $0xFFFFF086  }
0x1c: {  	p1 =	slt.u32 s9, $0xF7A;
	s5 =	simm.s32 @!p2 $0x0  }
0x1d: {  	s5 =	simm.s32 @p1 $0x1;
	p0 =	seq.s32 s7, s2  }
0x1e: {  	s7 =	smul.u32 @!p0 $0xF7A, s2;
	p2 =	seq.s32 @!p0 s5, $0x0  }
0x1f: {  	s9 =	smul.u32 $0xF7A, s1;
	s8 =	simm.s32 @!p0 $0x1BF5;
	p2 =	por !p2, p0  }
0x20: {  	[sflag:s8] =	ssyncset.s32 @!p0 $0xFFFFF086;
	s6 =	sadd.s32 @!p0 s3, s7;
	s7 =	simm.s32 @!p0 $0x108  }
0x21: {  	s3 =	sadd.s32 s3, s9;
	s6 =	sadd.s32 @!p0 $0x88, s6;
	s7 =	simm.s32 @p2 $0x1082  }
0x22: {  	[simem:s7], [sflag:s8] =	dma.local @!p0 [hbm:s6], $0xF7A  }
0x23: {  	s9 =	sor.u32 $0xD0000000, s2;
	s6 =	simm.s32 $0x108;
	_ =	swait.ge @!p0 [sflag:s8], $0x0  }
0x24: {  	s3 =	sadd.s32 $0x88, s3;
	s6 =	simm.s32 @!p1 $0x1082;
	[sflag:s4] =	ssyncset.s32 $0xFFFFF086  }
0x25: {  	[simem:s6], [sflag:s4] =	dma.local [hbm:s3], $0xF7A  }
0x26: {  	[smem:$0x3F9D] =	sst s1;
	(tag) =	ssettag s2;
	_ =	strace s9  }
0x27: {  	s1 =	sld [smem:$0x3FAD]  }
0x28: {  	s2 =	sld [smem:$0x3FAE]  }
0x29: {  	s4 =	sld [smem:$0x3FB0]  }
0x2a: {  	p0 =	seq.s32 s5, $0x0;
	s5 =	sld [smem:$0x3FB1]  }
0x2b: {  	s6 =	sld [smem:$0x3FB2]  }
0x2c: {  	s7 =	sld [smem:$0x3FB3]  }
0x2d: {  	s3 =	simm.s32 $0x108;
	s8 =	sld [smem:$0x3FB4]  }
0x2e: {  	s3 =	simm.s32 @!p0 $0x1082;
	s9 =	sld [smem:$0x3FB5]  }
0x2f: {  	lr =	sadd.s32 s0, s3;
	s0 =	sld [smem:$0x3FAC]  }
0x30: {  	s3 =	sld [smem:$0x3FAF]  }
0x31: {  	[smem:$0x3FB8] =	sst s10  }
0x32: {  	s10 =	sld [smem:$0x3FB6];
	_ =	sdelay $0x3  }
0x33: {  	p0 =	seq.s32 s10, $0x1;
	s10 =	sld [smem:$0x3FB8];
	_ =	sdelay $0x3  }
0x34: {  	[smem:$0x3FB8] =	sst s10  }
0x35: {  	s10 =	sld [smem:$0x3FB7];
	_ =	sdelay $0x3  }
0x36: {  	p1 =	seq.s32 s10, $0x1;
	s10 =	sld [smem:$0x3FB8];
	_ =	sdelay $0x3  }
0x37: {  	[smem:$0x3FB8] =	sst s10  }
0x38: {  	s10 =	sld [smem:$0x3FB9]  }
0x39: {  	_ = 	snop;
	(pc) =	sbr.ind lr, $3  }
0x3a: {  	_ = 	snop  }
0x3b: {  	_ = 	snop  }
0x3c: {  	p2 =	seq.s32 s10, $0x1;
	s10 =	sld [smem:$0x3FB8]  }
0x3d: {  	_ =	shalt  }
0x3e: {  	_ =	shalt  }
0x3f: {  	_ =	shalt  }
0x40: {  	_ =	shalt  }
0x41: {  	_ =	shalt  }
0x42: {  	_ =	shalt  }
0x43: {  	_ =	shalt  }
0x44: {  	_ =	shalt  }
0x45: {  	_ =	shalt  }
0x46: {  	_ =	shalt  }
0x47: {  	_ =	shalt  }
0x48: {  	_ =	shalt  }
0x49: {  	_ =	shalt  }
0x4a: {  	_ =	shalt  }
0x4b: {  	_ =	shalt  }
0x4c: {  	_ =	shalt  }
0x4d: {  	_ =	shalt  }
0x4e: {  	_ =	shalt  }
0x4f: {  	_ =	shalt  }
0x50: {  	_ =	shalt  }
0x51: {  	_ =	shalt  }
0x52: {  	_ =	shalt  }
0x53: {  	_ =	shalt  }
0x54: {  	_ =	shalt  }
0x55: {  	_ =	shalt  }
0x56: {  	_ =	shalt  }
0x57: {  	_ =	shalt  }
0x58: {  	_ =	shalt  }
0x59: {  	_ =	shalt  }
0x5a: {  	_ =	shalt  }
0x5b: {  	_ =	shalt  }
0x5c: {  	_ =	shalt  }
0x5d: {  	_ =	shalt  }
0x5e: {  	_ =	shalt  }
0x5f: {  	_ =	shalt  }
0x60: {  	_ =	shalt  }
0x61: {  	_ =	shalt  }
0x62: {  	_ =	shalt  }
0x63: {  	_ =	shalt  }
0x64: {  	_ =	shalt  }
0x65: {  	_ =	shalt  }
0x66: {  	_ =	shalt  }
0x67: {  	_ =	shalt  }
0x68: {  	_ =	shalt  }
0x69: {  	_ =	shalt  }
0x6a: {  	_ =	shalt  }
0x6b: {  	_ =	shalt  }
0x6c: {  	_ =	shalt  }
0x6d: {  	_ =	shalt  }
0x6e: {  	_ =	shalt  }
0x6f: {  	_ =	shalt  }
0x70: {  	_ =	shalt  }
0x71: {  	_ =	shalt  }
0x72: {  	_ =	shalt  }
0x73: {  	_ =	shalt  }
0x74: {  	_ =	shalt  }
0x75: {  	_ =	shalt  }
0x76: {  	_ =	shalt  }
0x77: {  	_ =	shalt  }
0x78: {  	_ =	shalt  }
0x79: {  	_ =	shalt  }
0x7a: {  	_ =	shalt  }
0x7b: {  	_ =	shalt  }
0x7c: {  	_ =	shalt  }
0x7d: {  	_ =	shalt  }
0x7e: {  	_ =	shalt  }
0x7f: {  	_ =	shalt  }
0x80: {  	_ =	shalt  }
0x81: {  	_ =	shalt  }
0x82: {  	_ =	shalt  }
0x83: {  	_ =	shalt  }
0x84: {  	_ =	shalt  }
0x85: {  	_ =	shalt  }
0x86: {  	_ =	shalt  }
0x87: {  	_ =	shalt  }
.Lfunc_end0:
.L_simem_size_0:
called_computation_lowered:
.L_overlay_start_0:
0x88: {  	s2 =	sld [smem:$0x3FD9]  }
0x89: {  	s3 =	sld [smem:$0x3FFE];
	_ =	sdelay $0x1  }
0x8a: {  	s1 =	srdreg.scid  }
0x8b: {  	s0 =	sand.u32 $0x1, s1  }
0x8c: {  	s17 =	sshll.u32 s0, $0xA;
	s2 =	sadd.s32 s3, s2  }
0x8d: {  	s2 =	sadd.s32 s2, s17  }
0x8e: {  	[smem:$0x3FC4] =	sst s2  }
0x8f: {  	_ = 	snop  }
0x90: {  	s2 =	sld [smem:$0x3FD0];
	(tm) =	ssettm $0x1  }
0x91: {  	s18 =	sld [smem:$0x3FFB];
	_ =	sdelay $0x3  }
0x92: {  	_ =	strace s18  }
0x93: {  	s3 =	sld [smem:$0x3FFC];
	_ =	sdelay $0x3  }
0x94: {  	_ =	strace s3  }
0x95: {  	s3 =	sld [smem:$0x3FFD];
	_ =	sdelay $0x3  }
0x96: {  	_ =	strace s3  }
0x97: {  	_ =	strace $0x8FFFFFFF  }
0x98: {  	s19 =	sld [smem:$0x3FDB];
	_ =	sdelay $0x1  }
0x99: {  	s4 =	simm.s32 $_scs_section_size  }
0x9a: {  	s5 =	simm.s32 $_size__tile_overlayer_lowered;
	s6 =	simm.s32 $_tile_overlayer_lowered  }
0x9b: {  	s22 =	simm.s32 $0x1BFF;
	s21 =	sshll.u32 s6, $0x1;
	s3 =	sadd.s32 s4, s19  }
0x9c: {  	s7 =	simm.s32 $0x0;
	s20 =	sshll.u32 s5, $0x1;
	s5 =	sadd.s32 s21, s3  }
0x9d: {  	[timem:s7], [sflag:s22] =	dma.local [hbm:s5], s20  }
0x9e: {  	_ =	swait.ge [sflag:s22], s20  }
0x9f: {  	s4 =	ssub.s32 $0x0, s20;
	[sflag:s22] =	ssyncset.done $0x0  }
0xa0: {  	[sflag:s22] =	ssyncadd.s32 s4;
	_ =	sdelay $0x1  }
0xa1: {  	s23 =	simm.s32 $0x1B8B  }
0xa2: {  	_ =	swait.ge [sflag:s23], $0x1  }
0xa3: {  	[sflag:s23] =	ssyncset.done $0x0  }
0xa4: {  	s25 =	simm.s32 $0x1B8E;
	s24 =	sld [smem:$0x3FFE];
	[sflag:s23] =	ssyncadd.s32 $0xFFFFFFFF  }
0xa5: {  	s26 =	simm.s32 $execute0_lowered;
	[smem:$0x3FD2] =	sst s25  }
0xa6: {  	s5 =	sshll.u32 s26, $0x1;
	_ =	strace $0x80000046;
	[dreg:$0x1] =	wrdreg $0xFFFFFFFF  }
0xa7: {  	s28 =	simm.s32 $_size_execute0_lowered;
	s3 =	sadd.s32 s3, s5;
	[dreg:$0x0] =	wrdreg $0x0  }
0xa8: {  	s5 =	sshll.u32 s28, $0x1;
	[dreg:$0x2] =	wrdreg s3  }
0xa9: {  	[dreg:$0x3] =	wrdreg s5  }
0xaa: {  	[dreg:$0x4] =	wrdreg $0xC0  }
0xab: {  	_ =	task [dreg:s7], $0x5FFFF  }
0xac: {  	[dreg:$0x1] =	wrdreg $0xFFFFFFFF  }
0xad: {  	[dreg:$0x0] =	wrdreg $0x60  }
0xae: {  	[dreg:$0x2] =	wrdreg s2  }
0xaf: {  	[dreg:$0x3] =	wrdreg s24  }
0xb0: {  	[dreg:$0x4] =	wrdreg $0x3C000  }
0xb1: {  	[dreg:$0x5] =	wrdreg $0x9  }
0xb2: {  	_ =	task.clear_ibuf [dreg:s7], $0x6FFFF;
	_ =	strace $0x90000046  }
0xb3: {  	s29 =	simm.s32 $0x9;
	_ =	strace $0x80000048  }
0xb4: {  	_ =	swait.ge [sflag:s29], $0x1  }
0xb5: {  	[sflag:s29] =	ssyncadd.s32 $0xFFFFFFFF  }
0xb6: {  	_ =	strace $0x90000048  }
0xb7: {  	_ =	sfence  }
0xb8: {  	s30 =	sld [smem:$0x0];
	_ =	sdelay $0x2  }
0xb9: {  	s31 =	sshll.u32 s1, $0xD;
	s1 =	sshrl.u32 s1, $0x2  }
0xba: {  	s3 =	sand.u32 $0x4000, s31;
	s1 =	sadd.s32 s1, s30  }
0xbb: {  	s0 =	sor.u32 s3, s0;
	s1 =	sshll.u32 s1, $0x11  }
0xbc: {  	s0 =	sor.u32 s1, s0  }
0xbd: {  	s0 =	sadd.s32 $0x8F2B, s0  }
0xbe: {  	[sflag:s0] =	ssyncadd.remote.s32 $0x1  }
0xbf: {  	_ =	sfence.sel $0xFFFF  }
0xc0: {  	[dreg:$0x0] =	wrdreg $0xFFFFFFFF;
	(pc) =	sbr.abs _section_cstart, $3  }
0xc1: {  	[dreg:$0x1] =	wrdreg $0xFFFFFFFF  }
0xc2: {  	_ =	task.clear_ibuf [dreg:s7], $0x2FFFF;
	_ =	strace $0x9FFFFFFF  }
0xc3: {  	(tm) =	ssettm $0x7FFFFFFF  }
tec
execute0_lowered:
.L_overlay_start_1:
0x0: {  	(tag) =	ssettag $0x1  }
0x1: {  	s3 =	rddreg [dreg:$0x0]  }
0x2: {  	s4 =	rddreg [dreg:$0x1];
	s1 =	srdreg.scid  }
0x3: {  	s0 =	stileid.u32;
	s5 =	rddreg [dreg:$0x2];
	s2 =	simm.s32 $0x0  }
0x4: {  	s11 =	simm.s32 $0x400;
	s12 =	simm.s32 $0x14000;
	s13 =	simm.s32 $0x6400  }
0x5: {  	s14 =	simm.s32 $0x8C00;
	s6 =	sand.u32 $0x1, s1;
	s1 =	rddreg [dreg:$0x3]  }
0x6: {  	s15 =	simm.s32 $0x0;
	s7 =	smul.u32 $0x280, s0;
	[smem:$0x7FF] =	sst s2  }
0x7: {  	s26 =	sshrl.u32 s0, $0x3;
	s28 =	smul.u32 $0x5000, s0;
	s29 =	sshll.u32 s0, $0x7  }
0x8: {  	s8 =	smul.u32 $0x2800, s6;
	s9 =	sshll.u32 s6, $0x4;
	s6 =	ssub.s32 $0x2, s6  }
0x9: {  	_ =	strace $0x80000047;
	s25 =	sor.u32 s0, s9;
	s10 =	sshrl.u32 s6, $0x1  }
0xa: {  	s9 =	smul.u32 $0x50000, s26;
	s31 =	sshrl.u32 s28, $0x2;
	s7 =	sadd.s32 s7, s8  }
0xb: {  	s8 =	smul.u32 $0x271, s25;
	s10 =	ssub.s32 s6, s10;
	s6 =	sand.u32 $0x380, s29  }
0xc: {  	s7 =	sshrl.u32 s7, $0x3;
	s30 =	sshrl.u32 s9, $0x2;
	s9 =	simm.s32 $0x1400  }
0xd: {  	s7 =	sadd.s32 s7, s4;
	s3 =	sadd.s32 s3, s8;
	s8 =	sadd.s32 s30, s5  }
0xe: {  	s5 =	sadd.s32 s31, s5;
	s4 =	sadd.s32 s6, s8;
	s6 =	sadd.s32 $0xE00, s7  }
0xf: {  	v0 =	vimm.f32 $0.0e+00;
	v1 =	vlaneseq.u32;
	v2 =	vimm.f32 $1.000000000e+00;
	s7 =	smax.u32 s10, $0x1;
	s8 =	simm.s32 $0x1;
	s10 =	simm.s32 $0x80  }
.LBB2_1:
0x10: {  	s16 =	simm.s32 $0x40;
	s17 =	simm.s32 $0x0  }
.LBB2_2:
0x11: {  	p0 =	sne.s32 s16, $0x9FC0;
	[tilespmem:s17+$0x1400] =	vst v0;
	s17 =	smov.u32 s16;
	s16 =	sadd.s32 $0x40, s16  }
.Ltmp0:
0x12: {  	(pc) =	sbr.rel @p0 .LBB2_2-.Ltmp0, $2  }
0x13: {  	_ =	sdelay $0x2  }
0x14: {  	s17 =	sshra.s32 s17, $0x2  }
0x15: {  	[tilespmem:s17+$0x1400] =	vst v0;
	s16 =	simm.s32 $0x0  }
0x16: {  	[tilespmem:s16], [sflag:$0x1] =	stream.linear.gather [hbm4b:s3+s16], $0x1388, $0x38;
	[tilespmem:$0x8E80] =	vst v63  }
0x17: {  	_ =	swait.ge [sflag:s8], $0x1388  }
0x18: {  	[sflag:s8] =	ssyncset.done $0x0  }
0x19: {  	[sflag:s8] =	ssyncadd.s32 $0xFFFFEC78  }
0x1a: {  	s17 =	simm.s32 $0x1388;
	s18 =	simm.s32 $0x1378;
	v3 =	vld [tilespmem:s16+$0x0]  }
.LBB2_4:
0x1b: {  	p0 =	sne.s32 s18, $0x8;
	_ =	sdelay $0x3  }
0x1c: {  	v4 =	vmov s17;
	s17 =	smov.u32 s18;
	vm0 =	vgt.s32 v3, $0x0  }
0x1d: {  	v3 =	vnsel vm0, $0x0, v3;
	vm0 =	vgt.u32 v4, v1  }
0x1e: {  	v3 =	vmin.u32 v3, $0x27FF;
	_ =	sdelay $0x1  }
.Ltmp1:
0x1f: {  	(pc) =	sbr.rel @p0 .LBB2_4-.Ltmp1, $3  }
0x20: {  	_ =	sdelay $0x1  }
0x21: {  	s16 =	sadd.s32 $0x10, s16;
	[tilespmem:v3+s9+$0x0] =	vst.idx.add.f32.msk vm0, v2  }
0x22: {  	s18 =	sadd.s32 $0xFFFFFFF0, s18;
	v3 =	vld [tilespmem:s16+$0x0]  }
0x23: {  	_ =	sdelay $0x3  }
0x24: {  	v4 =	vmov s17;
	vm0 =	vgt.s32 v3, $0x0  }
0x25: {  	vm15 =	vgt.u32 v4, v1;
	v3 =	vnsel vm0, $0x0, v3  }
0x26: {  	v3 =	vmin.u32 v3, $0x27FF;
	_ =	sdelay $0x4  }
0x27: {  	[tilespmem:v3+s9+$0x0] =	vst.idx.add.f32.msk vm15, v2  }
0x28: {  	[spmem:s4] =	stream.strided.scatter [tilespmem:s9], [sflag:$0x1], $0x2800, s11, s10, $0x38;
	[tilespmem:$0x8E80] =	vst v63  }
0x29: {  	_ =	swait.ge [sflag:s8], $0x2800  }
0x2a: {  	[sflag:s8] =	ssyncset.done $0x0  }
0x2b: {  	[sflag:s8] =	ssyncadd.s32 $0xFFFFD800  }
0x2c: {  	[bflag:$0x0] =	sbarrier.arrive $0xFFFF  }
0x2d: {  	[tilespmem:s13], [sflag:$0x1] =	stream.strided.gather [spmem:s5], $0x2800, s12, s9, $0x38;
	[tilespmem:$0x8E80] =	vst v63  }
0x2e: {  	s16 =	simm.s32 $0x0;
	_ =	swait.ge [sflag:s8], $0x2800  }
0x2f: {  	s30 =	sand.u32 $0x70, s16;
	s16 =	sand.u32 $0x1C00, s16;
	[sflag:s8] =	ssyncset.done $0x0  }
0x30: {  	s16 =	sor.u32 s30, s16;
	[sflag:s8] =	ssyncadd.s32 $0xFFFFD800  }
0x31: {  	v3 =	vld [tilespmem:s16+$0x6480]  }
0x32: {  	v51 =	vld [tilespmem:s16+$0x6400];
	_ =	sdelay $0x1  }
0x33: {  	v5 =	vld [tilespmem:s16+$0x6500];
	_ =	sdelay $0x1  }
0x34: {  	v6 =	vld [tilespmem:s16+$0x6580]  }
0x35: {  	v3 =	vadd.f32 v3, v51  }
0x36: {  	v52 =	vld [tilespmem:s16+$0x6600]  }
0x37: {  	v3 =	vadd.f32 v5, v3  }
0x38: {  	v53 =	vld [tilespmem:s16+$0x6680]  }
0x39: {  	v3 =	vadd.f32 v6, v3  }
0x3a: {  	v54 =	vld [tilespmem:s16+$0x6700]  }
0x3b: {  	v3 =	vadd.f32 v52, v3  }
0x3c: {  	v55 =	vld [tilespmem:s16+$0x6780]  }
0x3d: {  	v3 =	vadd.f32 v53, v3  }
0x3e: {  	v56 =	vld [tilespmem:s16+$0x7800]  }
0x3f: {  	v3 =	vadd.f32 v54, v3  }
0x40: {  	v57 =	vld [tilespmem:s16+$0x7880]  }
0x41: {  	v3 =	vadd.f32 v55, v3  }
0x42: {  	v58 =	vld [tilespmem:s16+$0x7900]  }
0x43: {  	v3 =	vadd.f32 v56, v3  }
0x44: {  	v59 =	vld [tilespmem:s16+$0x7980]  }
0x45: {  	v3 =	vadd.f32 v57, v3  }
0x46: {  	v60 =	vld [tilespmem:s16+$0x7A00]  }
0x47: {  	v3 =	vadd.f32 v58, v3  }
0x48: {  	v61 =	vld [tilespmem:s16+$0x7A80]  }
0x49: {  	v3 =	vadd.f32 v59, v3  }
0x4a: {  	v62 =	vld [tilespmem:s16+$0x7B00]  }
0x4b: {  	v3 =	vadd.f32 v60, v3  }
0x4c: {  	v63 =	vld [tilespmem:s16+$0x7B80]  }
0x4d: {  	v3 =	vadd.f32 v61, v3;
	_ =	sdelay $0x1  }
0x4e: {  	v3 =	vadd.f32 v62, v3;
	_ =	sdelay $0x1  }
0x4f: {  	s31 =	simm.s32 $0x10;
	s18 =	simm.s32 $0x80;
	v3 =	vadd.f32 v63, v3  }
0x50: {  	s17 =	sand.u32 $0x70, s31;
	s19 =	sand.u32 $0x1C00, s18;
	s16 =	simm.s32 $0x8C00  }
0x51: {  	s17 =	sor.u32 s17, s19;
	s19 =	simm.s32 $0x20;
	[tilespmem:s16+$0x0] =	vst v3  }
.LBB2_6:
0x52: {  	p0 =	sne.s32 s19, $0x270;
	v3 =	vld [tilespmem:s17+$0x6480]  }
0x53: {  	v4 =	vld [tilespmem:s17+$0x6400];
	_ =	sdelay $0x1  }
0x54: {  	v5 =	vld [tilespmem:s17+$0x6500];
	_ =	sdelay $0x1  }
0x55: {  	v6 =	vld [tilespmem:s17+$0x6580]  }
0x56: {  	v3 =	vadd.f32 v3, v4  }
0x57: {  	v4 =	vld [tilespmem:s17+$0x6600]  }
0x58: {  	v3 =	vadd.f32 v5, v3  }
0x59: {  	v5 =	vld [tilespmem:s17+$0x6680]  }
0x5a: {  	v3 =	vadd.f32 v6, v3  }
0x5b: {  	v6 =	vld [tilespmem:s17+$0x6700]  }
0x5c: {  	v3 =	vadd.f32 v4, v3  }
0x5d: {  	v4 =	vld [tilespmem:s17+$0x6780]  }
0x5e: {  	v3 =	vadd.f32 v5, v3  }
0x5f: {  	v5 =	vld [tilespmem:s17+$0x7800]  }
0x60: {  	v3 =	vadd.f32 v6, v3  }
0x61: {  	v6 =	vld [tilespmem:s17+$0x7880]  }
0x62: {  	v3 =	vadd.f32 v4, v3  }
0x63: {  	v4 =	vld [tilespmem:s17+$0x7900]  }
0x64: {  	v3 =	vadd.f32 v5, v3  }
0x65: {  	v5 =	vld [tilespmem:s17+$0x7980]  }
0x66: {  	v3 =	vadd.f32 v6, v3  }
0x67: {  	v6 =	vld [tilespmem:s17+$0x7A00]  }
0x68: {  	v3 =	vadd.f32 v4, v3  }
0x69: {  	v4 =	vld [tilespmem:s17+$0x7A80]  }
0x6a: {  	v3 =	vadd.f32 v5, v3  }
0x6b: {  	v5 =	vld [tilespmem:s17+$0x7B00]  }
0x6c: {  	v3 =	vadd.f32 v6, v3  }
0x6d: {  	v6 =	vld [tilespmem:s17+$0x7B80]  }
0x6e: {  	v3 =	vadd.f32 v4, v3;
	_ =	sdelay $0x1  }
.Ltmp2:
0x6f: {  	v3 =	vadd.f32 v5, v3;
	(pc) =	sbr.rel @p0 .LBB2_6-.Ltmp2, $4  }
0x70: {  	_ = 	snop  }
0x71: {  	s18 =	sadd.s32 $0x80, s18;
	v3 =	vadd.f32 v6, v3  }
0x72: {  	s16 =	sadd.s32 $0x10, s16;
	s20 =	sand.u32 $0x1C00, s18;
	s17 =	sand.u32 $0x70, s19  }
0x73: {  	s19 =	sadd.s32 $0x10, s19;
	s17 =	sor.u32 s17, s20;
	[tilespmem:s16+$0x0] =	vst v3  }
0x74: {  	v3 =	vld [tilespmem:s17+$0x6480]  }
0x75: {  	v4 =	vld [tilespmem:s17+$0x6400];
	_ =	sdelay $0x1  }
0x76: {  	v5 =	vld [tilespmem:s17+$0x6500];
	_ =	sdelay $0x1  }
0x77: {  	v6 =	vld [tilespmem:s17+$0x6580]  }
0x78: {  	v3 =	vadd.f32 v3, v4  }
0x79: {  	v52 =	vld [tilespmem:s17+$0x6600]  }
0x7a: {  	v3 =	vadd.f32 v5, v3  }
0x7b: {  	v53 =	vld [tilespmem:s17+$0x6680]  }
0x7c: {  	v3 =	vadd.f32 v6, v3  }
0x7d: {  	v54 =	vld [tilespmem:s17+$0x6700]  }
0x7e: {  	v3 =	vadd.f32 v52, v3  }
0x7f: {  	v55 =	vld [tilespmem:s17+$0x6780]  }
0x80: {  	v3 =	vadd.f32 v53, v3  }
0x81: {  	v56 =	vld [tilespmem:s17+$0x7800]  }
0x82: {  	v3 =	vadd.f32 v54, v3  }
0x83: {  	v57 =	vld [tilespmem:s17+$0x7880]  }
0x84: {  	v3 =	vadd.f32 v55, v3  }
0x85: {  	v58 =	vld [tilespmem:s17+$0x7900]  }
0x86: {  	v3 =	vadd.f32 v56, v3  }
0x87: {  	v59 =	vld [tilespmem:s17+$0x7980]  }
0x88: {  	v3 =	vadd.f32 v57, v3  }
0x89: {  	v60 =	vld [tilespmem:s17+$0x7A00]  }
0x8a: {  	v3 =	vadd.f32 v58, v3  }
0x8b: {  	v61 =	vld [tilespmem:s17+$0x7A80]  }
0x8c: {  	v3 =	vadd.f32 v59, v3  }
0x8d: {  	v62 =	vld [tilespmem:s17+$0x7B00]  }
0x8e: {  	v3 =	vadd.f32 v60, v3  }
0x8f: {  	v63 =	vld [tilespmem:s17+$0x7B80]  }
0x90: {  	v3 =	vadd.f32 v61, v3;
	_ =	sdelay $0x1  }
0x91: {  	v3 =	vadd.f32 v62, v3;
	_ =	sdelay $0x1  }
0x92: {  	s15 =	sadd.s32 $0x1, s15;
	v3 =	vadd.f32 v63, v3  }
0x93: {  	s16 =	sadd.s32 $0x10, s16;
	p0 =	sne.s32 s15, s7  }
.Ltmp3:
0x94: {  	[tilespmem:s16+$0x0] =	vst v3;
	(pc) =	sbr.rel @p0 .LBB2_1-.Ltmp3, $4  }
0x95: {  	[hbm4b:s6+s2] =	stream.linear.scatter [tilespmem:s14], [sflag:$0x1], $0x280, $0x38;
	[tilespmem:$0x8E80] =	vst v63  }
0x96: {  	_ =	swait.ge [sflag:s8], $0x280  }
0x97: {  	[sflag:s8] =	ssyncset.done $0x0  }
0x98: {  	[sflag:s8] =	ssyncadd.s32 $0xFFFFFD80  }
0x99: {  	_ =	sfence.sel $0x180000  }
0x9a: {  	[bflag:$0x0] =	sbarrier.arrive $0xFFFF  }
0x9b: {  	p0 =	sne.s32 s0, $0x0;
	_ =	strace $0x90000047  }
0x9c: {  	s0 =	sadd.s32 @!p0 $0x100000, s1;
	[bflag:$0x2] =	sbarrier.arrive $0xFFFF  }
0x9d: {  	[sflag:s0] =	ssyncadd.tile.s32 @!p0 $0x1;
	_ =	shalt  }
.Lfunc_end2:
_tile_overlayer_lowered:
.L_overlay_start_2:
0x9e: {  	(tag) =	ssettag $0x2  }
0x9f: {  	s0 =	rddreg [dreg:$0x0];
	s2 =	stileid.u32  }
0xa0: {  	s1 =	rddreg [dreg:$0x1];
	p0 =	sne.s32 s2, $0x0  }
0xa1: {  	s3 =	rddreg [dreg:$0x2];
	[bflag:$0x3] =	sbarrier.arrive $0xFFFF;
	s2 =	simm.s32 @!p0 $0x1C01  }
0xa2: {  	[timem:s3], [sflag:s2] =	dma.local @!p0 [hbm:s0], s1  }
0xa3: {  	s0 =	simm.s32 @!p0 $0x1  }
0xa4: {  	_ =	swait.ge @!p0 [sflag:s0], s1  }
0xa5: {  	s1 =	ssub.s32 @!p0 $0x0, s1;
	[sflag:s0] =	ssyncset.done @!p0 $0x0  }
0xa6: {  	[sflag:s0] =	ssyncadd.s32 @!p0 s1  }
0xa7: {  	[bflag:$0x3] =	sbarrier.arrive $0xFFFF  }
0xa8: {  	_ =	shalt  }

// kernel: kernel.9.cloned.1.call-start
scs
__scs_entry_jumppad:
0x0: {  	(pc) =	sbr.rel $0x88, $3  }
0x1: {  	(tag) =	ssettag $0x0;
	lr =	simm.s32 $0x1  }
0x2: {  	[smem:$0x3F9D] =	sst lr;
	_ =	strace $0xD0000000  }
0x3: {  	_ = 	snop  }
0x4: {  	_ = 	snop  }
0x5: {  	_ = 	snop  }
0x6: {  	_ = 	snop  }
0x7: {  	_ = 	snop  }
__scs_overlays_trampoline_lowered:
0x8: {  	[smem:$0x3FAC] =	sst s0  }
0x9: {  	[smem:$0x3FAD] =	sst s1  }
0xa: {  	[smem:$0x3FAE] =	sst s2  }
0xb: {  	[smem:$0x3FAF] =	sst s3  }
0xc: {  	[smem:$0x3FB0] =	sst s4  }
0xd: {  	[smem:$0x3FB1] =	sst s5  }
0xe: {  	[smem:$0x3FB2] =	sst s6  }
0xf: {  	[smem:$0x3FB3] =	sst s7  }
0x10: {  	[smem:$0x3FB4] =	sst s8  }
0x11: {  	[smem:$0x3FB5] =	sst s9;
	s0 =	simm.s32 @!p0 $0x0  }
0x12: {  	s1 =	sld [smem:$0x3F9B];
	s0 =	simm.s32 @p0 $0x1  }
0x13: {  	[smem:$0x3FB6] =	sst s0;
	s0 =	simm.s32 @!p1 $0x0  }
0x14: {  	s2 =	sld [smem:$0x3F9A];
	s0 =	simm.s32 @p1 $0x1  }
0x15: {  	[smem:$0x3FB7] =	sst s0;
	s0 =	simm.s32 @!p2 $0x0  }
0x16: {  	s3 =	sld [smem:$0x3FDB];
	s0 =	simm.s32 @p2 $0x1  }
0x17: {  	s4 =	simm.s32 $0x1BF5;
	[smem:$0x3FB9] =	sst s0  }
0x18: {  	s0 =	sld [smem:$0x3F9C];
	_ =	swait.ge [sflag:s4], $0x0  }
0x19: {  	s7 =	sld [smem:$0x3F9D]  }
0x1a: {  	s8 =	sadd.s32 $0xFFFFE003, lr  }
0x1b: {  	s9 =	sadd.s32 $0xFFFFFEF7, lr;
	s5 =	simm.s32 $0xFFFFFFFF;
	p2 =	slt.u32 s8, $0xFFFFF086  }
0x1c: {  	p1 =	slt.u32 s9, $0xF7A;
	s5 =	simm.s32 @!p2 $0x0  }
0x1d: {  	s5 =	simm.s32 @p1 $0x1;
	p0 =	seq.s32 s7, s2  }
0x1e: {  	s7 =	smul.u32 @!p0 $0xF7A, s2;
	p2 =	seq.s32 @!p0 s5, $0x0  }
0x1f: {  	s9 =	smul.u32 $0xF7A, s1;
	s8 =	simm.s32 @!p0 $0x1BF5;
	p2 =	por !p2, p0  }
0x20: {  	[sflag:s8] =	ssyncset.s32 @!p0 $0xFFFFF086;
	s6 =	sadd.s32 @!p0 s3, s7;
	s7 =	simm.s32 @!p0 $0x108  }
0x21: {  	s3 =	sadd.s32 s3, s9;
	s6 =	sadd.s32 @!p0 $0x88, s6;
	s7 =	simm.s32 @p2 $0x1082  }
0x22: {  	[simem:s7], [sflag:s8] =	dma.local @!p0 [hbm:s6], $0xF7A  }
0x23: {  	s9 =	sor.u32 $0xD0000000, s2;
	s6 =	simm.s32 $0x108;
	_ =	swait.ge @!p0 [sflag:s8], $0x0  }
0x24: {  	s3 =	sadd.s32 $0x88, s3;
	s6 =	simm.s32 @!p1 $0x1082;
	[sflag:s4] =	ssyncset.s32 $0xFFFFF086  }
0x25: {  	[simem:s6], [sflag:s4] =	dma.local [hbm:s3], $0xF7A  }
0x26: {  	[smem:$0x3F9D] =	sst s1;
	(tag) =	ssettag s2;
	_ =	strace s9  }
0x27: {  	s1 =	sld [smem:$0x3FAD]  }
0x28: {  	s2 =	sld [smem:$0x3FAE]  }
0x29: {  	s4 =	sld [smem:$0x3FB0]  }
0x2a: {  	p0 =	seq.s32 s5, $0x0;
	s5 =	sld [smem:$0x3FB1]  }
0x2b: {  	s6 =	sld [smem:$0x3FB2]  }
0x2c: {  	s7 =	sld [smem:$0x3FB3]  }
0x2d: {  	s3 =	simm.s32 $0x108;
	s8 =	sld [smem:$0x3FB4]  }
0x2e: {  	s3 =	simm.s32 @!p0 $0x1082;
	s9 =	sld [smem:$0x3FB5]  }
0x2f: {  	lr =	sadd.s32 s0, s3;
	s0 =	sld [smem:$0x3FAC]  }
0x30: {  	s3 =	sld [smem:$0x3FAF]  }
0x31: {  	[smem:$0x3FB8] =	sst s10  }
0x32: {  	s10 =	sld [smem:$0x3FB6];
	_ =	sdelay $0x3  }
0x33: {  	p0 =	seq.s32 s10, $0x1;
	s10 =	sld [smem:$0x3FB8];
	_ =	sdelay $0x3  }
0x34: {  	[smem:$0x3FB8] =	sst s10  }
0x35: {  	s10 =	sld [smem:$0x3FB7];
	_ =	sdelay $0x3  }
0x36: {  	p1 =	seq.s32 s10, $0x1;
	s10 =	sld [smem:$0x3FB8];
	_ =	sdelay $0x3  }
0x37: {  	[smem:$0x3FB8] =	sst s10  }
0x38: {  	s10 =	sld [smem:$0x3FB9]  }
0x39: {  	_ = 	snop;
	(pc) =	sbr.ind lr, $3  }
0x3a: {  	_ = 	snop  }
0x3b: {  	_ = 	snop  }
0x3c: {  	p2 =	seq.s32 s10, $0x1;
	s10 =	sld [smem:$0x3FB8]  }
0x3d: {  	_ =	shalt  }
0x3e: {  	_ =	shalt  }
0x3f: {  	_ =	shalt  }
0x40: {  	_ =	shalt  }
0x41: {  	_ =	shalt  }
0x42: {  	_ =	shalt  }
0x43: {  	_ =	shalt  }
0x44: {  	_ =	shalt  }
0x45: {  	_ =	shalt  }
0x46: {  	_ =	shalt  }
0x47: {  	_ =	shalt  }
0x48: {  	_ =	shalt  }
0x49: {  	_ =	shalt  }
0x4a: {  	_ =	shalt  }
0x4b: {  	_ =	shalt  }
0x4c: {  	_ =	shalt  }
0x4d: {  	_ =	shalt  }
0x4e: {  	_ =	shalt  }
0x4f: {  	_ =	shalt  }
0x50: {  	_ =	shalt  }
0x51: {  	_ =	shalt  }
0x52: {  	_ =	shalt  }
0x53: {  	_ =	shalt  }
0x54: {  	_ =	shalt  }
0x55: {  	_ =	shalt  }
0x56: {  	_ =	shalt  }
0x57: {  	_ =	shalt  }
0x58: {  	_ =	shalt  }
0x59: {  	_ =	shalt  }
0x5a: {  	_ =	shalt  }
0x5b: {  	_ =	shalt  }
0x5c: {  	_ =	shalt  }
0x5d: {  	_ =	shalt  }
0x5e: {  	_ =	shalt  }
0x5f: {  	_ =	shalt  }
0x60: {  	_ =	shalt  }
0x61: {  	_ =	shalt  }
0x62: {  	_ =	shalt  }
0x63: {  	_ =	shalt  }
0x64: {  	_ =	shalt  }
0x65: {  	_ =	shalt  }
0x66: {  	_ =	shalt  }
0x67: {  	_ =	shalt  }
0x68: {  	_ =	shalt  }
0x69: {  	_ =	shalt  }
0x6a: {  	_ =	shalt  }
0x6b: {  	_ =	shalt  }
0x6c: {  	_ =	shalt  }
0x6d: {  	_ =	shalt  }
0x6e: {  	_ =	shalt  }
0x6f: {  	_ =	shalt  }
0x70: {  	_ =	shalt  }
0x71: {  	_ =	shalt  }
0x72: {  	_ =	shalt  }
0x73: {  	_ =	shalt  }
0x74: {  	_ =	shalt  }
0x75: {  	_ =	shalt  }
0x76: {  	_ =	shalt  }
0x77: {  	_ =	shalt  }
0x78: {  	_ =	shalt  }
0x79: {  	_ =	shalt  }
0x7a: {  	_ =	shalt  }
0x7b: {  	_ =	shalt  }
0x7c: {  	_ =	shalt  }
0x7d: {  	_ =	shalt  }
0x7e: {  	_ =	shalt  }
0x7f: {  	_ =	shalt  }
0x80: {  	_ =	shalt  }
0x81: {  	_ =	shalt  }
0x82: {  	_ =	shalt  }
0x83: {  	_ =	shalt  }
0x84: {  	_ =	shalt  }
0x85: {  	_ =	shalt  }
0x86: {  	_ =	shalt  }
0x87: {  	_ =	shalt  }
.Lfunc_end0:
.L_simem_size_0:
called_computation.1_lowered:
.L_overlay_start_0:
0x88: {  	s2 =	sld [smem:$0x3FD9]  }
0x89: {  	s3 =	sld [smem:$0x3FFE];
	_ =	sdelay $0x1  }
0x8a: {  	s1 =	srdreg.scid  }
0x8b: {  	s0 =	sand.u32 $0x1, s1  }
0x8c: {  	s17 =	sshll.u32 s0, $0xA;
	s2 =	sadd.s32 s3, s2  }
0x8d: {  	s2 =	sadd.s32 s2, s17  }
0x8e: {  	[smem:$0x3FC4] =	sst s2  }
0x8f: {  	_ = 	snop  }
0x90: {  	s2 =	sld [smem:$0x3FD0];
	(tm) =	ssettm $0x1  }
0x91: {  	s18 =	sld [smem:$0x3FFB];
	_ =	sdelay $0x3  }
0x92: {  	_ =	strace s18  }
0x93: {  	s3 =	sld [smem:$0x3FFC];
	_ =	sdelay $0x3  }
0x94: {  	_ =	strace s3  }
0x95: {  	s3 =	sld [smem:$0x3FFD];
	_ =	sdelay $0x3  }
0x96: {  	_ =	strace s3  }
0x97: {  	_ =	strace $0x8FFFFFFF  }
0x98: {  	s19 =	sld [smem:$0x3FDB];
	_ =	sdelay $0x1  }
0x99: {  	s4 =	simm.s32 $_scs_section_size  }
0x9a: {  	s5 =	simm.s32 $_size__tile_overlayer_lowered;
	s6 =	simm.s32 $_tile_overlayer_lowered  }
0x9b: {  	s22 =	simm.s32 $0x1BFF;
	s21 =	sshll.u32 s6, $0x1;
	s3 =	sadd.s32 s4, s19  }
0x9c: {  	s7 =	simm.s32 $0x0;
	s20 =	sshll.u32 s5, $0x1;
	s5 =	sadd.s32 s21, s3  }
0x9d: {  	[timem:s7], [sflag:s22] =	dma.local [hbm:s5], s20  }
0x9e: {  	_ =	swait.ge [sflag:s22], s20  }
0x9f: {  	s4 =	ssub.s32 $0x0, s20;
	[sflag:s22] =	ssyncset.done $0x0  }
0xa0: {  	[sflag:s22] =	ssyncadd.s32 s4;
	_ =	sdelay $0x1  }
0xa1: {  	s23 =	simm.s32 $0x1B8B  }
0xa2: {  	_ =	swait.ge [sflag:s23], $0x1  }
0xa3: {  	[sflag:s23] =	ssyncset.done $0x0  }
0xa4: {  	s25 =	simm.s32 $0x1B8E;
	s24 =	sld [smem:$0x3FFE];
	[sflag:s23] =	ssyncadd.s32 $0xFFFFFFFF  }
0xa5: {  	s26 =	simm.s32 $execute0_lowered;
	[smem:$0x3FD2] =	sst s25  }
0xa6: {  	s5 =	sshll.u32 s26, $0x1;
	_ =	strace $0x80000049;
	[dreg:$0x1] =	wrdreg $0xFFFFFFFF  }
0xa7: {  	s28 =	simm.s32 $_size_execute0_lowered;
	s3 =	sadd.s32 s3, s5;
	[dreg:$0x0] =	wrdreg $0x0  }
0xa8: {  	s5 =	sshll.u32 s28, $0x1;
	[dreg:$0x2] =	wrdreg s3  }
0xa9: {  	[dreg:$0x3] =	wrdreg s5  }
0xaa: {  	[dreg:$0x4] =	wrdreg $0xC0  }
0xab: {  	_ =	task [dreg:s7], $0x5FFFF  }
0xac: {  	[dreg:$0x1] =	wrdreg $0xFFFFFFFF  }
0xad: {  	[dreg:$0x0] =	wrdreg $0x60  }
0xae: {  	[dreg:$0x2] =	wrdreg s24  }
0xaf: {  	[dreg:$0x3] =	wrdreg s2  }
0xb0: {  	[dreg:$0x4] =	wrdreg $0x0  }
0xb1: {  	[dreg:$0x5] =	wrdreg $0x9  }
0xb2: {  	_ =	task.clear_ibuf [dreg:s7], $0x6FFFF;
	_ =	strace $0x90000049  }
0xb3: {  	s29 =	simm.s32 $0x9;
	_ =	strace $0x8000004B  }
0xb4: {  	_ =	swait.ge [sflag:s29], $0x1  }
0xb5: {  	[sflag:s29] =	ssyncadd.s32 $0xFFFFFFFF  }
0xb6: {  	_ =	strace $0x9000004B  }
0xb7: {  	_ =	sfence  }
0xb8: {  	s30 =	sld [smem:$0x0];
	_ =	sdelay $0x2  }
0xb9: {  	s31 =	sshll.u32 s1, $0xD;
	s1 =	sshrl.u32 s1, $0x2  }
0xba: {  	s3 =	sand.u32 $0x4000, s31;
	s1 =	sadd.s32 s1, s30  }
0xbb: {  	s0 =	sor.u32 s3, s0;
	s1 =	sshll.u32 s1, $0x11  }
0xbc: {  	s0 =	sor.u32 s1, s0  }
0xbd: {  	s0 =	sadd.s32 $0x8F2B, s0  }
0xbe: {  	[sflag:s0] =	ssyncadd.remote.s32 $0x1  }
0xbf: {  	_ =	sfence.sel $0xFFFF  }
0xc0: {  	[dreg:$0x0] =	wrdreg $0xFFFFFFFF;
	(pc) =	sbr.abs _section_cstart, $3  }
0xc1: {  	[dreg:$0x1] =	wrdreg $0xFFFFFFFF  }
0xc2: {  	_ =	task.clear_ibuf [dreg:s7], $0x2FFFF;
	_ =	strace $0x9FFFFFFF  }
0xc3: {  	(tm) =	ssettm $0x7FFFFFFF  }
tec
execute0_lowered:
.L_overlay_start_1:
0x0: {  	(tag) =	ssettag $0x1  }
0x1: {  	s0 =	srdreg.scid;
	s7 =	stileid.u32  }
0x2: {  	s1 =	sand.u32 $0x1, s0;
	s11 =	smul.u32 $0x1400, s7  }
0x3: {  	s16 =	sor.u32 $0x10, s7;
	s17 =	smul.u32 $0x138800, s1  }
0x4: {  	s15 =	sor.u32 $0x20, s7;
	s12 =	smul.u32 $0x1400, s16  }
0x5: {  	s14 =	sor.u32 $0x30, s7;
	s13 =	smul.u32 $0x1400, s15  }
0x6: {  	s10 =	sor.u32 $0x40, s7;
	s18 =	smul.u32 $0x1400, s14  }
0x7: {  	s9 =	sor.u32 $0x50, s7;
	s19 =	smul.u32 $0x1400, s10  }
0x8: {  	s8 =	sor.u32 $0x60, s7;
	s20 =	smul.u32 $0x1400, s9  }
0x9: {  	s4 =	sor.u32 $0x70, s7;
	s21 =	smul.u32 $0x1400, s8  }
0xa: {  	s6 =	sor.u32 $0x80, s7;
	s3 =	sor.u32 $0xA0, s7;
	s22 =	smul.u32 $0x1400, s4  }
0xb: {  	s0 =	ssub.s32 $0x2, s1;
	p0 =	seq.s32 s1, $0x1;
	s1 =	smul.u32 $0x1400, s6  }
0xc: {  	s26 =	smul.u32 $0x1400, s3  }
0xd: {  	s5 =	sor.u32 $0x90, s7;
	s15 =	smul.u32 $0x5000, s15  }
0xe: {  	p1 =	sgt.u32 s7, $0x9;
	s14 =	smul.u32 $0x5000, s14;
	s2 =	sshrl.u32 s0, $0x1  }
0xf: {  	[smem:$0x7F3] =	sst s3;
	s8 =	smul.u32 $0x5000, s8;
	s0 =	ssub.s32 s0, s2  }
0x10: {  	s2 =	sor.u32 $0xB0, s7;
	s23 =	sadd.s32 s11, s17;
	s24 =	sadd.s32 s17, s12  }
0x11: {  	s25 =	sadd.s32 s17, s13;
	s13 =	smul.u32 $0x1400, s5;
	s18 =	sadd.s32 s17, s18  }
0x12: {  	s19 =	sadd.s32 s17, s19;
	s20 =	sadd.s32 s17, s20;
	s21 =	sadd.s32 s17, s21  }
0x13: {  	s22 =	sadd.s32 s17, s22;
	s11 =	sor.u32 $0xD0, s7;
	s30 =	sadd.s32 s17, s1  }
0x14: {  	s12 =	sor.u32 $0xE0, s7;
	s26 =	sadd.s32 s17, s26;
	s28 =	smul.u32 $0x1400, s2  }
0x15: {  	s1 =	simm.s32 $0x0;
	[smem:$0x7FC] =	sst s0;
	s3 =	smul.u32 $0x1400, s11  }
0x16: {  	[smem:$0x7F4] =	sst s2;
	s0 =	sor.u32 $0xC0, s7;
	s2 =	smul.u32 $0x1400, s12  }
0x17: {  	[smem:$0x7FF] =	sst s1;
	s25 =	sshrl.u32 s25, $0x3;
	s18 =	sshrl.u32 s18, $0x3  }
0x18: {  	s29 =	smul.u32 $0x1400, s0;
	s31 =	sadd.s32 s17, s13;
	s13 =	sor.u32 $0xF0, s7  }
0x19: {  	s19 =	sshrl.u32 s19, $0x3;
	[smem:$0x7F5] =	sst s0;
	s0 =	smul.u32 $0x1400, s13  }
0x1a: {  	s12 =	smul.u32 $0x5000, s12;
	s28 =	sadd.s32 s17, s28;
	s3 =	sadd.s32 s17, s3  }
0x1b: {  	s2 =	sadd.s32 s17, s2;
	s29 =	sadd.s32 s17, s29;
	s0 =	sadd.s32 s17, s0  }
0x1c: {  	s17 =	sshrl.u32 s23, $0x3;
	s23 =	sshrl.u32 s24, $0x3;
	s24 =	rddreg [dreg:$0x1]  }
0x1d: {  	s13 =	smul.u32 $0x5000, s13;
	s3 =	sshrl.u32 s3, $0x3;
	s17 =	sadd.s32 s24, s17  }
0x1e: {  	s2 =	sshrl.u32 s2, $0x3;
	s23 =	sadd.s32 s24, s23;
	[dreg:$0x4] =	wrdreg s17  }
0x1f: {  	s3 =	sadd.s32 s24, s3;
	s2 =	sadd.s32 s24, s2;
	[dreg:$0x5] =	wrdreg s23  }
0x20: {  	s0 =	sshrl.u32 s0, $0x3;
	s17 =	sadd.s32 s24, s25;
	[dreg:$0x11] =	wrdreg s3  }
0x21: {  	s23 =	sadd.s32 s24, s19;
	s25 =	sshrl.u32 s20, $0x3;
	[dreg:$0x12] =	wrdreg s2  }
0x22: {  	s19 =	sshrl.u32 s22, $0x3;
	s22 =	sshrl.u32 s31, $0x3;
	[dreg:$0x6] =	wrdreg s17  }
0x23: {  	s0 =	sadd.s32 s24, s0;
	s17 =	sadd.s32 s24, s18;
	[dreg:$0x8] =	wrdreg s23  }
0x24: {  	s18 =	sshrl.u32 s21, $0x3;
	s20 =	sadd.s32 s24, s19;
	[dreg:$0x13] =	wrdreg s0  }
0x25: {  	s21 =	sshrl.u32 s30, $0x3;
	s23 =	sshrl.u32 s26, $0x3;
	[dreg:$0x7] =	wrdreg s17  }
0x26: {  	s26 =	sshrl.u32 s28, $0x3;
	s19 =	smul.u32 $0xC800, s7;
	[dreg:$0xb] =	wrdreg s20  }
0x27: {  	s0 =	smul.u32 $0x5000, s16;
	s17 =	sadd.s32 s24, s25;
	s20 =	rddreg [dreg:$0x0]  }
0x28: {  	s28 =	simm.s32 $0x15C80;
	s25 =	sadd.s32 s24, s23;
	[dreg:$0x9] =	wrdreg s17  }
0x29: {  	s30 =	simm.s32 $0x17080;
	s17 =	sadd.s32 s24, s18;
	[dreg:$0xe] =	wrdreg s25  }
0x2a: {  	s18 =	sshrl.u32 s29, $0x3;
	s2 =	sshrl.u32 s19, $0x3;
	s23 =	sadd.s32 $0x1A800, s20  }
0x2b: {  	s25 =	sadd.s32 $0x1800, s20;
	[dreg:$0xa] =	wrdreg s17;
	s17 =	sadd.s32 s24, s21  }
0x2c: {  	s19 =	smul.u32 $0x5000, s10;
	s0 =	sshrl.u32 s0, $0x2;
	[dreg:$0xc] =	wrdreg s17  }
0x2d: {  	s10 =	smul.u32 $0x5000, s4;
	s17 =	sadd.s32 s24, s22;
	s22 =	rddreg [dreg:$0x2]  }
0x2e: {  	[dreg:$0xd] =	wrdreg s17;
	s17 =	sadd.s32 s24, s26;
	s26 =	sadd.s32 s23, s2  }
0x2f: {  	s2 =	sadd.s32 s25, s2;
	s31 =	sadd.s32 s0, s22;
	[dreg:$0xf] =	wrdreg s17  }
0x30: {  	s17 =	sadd.s32 s24, s18;
	s24 =	smul.u32 $0x1900, s7;
	[dreg:$0x14] =	wrdreg s26  }
0x31: {  	[dreg:$0x15] =	wrdreg s2;
	s18 =	smul.u32 $0x5000, s7;
	s26 =	sshrl.u32 s15, $0x2  }
0x32: {  	s15 =	smul.u32 $0x5000, s6;
	s7 =	simm.s32 $0x13E80;
	[dreg:$0x10] =	wrdreg s17  }
0x33: {  	s0 =	sadd.s32 s26, s22;
	s17 =	smul.u32 $0x5000, s5;
	s21 =	sadd.s32 s24, s25  }
0x34: {  	s23 =	sadd.s32 s24, s23;
	_ =	strace $0x8000004A;
	s24 =	sadd.s32 $0x33800, s20  }
0x35: {  	s25 =	sadd.s32 $0x5AA00, s20;
	s2 =	sshrl.u32 s18, $0x2;
	[dreg:$0x18] =	wrdreg s0  }
0x36: {  	s20 =	smul.u32 $0x5000, s9;
	s9 =	sshrl.u32 s14, $0x2;
	[dreg:$0x17] =	wrdreg s31  }
0x37: {  	s14 =	sshrl.u32 s19, $0x2;
	s18 =	sshrl.u32 s8, $0x2;
	s19 =	sld [smem:$0x7F3]  }
0x38: {  	s6 =	sshrl.u32 s15, $0x2;
	s29 =	sadd.s32 s2, s22;
	s26 =	sld [smem:$0x7F4]  }
0x39: {  	s0 =	sadd.s32 s9, s22;
	s8 =	sld [smem:$0x7F5];
	s9 =	sshrl.u32 s17, $0x2  }
0x3a: {  	s17 =	sshrl.u32 s12, $0x2;
	s12 =	simm.s32 $0x14880;
	s2 =	simm.s32 $0x3  }
0x3b: {  	[dreg:$0x19] =	wrdreg s0;
	s0 =	sadd.s32 s14, s22;
	s16 =	sshrl.u32 s20, $0x2  }
0x3c: {  	s20 =	sshrl.u32 s10, $0x2;
	s10 =	smul.u32 $0x5000, s11;
	[dreg:$0x16] =	wrdreg s29  }
0x3d: {  	[dreg:$0x1a] =	wrdreg s0;
	s0 =	sadd.s32 s16, s22;
	s4 =	smul.u32 $0x5000, s19  }
0x3e: {  	[dreg:$0x1b] =	wrdreg s0;
	s0 =	sadd.s32 s18, s22;
	s5 =	smul.u32 $0x5000, s26  }
0x3f: {  	s3 =	smul.u32 $0x5000, s8;
	s16 =	sshrl.u32 s10, $0x2;
	s18 =	sshrl.u32 s13, $0x2  }
0x40: {  	s19 =	sadd.s32 s17, s22;
	s26 =	sld [smem:$0x7FC];
	s13 =	simm.s32 $0x1  }
0x41: {  	s8 =	simm.s32 $0x14500;
	s10 =	simm.s32 $0x14600;
	[dreg:$0x1c] =	wrdreg s0  }
0x42: {  	s17 =	simm.s32 $0x0;
	s0 =	sadd.s32 s20, s22;
	[smem:$0x7FA] =	sst s19  }
0x43: {  	s20 =	sadd.s32 s18, s22;
	s19 =	simm.s32 $0x19880;
	s18 =	simm.s32 $0x18480  }
0x44: {  	[dreg:$0x1d] =	wrdreg s0;
	s0 =	sadd.s32 s6, s22;
	s11 =	sshrl.u32 s4, $0x2  }
0x45: {  	s5 =	sshrl.u32 s5, $0x2;
	s3 =	sshrl.u32 s3, $0x2;
	[smem:$0x7FB] =	sst s20  }
0x46: {  	s20 =	simm.s32 $0x13C80;
	s4 =	simm.s32 $0x13D00;
	s6 =	simm.s32 $0x13E00  }
0x47: {  	[dreg:$0x1e] =	wrdreg s0;
	s0 =	sadd.s32 s9, s22;
	s14 =	sadd.s32 s5, s22  }
0x48: {  	s15 =	sadd.s32 s3, s22;
	s3 =	simm.s32 $0x2;
	[dreg:$0x1f] =	wrdreg s0  }
.Ltmp0:
0x49: {  	s5 =	simm.s32 $0x13D80;
	[smem:$0x7F7] =	sst s14;
	(pc) =	sbr.rel .LBB2_1-.Ltmp0, $4  }
0x4a: {  	s9 =	simm.s32 $0x14580;
	s0 =	sadd.s32 s11, s22;
	[smem:$0x7F8] =	sst s15  }
0x4b: {  	s15 =	simm.s32 $0x14080;
	[smem:$0x7F6] =	sst s0;
	s0 =	sadd.s32 s16, s22  }
0x4c: {  	s11 =	simm.s32 $0x14480;
	[smem:$0x7F9] =	sst s0;
	s0 =	smax.u32 s26, $0x1  }
0x4d: {  	v0 =	vimm.f32 $0.0e+00;
	s14 =	simm.s32 $0x14680;
	s16 =	simm.s32 $0x28;
	[smem:$0x7FD] =	sst s0  }
.LBB2_8:
0x4e: {  	_ =	swait.ge [sflag:s3], $0x1400  }
0x4f: {  	[sflag:s3] =	ssyncset.done $0x0  }
0x50: {  	[sflag:s3] =	ssyncadd.s32 $0xFFFFEC00  }
0x51: {  	_ =	swait.ge [sflag:s3], $0x1400  }
0x52: {  	[sflag:s3] =	ssyncset.done $0x0  }
0x53: {  	[sflag:s3] =	ssyncadd.s32 $0xFFFFEC00  }
0x54: {  	_ =	swait.ge [sflag:s3], $0x1400  }
0x55: {  	[sflag:s3] =	ssyncset.done $0x0  }
0x56: {  	[sflag:s3] =	ssyncadd.s32 $0xFFFFEC00  }
0x57: {  	_ =	swait.ge [sflag:s3], $0x1400  }
0x58: {  	[sflag:s3] =	ssyncset.done $0x0  }
0x59: {  	[sflag:s3] =	ssyncadd.s32 $0xFFFFEC00  }
0x5a: {  	_ =	swait.ge [sflag:s3], $0x1400  }
0x5b: {  	[sflag:s3] =	ssyncset.done $0x0  }
0x5c: {  	[sflag:s3] =	ssyncadd.s32 $0xFFFFEC00  }
0x5d: {  	[bflag:$0x0] =	sbarrier.arrive $0xFFFF  }
0x5e: {  	s29 =	rddreg [dreg:$0x16]  }
0x5f: {  	[tilespmem:s12], [sflag:$0x1] =	stream.linear.gather [spmem:s29], $0x1400, $0x38;
	[tilespmem:$0x1AC80] =	vst v63  }
0x60: {  	_ =	swait.ge [sflag:s13], $0x1400  }
0x61: {  	[sflag:s13] =	ssyncset.done $0x0  }
0x62: {  	s0 =	rddreg [dreg:$0x4];
	[sflag:s13] =	ssyncadd.s32 $0xFFFFEC00  }
0x63: {  	[hbm4b:s0+s1] =	stream.linear.scatter [tilespmem:s12], [sflag:$0x2], $0x1400, $0x38;
	[tilespmem:$0x1AC80] =	vst v63  }
0x64: {  	s31 =	rddreg [dreg:$0x17]  }
0x65: {  	[tilespmem:s28], [sflag:$0x1] =	stream.linear.gather [spmem:s31], $0x1400, $0x38;
	[tilespmem:$0x1AC80] =	vst v63  }
0x66: {  	_ =	swait.ge [sflag:s13], $0x1400  }
0x67: {  	[sflag:s13] =	ssyncset.done $0x0  }
0x68: {  	s26 =	rddreg [dreg:$0x5];
	[sflag:s13] =	ssyncadd.s32 $0xFFFFEC00  }
0x69: {  	[hbm4b:s26+s1] =	stream.linear.scatter [tilespmem:s28], [sflag:$0x2], $0x1400, $0x38;
	[tilespmem:$0x1AC80] =	vst v63  }
0x6a: {  	s17 =	rddreg [dreg:$0x18]  }
0x6b: {  	[tilespmem:s30], [sflag:$0x1] =	stream.linear.gather [spmem:s17], $0x1400, $0x38;
	[tilespmem:$0x1AC80] =	vst v63  }
0x6c: {  	_ =	swait.ge [sflag:s13], $0x1400  }
0x6d: {  	[sflag:s13] =	ssyncset.done $0x0  }
0x6e: {  	s26 =	rddreg [dreg:$0x6];
	[sflag:s13] =	ssyncadd.s32 $0xFFFFEC00  }
0x6f: {  	[hbm4b:s26+s1] =	stream.linear.scatter [tilespmem:s30], [sflag:$0x2], $0x1400, $0x38;
	[tilespmem:$0x1AC80] =	vst v63  }
0x70: {  	s17 =	rddreg [dreg:$0x19]  }
0x71: {  	[tilespmem:s18], [sflag:$0x1] =	stream.linear.gather [spmem:s17], $0x1400, $0x38;
	[tilespmem:$0x1AC80] =	vst v63  }
0x72: {  	_ =	swait.ge [sflag:s13], $0x1400  }
0x73: {  	[sflag:s13] =	ssyncset.done $0x0  }
0x74: {  	s26 =	rddreg [dreg:$0x7];
	[sflag:s13] =	ssyncadd.s32 $0xFFFFEC00  }
0x75: {  	[hbm4b:s26+s1] =	stream.linear.scatter [tilespmem:s18], [sflag:$0x2], $0x1400, $0x38;
	[tilespmem:$0x1AC80] =	vst v63  }
0x76: {  	s17 =	rddreg [dreg:$0x1a]  }
0x77: {  	[tilespmem:s19], [sflag:$0x1] =	stream.linear.gather [spmem:s17], $0x1400, $0x38;
	[tilespmem:$0x1AC80] =	vst v63  }
0x78: {  	_ =	swait.ge [sflag:s13], $0x1400  }
0x79: {  	[sflag:s13] =	ssyncset.done $0x0  }
0x7a: {  	s26 =	rddreg [dreg:$0x8];
	[sflag:s13] =	ssyncadd.s32 $0xFFFFEC00  }
0x7b: {  	[hbm4b:s26+s1] =	stream.linear.scatter [tilespmem:s19], [sflag:$0x2], $0x1400, $0x38;
	[tilespmem:$0x1AC80] =	vst v63  }
0x7c: {  	_ =	swait.ge [sflag:s3], $0x1400  }
0x7d: {  	[sflag:s3] =	ssyncset.done $0x0  }
0x7e: {  	s17 =	rddreg [dreg:$0x1b];
	[sflag:s3] =	ssyncadd.s32 $0xFFFFEC00  }
0x7f: {  	[tilespmem:s12], [sflag:$0x1] =	stream.linear.gather [spmem:s17], $0x1400, $0x38;
	[tilespmem:$0x1AC80] =	vst v63  }
0x80: {  	_ =	swait.ge [sflag:s13], $0x1400  }
0x81: {  	[sflag:s13] =	ssyncset.done $0x0  }
0x82: {  	s26 =	rddreg [dreg:$0x9];
	[sflag:s13] =	ssyncadd.s32 $0xFFFFEC00  }
0x83: {  	[hbm4b:s26+s1] =	stream.linear.scatter [tilespmem:s12], [sflag:$0x2], $0x1400, $0x38;
	[tilespmem:$0x1AC80] =	vst v63  }
0x84: {  	_ =	swait.ge [sflag:s3], $0x1400  }
0x85: {  	[sflag:s3] =	ssyncset.done $0x0  }
0x86: {  	s17 =	rddreg [dreg:$0x1c];
	[sflag:s3] =	ssyncadd.s32 $0xFFFFEC00  }
0x87: {  	[tilespmem:s28], [sflag:$0x1] =	stream.linear.gather [spmem:s17], $0x1400, $0x38;
	[tilespmem:$0x1AC80] =	vst v63  }
0x88: {  	_ =	swait.ge [sflag:s13], $0x1400  }
0x89: {  	[sflag:s13] =	ssyncset.done $0x0  }
0x8a: {  	s26 =	rddreg [dreg:$0xa];
	[sflag:s13] =	ssyncadd.s32 $0xFFFFEC00  }
0x8b: {  	[hbm4b:s26+s1] =	stream.linear.scatter [tilespmem:s28], [sflag:$0x2], $0x1400, $0x38;
	[tilespmem:$0x1AC80] =	vst v63  }
0x8c: {  	_ =	swait.ge [sflag:s3], $0x1400  }
0x8d: {  	[sflag:s3] =	ssyncset.done $0x0  }
0x8e: {  	s17 =	rddreg [dreg:$0x1d];
	[sflag:s3] =	ssyncadd.s32 $0xFFFFEC00  }
0x8f: {  	[tilespmem:s30], [sflag:$0x1] =	stream.linear.gather [spmem:s17], $0x1400, $0x38;
	[tilespmem:$0x1AC80] =	vst v63  }
0x90: {  	_ =	swait.ge [sflag:s13], $0x1400  }
0x91: {  	[sflag:s13] =	ssyncset.done $0x0  }
0x92: {  	s26 =	rddreg [dreg:$0xb];
	[sflag:s13] =	ssyncadd.s32 $0xFFFFEC00  }
0x93: {  	[hbm4b:s26+s1] =	stream.linear.scatter [tilespmem:s30], [sflag:$0x2], $0x1400, $0x38;
	[tilespmem:$0x1AC80] =	vst v63  }
0x94: {  	_ =	swait.ge [sflag:s3], $0x1400  }
0x95: {  	[sflag:s3] =	ssyncset.done $0x0  }
0x96: {  	s17 =	rddreg [dreg:$0x1e];
	[sflag:s3] =	ssyncadd.s32 $0xFFFFEC00  }
0x97: {  	[tilespmem:s18], [sflag:$0x1] =	stream.linear.gather [spmem:s17], $0x1400, $0x38;
	[tilespmem:$0x1AC80] =	vst v63  }
0x98: {  	_ =	swait.ge [sflag:s13], $0x1400  }
0x99: {  	[sflag:s13] =	ssyncset.done $0x0  }
0x9a: {  	s26 =	rddreg [dreg:$0xc];
	[sflag:s13] =	ssyncadd.s32 $0xFFFFEC00  }
0x9b: {  	[hbm4b:s26+s1] =	stream.linear.scatter [tilespmem:s18], [sflag:$0x2], $0x1400, $0x38;
	[tilespmem:$0x1AC80] =	vst v63  }
0x9c: {  	_ =	swait.ge [sflag:s3], $0x1400  }
0x9d: {  	[sflag:s3] =	ssyncset.done $0x0  }
0x9e: {  	s17 =	rddreg [dreg:$0x1f];
	[sflag:s3] =	ssyncadd.s32 $0xFFFFEC00  }
0x9f: {  	[tilespmem:s19], [sflag:$0x1] =	stream.linear.gather [spmem:s17], $0x1400, $0x38;
	[tilespmem:$0x1AC80] =	vst v63  }
0xa0: {  	_ =	swait.ge [sflag:s13], $0x1400  }
0xa1: {  	[sflag:s13] =	ssyncset.done $0x0  }
0xa2: {  	s26 =	rddreg [dreg:$0xd];
	[sflag:s13] =	ssyncadd.s32 $0xFFFFEC00  }
0xa3: {  	[hbm4b:s26+s1] =	stream.linear.scatter [tilespmem:s19], [sflag:$0x2], $0x1400, $0x38;
	[tilespmem:$0x1AC80] =	vst v63  }
0xa4: {  	_ =	swait.ge [sflag:s3], $0x1400  }
0xa5: {  	s17 =	sld [smem:$0x7F6]  }
0xa6: {  	[sflag:s3] =	ssyncset.done $0x0  }
0xa7: {  	[sflag:s3] =	ssyncadd.s32 $0xFFFFEC00  }
0xa8: {  	[tilespmem:s12], [sflag:$0x1] =	stream.linear.gather [spmem:s17], $0x1400, $0x38;
	[tilespmem:$0x1AC80] =	vst v63  }
0xa9: {  	_ =	swait.ge [sflag:s13], $0x1400  }
0xaa: {  	[sflag:s13] =	ssyncset.done $0x0  }
0xab: {  	s26 =	rddreg [dreg:$0xe];
	[sflag:s13] =	ssyncadd.s32 $0xFFFFEC00  }
0xac: {  	[hbm4b:s26+s1] =	stream.linear.scatter [tilespmem:s12], [sflag:$0x2], $0x1400, $0x38;
	[tilespmem:$0x1AC80] =	vst v63  }
0xad: {  	_ =	swait.ge [sflag:s3], $0x1400  }
0xae: {  	s17 =	sld [smem:$0x7F7]  }
0xaf: {  	[sflag:s3] =	ssyncset.done $0x0  }
0xb0: {  	[sflag:s3] =	ssyncadd.s32 $0xFFFFEC00  }
0xb1: {  	[tilespmem:s28], [sflag:$0x1] =	stream.linear.gather [spmem:s17], $0x1400, $0x38;
	[tilespmem:$0x1AC80] =	vst v63  }
0xb2: {  	_ =	swait.ge [sflag:s13], $0x1400  }
0xb3: {  	[sflag:s13] =	ssyncset.done $0x0  }
0xb4: {  	s26 =	rddreg [dreg:$0xf];
	[sflag:s13] =	ssyncadd.s32 $0xFFFFEC00  }
0xb5: {  	[hbm4b:s26+s1] =	stream.linear.scatter [tilespmem:s28], [sflag:$0x2], $0x1400, $0x38;
	[tilespmem:$0x1AC80] =	vst v63  }
0xb6: {  	_ =	swait.ge [sflag:s3], $0x1400  }
0xb7: {  	s17 =	sld [smem:$0x7F8]  }
0xb8: {  	[sflag:s3] =	ssyncset.done $0x0  }
0xb9: {  	[sflag:s3] =	ssyncadd.s32 $0xFFFFEC00  }
0xba: {  	[tilespmem:s30], [sflag:$0x1] =	stream.linear.gather [spmem:s17], $0x1400, $0x38;
	[tilespmem:$0x1AC80] =	vst v63  }
0xbb: {  	_ =	swait.ge [sflag:s13], $0x1400  }
0xbc: {  	[sflag:s13] =	ssyncset.done $0x0  }
0xbd: {  	s26 =	rddreg [dreg:$0x10];
	[sflag:s13] =	ssyncadd.s32 $0xFFFFEC00  }
0xbe: {  	[hbm4b:s26+s1] =	stream.linear.scatter [tilespmem:s30], [sflag:$0x2], $0x1400, $0x38;
	[tilespmem:$0x1AC80] =	vst v63  }
0xbf: {  	_ =	swait.ge [sflag:s3], $0x1400  }
0xc0: {  	s17 =	sld [smem:$0x7F9]  }
0xc1: {  	[sflag:s3] =	ssyncset.done $0x0  }
0xc2: {  	[sflag:s3] =	ssyncadd.s32 $0xFFFFEC00  }
0xc3: {  	[tilespmem:s18], [sflag:$0x1] =	stream.linear.gather [spmem:s17], $0x1400, $0x38;
	[tilespmem:$0x1AC80] =	vst v63  }
0xc4: {  	_ =	swait.ge [sflag:s13], $0x1400  }
0xc5: {  	[sflag:s13] =	ssyncset.done $0x0  }
0xc6: {  	s26 =	rddreg [dreg:$0x11];
	[sflag:s13] =	ssyncadd.s32 $0xFFFFEC00  }
0xc7: {  	[hbm4b:s26+s1] =	stream.linear.scatter [tilespmem:s18], [sflag:$0x2], $0x1400, $0x38;
	[tilespmem:$0x1AC80] =	vst v63  }
0xc8: {  	_ =	swait.ge [sflag:s3], $0x1400  }
0xc9: {  	s17 =	sld [smem:$0x7FA]  }
0xca: {  	[sflag:s3] =	ssyncset.done $0x0  }
0xcb: {  	[sflag:s3] =	ssyncadd.s32 $0xFFFFEC00  }
0xcc: {  	[tilespmem:s19], [sflag:$0x1] =	stream.linear.gather [spmem:s17], $0x1400, $0x38;
	[tilespmem:$0x1AC80] =	vst v63  }
0xcd: {  	_ =	swait.ge [sflag:s13], $0x1400  }
0xce: {  	[sflag:s13] =	ssyncset.done $0x0  }
0xcf: {  	s0 =	simm.s32 @!p1 $0x2;
	s26 =	rddreg [dreg:$0x12];
	[sflag:s13] =	ssyncadd.s32 $0xFFFFEC00  }
0xd0: {  	[hbm4b:s26+s1] =	stream.linear.scatter [tilespmem:s19], [sflag:$0x2], $0x1400, $0x38;
	[tilespmem:$0x1AC80] =	vst v63  }
0xd1: {  	_ =	swait.ge @!p1 [sflag:s0], $0x1400  }
0xd2: {  	s17 =	sld [smem:$0x7FB]  }
0xd3: {  	[sflag:s0] =	ssyncset.done @!p1 $0x0  }
0xd4: {  	[sflag:s0] =	ssyncadd.s32 @!p1 $0xFFFFEC00;
	s0 =	simm.s32 @!p1 $0x14880  }
0xd5: {  	[tilespmem:s0], [sflag:$0x1] =	stream.linear.gather @!p1 [spmem:s17], $0x1400, $0x38;
	[tilespmem:$0x1AC80] =	vst v63  }
0xd6: {  	s17 =	simm.s32 @!p1 $0x1  }
0xd7: {  	_ =	swait.ge @!p1 [sflag:s17], $0x1400  }
0xd8: {  	[sflag:s17] =	ssyncset.done @!p1 $0x0  }
0xd9: {  	s26 =	rddreg [dreg:$0x13];
	[sflag:s17] =	ssyncadd.s32 @!p1 $0xFFFFEC00;
	s17 =	simm.s32 @!p1 $0x0  }
0xda: {  	[hbm4b:s26+s17] =	stream.linear.scatter @!p1 [tilespmem:s0], [sflag:$0x2], $0x1400, $0x38;
	[tilespmem:$0x1AC80] =	vst v63  }
0xdb: {  	_ =	swait.ge [sflag:s3], $0x1400  }
0xdc: {  	[sflag:s3] =	ssyncset.done $0x0  }
0xdd: {  	[sflag:s3] =	ssyncadd.s32 $0xFFFFEC00  }
0xde: {  	_ =	swait.ge [sflag:s3], $0x1400  }
0xdf: {  	[sflag:s3] =	ssyncset.done $0x0  }
0xe0: {  	[sflag:s3] =	ssyncadd.s32 $0xFFFFEC00  }
0xe1: {  	_ =	swait.ge [sflag:s3], $0x1400  }
0xe2: {  	[sflag:s3] =	ssyncset.done $0x0  }
0xe3: {  	[sflag:s3] =	ssyncadd.s32 $0xFFFFEC00  }
0xe4: {  	_ =	swait.ge [sflag:s3], $0x1400  }
0xe5: {  	[sflag:s3] =	ssyncset.done $0x0  }
0xe6: {  	[sflag:s3] =	ssyncadd.s32 $0xFFFFEC00  }
0xe7: {  	_ =	swait.ge [sflag:s3], $0x1400  }
0xe8: {  	s0 =	sld [smem:$0x7F2]  }
0xe9: {  	s26 =	sld [smem:$0x7FD];
	_ =	sdelay $0x1  }
0xea: {  	s17 =	sadd.s32 $0x1, s0  }
0xeb: {  	p2 =	sne.s32 s17, s26  }
.Ltmp1:
0xec: {  	_ = 	snop;
	(pc) =	sbr.rel @!p2 .LBB2_9-.Ltmp1, $3  }
0xed: {  	_ =	sdelay $0x1  }
0xee: {  	[sflag:s3] =	ssyncset.done $0x0  }
0xef: {  	[sflag:s3] =	ssyncadd.s32 $0xFFFFEC00  }
.LBB2_1:
0xf0: {  	[smem:$0x7F2] =	sst s17;
	s17 =	simm.s32 $0x0;
	s26 =	simm.s32 $0x200  }
.LBB2_2:
0xf1: {  	p2 =	sne.s32 s26, $0x4E00;
	[tilespmem:s17+$0x148F0] =	vst v0  }
0xf2: {  	[tilespmem:s17+$0x14880] =	vst v0  }
0xf3: {  	[tilespmem:s17+$0x14890] =	vst v0  }
.Ltmp2:
0xf4: {  	[tilespmem:s17+$0x148A0] =	vst v0;
	(pc) =	sbr.rel @p2 .LBB2_2-.Ltmp2, $4  }
0xf5: {  	[tilespmem:s17+$0x148B0] =	vst v0  }
0xf6: {  	[tilespmem:s17+$0x148C0] =	vst v0  }
0xf7: {  	[tilespmem:s17+$0x148D0] =	vst v0  }
0xf8: {  	[tilespmem:s17+$0x148E0] =	vst v0;
	s17 =	sshra.s32 s26, $0x2;
	s26 =	sadd.s32 $0x200, s26  }
0xf9: {  	[tilespmem:s17+$0x148F0] =	vst v0  }
0xfa: {  	[tilespmem:s17+$0x14880] =	vst v0  }
0xfb: {  	[tilespmem:s17+$0x14890] =	vst v0  }
0xfc: {  	[tilespmem:s17+$0x148A0] =	vst v0  }
0xfd: {  	[tilespmem:s17+$0x148B0] =	vst v0  }
0xfe: {  	[tilespmem:s17+$0x148C0] =	vst v0  }
0xff: {  	[tilespmem:s17+$0x148D0] =	vst v0  }
0x100: {  	[tilespmem:s17+$0x148E0] =	vst v0  }
0x101: {  	[spmem:s29] =	stream.linear.scatter [tilespmem:s12], [sflag:$0x1], $0x1400, $0x38;
	[tilespmem:$0x1AC80] =	vst v63  }
0x102: {  	s0 =	rddreg [dreg:$0x18]  }
0x103: {  	[spmem:s31] =	stream.linear.scatter [tilespmem:s12], [sflag:$0x1], $0x1400, $0x38;
	[tilespmem:$0x1AC80] =	vst v63  }
0x104: {  	s17 =	rddreg [dreg:$0x1a]  }
0x105: {  	[spmem:s0] =	stream.linear.scatter [tilespmem:s12], [sflag:$0x1], $0x1400, $0x38;
	[tilespmem:$0x1AC80] =	vst v63  }
0x106: {  	s31 =	rddreg [dreg:$0x19]  }
0x107: {  	[spmem:s31] =	stream.linear.scatter [tilespmem:s12], [sflag:$0x1], $0x1400, $0x38;
	[tilespmem:$0x1AC80] =	vst v63  }
0x108: {  	s26 =	rddreg [dreg:$0x1b]  }
0x109: {  	[spmem:s17] =	stream.linear.scatter [tilespmem:s12], [sflag:$0x1], $0x1400, $0x38;
	[tilespmem:$0x1AC80] =	vst v63  }
0x10a: {  	s29 =	rddreg [dreg:$0x1c]  }
0x10b: {  	[spmem:s26] =	stream.linear.scatter [tilespmem:s12], [sflag:$0x1], $0x1400, $0x38;
	[tilespmem:$0x1AC80] =	vst v63  }
0x10c: {  	s31 =	rddreg [dreg:$0x1d]  }
0x10d: {  	[spmem:s29] =	stream.linear.scatter [tilespmem:s12], [sflag:$0x1], $0x1400, $0x38;
	[tilespmem:$0x1AC80] =	vst v63  }
0x10e: {  	s17 =	rddreg [dreg:$0x1e]  }
0x10f: {  	[spmem:s31] =	stream.linear.scatter [tilespmem:s12], [sflag:$0x1], $0x1400, $0x38;
	[tilespmem:$0x1AC80] =	vst v63  }
0x110: {  	s26 =	rddreg [dreg:$0x1f]  }
0x111: {  	[spmem:s17] =	stream.linear.scatter [tilespmem:s12], [sflag:$0x1], $0x1400, $0x38;
	[tilespmem:$0x1AC80] =	vst v63  }
0x112: {  	s29 =	sld [smem:$0x7F6]  }
0x113: {  	[spmem:s26] =	stream.linear.scatter [tilespmem:s12], [sflag:$0x1], $0x1400, $0x38;
	[tilespmem:$0x1AC80] =	vst v63  }
0x114: {  	s31 =	sld [smem:$0x7F7]  }
0x115: {  	[spmem:s29] =	stream.linear.scatter [tilespmem:s12], [sflag:$0x1], $0x1400, $0x38;
	[tilespmem:$0x1AC80] =	vst v63  }
0x116: {  	s17 =	sld [smem:$0x7F8]  }
0x117: {  	[spmem:s31] =	stream.linear.scatter [tilespmem:s12], [sflag:$0x1], $0x1400, $0x38;
	[tilespmem:$0x1AC80] =	vst v63  }
0x118: {  	s26 =	sld [smem:$0x7F9]  }
0x119: {  	[spmem:s17] =	stream.linear.scatter [tilespmem:s12], [sflag:$0x1], $0x1400, $0x38;
	[tilespmem:$0x1AC80] =	vst v63  }
0x11a: {  	s29 =	sld [smem:$0x7FA]  }
0x11b: {  	[spmem:s26] =	stream.linear.scatter [tilespmem:s12], [sflag:$0x1], $0x1400, $0x38;
	[tilespmem:$0x1AC80] =	vst v63  }
0x11c: {  	s0 =	sld [smem:$0x7FB]  }
0x11d: {  	[spmem:s29] =	stream.linear.scatter [tilespmem:s12], [sflag:$0x1], $0x1400, $0x38;
	[tilespmem:$0x1AC80] =	vst v63  }
0x11e: {  	s17 =	simm.s32 @!p1 $0x14880  }
0x11f: {  	[spmem:s0] =	stream.linear.scatter @!p1 [tilespmem:s17], [sflag:$0x1], $0x1400, $0x38;
	[tilespmem:$0x1AC80] =	vst v63  }
0x120: {  	_ =	swait.ge [sflag:s13], $0x1400  }
0x121: {  	[sflag:s13] =	ssyncset.done $0x0  }
0x122: {  	[sflag:s13] =	ssyncadd.s32 $0xFFFFEC00  }
0x123: {  	_ =	swait.ge [sflag:s13], $0x1400  }
0x124: {  	[sflag:s13] =	ssyncset.done $0x0  }
0x125: {  	[sflag:s13] =	ssyncadd.s32 $0xFFFFEC00  }
0x126: {  	_ =	swait.ge [sflag:s13], $0x1400  }
0x127: {  	[sflag:s13] =	ssyncset.done $0x0  }
0x128: {  	[sflag:s13] =	ssyncadd.s32 $0xFFFFEC00  }
0x129: {  	_ =	swait.ge [sflag:s13], $0x1400  }
0x12a: {  	[sflag:s13] =	ssyncset.done $0x0  }
0x12b: {  	[sflag:s13] =	ssyncadd.s32 $0xFFFFEC00  }
0x12c: {  	_ =	swait.ge [sflag:s13], $0x1400  }
0x12d: {  	[sflag:s13] =	ssyncset.done $0x0  }
0x12e: {  	[sflag:s13] =	ssyncadd.s32 $0xFFFFEC00  }
0x12f: {  	_ =	swait.ge [sflag:s13], $0x1400  }
0x130: {  	[sflag:s13] =	ssyncset.done $0x0  }
0x131: {  	[sflag:s13] =	ssyncadd.s32 $0xFFFFEC00  }
0x132: {  	_ =	swait.ge [sflag:s13], $0x1400  }
0x133: {  	[sflag:s13] =	ssyncset.done $0x0  }
0x134: {  	[sflag:s13] =	ssyncadd.s32 $0xFFFFEC00  }
0x135: {  	_ =	swait.ge [sflag:s13], $0x1400  }
0x136: {  	[sflag:s13] =	ssyncset.done $0x0  }
0x137: {  	[sflag:s13] =	ssyncadd.s32 $0xFFFFEC00  }
0x138: {  	_ =	swait.ge [sflag:s13], $0x1400  }
0x139: {  	[sflag:s13] =	ssyncset.done $0x0  }
0x13a: {  	[sflag:s13] =	ssyncadd.s32 $0xFFFFEC00  }
0x13b: {  	_ =	swait.ge [sflag:s13], $0x1400  }
0x13c: {  	[sflag:s13] =	ssyncset.done $0x0  }
0x13d: {  	[sflag:s13] =	ssyncadd.s32 $0xFFFFEC00  }
0x13e: {  	_ =	swait.ge [sflag:s13], $0x1400  }
0x13f: {  	[sflag:s13] =	ssyncset.done $0x0  }
0x140: {  	[sflag:s13] =	ssyncadd.s32 $0xFFFFEC00  }
0x141: {  	_ =	swait.ge [sflag:s13], $0x1400  }
0x142: {  	[sflag:s13] =	ssyncset.done $0x0  }
0x143: {  	[sflag:s13] =	ssyncadd.s32 $0xFFFFEC00  }
0x144: {  	_ =	swait.ge [sflag:s13], $0x1400  }
0x145: {  	[sflag:s13] =	ssyncset.done $0x0  }
0x146: {  	[sflag:s13] =	ssyncadd.s32 $0xFFFFEC00  }
0x147: {  	_ =	swait.ge [sflag:s13], $0x1400  }
0x148: {  	[sflag:s13] =	ssyncset.done $0x0  }
0x149: {  	[sflag:s13] =	ssyncadd.s32 $0xFFFFEC00  }
0x14a: {  	_ =	swait.ge [sflag:s13], $0x1400  }
0x14b: {  	[sflag:s13] =	ssyncset.done $0x0  }
0x14c: {  	s17 =	simm.s32 @!p1 $0x1;
	[sflag:s13] =	ssyncadd.s32 $0xFFFFEC00  }
0x14d: {  	_ =	swait.ge @!p1 [sflag:s17], $0x1400  }
0x14e: {  	[sflag:s17] =	ssyncset.done @!p1 $0x0  }
0x14f: {  	[sflag:s17] =	ssyncadd.s32 @!p1 $0xFFFFEC00  }
0x150: {  	s26 =	simm.s32 $0x13880;
	[bflag:$0x0] =	sbarrier.arrive $0xFFFF  }
0x151: {  	s29 =	simm.s32 $0x4;
	s17 =	simm.s32 $0x0;
	s31 =	rddreg [dreg:$0x14]  }
0x152: {  	[tilespmem:s26], [sflag:$0x4] =	stream.linear.gather [hbm4b:s31+s17], $0x280, $0x38;
	[tilespmem:$0x1AC80] =	vst v63  }
0x153: {  	_ =	swait.ge [sflag:s29], $0x280  }
0x154: {  	[sflag:s29] =	ssyncset.done $0x0  }
.Ltmp3:
0x155: {  	s31 =	rddreg [dreg:$0x15];
	[sflag:s29] =	ssyncadd.s32 $0xFFFFFD80;
	(pc) =	sbr.rel @!p0 .LBB2_4-.Ltmp3, $4  }
0x156: {  	[tilespmem:s15], [sflag:$0x4] =	stream.linear.gather [hbm4b:s31+s17], $0x280, $0x38;
	[tilespmem:$0x1AC80] =	vst v63  }
0x157: {  	_ =	swait.ge [sflag:s29], $0x280  }
0x158: {  	[sflag:s29] =	ssyncset.done $0x0  }
0x159: {  	[sflag:s29] =	ssyncadd.s32 $0xFFFFFD80  }
.LBB2_6:
0x15a: {  	p2 =	sne.s32 s17, $0x0  }
0x15b: {  	s0 =	simm.s32 @p2 $0x2  }
0x15c: {  	_ =	swait.ge @p2 [sflag:s0], $0x1400  }
0x15d: {  	s26 =	simm.s32 @p2 $0x28;
	[sflag:s0] =	ssyncset.done @p2 $0x0  }
0x15e: {  	s29 =	simm.s32 @p2 $0x13880;
	s31 =	simm.s32 @p2 $0x14880;
	[sflag:s0] =	ssyncadd.s32 @p2 $0xFFFFEC00  }
0x15f: {  	[tilespmem:s31], [sflag:$0x1] =	stream.indirect.gather @p2 [hbm4b:s25+s26], $0x80, s29, s26, $0xb8;
	[tilespmem:$0x1AC80] =	vst v63  }
0x160: {  	_ =	swait.ge @p2 [sflag:s0], $0x1400  }
0x161: {  	[sflag:s0] =	ssyncset.done @p2 $0x0  }
0x162: {  	s29 =	simm.s32 @p2 $0x13900;
	s31 =	simm.s32 @p2 $0x15C80;
	[sflag:s0] =	ssyncadd.s32 @p2 $0xFFFFEC00  }
0x163: {  	[tilespmem:s31], [sflag:$0x1] =	stream.indirect.gather @p2 [hbm4b:s25+s26], $0x80, s29, s26, $0xb8;
	[tilespmem:$0x1AC80] =	vst v63  }
0x164: {  	_ =	swait.ge @p2 [sflag:s0], $0x1400  }
0x165: {  	[sflag:s0] =	ssyncset.done @p2 $0x0  }
0x166: {  	s29 =	simm.s32 @p2 $0x13980;
	s31 =	simm.s32 @p2 $0x17080;
	[sflag:s0] =	ssyncadd.s32 @p2 $0xFFFFEC00  }
0x167: {  	[tilespmem:s31], [sflag:$0x1] =	stream.indirect.gather @p2 [hbm4b:s25+s26], $0x80, s29, s26, $0xb8;
	[tilespmem:$0x1AC80] =	vst v63  }
0x168: {  	_ =	swait.ge @p2 [sflag:s0], $0x1400  }
0x169: {  	[sflag:s0] =	ssyncset.done @p2 $0x0  }
0x16a: {  	s29 =	simm.s32 @p2 $0x13A00;
	s31 =	simm.s32 @p2 $0x18480;
	[sflag:s0] =	ssyncadd.s32 @p2 $0xFFFFEC00  }
0x16b: {  	[tilespmem:s31], [sflag:$0x1] =	stream.indirect.gather @p2 [hbm4b:s25+s26], $0x80, s29, s26, $0xb8;
	[tilespmem:$0x1AC80] =	vst v63  }
0x16c: {  	_ =	swait.ge @p2 [sflag:s0], $0x1400  }
0x16d: {  	s26 =	simm.s32 @!p2 $0x13880;
	[sflag:s0] =	ssyncset.done @p2 $0x0  }
0x16e: {  	s29 =	simm.s32 @!p2 $0x14880;
	[sflag:s0] =	ssyncadd.s32 @p2 $0xFFFFEC00;
	s0 =	simm.s32 @!p2 $0x28  }
0x16f: {  	[tilespmem:s29], [sflag:$0x1] =	stream.indirect.gather @!p2 [hbm4b:s25+s0], $0x80, s26, s0, $0xb8;
	[tilespmem:$0x1AC80] =	vst v63  }
0x170: {  	s26 =	simm.s32 @!p2 $0x13900;
	s29 =	simm.s32 @!p2 $0x15C80  }
0x171: {  	[tilespmem:s29], [sflag:$0x1] =	stream.indirect.gather @!p2 [hbm4b:s25+s0], $0x80, s26, s0, $0xb8;
	[tilespmem:$0x1AC80] =	vst v63  }
0x172: {  	s26 =	simm.s32 @!p2 $0x13980;
	s29 =	simm.s32 @!p2 $0x17080  }
0x173: {  	[tilespmem:s29], [sflag:$0x1] =	stream.indirect.gather @!p2 [hbm4b:s25+s0], $0x80, s26, s0, $0xb8;
	[tilespmem:$0x1AC80] =	vst v63  }
0x174: {  	s26 =	simm.s32 @!p2 $0x13A00;
	s29 =	simm.s32 @!p2 $0x18480  }
0x175: {  	[tilespmem:s29], [sflag:$0x1] =	stream.indirect.gather @!p2 [hbm4b:s25+s0], $0x80, s26, s0, $0xb8;
	[tilespmem:$0x1AC80] =	vst v63  }
0x176: {  	s31 =	simm.s32 $0x13A80;
	s26 =	sadd.s32 s17, s23  }
0x177: {  	[tilespmem:s19], [sflag:$0x1] =	stream.indirect.gather [hbm4b:s25+s16], $0x80, s31, s16, $0xb8;
	[tilespmem:$0x1AC80] =	vst v63  }
0x178: {  	s29 =	sadd.s32 s17, s21;
	s0 =	sadd.s32 $0x80, s26  }
0x179: {  	[tilespmem:s20], [sflag:$0x3] =	stream.linear.gather [hbm4b:s0+s1], $0x280, $0x38;
	[tilespmem:$0x1AC80] =	vst v63  }
0x17a: {  	s0 =	sadd.s32 $0x80, s29  }
0x17b: {  	[tilespmem:s11], [sflag:$0x3] =	stream.linear.gather [hbm4b:s0+s1], $0x280, $0x38;
	[tilespmem:$0x1AC80] =	vst v63  }
0x17c: {  	_ =	swait.ge [sflag:s13], $0x1400  }
0x17d: {  	[sflag:s13] =	ssyncset.done $0x0  }
0x17e: {  	[sflag:s13] =	ssyncadd.s32 $0xFFFFEC00  }
0x17f: {  	[spmem:s22] =	stream.indirect.scatter.add.f32 [tilespmem:s12], [sflag:$0x2], $0x80, s15, s16, $0xb8;
	[tilespmem:$0x1AC80] =	vst v63  }
0x180: {  	_ =	swait.ge [sflag:s13], $0x1400  }
0x181: {  	[sflag:s13] =	ssyncset.done $0x0  }
0x182: {  	s31 =	simm.s32 $0x14100;
	[sflag:s13] =	ssyncadd.s32 $0xFFFFEC00  }
0x183: {  	[spmem:s22] =	stream.indirect.scatter.add.f32 [tilespmem:s28], [sflag:$0x2], $0x80, s31, s16, $0xb8;
	[tilespmem:$0x1AC80] =	vst v63  }
0x184: {  	_ =	swait.ge [sflag:s13], $0x1400  }
0x185: {  	[sflag:s13] =	ssyncset.done $0x0  }
0x186: {  	s26 =	simm.s32 $0x14180;
	[sflag:s13] =	ssyncadd.s32 $0xFFFFEC00  }
0x187: {  	[spmem:s22] =	stream.indirect.scatter.add.f32 [tilespmem:s30], [sflag:$0x2], $0x80, s26, s16, $0xb8;
	[tilespmem:$0x1AC80] =	vst v63  }
0x188: {  	_ =	swait.ge [sflag:s13], $0x1400  }
0x189: {  	[sflag:s13] =	ssyncset.done $0x0  }
0x18a: {  	s29 =	simm.s32 $0x14200;
	[sflag:s13] =	ssyncadd.s32 $0xFFFFEC00  }
0x18b: {  	[spmem:s22] =	stream.indirect.scatter.add.f32 [tilespmem:s18], [sflag:$0x2], $0x80, s29, s16, $0xb8;
	[tilespmem:$0x1AC80] =	vst v63  }
0x18c: {  	_ =	swait.ge [sflag:s13], $0x1400  }
0x18d: {  	[sflag:s13] =	ssyncset.done $0x0  }
0x18e: {  	s31 =	simm.s32 $0x14280;
	[sflag:s13] =	ssyncadd.s32 $0xFFFFEC00  }
0x18f: {  	[spmem:s22] =	stream.indirect.scatter.add.f32 [tilespmem:s19], [sflag:$0x2], $0x80, s31, s16, $0xb8;
	[tilespmem:$0x1AC80] =	vst v63  }
0x190: {  	_ =	swait.ge [sflag:s2], $0x280  }
0x191: {  	[sflag:s2] =	ssyncset.done $0x0  }
0x192: {  	[sflag:s2] =	ssyncadd.s32 $0xFFFFFD80  }
0x193: {  	_ =	swait.ge [sflag:s2], $0x280  }
0x194: {  	[sflag:s2] =	ssyncset.done $0x0  }
0x195: {  	[sflag:s2] =	ssyncadd.s32 $0xFFFFFD80  }
0x196: {  	_ =	swait.ge [sflag:s3], $0x1400  }
0x197: {  	[sflag:s3] =	ssyncset.done $0x0  }
0x198: {  	[sflag:s3] =	ssyncadd.s32 $0xFFFFEC00  }
0x199: {  	[tilespmem:s12], [sflag:$0x1] =	stream.indirect.gather [hbm4b:s25+s16], $0x80, s20, s16, $0xb8;
	[tilespmem:$0x1AC80] =	vst v63  }
0x19a: {  	_ =	swait.ge [sflag:s3], $0x1400  }
0x19b: {  	[sflag:s3] =	ssyncset.done $0x0  }
0x19c: {  	[sflag:s3] =	ssyncadd.s32 $0xFFFFEC00  }
0x19d: {  	[tilespmem:s28], [sflag:$0x1] =	stream.indirect.gather [hbm4b:s25+s16], $0x80, s4, s16, $0xb8;
	[tilespmem:$0x1AC80] =	vst v63  }
0x19e: {  	_ =	swait.ge [sflag:s3], $0x1400  }
0x19f: {  	[sflag:s3] =	ssyncset.done $0x0  }
0x1a0: {  	[sflag:s3] =	ssyncadd.s32 $0xFFFFEC00  }
0x1a1: {  	[tilespmem:s30], [sflag:$0x1] =	stream.indirect.gather [hbm4b:s25+s16], $0x80, s5, s16, $0xb8;
	[tilespmem:$0x1AC80] =	vst v63  }
0x1a2: {  	_ =	swait.ge [sflag:s3], $0x1400  }
0x1a3: {  	[sflag:s3] =	ssyncset.done $0x0  }
0x1a4: {  	[sflag:s3] =	ssyncadd.s32 $0xFFFFEC00  }
0x1a5: {  	[tilespmem:s18], [sflag:$0x1] =	stream.indirect.gather [hbm4b:s25+s16], $0x80, s6, s16, $0xb8;
	[tilespmem:$0x1AC80] =	vst v63  }
0x1a6: {  	_ =	swait.ge [sflag:s3], $0x1400  }
0x1a7: {  	p2 =	seq.s32 s17, $0x1800;
	[sflag:s3] =	ssyncset.done $0x0  }
0x1a8: {  	s0 =	sadd.s32 @!p2 s17, s23;
	[sflag:s3] =	ssyncadd.s32 $0xFFFFEC00  }
0x1a9: {  	[tilespmem:s19], [sflag:$0x1] =	stream.indirect.gather [hbm4b:s25+s16], $0x80, s7, s16, $0xb8;
	[tilespmem:$0x1AC80] =	vst v63  }
0x1aa: {  	s0 =	sadd.s32 @!p2 $0x100, s0;
	s26 =	simm.s32 @!p2 $0x0;
	s29 =	simm.s32 @!p2 $0x13880  }
0x1ab: {  	[tilespmem:s29], [sflag:$0x3] =	stream.linear.gather @!p2 [hbm4b:s0+s26], $0x280, $0x38;
	[tilespmem:$0x1AC80] =	vst v63  }
0x1ac: {  	s0 =	sadd.s32 @!p2 s17, s21  }
0x1ad: {  	s29 =	simm.s32 @!p2 $0x14080;
	s0 =	sadd.s32 @!p2 $0x100, s0  }
0x1ae: {  	[tilespmem:s29], [sflag:$0x3] =	stream.linear.gather @!p2 [hbm4b:s0+s26], $0x280, $0x38;
	[tilespmem:$0x1AC80] =	vst v63  }
0x1af: {  	_ =	swait.ge [sflag:s13], $0x1400  }
0x1b0: {  	[sflag:s13] =	ssyncset.done $0x0  }
0x1b1: {  	[sflag:s13] =	ssyncadd.s32 $0xFFFFEC00  }
0x1b2: {  	[spmem:s22] =	stream.indirect.scatter.add.f32 [tilespmem:s12], [sflag:$0x2], $0x80, s11, s16, $0xb8;
	[tilespmem:$0x1AC80] =	vst v63  }
0x1b3: {  	_ =	swait.ge [sflag:s13], $0x1400  }
0x1b4: {  	[sflag:s13] =	ssyncset.done $0x0  }
0x1b5: {  	[sflag:s13] =	ssyncadd.s32 $0xFFFFEC00  }
0x1b6: {  	[spmem:s22] =	stream.indirect.scatter.add.f32 [tilespmem:s28], [sflag:$0x2], $0x80, s8, s16, $0xb8;
	[tilespmem:$0x1AC80] =	vst v63  }
0x1b7: {  	_ =	swait.ge [sflag:s13], $0x1400  }
0x1b8: {  	[sflag:s13] =	ssyncset.done $0x0  }
0x1b9: {  	[sflag:s13] =	ssyncadd.s32 $0xFFFFEC00  }
0x1ba: {  	[spmem:s22] =	stream.indirect.scatter.add.f32 [tilespmem:s30], [sflag:$0x2], $0x80, s9, s16, $0xb8;
	[tilespmem:$0x1AC80] =	vst v63  }
0x1bb: {  	_ =	swait.ge [sflag:s13], $0x1400  }
0x1bc: {  	[sflag:s13] =	ssyncset.done $0x0  }
0x1bd: {  	[sflag:s13] =	ssyncadd.s32 $0xFFFFEC00  }
0x1be: {  	[spmem:s22] =	stream.indirect.scatter.add.f32 [tilespmem:s18], [sflag:$0x2], $0x80, s10, s16, $0xb8;
	[tilespmem:$0x1AC80] =	vst v63  }
.Ltmp4:
0x1bf: {  	_ = 	snop;
	(pc) =	sbr.rel @p2 .LBB2_8-.Ltmp4, $4  }
0x1c0: {  	_ =	swait.ge [sflag:s13], $0x1400  }
0x1c1: {  	[sflag:s13] =	ssyncset.done $0x0  }
0x1c2: {  	[sflag:s13] =	ssyncadd.s32 $0xFFFFEC00  }
0x1c3: {  	[spmem:s22] =	stream.indirect.scatter.add.f32 [tilespmem:s19], [sflag:$0x2], $0x80, s14, s16, $0xb8;
	[tilespmem:$0x1AC80] =	vst v63  }
0x1c4: {  	_ =	swait.ge [sflag:s2], $0x280  }
.Ltmp5:
0x1c5: {  	[sflag:s2] =	ssyncset.done $0x0;
	(pc) =	sbr.rel .LBB2_6-.Ltmp5, $4  }
0x1c6: {  	[sflag:s2] =	ssyncadd.s32 $0xFFFFFD80  }
0x1c7: {  	_ =	swait.ge [sflag:s2], $0x280  }
0x1c8: {  	[sflag:s2] =	ssyncset.done $0x0  }
0x1c9: {  	s17 =	sadd.s32 $0x100, s17;
	[sflag:s2] =	ssyncadd.s32 $0xFFFFFD80  }
.LBB2_4:
0x1ca: {  	p2 =	sne.s32 s17, $0x0  }
0x1cb: {  	s26 =	simm.s32 @p2 $0x2  }
0x1cc: {  	_ =	swait.ge @p2 [sflag:s26], $0x1400  }
0x1cd: {  	s29 =	simm.s32 @p2 $0x28;
	[sflag:s26] =	ssyncset.done @p2 $0x0  }
0x1ce: {  	s31 =	simm.s32 @p2 $0x13880;
	s0 =	simm.s32 @p2 $0x14880;
	[sflag:s26] =	ssyncadd.s32 @p2 $0xFFFFEC00  }
0x1cf: {  	[tilespmem:s0], [sflag:$0x1] =	stream.indirect.gather @p2 [hbm4b:s24+s29], $0x80, s31, s29, $0xb8;
	[tilespmem:$0x1AC80] =	vst v63  }
0x1d0: {  	_ =	swait.ge @p2 [sflag:s26], $0x1400  }
0x1d1: {  	[sflag:s26] =	ssyncset.done @p2 $0x0  }
0x1d2: {  	s0 =	simm.s32 @p2 $0x13900;
	s31 =	simm.s32 @p2 $0x15C80;
	[sflag:s26] =	ssyncadd.s32 @p2 $0xFFFFEC00  }
0x1d3: {  	[tilespmem:s31], [sflag:$0x1] =	stream.indirect.gather @p2 [hbm4b:s24+s29], $0x80, s0, s29, $0xb8;
	[tilespmem:$0x1AC80] =	vst v63  }
0x1d4: {  	_ =	swait.ge @p2 [sflag:s26], $0x1400  }
0x1d5: {  	[sflag:s26] =	ssyncset.done @p2 $0x0  }
0x1d6: {  	s0 =	simm.s32 @p2 $0x13980;
	s31 =	simm.s32 @p2 $0x17080;
	[sflag:s26] =	ssyncadd.s32 @p2 $0xFFFFEC00  }
0x1d7: {  	[tilespmem:s31], [sflag:$0x1] =	stream.indirect.gather @p2 [hbm4b:s24+s29], $0x80, s0, s29, $0xb8;
	[tilespmem:$0x1AC80] =	vst v63  }
0x1d8: {  	_ =	swait.ge @p2 [sflag:s26], $0x1400  }
0x1d9: {  	[sflag:s26] =	ssyncset.done @p2 $0x0  }
0x1da: {  	s0 =	simm.s32 @p2 $0x13A00;
	s31 =	simm.s32 @p2 $0x18480;
	[sflag:s26] =	ssyncadd.s32 @p2 $0xFFFFEC00  }
0x1db: {  	[tilespmem:s31], [sflag:$0x1] =	stream.indirect.gather @p2 [hbm4b:s24+s29], $0x80, s0, s29, $0xb8;
	[tilespmem:$0x1AC80] =	vst v63  }
0x1dc: {  	_ =	swait.ge @p2 [sflag:s26], $0x1400  }
0x1dd: {  	s0 =	simm.s32 @!p2 $0x28;
	[sflag:s26] =	ssyncset.done @p2 $0x0  }
0x1de: {  	s29 =	simm.s32 @!p2 $0x14880;
	[sflag:s26] =	ssyncadd.s32 @p2 $0xFFFFEC00;
	s26 =	simm.s32 @!p2 $0x13880  }
0x1df: {  	[tilespmem:s29], [sflag:$0x1] =	stream.indirect.gather @!p2 [hbm4b:s24+s0], $0x80, s26, s0, $0xb8;
	[tilespmem:$0x1AC80] =	vst v63  }
0x1e0: {  	s26 =	simm.s32 @!p2 $0x13900;
	s29 =	simm.s32 @!p2 $0x15C80  }
0x1e1: {  	[tilespmem:s29], [sflag:$0x1] =	stream.indirect.gather @!p2 [hbm4b:s24+s0], $0x80, s26, s0, $0xb8;
	[tilespmem:$0x1AC80] =	vst v63  }
0x1e2: {  	s26 =	simm.s32 @!p2 $0x13980;
	s29 =	simm.s32 @!p2 $0x17080  }
0x1e3: {  	[tilespmem:s29], [sflag:$0x1] =	stream.indirect.gather @!p2 [hbm4b:s24+s0], $0x80, s26, s0, $0xb8;
	[tilespmem:$0x1AC80] =	vst v63  }
0x1e4: {  	s26 =	simm.s32 @!p2 $0x13A00;
	s29 =	simm.s32 @!p2 $0x18480  }
0x1e5: {  	[tilespmem:s29], [sflag:$0x1] =	stream.indirect.gather @!p2 [hbm4b:s24+s0], $0x80, s26, s0, $0xb8;
	[tilespmem:$0x1AC80] =	vst v63  }
0x1e6: {  	s31 =	simm.s32 $0x13A80;
	s26 =	sadd.s32 s17, s23  }
0x1e7: {  	[tilespmem:s19], [sflag:$0x1] =	stream.indirect.gather [hbm4b:s24+s16], $0x80, s31, s16, $0xb8;
	[tilespmem:$0x1AC80] =	vst v63  }
0x1e8: {  	s29 =	sadd.s32 s17, s21;
	s0 =	sadd.s32 $0x80, s26  }
0x1e9: {  	[tilespmem:s20], [sflag:$0x3] =	stream.linear.gather [hbm4b:s0+s1], $0x280, $0x38;
	[tilespmem:$0x1AC80] =	vst v63  }
0x1ea: {  	s0 =	sadd.s32 $0x80, s29  }
0x1eb: {  	[tilespmem:s11], [sflag:$0x3] =	stream.linear.gather [hbm4b:s0+s1], $0x280, $0x38;
	[tilespmem:$0x1AC80] =	vst v63  }
0x1ec: {  	_ =	swait.ge [sflag:s13], $0x1400  }
0x1ed: {  	[sflag:s13] =	ssyncset.done $0x0  }
0x1ee: {  	[sflag:s13] =	ssyncadd.s32 $0xFFFFEC00  }
0x1ef: {  	[spmem:s22] =	stream.indirect.scatter.add.f32 [tilespmem:s12], [sflag:$0x2], $0x80, s15, s16, $0xb8;
	[tilespmem:$0x1AC80] =	vst v63  }
0x1f0: {  	_ =	swait.ge [sflag:s13], $0x1400  }
0x1f1: {  	[sflag:s13] =	ssyncset.done $0x0  }
0x1f2: {  	s31 =	simm.s32 $0x14100;
	[sflag:s13] =	ssyncadd.s32 $0xFFFFEC00  }
0x1f3: {  	[spmem:s22] =	stream.indirect.scatter.add.f32 [tilespmem:s28], [sflag:$0x2], $0x80, s31, s16, $0xb8;
	[tilespmem:$0x1AC80] =	vst v63  }
0x1f4: {  	_ =	swait.ge [sflag:s13], $0x1400  }
0x1f5: {  	[sflag:s13] =	ssyncset.done $0x0  }
0x1f6: {  	s26 =	simm.s32 $0x14180;
	[sflag:s13] =	ssyncadd.s32 $0xFFFFEC00  }
0x1f7: {  	[spmem:s22] =	stream.indirect.scatter.add.f32 [tilespmem:s30], [sflag:$0x2], $0x80, s26, s16, $0xb8;
	[tilespmem:$0x1AC80] =	vst v63  }
0x1f8: {  	_ =	swait.ge [sflag:s13], $0x1400  }
0x1f9: {  	[sflag:s13] =	ssyncset.done $0x0  }
0x1fa: {  	s29 =	simm.s32 $0x14200;
	[sflag:s13] =	ssyncadd.s32 $0xFFFFEC00  }
0x1fb: {  	[spmem:s22] =	stream.indirect.scatter.add.f32 [tilespmem:s18], [sflag:$0x2], $0x80, s29, s16, $0xb8;
	[tilespmem:$0x1AC80] =	vst v63  }
0x1fc: {  	_ =	swait.ge [sflag:s13], $0x1400  }
0x1fd: {  	[sflag:s13] =	ssyncset.done $0x0  }
0x1fe: {  	s31 =	simm.s32 $0x14280;
	[sflag:s13] =	ssyncadd.s32 $0xFFFFEC00  }
0x1ff: {  	[spmem:s22] =	stream.indirect.scatter.add.f32 [tilespmem:s19], [sflag:$0x2], $0x80, s31, s16, $0xb8;
	[tilespmem:$0x1AC80] =	vst v63  }
0x200: {  	_ =	swait.ge [sflag:s2], $0x280  }
0x201: {  	[sflag:s2] =	ssyncset.done $0x0  }
0x202: {  	[sflag:s2] =	ssyncadd.s32 $0xFFFFFD80  }
0x203: {  	_ =	swait.ge [sflag:s2], $0x280  }
0x204: {  	[sflag:s2] =	ssyncset.done $0x0  }
0x205: {  	[sflag:s2] =	ssyncadd.s32 $0xFFFFFD80  }
0x206: {  	_ =	swait.ge [sflag:s3], $0x1400  }
0x207: {  	[sflag:s3] =	ssyncset.done $0x0  }
0x208: {  	[sflag:s3] =	ssyncadd.s32 $0xFFFFEC00  }
0x209: {  	[tilespmem:s12], [sflag:$0x1] =	stream.indirect.gather [hbm4b:s24+s16], $0x80, s20, s16, $0xb8;
	[tilespmem:$0x1AC80] =	vst v63  }
0x20a: {  	_ =	swait.ge [sflag:s3], $0x1400  }
0x20b: {  	[sflag:s3] =	ssyncset.done $0x0  }
0x20c: {  	[sflag:s3] =	ssyncadd.s32 $0xFFFFEC00  }
0x20d: {  	[tilespmem:s28], [sflag:$0x1] =	stream.indirect.gather [hbm4b:s24+s16], $0x80, s4, s16, $0xb8;
	[tilespmem:$0x1AC80] =	vst v63  }
0x20e: {  	_ =	swait.ge [sflag:s3], $0x1400  }
0x20f: {  	[sflag:s3] =	ssyncset.done $0x0  }
0x210: {  	[sflag:s3] =	ssyncadd.s32 $0xFFFFEC00  }
0x211: {  	[tilespmem:s30], [sflag:$0x1] =	stream.indirect.gather [hbm4b:s24+s16], $0x80, s5, s16, $0xb8;
	[tilespmem:$0x1AC80] =	vst v63  }
0x212: {  	_ =	swait.ge [sflag:s3], $0x1400  }
0x213: {  	[sflag:s3] =	ssyncset.done $0x0  }
0x214: {  	[sflag:s3] =	ssyncadd.s32 $0xFFFFEC00  }
0x215: {  	[tilespmem:s18], [sflag:$0x1] =	stream.indirect.gather [hbm4b:s24+s16], $0x80, s6, s16, $0xb8;
	[tilespmem:$0x1AC80] =	vst v63  }
0x216: {  	_ =	swait.ge [sflag:s3], $0x1400  }
0x217: {  	p2 =	seq.s32 s17, $0x1800;
	[sflag:s3] =	ssyncset.done $0x0  }
0x218: {  	s0 =	sadd.s32 @!p2 s17, s23;
	[sflag:s3] =	ssyncadd.s32 $0xFFFFEC00  }
0x219: {  	[tilespmem:s19], [sflag:$0x1] =	stream.indirect.gather [hbm4b:s24+s16], $0x80, s7, s16, $0xb8;
	[tilespmem:$0x1AC80] =	vst v63  }
0x21a: {  	s0 =	sadd.s32 @!p2 $0x100, s0;
	s26 =	simm.s32 @!p2 $0x0;
	s29 =	simm.s32 @!p2 $0x13880  }
0x21b: {  	[tilespmem:s29], [sflag:$0x3] =	stream.linear.gather @!p2 [hbm4b:s0+s26], $0x280, $0x38;
	[tilespmem:$0x1AC80] =	vst v63  }
0x21c: {  	s0 =	sadd.s32 @!p2 s17, s21  }
0x21d: {  	s29 =	simm.s32 @!p2 $0x14080;
	s0 =	sadd.s32 @!p2 $0x100, s0  }
0x21e: {  	[tilespmem:s29], [sflag:$0x3] =	stream.linear.gather @!p2 [hbm4b:s0+s26], $0x280, $0x38;
	[tilespmem:$0x1AC80] =	vst v63  }
0x21f: {  	_ =	swait.ge [sflag:s13], $0x1400  }
0x220: {  	[sflag:s13] =	ssyncset.done $0x0  }
0x221: {  	[sflag:s13] =	ssyncadd.s32 $0xFFFFEC00  }
0x222: {  	[spmem:s22] =	stream.indirect.scatter.add.f32 [tilespmem:s12], [sflag:$0x2], $0x80, s11, s16, $0xb8;
	[tilespmem:$0x1AC80] =	vst v63  }
0x223: {  	_ =	swait.ge [sflag:s13], $0x1400  }
0x224: {  	[sflag:s13] =	ssyncset.done $0x0  }
0x225: {  	[sflag:s13] =	ssyncadd.s32 $0xFFFFEC00  }
0x226: {  	[spmem:s22] =	stream.indirect.scatter.add.f32 [tilespmem:s28], [sflag:$0x2], $0x80, s8, s16, $0xb8;
	[tilespmem:$0x1AC80] =	vst v63  }
0x227: {  	_ =	swait.ge [sflag:s13], $0x1400  }
0x228: {  	[sflag:s13] =	ssyncset.done $0x0  }
0x229: {  	[sflag:s13] =	ssyncadd.s32 $0xFFFFEC00  }
0x22a: {  	[spmem:s22] =	stream.indirect.scatter.add.f32 [tilespmem:s30], [sflag:$0x2], $0x80, s9, s16, $0xb8;
	[tilespmem:$0x1AC80] =	vst v63  }
0x22b: {  	_ =	swait.ge [sflag:s13], $0x1400  }
0x22c: {  	[sflag:s13] =	ssyncset.done $0x0  }
0x22d: {  	[sflag:s13] =	ssyncadd.s32 $0xFFFFEC00  }
0x22e: {  	[spmem:s22] =	stream.indirect.scatter.add.f32 [tilespmem:s18], [sflag:$0x2], $0x80, s10, s16, $0xb8;
	[tilespmem:$0x1AC80] =	vst v63  }
.Ltmp6:
0x22f: {  	_ = 	snop;
	(pc) =	sbr.rel @p2 .LBB2_8-.Ltmp6, $4  }
0x230: {  	_ =	swait.ge [sflag:s13], $0x1400  }
0x231: {  	[sflag:s13] =	ssyncset.done $0x0  }
0x232: {  	[sflag:s13] =	ssyncadd.s32 $0xFFFFEC00  }
0x233: {  	[spmem:s22] =	stream.indirect.scatter.add.f32 [tilespmem:s19], [sflag:$0x2], $0x80, s14, s16, $0xb8;
	[tilespmem:$0x1AC80] =	vst v63  }
0x234: {  	_ =	swait.ge [sflag:s2], $0x280  }
.Ltmp7:
0x235: {  	[sflag:s2] =	ssyncset.done $0x0;
	(pc) =	sbr.rel .LBB2_4-.Ltmp7, $4  }
0x236: {  	[sflag:s2] =	ssyncadd.s32 $0xFFFFFD80  }
0x237: {  	_ =	swait.ge [sflag:s2], $0x280  }
0x238: {  	[sflag:s2] =	ssyncset.done $0x0  }
0x239: {  	s17 =	sadd.s32 $0x100, s17;
	[sflag:s2] =	ssyncadd.s32 $0xFFFFFD80  }
.LBB2_9:
0x23a: {  	_ =	sfence.sel $0x180000  }
0x23b: {  	[bflag:$0x0] =	sbarrier.arrive $0xFFFF  }
0x23c: {  	_ =	strace $0x9000004A  }
0x23d: {  	s0 =	stileid.u32;
	[bflag:$0x2] =	sbarrier.arrive $0xFFFF  }
0x23e: {  	p0 =	sne.s32 s0, $0x0;
	s0 =	rddreg [dreg:$0x3]  }
0x23f: {  	s0 =	sadd.s32 @!p0 $0x100000, s0  }
0x240: {  	[sflag:s0] =	ssyncadd.tile.s32 @!p0 $0x1;
	_ =	shalt  }
.Lfunc_end2:
_tile_overlayer_lowered:
.L_overlay_start_2:
0x241: {  	(tag) =	ssettag $0x2  }
0x242: {  	s0 =	rddreg [dreg:$0x0];
	s2 =	stileid.u32  }
0x243: {  	s1 =	rddreg [dreg:$0x1];
	p0 =	sne.s32 s2, $0x0  }
0x244: {  	s3 =	rddreg [dreg:$0x2];
	[bflag:$0x3] =	sbarrier.arrive $0xFFFF;
	s2 =	simm.s32 @!p0 $0x1C04  }
0x245: {  	[timem:s3], [sflag:s2] =	dma.local @!p0 [hbm:s0], s1  }
0x246: {  	s0 =	simm.s32 @!p0 $0x4  }
0x247: {  	_ =	swait.ge @!p0 [sflag:s0], s1  }
0x248: {  	s1 =	ssub.s32 @!p0 $0x0, s1;
	[sflag:s0] =	ssyncset.done @!p0 $0x0  }
0x249: {  	[sflag:s0] =	ssyncadd.s32 @!p0 s1  }
0x24a: {  	[bflag:$0x3] =	sbarrier.arrive $0xFFFF  }
0x24b: {  	_ =	shalt  }

</sc_bundles>
